<compile_context>
chip_gen: v7x
topology: tpu7x:2x2x1
jax: 0.10.2.dev20260603
libtpu: 0.0.44.dev20260713+nightly
codegen_flags: <defaults>
</compile_context>

<pallas_src>
import functools

import jax
import jax.numpy as jnp
from jax import lax
from jax.experimental import pallas as pl
from jax.experimental.pallas import tpu as pltpu
from jax.experimental.pallas import tpu_sc as plsc

_N = 10000
_D = 128
_E = 320000
_DOUT = 64

_NC = 2
_NS = 16
_NW = _NC * _NS
_EPW = _E // _NW
_CHUNK = 128
_FULL = _EPW // _CHUNK
_TAIL = _EPW - _FULL * _CHUNK
_NP = 10240
_RPT = _NP // _NS


def _make_agg(with_gather):
  mesh = plsc.VectorSubcoreMesh(core_axis_name="c", subcore_axis_name="s")
  out_type = jax.ShapeDtypeStruct((_NC * _NP, _D), jnp.float32)
  scratch = [
      pltpu.VMEM_SHARED((_NP, _D), jnp.float32),
      pltpu.VMEM((2, _CHUNK), jnp.int32),
      pltpu.VMEM((_CHUNK, _D), jnp.float32),
      pltpu.VMEM((_CHUNK, _D), jnp.float32),
      pltpu.SemaphoreType.DMA,
      pltpu.SemaphoreType.DMA,
      pltpu.SemaphoreType.DMA,
      pltpu.SemaphoreType.DMA,
      pltpu.VMEM((_TAIL,), jnp.int32),
      pltpu.VMEM((_TAIL, _D), jnp.float32),
  ]
  if with_gather:
    scratch.append(pltpu.VMEM((2, _CHUNK), jnp.int32))
    scratch.append(pltpu.VMEM((_TAIL,), jnp.int32))

  def body(*refs):
    if with_gather:
      (table, srcs, dsts, z128, o_acc,
       acc_s, dst_v, rows_a, rows_b, gsa, gsb, ssa, ssb,
       dst_t, rows_t, src_v, src_t) = refs
    else:
      (ones, dsts, z128, o_acc,
       acc_s, dst_v, rows_a, rows_b, gsa, gsb, ssa, ssb,
       dst_t, rows_t) = refs
    c = lax.axis_index("c")
    s = lax.axis_index("s")
    wid = s * _NC + c
    r0 = s * _RPT
    nzd = _RPT // _CHUNK

    pltpu.sync_copy(z128, rows_a)
    zs = [pltpu.async_copy(rows_a, acc_s.at[pl.ds(r0 + k * _CHUNK, _CHUNK)],
                           ssa) for k in range(nzd)]
    for h in zs:
      h.wait()
    if not with_gather:
      pltpu.sync_copy(ones, rows_a)
      pltpu.sync_copy(ones, rows_b)
      pltpu.sync_copy(ones.at[pl.ds(0, _TAIL)], rows_t)
    plsc.subcore_barrier()

    e0 = wid * _EPW

    if with_gather:
      def step2(jj, carry):
        b0 = e0 + jj * (2 * _CHUNK)
        b1 = b0 + _CHUNK
        pltpu.sync_copy(dsts.at[pl.ds(b0, _CHUNK)], dst_v.at[0])
        pltpu.sync_copy(srcs.at[pl.ds(b0, _CHUNK)], src_v.at[0])
        ga = pltpu.async_copy(table.at[src_v.at[0]], rows_a, gsa)
        pltpu.sync_copy(dsts.at[pl.ds(b1, _CHUNK)], dst_v.at[1])
        pltpu.sync_copy(srcs.at[pl.ds(b1, _CHUNK)], src_v.at[1])
        gb = pltpu.async_copy(table.at[src_v.at[1]], rows_b, gsb)
        ga.wait()
        sa = pltpu.async_copy(rows_a, acc_s.at[dst_v.at[0]], ssa, add=True)
        gb.wait()
        sb = pltpu.async_copy(rows_b, acc_s.at[dst_v.at[1]], ssb, add=True)
        sa.wait()
        sb.wait()
        return carry
      lax.fori_loop(0, _FULL // 2, step2, 0)
      base = e0 + _FULL * _CHUNK
      pltpu.sync_copy(dsts.at[pl.ds(base, _TAIL)], dst_t)
      pltpu.sync_copy(srcs.at[pl.ds(base, _TAIL)], src_t)
      pltpu.async_copy(table.at[src_t], rows_t, gsa).wait()
      pltpu.sync_copy(rows_t, acc_s.at[dst_t], add=True)
    else:
      def step2(jj, carry):
        b0 = e0 + jj * (2 * _CHUNK)
        b1 = b0 + _CHUNK
        pltpu.sync_copy(dsts.at[pl.ds(b0, _CHUNK)], dst_v.at[0])
        pltpu.sync_copy(dsts.at[pl.ds(b1, _CHUNK)], dst_v.at[1])
        sa = pltpu.async_copy(rows_a, acc_s.at[dst_v.at[0]], ssa, add=True)
        sb = pltpu.async_copy(rows_b, acc_s.at[dst_v.at[1]], ssb, add=True)
        sa.wait()
        sb.wait()
        return carry
      lax.fori_loop(0, _FULL // 2, step2, 0)
      base = e0 + _FULL * _CHUNK
      pltpu.sync_copy(dsts.at[pl.ds(base, _TAIL)], dst_t)
      pltpu.sync_copy(rows_t, acc_s.at[dst_t], add=True)
    plsc.subcore_barrier()

    bufs = (rows_a, rows_b)
    gsems = (gsa, gsb)
    osems = (ssa, ssb)
    ins = [None, None]
    outs = [None, None]
    ins[0] = pltpu.async_copy(acc_s.at[pl.ds(r0, _CHUNK)], bufs[0], gsems[0])
    for k in range(nzd):
      b = k % 2
      if k + 1 < nzd:
        o = 1 - b
        if outs[o] is not None:
          outs[o].wait()
          outs[o] = None
        ins[o] = pltpu.async_copy(
            acc_s.at[pl.ds(r0 + (k + 1) * _CHUNK, _CHUNK)], bufs[o], gsems[o])
      ins[b].wait()
      outs[b] = pltpu.async_copy(
          bufs[b], o_acc.at[pl.ds(c * _NP + r0 + k * _CHUNK, _CHUNK)],
          osems[b])
    for o in outs:
      if o is not None:
        o.wait()

  return pl.kernel(body, out_type=out_type, mesh=mesh, scratch_types=scratch)


_agg = _make_agg(True)
_deg_pass = _make_agg(False)

_RB = 2000


def _conv_body(acc_ref, deg_ref, x_ref, wl_ref, wr_ref, b_ref, o_ref, *, relu):
  ssum = acc_ref[0] + acc_ref[1]
  deg = deg_ref[0, :, 0:1] + deg_ref[1, :, 0:1]
  mean = ssum / jnp.maximum(deg, 1.0)
  out = (jnp.dot(mean, wl_ref[...], preferred_element_type=jnp.float32)
         + jnp.dot(x_ref[...], wr_ref[...], preferred_element_type=jnp.float32)
         + b_ref[...])
  nrm = jnp.sqrt(jnp.sum(out * out, axis=-1, keepdims=True))
  out = out / jnp.maximum(nrm, 1e-12)
  if relu:
    out = jnp.maximum(out, 0.0)
  o_ref[...] = out


def _final_body(acc_ref, deg_ref, x_ref, wl_ref, wr_ref, b_ref, wfc_ref,
                bfc_ref, o_ref):
  ssum = acc_ref[0] + acc_ref[1]
  deg = deg_ref[0, :, 0:1] + deg_ref[1, :, 0:1]
  mean = ssum / jnp.maximum(deg, 1.0)
  out = (jnp.dot(mean, wl_ref[...], preferred_element_type=jnp.float32)
         + jnp.dot(x_ref[...], wr_ref[...], preferred_element_type=jnp.float32)
         + b_ref[...])
  nrm = jnp.sqrt(jnp.sum(out * out, axis=-1, keepdims=True))
  out = out / jnp.maximum(nrm, 1e-12)
  logits = (jnp.dot(out, wfc_ref[...], preferred_element_type=jnp.float32)
            + bfc_ref[...])
  m = jnp.max(logits, axis=-1, keepdims=True)
  e = jnp.exp(logits - m)
  o_ref[...] = e / jnp.sum(e, axis=-1, keepdims=True)


def _conv(acc, deg, x, wl, wr, b, relu):
  grid = (_N // _RB,)
  return pl.pallas_call(
      functools.partial(_conv_body, relu=relu),
      grid=grid,
      in_specs=[
          pl.BlockSpec((_NC, _RB, _D), lambda i: (0, i, 0)),
          pl.BlockSpec((_NC, _RB, _D), lambda i: (0, i, 0)),
          pl.BlockSpec((_RB, _D), lambda i: (i, 0)),
          pl.BlockSpec((_D, _D), lambda i: (0, 0)),
          pl.BlockSpec((_D, _D), lambda i: (0, 0)),
          pl.BlockSpec((1, _D), lambda i: (0, 0)),
      ],
      out_specs=pl.BlockSpec((_RB, _D), lambda i: (i, 0)),
      out_shape=jax.ShapeDtypeStruct((_N, _D), jnp.float32),
  )(acc, deg, x, wl, wr, b)


def _final(acc, deg, x, wl, wr, b, wfc, bfc):
  grid = (_N // _RB,)
  return pl.pallas_call(
      _final_body,
      grid=grid,
      in_specs=[
          pl.BlockSpec((_NC, _RB, _D), lambda i: (0, i, 0)),
          pl.BlockSpec((_NC, _RB, _D), lambda i: (0, i, 0)),
          pl.BlockSpec((_RB, _D), lambda i: (i, 0)),
          pl.BlockSpec((_D, _D), lambda i: (0, 0)),
          pl.BlockSpec((_D, _D), lambda i: (0, 0)),
          pl.BlockSpec((1, _D), lambda i: (0, 0)),
          pl.BlockSpec((_D, _DOUT), lambda i: (0, 0)),
          pl.BlockSpec((1, _DOUT), lambda i: (0, 0)),
      ],
      out_specs=pl.BlockSpec((_RB, _DOUT), lambda i: (i, 0)),
      out_shape=jax.ShapeDtypeStruct((_N, _DOUT), jnp.float32),
  )(acc, deg, x, wl, wr, b, wfc, bfc)


def kernel(x, edge_index, W_l1, W_r1, b1, W_l2, W_r2, b2, W_l3, W_r3, b3,
           W_fc, b_fc):
  src = edge_index[0].astype(jnp.int32)
  dst = edge_index[1].astype(jnp.int32)
  z128 = jnp.zeros((_CHUNK, _D), jnp.float32)
  ones = jnp.ones((_CHUNK, _D), jnp.float32)

  deg = _deg_pass(ones, dst, z128).reshape(_NC, _NP, _D)
  acc1 = _agg(x, src, dst, z128).reshape(_NC, _NP, _D)
  h1 = _conv(acc1, deg, x, W_l1, W_r1, b1.reshape(1, _D), relu=True)
  acc2 = _agg(h1, src, dst, z128).reshape(_NC, _NP, _D)
  h2 = _conv(acc2, deg, h1, W_l2, W_r2, b2.reshape(1, _D), relu=True)
  acc3 = _agg(h2, src, dst, z128).reshape(_NC, _NP, _D)
  return _final(acc3, deg, h2, W_l3, W_r3, b3.reshape(1, _D),
                W_fc, b_fc.reshape(1, _DOUT))

# --- scband reference (transcript-rebuilt; emitter-appended) ---
"""Pipeline reference for scband-sage-31396210934185 (READ-ONLY COPY).

The authoritative reference and input builder live on the scoring server;
editing this copy changes nothing except your own understanding.
"""

import jax, jax.numpy as jnp
import numpy as np

N = 10000
E = 320000
D_IN = 128
D_HID = 128
D_OUT = 64


def _xavier(key, fan_in, fan_out):
    a = float(np.sqrt(6.0 / (fan_in + fan_out)))
    return jax.random.uniform(key, (fan_in, fan_out), minval=-a, maxval=a, dtype=jnp.float32)


def setup_inputs(seed: int = 0) -> dict:
    key = jax.random.key(seed)
    ks = jax.random.split(key, 12)
    x = jax.random.normal(ks[0], (N, D_IN), dtype=jnp.float32)
    edge_index = jax.random.randint(ks[1], (2, E), 0, N, dtype=jnp.int64)
    return {
        'x': x,
        'edge_index': edge_index,
        'W_l1': _xavier(ks[2], D_IN, D_HID),
        'W_r1': _xavier(ks[3], D_IN, D_HID),
        'b1': jnp.zeros((D_HID,), dtype=jnp.float32),
        'W_l2': _xavier(ks[4], D_HID, D_HID),
        'W_r2': _xavier(ks[5], D_HID, D_HID),
        'b2': jnp.zeros((D_HID,), dtype=jnp.float32),
        'W_l3': _xavier(ks[6], D_HID, D_HID),
        'W_r3': _xavier(ks[7], D_HID, D_HID),
        'b3': jnp.zeros((D_HID,), dtype=jnp.float32),
        'W_fc': _xavier(ks[8], D_HID, D_OUT),
        'b_fc': jnp.zeros((D_OUT,), dtype=jnp.float32),
    }


def _sage_conv(x, edge_index, W_l, W_r, b):
    # PyG SAGEConv with aggr='mean', normalize=True
    src = edge_index[0]
    dst = edge_index[1]
    msg = jnp.take(x, src, axis=0)                                  # gather
    summed = jax.ops.segment_sum(msg, dst, num_segments=N)          # scatter-add
    deg = jax.ops.segment_sum(jnp.ones((E,), dtype=jnp.float32), dst, num_segments=N)
    mean = summed / jnp.clip(deg, 1.0, None)[:, None]
    out = mean @ W_l + b + x @ W_r
    # F.normalize(out, p=2, dim=-1)
    nrm = jnp.sqrt(jnp.sum(out * out, axis=-1, keepdims=True))
    out = out / jnp.clip(nrm, 1e-12, None)
    return out


def reference(x, edge_index, W_l1, W_r1, b1, W_l2, W_r2, b2, W_l3, W_r3, b3, W_fc, b_fc):
    h = _sage_conv(x, edge_index, W_l1, W_r1, b1)
    h = jax.nn.relu(h)  # transition (dropout is identity at inference)
    h = _sage_conv(h, edge_index, W_l2, W_r2, b2)
    h = jax.nn.relu(h)
    h = _sage_conv(h, edge_index, W_l3, W_r3, b3)
    logits = h @ W_fc + b_fc
    return jax.nn.softmax(logits, axis=-1)

if __name__ == "__main__":
    import jax
    _d = setup_inputs()
    print(jax.jit(kernel)(*tuple(_d.values())))

</pallas_src>

<mosaic_0001>
#map = affine_map<(d0, d1) -> (0, 0)>
#map1 = affine_map<(d0, d1) -> (0)>
module attributes {stable_mosaic.version = 14 : i64} {
  func.func @body(%arg0: i32, %arg1: i32, %arg2: memref<10000x128xf32, #tpu.memory_space<hbm>>, %arg3: memref<320000xi32, #tpu.memory_space<hbm>>, %arg4: memref<320000xi32, #tpu.memory_space<hbm>>, %arg5: memref<128x128xf32, #tpu.memory_space<hbm>>, %arg6: memref<20480x128xf32, #tpu.memory_space<hbm>>, %arg7: memref<10240x128xf32, #tpu.memory_space<vmem_shared>>, %arg8: memref<2x128xi32, #tpu.memory_space<vmem>>, %arg9: memref<128x128xf32, #tpu.memory_space<vmem>>, %arg10: memref<128x128xf32, #tpu.memory_space<vmem>>, %arg11: memref<!tpu.dma_semaphore, #tpu.memory_space<semaphore_mem>>, %arg12: memref<!tpu.dma_semaphore, #tpu.memory_space<semaphore_mem>>, %arg13: memref<!tpu.dma_semaphore, #tpu.memory_space<semaphore_mem>>, %arg14: memref<!tpu.dma_semaphore, #tpu.memory_space<semaphore_mem>>, %arg15: memref<16xi32, #tpu.memory_space<vmem>>, %arg16: memref<16x128xf32, #tpu.memory_space<vmem>>, %arg17: memref<2x128xi32, #tpu.memory_space<vmem>>, %arg18: memref<16xi32, #tpu.memory_space<vmem>>) attributes {dimension_semantics = [#tpu.dimension_semantics<core_parallel>, #tpu.dimension_semantics<subcore_parallel>], iteration_bounds = array<i64: 2, 16>, scalar_prefetch = 0 : i64, scratch_operands = 12 : i64, tpu.core_type = #tpu.core_type<sc_vector_subcore>, window_params = [{transform_indices = #map}, {transform_indices = #map1}, {transform_indices = #map1}, {transform_indices = #map}, {transform_indices = #map}]} {
    %mul3A = arith.constant 2 : i32
    %mul3A_0 = arith.muli %arg1, %mul3A : i32
    %add3A = arith.addi %mul3A_0, %arg0 : i32
    %mul3A_1 = arith.constant 640 : i32
    %mul3A_2 = arith.muli %arg1, %mul3A_1 : i32
    "tpu.region"() ({
      %run_scoped3A = tpu.sem_alloc : memref<!tpu.dma_semaphore, #tpu.memory_space<semaphore_mem>>
      tpu.enqueue_dma source(%arg5 : memref<128x128xf32, #tpu.memory_space<hbm>>) target(%arg9 : memref<128x128xf32, #tpu.memory_space<vmem>>) target_semaphore(%run_scoped3A : memref<!tpu.dma_semaphore, #tpu.memory_space<semaphore_mem>>)
      tpu.wait_dma2 semaphore(%run_scoped3A : memref<!tpu.dma_semaphore, #tpu.memory_space<semaphore_mem>>) src(%arg5 : memref<128x128xf32, #tpu.memory_space<hbm>>) dst(%arg9 : memref<128x128xf32, #tpu.memory_space<vmem>>)
      tpu.yield
    }) : () -> ()
    %add3A_3 = arith.constant 0 : i32
    %add3A_4 = arith.addi %mul3A_2, %add3A_3 : i32
    %dma_start3A = arith.constant 0 : i32
    %dma_start3A_5 = tpu.memref_slice %arg7[%add3A_4, %dma_start3A] : memref<10240x128xf32, #tpu.memory_space<vmem_shared>> -> memref<128x128xf32, #tpu.memory_space<vmem_shared>>
    %dma_start3A_6 = arith.constant 0 : i32
    %dma_start3A_7 = tpu.memref_slice %arg7[%add3A_4, %dma_start3A_6] : memref<10240x128xf32, #tpu.memory_space<vmem_shared>> -> memref<128x128xf32, #tpu.memory_space<vmem_shared>>
    tpu.enqueue_dma source(%arg9 : memref<128x128xf32, #tpu.memory_space<vmem>>) target(%dma_start3A_7 : memref<128x128xf32, #tpu.memory_space<vmem_shared>>) target_semaphore(%arg13 : memref<!tpu.dma_semaphore, #tpu.memory_space<semaphore_mem>>)
    %add3A_8 = arith.constant 128 : i32
    %add3A_9 = arith.addi %mul3A_2, %add3A_8 : i32
    %dma_start3A_10 = arith.constant 0 : i32
    %dma_start3A_11 = tpu.memref_slice %arg7[%add3A_9, %dma_start3A_10] : memref<10240x128xf32, #tpu.memory_space<vmem_shared>> -> memref<128x128xf32, #tpu.memory_space<vmem_shared>>
    %dma_start3A_12 = arith.constant 0 : i32
    %dma_start3A_13 = tpu.memref_slice %arg7[%add3A_9, %dma_start3A_12] : memref<10240x128xf32, #tpu.memory_space<vmem_shared>> -> memref<128x128xf32, #tpu.memory_space<vmem_shared>>
    tpu.enqueue_dma source(%arg9 : memref<128x128xf32, #tpu.memory_space<vmem>>) target(%dma_start3A_13 : memref<128x128xf32, #tpu.memory_space<vmem_shared>>) target_semaphore(%arg13 : memref<!tpu.dma_semaphore, #tpu.memory_space<semaphore_mem>>)
    %add3A_14 = arith.constant 256 : i32
    %add3A_15 = arith.addi %mul3A_2, %add3A_14 : i32
    %dma_start3A_16 = arith.constant 0 : i32
    %dma_start3A_17 = tpu.memref_slice %arg7[%add3A_15, %dma_start3A_16] : memref<10240x128xf32, #tpu.memory_space<vmem_shared>> -> memref<128x128xf32, #tpu.memory_space<vmem_shared>>
    %dma_start3A_18 = arith.constant 0 : i32
    %dma_start3A_19 = tpu.memref_slice %arg7[%add3A_15, %dma_start3A_18] : memref<10240x128xf32, #tpu.memory_space<vmem_shared>> -> memref<128x128xf32, #tpu.memory_space<vmem_shared>>
    tpu.enqueue_dma source(%arg9 : memref<128x128xf32, #tpu.memory_space<vmem>>) target(%dma_start3A_19 : memref<128x128xf32, #tpu.memory_space<vmem_shared>>) target_semaphore(%arg13 : memref<!tpu.dma_semaphore, #tpu.memory_space<semaphore_mem>>)
    %add3A_20 = arith.constant 384 : i32
    %add3A_21 = arith.addi %mul3A_2, %add3A_20 : i32
    %dma_start3A_22 = arith.constant 0 : i32
    %dma_start3A_23 = tpu.memref_slice %arg7[%add3A_21, %dma_start3A_22] : memref<10240x128xf32, #tpu.memory_space<vmem_shared>> -> memref<128x128xf32, #tpu.memory_space<vmem_shared>>
    %dma_start3A_24 = arith.constant 0 : i32
    %dma_start3A_25 = tpu.memref_slice %arg7[%add3A_21, %dma_start3A_24] : memref<10240x128xf32, #tpu.memory_space<vmem_shared>> -> memref<128x128xf32, #tpu.memory_space<vmem_shared>>
    tpu.enqueue_dma source(%arg9 : memref<128x128xf32, #tpu.memory_space<vmem>>) target(%dma_start3A_25 : memref<128x128xf32, #tpu.memory_space<vmem_shared>>) target_semaphore(%arg13 : memref<!tpu.dma_semaphore, #tpu.memory_space<semaphore_mem>>)
    %add3A_26 = arith.constant 512 : i32
    %add3A_27 = arith.addi %mul3A_2, %add3A_26 : i32
    %dma_start3A_28 = arith.constant 0 : i32
    %dma_start3A_29 = tpu.memref_slice %arg7[%add3A_27, %dma_start3A_28] : memref<10240x128xf32, #tpu.memory_space<vmem_shared>> -> memref<128x128xf32, #tpu.memory_space<vmem_shared>>
    %dma_start3A_30 = arith.constant 0 : i32
    %dma_start3A_31 = tpu.memref_slice %arg7[%add3A_27, %dma_start3A_30] : memref<10240x128xf32, #tpu.memory_space<vmem_shared>> -> memref<128x128xf32, #tpu.memory_space<vmem_shared>>
    tpu.enqueue_dma source(%arg9 : memref<128x128xf32, #tpu.memory_space<vmem>>) target(%dma_start3A_31 : memref<128x128xf32, #tpu.memory_space<vmem_shared>>) target_semaphore(%arg13 : memref<!tpu.dma_semaphore, #tpu.memory_space<semaphore_mem>>)
    %dma_wait3A = arith.constant 0 : i32
    %dma_wait3A_32 = tpu.memref_slice %arg7[%add3A_4, %dma_wait3A] : memref<10240x128xf32, #tpu.memory_space<vmem_shared>> -> memref<128x128xf32, #tpu.memory_space<vmem_shared>>
    %dma_wait3A_33 = arith.constant 0 : i32
    %dma_wait3A_34 = tpu.memref_slice %arg7[%add3A_4, %dma_wait3A_33] : memref<10240x128xf32, #tpu.memory_space<vmem_shared>> -> memref<128x128xf32, #tpu.memory_space<vmem_shared>>
    tpu.wait_dma2 semaphore(%arg13 : memref<!tpu.dma_semaphore, #tpu.memory_space<semaphore_mem>>) src(%arg9 : memref<128x128xf32, #tpu.memory_space<vmem>>) dst(%dma_wait3A_34 : memref<128x128xf32, #tpu.memory_space<vmem_shared>>)
    %dma_wait3A_35 = arith.constant 0 : i32
    %dma_wait3A_36 = tpu.memref_slice %arg7[%add3A_9, %dma_wait3A_35] : memref<10240x128xf32, #tpu.memory_space<vmem_shared>> -> memref<128x128xf32, #tpu.memory_space<vmem_shared>>
    %dma_wait3A_37 = arith.constant 0 : i32
    %dma_wait3A_38 = tpu.memref_slice %arg7[%add3A_9, %dma_wait3A_37] : memref<10240x128xf32, #tpu.memory_space<vmem_shared>> -> memref<128x128xf32, #tpu.memory_space<vmem_shared>>
    tpu.wait_dma2 semaphore(%arg13 : memref<!tpu.dma_semaphore, #tpu.memory_space<semaphore_mem>>) src(%arg9 : memref<128x128xf32, #tpu.memory_space<vmem>>) dst(%dma_wait3A_38 : memref<128x128xf32, #tpu.memory_space<vmem_shared>>)
    %dma_wait3A_39 = arith.constant 0 : i32
    %dma_wait3A_40 = tpu.memref_slice %arg7[%add3A_15, %dma_wait3A_39] : memref<10240x128xf32, #tpu.memory_space<vmem_shared>> -> memref<128x128xf32, #tpu.memory_space<vmem_shared>>
    %dma_wait3A_41 = arith.constant 0 : i32
    %dma_wait3A_42 = tpu.memref_slice %arg7[%add3A_15, %dma_wait3A_41] : memref<10240x128xf32, #tpu.memory_space<vmem_shared>> -> memref<128x128xf32, #tpu.memory_space<vmem_shared>>
    tpu.wait_dma2 semaphore(%arg13 : memref<!tpu.dma_semaphore, #tpu.memory_space<semaphore_mem>>) src(%arg9 : memref<128x128xf32, #tpu.memory_space<vmem>>) dst(%dma_wait3A_42 : memref<128x128xf32, #tpu.memory_space<vmem_shared>>)
    %dma_wait3A_43 = arith.constant 0 : i32
    %dma_wait3A_44 = tpu.memref_slice %arg7[%add3A_21, %dma_wait3A_43] : memref<10240x128xf32, #tpu.memory_space<vmem_shared>> -> memref<128x128xf32, #tpu.memory_space<vmem_shared>>
    %dma_wait3A_45 = arith.constant 0 : i32
    %dma_wait3A_46 = tpu.memref_slice %arg7[%add3A_21, %dma_wait3A_45] : memref<10240x128xf32, #tpu.memory_space<vmem_shared>> -> memref<128x128xf32, #tpu.memory_space<vmem_shared>>
    tpu.wait_dma2 semaphore(%arg13 : memref<!tpu.dma_semaphore, #tpu.memory_space<semaphore_mem>>) src(%arg9 : memref<128x128xf32, #tpu.memory_space<vmem>>) dst(%dma_wait3A_46 : memref<128x128xf32, #tpu.memory_space<vmem_shared>>)
    %dma_wait3A_47 = arith.constant 0 : i32
    %dma_wait3A_48 = tpu.memref_slice %arg7[%add3A_27, %dma_wait3A_47] : memref<10240x128xf32, #tpu.memory_space<vmem_shared>> -> memref<128x128xf32, #tpu.memory_space<vmem_shared>>
    %dma_wait3A_49 = arith.constant 0 : i32
    %dma_wait3A_50 = tpu.memref_slice %arg7[%add3A_27, %dma_wait3A_49] : memref<10240x128xf32, #tpu.memory_space<vmem_shared>> -> memref<128x128xf32, #tpu.memory_space<vmem_shared>>
    tpu.wait_dma2 semaphore(%arg13 : memref<!tpu.dma_semaphore, #tpu.memory_space<semaphore_mem>>) src(%arg9 : memref<128x128xf32, #tpu.memory_space<vmem>>) dst(%dma_wait3A_50 : memref<128x128xf32, #tpu.memory_space<vmem_shared>>)
    %barrier3A = arith.constant 0 : index
    tpu.barrier barrier_id(%barrier3A)
    %mul3A_51 = arith.constant 10000 : i32
    %mul3A_52 = arith.muli %add3A, %mul3A_51 : i32
    %scan3A = arith.constant 0 : i32
    %scan3A_53 = arith.constant 0 : i32
    %scan3A_54 = arith.constant 39 : i32
    %scan3A_55 = arith.addi %scan3A_53, %scan3A_54 : i32
    %scan3A_56 = arith.constant 1 : i32
    scf.for %scan3A_180 = %scan3A_53 to %scan3A_55 step %scan3A_56  : i32 {
      %mul3A_181 = arith.constant 256 : i32
      %mul3A_182 = arith.muli %scan3A_180, %mul3A_181 : i32
      %add3A_183 = arith.addi %mul3A_52, %mul3A_182 : i32
      %add3A_184 = arith.constant 128 : i32
      %add3A_185 = arith.addi %add3A_183, %add3A_184 : i32
      %run_scoped3A = arith.constant 0 : i32
      "tpu.region"() ({
        %run_scoped3A_245 = tpu.sem_alloc : memref<!tpu.dma_semaphore, #tpu.memory_space<semaphore_mem>>
        %dma_start3A_246 = arith.constant 0 : i32
        %dma_start3A_247 = tpu.memref_slice %arg8[%run_scoped3A, %dma_start3A_246] : memref<2x128xi32, #tpu.memory_space<vmem>> -> memref<1x128xi32, #tpu.memory_space<vmem>>
        %dma_start3A_248 = tpu.memref_squeeze %dma_start3A_247 : memref<1x128xi32, #tpu.memory_space<vmem>> -> memref<128xi32, #tpu.memory_space<vmem>>
        %dma_start3A_249 = tpu.memref_slice %arg4[%add3A_183] : memref<320000xi32, #tpu.memory_space<hbm>> -> memref<128xi32, #tpu.memory_space<hbm>>
        %dma_start3A_250 = arith.constant 0 : i32
        %dma_start3A_251 = tpu.memref_slice %arg8[%run_scoped3A, %dma_start3A_250] : memref<2x128xi32, #tpu.memory_space<vmem>> -> memref<1x128xi32, #tpu.memory_space<vmem>>
        %dma_start3A_252 = tpu.memref_squeeze %dma_start3A_251 : memref<1x128xi32, #tpu.memory_space<vmem>> -> memref<128xi32, #tpu.memory_space<vmem>>
        %dma_start3A_253 = tpu.memref_slice %arg4[%add3A_183] : memref<320000xi32, #tpu.memory_space<hbm>> -> memref<128xi32, #tpu.memory_space<hbm>>
        tpu.enqueue_dma source(%dma_start3A_253 : memref<128xi32, #tpu.memory_space<hbm>>) target(%dma_start3A_252 : memref<128xi32, #tpu.memory_space<vmem>>) target_semaphore(%run_scoped3A_245 : memref<!tpu.dma_semaphore, #tpu.memory_space<semaphore_mem>>)
        %dma_wait3A_254 = arith.constant 0 : i32
        %dma_wait3A_255 = tpu.memref_slice %arg8[%run_scoped3A, %dma_wait3A_254] : memref<2x128xi32, #tpu.memory_space<vmem>> -> memref<1x128xi32, #tpu.memory_space<vmem>>
        %dma_wait3A_256 = tpu.memref_squeeze %dma_wait3A_255 : memref<1x128xi32, #tpu.memory_space<vmem>> -> memref<128xi32, #tpu.memory_space<vmem>>
        %dma_wait3A_257 = tpu.memref_slice %arg4[%add3A_183] : memref<320000xi32, #tpu.memory_space<hbm>> -> memref<128xi32, #tpu.memory_space<hbm>>
        %dma_wait3A_258 = arith.constant 0 : i32
        %dma_wait3A_259 = tpu.memref_slice %arg8[%run_scoped3A, %dma_wait3A_258] : memref<2x128xi32, #tpu.memory_space<vmem>> -> memref<1x128xi32, #tpu.memory_space<vmem>>
        %dma_wait3A_260 = tpu.memref_squeeze %dma_wait3A_259 : memref<1x128xi32, #tpu.memory_space<vmem>> -> memref<128xi32, #tpu.memory_space<vmem>>
        %dma_wait3A_261 = tpu.memref_slice %arg4[%add3A_183] : memref<320000xi32, #tpu.memory_space<hbm>> -> memref<128xi32, #tpu.memory_space<hbm>>
        tpu.wait_dma2 semaphore(%run_scoped3A_245 : memref<!tpu.dma_semaphore, #tpu.memory_space<semaphore_mem>>) src(%dma_wait3A_261 : memref<128xi32, #tpu.memory_space<hbm>>) dst(%dma_wait3A_260 : memref<128xi32, #tpu.memory_space<vmem>>)
        tpu.yield
      }) : () -> ()
      %run_scoped3A_186 = arith.constant 0 : i32
      "tpu.region"() ({
        %run_scoped3A_245 = tpu.sem_alloc : memref<!tpu.dma_semaphore, #tpu.memory_space<semaphore_mem>>
        %dma_start3A_246 = arith.constant 0 : i32
        %dma_start3A_247 = tpu.memref_slice %arg17[%run_scoped3A_186, %dma_start3A_246] : memref<2x128xi32, #tpu.memory_space<vmem>> -> memref<1x128xi32, #tpu.memory_space<vmem>>
        %dma_start3A_248 = tpu.memref_squeeze %dma_start3A_247 : memref<1x128xi32, #tpu.memory_space<vmem>> -> memref<128xi32, #tpu.memory_space<vmem>>
        %dma_start3A_249 = tpu.memref_slice %arg3[%add3A_183] : memref<320000xi32, #tpu.memory_space<hbm>> -> memref<128xi32, #tpu.memory_space<hbm>>
        %dma_start3A_250 = arith.constant 0 : i32
        %dma_start3A_251 = tpu.memref_slice %arg17[%run_scoped3A_186, %dma_start3A_250] : memref<2x128xi32, #tpu.memory_space<vmem>> -> memref<1x128xi32, #tpu.memory_space<vmem>>
        %dma_start3A_252 = tpu.memref_squeeze %dma_start3A_251 : memref<1x128xi32, #tpu.memory_space<vmem>> -> memref<128xi32, #tpu.memory_space<vmem>>
        %dma_start3A_253 = tpu.memref_slice %arg3[%add3A_183] : memref<320000xi32, #tpu.memory_space<hbm>> -> memref<128xi32, #tpu.memory_space<hbm>>
        tpu.enqueue_dma source(%dma_start3A_253 : memref<128xi32, #tpu.memory_space<hbm>>) target(%dma_start3A_252 : memref<128xi32, #tpu.memory_space<vmem>>) target_semaphore(%run_scoped3A_245 : memref<!tpu.dma_semaphore, #tpu.memory_space<semaphore_mem>>)
        %dma_wait3A_254 = arith.constant 0 : i32
        %dma_wait3A_255 = tpu.memref_slice %arg17[%run_scoped3A_186, %dma_wait3A_254] : memref<2x128xi32, #tpu.memory_space<vmem>> -> memref<1x128xi32, #tpu.memory_space<vmem>>
        %dma_wait3A_256 = tpu.memref_squeeze %dma_wait3A_255 : memref<1x128xi32, #tpu.memory_space<vmem>> -> memref<128xi32, #tpu.memory_space<vmem>>
        %dma_wait3A_257 = tpu.memref_slice %arg3[%add3A_183] : memref<320000xi32, #tpu.memory_space<hbm>> -> memref<128xi32, #tpu.memory_space<hbm>>
        %dma_wait3A_258 = arith.constant 0 : i32
        %dma_wait3A_259 = tpu.memref_slice %arg17[%run_scoped3A_186, %dma_wait3A_258] : memref<2x128xi32, #tpu.memory_space<vmem>> -> memref<1x128xi32, #tpu.memory_space<vmem>>
        %dma_wait3A_260 = tpu.memref_squeeze %dma_wait3A_259 : memref<1x128xi32, #tpu.memory_space<vmem>> -> memref<128xi32, #tpu.memory_space<vmem>>
        %dma_wait3A_261 = tpu.memref_slice %arg3[%add3A_183] : memref<320000xi32, #tpu.memory_space<hbm>> -> memref<128xi32, #tpu.memory_space<hbm>>
        tpu.wait_dma2 semaphore(%run_scoped3A_245 : memref<!tpu.dma_semaphore, #tpu.memory_space<semaphore_mem>>) src(%dma_wait3A_261 : memref<128xi32, #tpu.memory_space<hbm>>) dst(%dma_wait3A_260 : memref<128xi32, #tpu.memory_space<vmem>>)
        tpu.yield
      }) : () -> ()
      %dma_start3A_187 = arith.constant 0 : i32
      %dma_start3A_188 = arith.constant 0 : i32
      %dma_start3A_189 = tpu.memref_slice %arg17[%dma_start3A_187, %dma_start3A_188] : memref<2x128xi32, #tpu.memory_space<vmem>> -> memref<1x128xi32, #tpu.memory_space<vmem>>
      %dma_start3A_190 = tpu.memref_squeeze %dma_start3A_189 : memref<1x128xi32, #tpu.memory_space<vmem>> -> memref<128xi32, #tpu.memory_space<vmem>>
      %dma_start3A_191 = arith.constant 0 : i32
      %dma_start3A_192 = arith.constant 0 : i32
      %dma_start3A_193 = tpu.memref_slice %arg2[%dma_start3A_191, %dma_start3A_192] : memref<10000x128xf32, #tpu.memory_space<hbm>> -> memref<10000x128xf32, #tpu.memory_space<hbm>>
      tpu.enqueue_indirect_dma source(%dma_start3A_193 : memref<10000x128xf32, #tpu.memory_space<hbm>>) target(%arg9 : memref<128x128xf32, #tpu.memory_space<vmem>>) offsets(%dma_start3A_190 : memref<128xi32, #tpu.memory_space<vmem>>) semaphore(%arg11 : memref<!tpu.dma_semaphore, #tpu.memory_space<semaphore_mem>>)
      %run_scoped3A_194 = arith.constant 1 : i32
      "tpu.region"() ({
        %run_scoped3A_245 = tpu.sem_alloc : memref<!tpu.dma_semaphore, #tpu.memory_space<semaphore_mem>>
        %dma_start3A_246 = arith.constant 0 : i32
        %dma_start3A_247 = tpu.memref_slice %arg8[%run_scoped3A_194, %dma_start3A_246] : memref<2x128xi32, #tpu.memory_space<vmem>> -> memref<1x128xi32, #tpu.memory_space<vmem>>
        %dma_start3A_248 = tpu.memref_squeeze %dma_start3A_247 : memref<1x128xi32, #tpu.memory_space<vmem>> -> memref<128xi32, #tpu.memory_space<vmem>>
        %dma_start3A_249 = tpu.memref_slice %arg4[%add3A_185] : memref<320000xi32, #tpu.memory_space<hbm>> -> memref<128xi32, #tpu.memory_space<hbm>>
        %dma_start3A_250 = arith.constant 0 : i32
        %dma_start3A_251 = tpu.memref_slice %arg8[%run_scoped3A_194, %dma_start3A_250] : memref<2x128xi32, #tpu.memory_space<vmem>> -> memref<1x128xi32, #tpu.memory_space<vmem>>
        %dma_start3A_252 = tpu.memref_squeeze %dma_start3A_251 : memref<1x128xi32, #tpu.memory_space<vmem>> -> memref<128xi32, #tpu.memory_space<vmem>>
        %dma_start3A_253 = tpu.memref_slice %arg4[%add3A_185] : memref<320000xi32, #tpu.memory_space<hbm>> -> memref<128xi32, #tpu.memory_space<hbm>>
        tpu.enqueue_dma source(%dma_start3A_253 : memref<128xi32, #tpu.memory_space<hbm>>) target(%dma_start3A_252 : memref<128xi32, #tpu.memory_space<vmem>>) target_semaphore(%run_scoped3A_245 : memref<!tpu.dma_semaphore, #tpu.memory_space<semaphore_mem>>)
        %dma_wait3A_254 = arith.constant 0 : i32
        %dma_wait3A_255 = tpu.memref_slice %arg8[%run_scoped3A_194, %dma_wait3A_254] : memref<2x128xi32, #tpu.memory_space<vmem>> -> memref<1x128xi32, #tpu.memory_space<vmem>>
        %dma_wait3A_256 = tpu.memref_squeeze %dma_wait3A_255 : memref<1x128xi32, #tpu.memory_space<vmem>> -> memref<128xi32, #tpu.memory_space<vmem>>
        %dma_wait3A_257 = tpu.memref_slice %arg4[%add3A_185] : memref<320000xi32, #tpu.memory_space<hbm>> -> memref<128xi32, #tpu.memory_space<hbm>>
        %dma_wait3A_258 = arith.constant 0 : i32
        %dma_wait3A_259 = tpu.memref_slice %arg8[%run_scoped3A_194, %dma_wait3A_258] : memref<2x128xi32, #tpu.memory_space<vmem>> -> memref<1x128xi32, #tpu.memory_space<vmem>>
        %dma_wait3A_260 = tpu.memref_squeeze %dma_wait3A_259 : memref<1x128xi32, #tpu.memory_space<vmem>> -> memref<128xi32, #tpu.memory_space<vmem>>
        %dma_wait3A_261 = tpu.memref_slice %arg4[%add3A_185] : memref<320000xi32, #tpu.memory_space<hbm>> -> memref<128xi32, #tpu.memory_space<hbm>>
        tpu.wait_dma2 semaphore(%run_scoped3A_245 : memref<!tpu.dma_semaphore, #tpu.memory_space<semaphore_mem>>) src(%dma_wait3A_261 : memref<128xi32, #tpu.memory_space<hbm>>) dst(%dma_wait3A_260 : memref<128xi32, #tpu.memory_space<vmem>>)
        tpu.yield
      }) : () -> ()
      %run_scoped3A_195 = arith.constant 1 : i32
      "tpu.region"() ({
        %run_scoped3A_245 = tpu.sem_alloc : memref<!tpu.dma_semaphore, #tpu.memory_space<semaphore_mem>>
        %dma_start3A_246 = arith.constant 0 : i32
        %dma_start3A_247 = tpu.memref_slice %arg17[%run_scoped3A_195, %dma_start3A_246] : memref<2x128xi32, #tpu.memory_space<vmem>> -> memref<1x128xi32, #tpu.memory_space<vmem>>
        %dma_start3A_248 = tpu.memref_squeeze %dma_start3A_247 : memref<1x128xi32, #tpu.memory_space<vmem>> -> memref<128xi32, #tpu.memory_space<vmem>>
        %dma_start3A_249 = tpu.memref_slice %arg3[%add3A_185] : memref<320000xi32, #tpu.memory_space<hbm>> -> memref<128xi32, #tpu.memory_space<hbm>>
        %dma_start3A_250 = arith.constant 0 : i32
        %dma_start3A_251 = tpu.memref_slice %arg17[%run_scoped3A_195, %dma_start3A_250] : memref<2x128xi32, #tpu.memory_space<vmem>> -> memref<1x128xi32, #tpu.memory_space<vmem>>
        %dma_start3A_252 = tpu.memref_squeeze %dma_start3A_251 : memref<1x128xi32, #tpu.memory_space<vmem>> -> memref<128xi32, #tpu.memory_space<vmem>>
        %dma_start3A_253 = tpu.memref_slice %arg3[%add3A_185] : memref<320000xi32, #tpu.memory_space<hbm>> -> memref<128xi32, #tpu.memory_space<hbm>>
        tpu.enqueue_dma source(%dma_start3A_253 : memref<128xi32, #tpu.memory_space<hbm>>) target(%dma_start3A_252 : memref<128xi32, #tpu.memory_space<vmem>>) target_semaphore(%run_scoped3A_245 : memref<!tpu.dma_semaphore, #tpu.memory_space<semaphore_mem>>)
        %dma_wait3A_254 = arith.constant 0 : i32
        %dma_wait3A_255 = tpu.memref_slice %arg17[%run_scoped3A_195, %dma_wait3A_254] : memref<2x128xi32, #tpu.memory_space<vmem>> -> memref<1x128xi32, #tpu.memory_space<vmem>>
        %dma_wait3A_256 = tpu.memref_squeeze %dma_wait3A_255 : memref<1x128xi32, #tpu.memory_space<vmem>> -> memref<128xi32, #tpu.memory_space<vmem>>
        %dma_wait3A_257 = tpu.memref_slice %arg3[%add3A_185] : memref<320000xi32, #tpu.memory_space<hbm>> -> memref<128xi32, #tpu.memory_space<hbm>>
        %dma_wait3A_258 = arith.constant 0 : i32
        %dma_wait3A_259 = tpu.memref_slice %arg17[%run_scoped3A_195, %dma_wait3A_258] : memref<2x128xi32, #tpu.memory_space<vmem>> -> memref<1x128xi32, #tpu.memory_space<vmem>>
        %dma_wait3A_260 = tpu.memref_squeeze %dma_wait3A_259 : memref<1x128xi32, #tpu.memory_space<vmem>> -> memref<128xi32, #tpu.memory_space<vmem>>
        %dma_wait3A_261 = tpu.memref_slice %arg3[%add3A_185] : memref<320000xi32, #tpu.memory_space<hbm>> -> memref<128xi32, #tpu.memory_space<hbm>>
        tpu.wait_dma2 semaphore(%run_scoped3A_245 : memref<!tpu.dma_semaphore, #tpu.memory_space<semaphore_mem>>) src(%dma_wait3A_261 : memref<128xi32, #tpu.memory_space<hbm>>) dst(%dma_wait3A_260 : memref<128xi32, #tpu.memory_space<vmem>>)
        tpu.yield
      }) : () -> ()
      %dma_start3A_196 = arith.constant 1 : i32
      %dma_start3A_197 = arith.constant 0 : i32
      %dma_start3A_198 = tpu.memref_slice %arg17[%dma_start3A_196, %dma_start3A_197] : memref<2x128xi32, #tpu.memory_space<vmem>> -> memref<1x128xi32, #tpu.memory_space<vmem>>
      %dma_start3A_199 = tpu.memref_squeeze %dma_start3A_198 : memref<1x128xi32, #tpu.memory_space<vmem>> -> memref<128xi32, #tpu.memory_space<vmem>>
      %dma_start3A_200 = arith.constant 0 : i32
      %dma_start3A_201 = arith.constant 0 : i32
      %dma_start3A_202 = tpu.memref_slice %arg2[%dma_start3A_200, %dma_start3A_201] : memref<10000x128xf32, #tpu.memory_space<hbm>> -> memref<10000x128xf32, #tpu.memory_space<hbm>>
      tpu.enqueue_indirect_dma source(%dma_start3A_202 : memref<10000x128xf32, #tpu.memory_space<hbm>>) target(%arg10 : memref<128x128xf32, #tpu.memory_space<vmem>>) offsets(%dma_start3A_199 : memref<128xi32, #tpu.memory_space<vmem>>) semaphore(%arg12 : memref<!tpu.dma_semaphore, #tpu.memory_space<semaphore_mem>>)
      %dma_wait3A_203 = arith.constant 0 : i32
      %dma_wait3A_204 = arith.constant 0 : i32
      %dma_wait3A_205 = tpu.memref_slice %arg17[%dma_wait3A_203, %dma_wait3A_204] : memref<2x128xi32, #tpu.memory_space<vmem>> -> memref<1x128xi32, #tpu.memory_space<vmem>>
      %dma_wait3A_206 = tpu.memref_squeeze %dma_wait3A_205 : memref<1x128xi32, #tpu.memory_space<vmem>> -> memref<128xi32, #tpu.memory_space<vmem>>
      %dma_wait3A_207 = arith.constant 0 : i32
      %dma_wait3A_208 = arith.constant 0 : i32
      %dma_wait3A_209 = tpu.memref_slice %arg2[%dma_wait3A_207, %dma_wait3A_208] : memref<10000x128xf32, #tpu.memory_space<hbm>> -> memref<10000x128xf32, #tpu.memory_space<hbm>>
      tpu.wait_indirect_dma semaphore(%arg11 : memref<!tpu.dma_semaphore, #tpu.memory_space<semaphore_mem>>) src(%dma_wait3A_209 : memref<10000x128xf32, #tpu.memory_space<hbm>>) dst(%arg9 : memref<128x128xf32, #tpu.memory_space<vmem>>)
      %dma_start3A_210 = arith.constant 0 : i32
      %dma_start3A_211 = arith.constant 0 : i32
      %dma_start3A_212 = tpu.memref_slice %arg8[%dma_start3A_210, %dma_start3A_211] : memref<2x128xi32, #tpu.memory_space<vmem>> -> memref<1x128xi32, #tpu.memory_space<vmem>>
      %dma_start3A_213 = tpu.memref_squeeze %dma_start3A_212 : memref<1x128xi32, #tpu.memory_space<vmem>> -> memref<128xi32, #tpu.memory_space<vmem>>
      %dma_start3A_214 = arith.constant 0 : i32
      %dma_start3A_215 = arith.constant 0 : i32
      %dma_start3A_216 = tpu.memref_slice %arg7[%dma_start3A_214, %dma_start3A_215] : memref<10240x128xf32, #tpu.memory_space<vmem_shared>> -> memref<10240x128xf32, #tpu.memory_space<vmem_shared>>
      tpu.enqueue_indirect_dma source(%arg9 : memref<128x128xf32, #tpu.memory_space<vmem>>) target(%dma_start3A_216 : memref<10240x128xf32, #tpu.memory_space<vmem_shared>>) offsets(%dma_start3A_213 : memref<128xi32, #tpu.memory_space<vmem>>) semaphore(%arg13 : memref<!tpu.dma_semaphore, #tpu.memory_space<semaphore_mem>>) {add = true}
      %dma_wait3A_217 = arith.constant 1 : i32
      %dma_wait3A_218 = arith.constant 0 : i32
      %dma_wait3A_219 = tpu.memref_slice %arg17[%dma_wait3A_217, %dma_wait3A_218] : memref<2x128xi32, #tpu.memory_space<vmem>> -> memref<1x128xi32, #tpu.memory_space<vmem>>
      %dma_wait3A_220 = tpu.memref_squeeze %dma_wait3A_219 : memref<1x128xi32, #tpu.memory_space<vmem>> -> memref<128xi32, #tpu.memory_space<vmem>>
      %dma_wait3A_221 = arith.constant 0 : i32
      %dma_wait3A_222 = arith.constant 0 : i32
      %dma_wait3A_223 = tpu.memref_slice %arg2[%dma_wait3A_221, %dma_wait3A_222] : memref<10000x128xf32, #tpu.memory_space<hbm>> -> memref<10000x128xf32, #tpu.memory_space<hbm>>
      tpu.wait_indirect_dma semaphore(%arg12 : memref<!tpu.dma_semaphore, #tpu.memory_space<semaphore_mem>>) src(%dma_wait3A_223 : memref<10000x128xf32, #tpu.memory_space<hbm>>) dst(%arg10 : memref<128x128xf32, #tpu.memory_space<vmem>>)
      %dma_start3A_224 = arith.constant 1 : i32
      %dma_start3A_225 = arith.constant 0 : i32
      %dma_start3A_226 = tpu.memref_slice %arg8[%dma_start3A_224, %dma_start3A_225] : memref<2x128xi32, #tpu.memory_space<vmem>> -> memref<1x128xi32, #tpu.memory_space<vmem>>
      %dma_start3A_227 = tpu.memref_squeeze %dma_start3A_226 : memref<1x128xi32, #tpu.memory_space<vmem>> -> memref<128xi32, #tpu.memory_space<vmem>>
      %dma_start3A_228 = arith.constant 0 : i32
      %dma_start3A_229 = arith.constant 0 : i32
      %dma_start3A_230 = tpu.memref_slice %arg7[%dma_start3A_228, %dma_start3A_229] : memref<10240x128xf32, #tpu.memory_space<vmem_shared>> -> memref<10240x128xf32, #tpu.memory_space<vmem_shared>>
      tpu.enqueue_indirect_dma source(%arg10 : memref<128x128xf32, #tpu.memory_space<vmem>>) target(%dma_start3A_230 : memref<10240x128xf32, #tpu.memory_space<vmem_shared>>) offsets(%dma_start3A_227 : memref<128xi32, #tpu.memory_space<vmem>>) semaphore(%arg14 : memref<!tpu.dma_semaphore, #tpu.memory_space<semaphore_mem>>) {add = true}
      %dma_wait3A_231 = arith.constant 0 : i32
      %dma_wait3A_232 = arith.constant 0 : i32
      %dma_wait3A_233 = tpu.memref_slice %arg8[%dma_wait3A_231, %dma_wait3A_232] : memref<2x128xi32, #tpu.memory_space<vmem>> -> memref<1x128xi32, #tpu.memory_space<vmem>>
      %dma_wait3A_234 = tpu.memref_squeeze %dma_wait3A_233 : memref<1x128xi32, #tpu.memory_space<vmem>> -> memref<128xi32, #tpu.memory_space<vmem>>
      %dma_wait3A_235 = arith.constant 0 : i32
      %dma_wait3A_236 = arith.constant 0 : i32
      %dma_wait3A_237 = tpu.memref_slice %arg7[%dma_wait3A_235, %dma_wait3A_236] : memref<10240x128xf32, #tpu.memory_space<vmem_shared>> -> memref<10240x128xf32, #tpu.memory_space<vmem_shared>>
      tpu.wait_indirect_dma semaphore(%arg13 : memref<!tpu.dma_semaphore, #tpu.memory_space<semaphore_mem>>) src(%arg9 : memref<128x128xf32, #tpu.memory_space<vmem>>) dst(%dma_wait3A_237 : memref<10240x128xf32, #tpu.memory_space<vmem_shared>>)
      %dma_wait3A_238 = arith.constant 1 : i32
      %dma_wait3A_239 = arith.constant 0 : i32
      %dma_wait3A_240 = tpu.memref_slice %arg8[%dma_wait3A_238, %dma_wait3A_239] : memref<2x128xi32, #tpu.memory_space<vmem>> -> memref<1x128xi32, #tpu.memory_space<vmem>>
      %dma_wait3A_241 = tpu.memref_squeeze %dma_wait3A_240 : memref<1x128xi32, #tpu.memory_space<vmem>> -> memref<128xi32, #tpu.memory_space<vmem>>
      %dma_wait3A_242 = arith.constant 0 : i32
      %dma_wait3A_243 = arith.constant 0 : i32
      %dma_wait3A_244 = tpu.memref_slice %arg7[%dma_wait3A_242, %dma_wait3A_243] : memref<10240x128xf32, #tpu.memory_space<vmem_shared>> -> memref<10240x128xf32, #tpu.memory_space<vmem_shared>>
      tpu.wait_indirect_dma semaphore(%arg14 : memref<!tpu.dma_semaphore, #tpu.memory_space<semaphore_mem>>) src(%arg10 : memref<128x128xf32, #tpu.memory_space<vmem>>) dst(%dma_wait3A_244 : memref<10240x128xf32, #tpu.memory_space<vmem_shared>>)
    }
    %scan3A_57 = arith.constant 39 : i32
    %add3A_58 = arith.constant 9984 : i32
    %add3A_59 = arith.addi %mul3A_52, %add3A_58 : i32
    "tpu.region"() ({
      %run_scoped3A = tpu.sem_alloc : memref<!tpu.dma_semaphore, #tpu.memory_space<semaphore_mem>>
      %dma_start3A_180 = tpu.memref_slice %arg4[%add3A_59] : memref<320000xi32, #tpu.memory_space<hbm>> -> memref<16xi32, #tpu.memory_space<hbm>>
      %dma_start3A_181 = tpu.memref_slice %arg4[%add3A_59] : memref<320000xi32, #tpu.memory_space<hbm>> -> memref<16xi32, #tpu.memory_space<hbm>>
      tpu.enqueue_dma source(%dma_start3A_181 : memref<16xi32, #tpu.memory_space<hbm>>) target(%arg15 : memref<16xi32, #tpu.memory_space<vmem>>) target_semaphore(%run_scoped3A : memref<!tpu.dma_semaphore, #tpu.memory_space<semaphore_mem>>)
      %dma_wait3A_182 = tpu.memref_slice %arg4[%add3A_59] : memref<320000xi32, #tpu.memory_space<hbm>> -> memref<16xi32, #tpu.memory_space<hbm>>
      %dma_wait3A_183 = tpu.memref_slice %arg4[%add3A_59] : memref<320000xi32, #tpu.memory_space<hbm>> -> memref<16xi32, #tpu.memory_space<hbm>>
      tpu.wait_dma2 semaphore(%run_scoped3A : memref<!tpu.dma_semaphore, #tpu.memory_space<semaphore_mem>>) src(%dma_wait3A_183 : memref<16xi32, #tpu.memory_space<hbm>>) dst(%arg15 : memref<16xi32, #tpu.memory_space<vmem>>)
      tpu.yield
    }) : () -> ()
    "tpu.region"() ({
      %run_scoped3A = tpu.sem_alloc : memref<!tpu.dma_semaphore, #tpu.memory_space<semaphore_mem>>
      %dma_start3A_180 = tpu.memref_slice %arg3[%add3A_59] : memref<320000xi32, #tpu.memory_space<hbm>> -> memref<16xi32, #tpu.memory_space<hbm>>
      %dma_start3A_181 = tpu.memref_slice %arg3[%add3A_59] : memref<320000xi32, #tpu.memory_space<hbm>> -> memref<16xi32, #tpu.memory_space<hbm>>
      tpu.enqueue_dma source(%dma_start3A_181 : memref<16xi32, #tpu.memory_space<hbm>>) target(%arg18 : memref<16xi32, #tpu.memory_space<vmem>>) target_semaphore(%run_scoped3A : memref<!tpu.dma_semaphore, #tpu.memory_space<semaphore_mem>>)
      %dma_wait3A_182 = tpu.memref_slice %arg3[%add3A_59] : memref<320000xi32, #tpu.memory_space<hbm>> -> memref<16xi32, #tpu.memory_space<hbm>>
      %dma_wait3A_183 = tpu.memref_slice %arg3[%add3A_59] : memref<320000xi32, #tpu.memory_space<hbm>> -> memref<16xi32, #tpu.memory_space<hbm>>
      tpu.wait_dma2 semaphore(%run_scoped3A : memref<!tpu.dma_semaphore, #tpu.memory_space<semaphore_mem>>) src(%dma_wait3A_183 : memref<16xi32, #tpu.memory_space<hbm>>) dst(%arg18 : memref<16xi32, #tpu.memory_space<vmem>>)
      tpu.yield
    }) : () -> ()
    %dma_start3A_60 = arith.constant 0 : i32
    %dma_start3A_61 = arith.constant 0 : i32
    %dma_start3A_62 = tpu.memref_slice %arg2[%dma_start3A_60, %dma_start3A_61] : memref<10000x128xf32, #tpu.memory_space<hbm>> -> memref<10000x128xf32, #tpu.memory_space<hbm>>
    tpu.enqueue_indirect_dma source(%dma_start3A_62 : memref<10000x128xf32, #tpu.memory_space<hbm>>) target(%arg16 : memref<16x128xf32, #tpu.memory_space<vmem>>) offsets(%arg18 : memref<16xi32, #tpu.memory_space<vmem>>) semaphore(%arg11 : memref<!tpu.dma_semaphore, #tpu.memory_space<semaphore_mem>>)
    %dma_wait3A_63 = arith.constant 0 : i32
    %dma_wait3A_64 = arith.constant 0 : i32
    %dma_wait3A_65 = tpu.memref_slice %arg2[%dma_wait3A_63, %dma_wait3A_64] : memref<10000x128xf32, #tpu.memory_space<hbm>> -> memref<10000x128xf32, #tpu.memory_space<hbm>>
    tpu.wait_indirect_dma semaphore(%arg11 : memref<!tpu.dma_semaphore, #tpu.memory_space<semaphore_mem>>) src(%dma_wait3A_65 : memref<10000x128xf32, #tpu.memory_space<hbm>>) dst(%arg16 : memref<16x128xf32, #tpu.memory_space<vmem>>)
    "tpu.region"() ({
      %run_scoped3A = tpu.sem_alloc : memref<!tpu.dma_semaphore, #tpu.memory_space<semaphore_mem>>
      %dma_start3A_180 = arith.constant 0 : i32
      %dma_start3A_181 = arith.constant 0 : i32
      %dma_start3A_182 = tpu.memref_slice %arg7[%dma_start3A_180, %dma_start3A_181] : memref<10240x128xf32, #tpu.memory_space<vmem_shared>> -> memref<10240x128xf32, #tpu.memory_space<vmem_shared>>
      tpu.enqueue_indirect_dma source(%arg16 : memref<16x128xf32, #tpu.memory_space<vmem>>) target(%dma_start3A_182 : memref<10240x128xf32, #tpu.memory_space<vmem_shared>>) offsets(%arg15 : memref<16xi32, #tpu.memory_space<vmem>>) semaphore(%run_scoped3A : memref<!tpu.dma_semaphore, #tpu.memory_space<semaphore_mem>>) {add = true}
      %dma_wait3A_183 = arith.constant 0 : i32
      %dma_wait3A_184 = arith.constant 0 : i32
      %dma_wait3A_185 = tpu.memref_slice %arg7[%dma_wait3A_183, %dma_wait3A_184] : memref<10240x128xf32, #tpu.memory_space<vmem_shared>> -> memref<10240x128xf32, #tpu.memory_space<vmem_shared>>
      tpu.wait_indirect_dma semaphore(%run_scoped3A : memref<!tpu.dma_semaphore, #tpu.memory_space<semaphore_mem>>) src(%arg16 : memref<16x128xf32, #tpu.memory_space<vmem>>) dst(%dma_wait3A_185 : memref<10240x128xf32, #tpu.memory_space<vmem_shared>>)
      tpu.yield
    }) : () -> ()
    %barrier3A_66 = arith.constant 0 : index
    tpu.barrier barrier_id(%barrier3A_66)
    %dma_start3A_67 = arith.constant 0 : i32
    %dma_start3A_68 = tpu.memref_slice %arg7[%mul3A_2, %dma_start3A_67] : memref<10240x128xf32, #tpu.memory_space<vmem_shared>> -> memref<128x128xf32, #tpu.memory_space<vmem_shared>>
    %dma_start3A_69 = arith.constant 0 : i32
    %dma_start3A_70 = tpu.memref_slice %arg7[%mul3A_2, %dma_start3A_69] : memref<10240x128xf32, #tpu.memory_space<vmem_shared>> -> memref<128x128xf32, #tpu.memory_space<vmem_shared>>
    tpu.enqueue_dma source(%dma_start3A_70 : memref<128x128xf32, #tpu.memory_space<vmem_shared>>) target(%arg9 : memref<128x128xf32, #tpu.memory_space<vmem>>) target_semaphore(%arg11 : memref<!tpu.dma_semaphore, #tpu.memory_space<semaphore_mem>>)
    %add3A_71 = arith.constant 128 : i32
    %add3A_72 = arith.addi %mul3A_2, %add3A_71 : i32
    %dma_start3A_73 = arith.constant 0 : i32
    %dma_start3A_74 = tpu.memref_slice %arg7[%add3A_72, %dma_start3A_73] : memref<10240x128xf32, #tpu.memory_space<vmem_shared>> -> memref<128x128xf32, #tpu.memory_space<vmem_shared>>
    %dma_start3A_75 = arith.constant 0 : i32
    %dma_start3A_76 = tpu.memref_slice %arg7[%add3A_72, %dma_start3A_75] : memref<10240x128xf32, #tpu.memory_space<vmem_shared>> -> memref<128x128xf32, #tpu.memory_space<vmem_shared>>
    tpu.enqueue_dma source(%dma_start3A_76 : memref<128x128xf32, #tpu.memory_space<vmem_shared>>) target(%arg10 : memref<128x128xf32, #tpu.memory_space<vmem>>) target_semaphore(%arg12 : memref<!tpu.dma_semaphore, #tpu.memory_space<semaphore_mem>>)
    %dma_wait3A_77 = arith.constant 0 : i32
    %dma_wait3A_78 = tpu.memref_slice %arg7[%mul3A_2, %dma_wait3A_77] : memref<10240x128xf32, #tpu.memory_space<vmem_shared>> -> memref<128x128xf32, #tpu.memory_space<vmem_shared>>
    %dma_wait3A_79 = arith.constant 0 : i32
    %dma_wait3A_80 = tpu.memref_slice %arg7[%mul3A_2, %dma_wait3A_79] : memref<10240x128xf32, #tpu.memory_space<vmem_shared>> -> memref<128x128xf32, #tpu.memory_space<vmem_shared>>
    tpu.wait_dma2 semaphore(%arg11 : memref<!tpu.dma_semaphore, #tpu.memory_space<semaphore_mem>>) src(%dma_wait3A_80 : memref<128x128xf32, #tpu.memory_space<vmem_shared>>) dst(%arg9 : memref<128x128xf32, #tpu.memory_space<vmem>>)
    %mul3A_81 = arith.constant 10240 : i32
    %mul3A_82 = arith.muli %arg0, %mul3A_81 : i32
    %add3A_83 = arith.addi %mul3A_82, %mul3A_2 : i32
    %add3A_84 = arith.constant 0 : i32
    %add3A_85 = arith.addi %add3A_83, %add3A_84 : i32
    %dma_start3A_86 = arith.constant 0 : i32
    %dma_start3A_87 = tpu.memref_slice %arg6[%add3A_85, %dma_start3A_86] : memref<20480x128xf32, #tpu.memory_space<hbm>> -> memref<128x128xf32, #tpu.memory_space<hbm>>
    %dma_start3A_88 = arith.constant 0 : i32
    %dma_start3A_89 = tpu.memref_slice %arg6[%add3A_85, %dma_start3A_88] : memref<20480x128xf32, #tpu.memory_space<hbm>> -> memref<128x128xf32, #tpu.memory_space<hbm>>
    tpu.enqueue_dma source(%arg9 : memref<128x128xf32, #tpu.memory_space<vmem>>) target(%dma_start3A_89 : memref<128x128xf32, #tpu.memory_space<hbm>>) target_semaphore(%arg13 : memref<!tpu.dma_semaphore, #tpu.memory_space<semaphore_mem>>)
    %dma_wait3A_90 = arith.constant 0 : i32
    %dma_wait3A_91 = tpu.memref_slice %arg6[%add3A_85, %dma_wait3A_90] : memref<20480x128xf32, #tpu.memory_space<hbm>> -> memref<128x128xf32, #tpu.memory_space<hbm>>
    %dma_wait3A_92 = arith.constant 0 : i32
    %dma_wait3A_93 = tpu.memref_slice %arg6[%add3A_85, %dma_wait3A_92] : memref<20480x128xf32, #tpu.memory_space<hbm>> -> memref<128x128xf32, #tpu.memory_space<hbm>>
    tpu.wait_dma2 semaphore(%arg13 : memref<!tpu.dma_semaphore, #tpu.memory_space<semaphore_mem>>) src(%arg9 : memref<128x128xf32, #tpu.memory_space<vmem>>) dst(%dma_wait3A_93 : memref<128x128xf32, #tpu.memory_space<hbm>>)
    %add3A_94 = arith.constant 256 : i32
    %add3A_95 = arith.addi %mul3A_2, %add3A_94 : i32
    %dma_start3A_96 = arith.constant 0 : i32
    %dma_start3A_97 = tpu.memref_slice %arg7[%add3A_95, %dma_start3A_96] : memref<10240x128xf32, #tpu.memory_space<vmem_shared>> -> memref<128x128xf32, #tpu.memory_space<vmem_shared>>
    %dma_start3A_98 = arith.constant 0 : i32
    %dma_start3A_99 = tpu.memref_slice %arg7[%add3A_95, %dma_start3A_98] : memref<10240x128xf32, #tpu.memory_space<vmem_shared>> -> memref<128x128xf32, #tpu.memory_space<vmem_shared>>
    tpu.enqueue_dma source(%dma_start3A_99 : memref<128x128xf32, #tpu.memory_space<vmem_shared>>) target(%arg9 : memref<128x128xf32, #tpu.memory_space<vmem>>) target_semaphore(%arg11 : memref<!tpu.dma_semaphore, #tpu.memory_space<semaphore_mem>>)
    %dma_wait3A_100 = arith.constant 0 : i32
    %dma_wait3A_101 = tpu.memref_slice %arg7[%add3A_72, %dma_wait3A_100] : memref<10240x128xf32, #tpu.memory_space<vmem_shared>> -> memref<128x128xf32, #tpu.memory_space<vmem_shared>>
    %dma_wait3A_102 = arith.constant 0 : i32
    %dma_wait3A_103 = tpu.memref_slice %arg7[%add3A_72, %dma_wait3A_102] : memref<10240x128xf32, #tpu.memory_space<vmem_shared>> -> memref<128x128xf32, #tpu.memory_space<vmem_shared>>
    tpu.wait_dma2 semaphore(%arg12 : memref<!tpu.dma_semaphore, #tpu.memory_space<semaphore_mem>>) src(%dma_wait3A_103 : memref<128x128xf32, #tpu.memory_space<vmem_shared>>) dst(%arg10 : memref<128x128xf32, #tpu.memory_space<vmem>>)
    %mul3A_104 = arith.constant 10240 : i32
    %mul3A_105 = arith.muli %arg0, %mul3A_104 : i32
    %add3A_106 = arith.addi %mul3A_105, %mul3A_2 : i32
    %add3A_107 = arith.constant 128 : i32
    %add3A_108 = arith.addi %add3A_106, %add3A_107 : i32
    %dma_start3A_109 = arith.constant 0 : i32
    %dma_start3A_110 = tpu.memref_slice %arg6[%add3A_108, %dma_start3A_109] : memref<20480x128xf32, #tpu.memory_space<hbm>> -> memref<128x128xf32, #tpu.memory_space<hbm>>
    %dma_start3A_111 = arith.constant 0 : i32
    %dma_start3A_112 = tpu.memref_slice %arg6[%add3A_108, %dma_start3A_111] : memref<20480x128xf32, #tpu.memory_space<hbm>> -> memref<128x128xf32, #tpu.memory_space<hbm>>
    tpu.enqueue_dma source(%arg10 : memref<128x128xf32, #tpu.memory_space<vmem>>) target(%dma_start3A_112 : memref<128x128xf32, #tpu.memory_space<hbm>>) target_semaphore(%arg14 : memref<!tpu.dma_semaphore, #tpu.memory_space<semaphore_mem>>)
    %dma_wait3A_113 = arith.constant 0 : i32
    %dma_wait3A_114 = tpu.memref_slice %arg6[%add3A_108, %dma_wait3A_113] : memref<20480x128xf32, #tpu.memory_space<hbm>> -> memref<128x128xf32, #tpu.memory_space<hbm>>
    %dma_wait3A_115 = arith.constant 0 : i32
    %dma_wait3A_116 = tpu.memref_slice %arg6[%add3A_108, %dma_wait3A_115] : memref<20480x128xf32, #tpu.memory_space<hbm>> -> memref<128x128xf32, #tpu.memory_space<hbm>>
    tpu.wait_dma2 semaphore(%arg14 : memref<!tpu.dma_semaphore, #tpu.memory_space<semaphore_mem>>) src(%arg10 : memref<128x128xf32, #tpu.memory_space<vmem>>) dst(%dma_wait3A_116 : memref<128x128xf32, #tpu.memory_space<hbm>>)
    %add3A_117 = arith.constant 384 : i32
    %add3A_118 = arith.addi %mul3A_2, %add3A_117 : i32
    %dma_start3A_119 = arith.constant 0 : i32
    %dma_start3A_120 = tpu.memref_slice %arg7[%add3A_118, %dma_start3A_119] : memref<10240x128xf32, #tpu.memory_space<vmem_shared>> -> memref<128x128xf32, #tpu.memory_space<vmem_shared>>
    %dma_start3A_121 = arith.constant 0 : i32
    %dma_start3A_122 = tpu.memref_slice %arg7[%add3A_118, %dma_start3A_121] : memref<10240x128xf32, #tpu.memory_space<vmem_shared>> -> memref<128x128xf32, #tpu.memory_space<vmem_shared>>
    tpu.enqueue_dma source(%dma_start3A_122 : memref<128x128xf32, #tpu.memory_space<vmem_shared>>) target(%arg10 : memref<128x128xf32, #tpu.memory_space<vmem>>) target_semaphore(%arg12 : memref<!tpu.dma_semaphore, #tpu.memory_space<semaphore_mem>>)
    %dma_wait3A_123 = arith.constant 0 : i32
    %dma_wait3A_124 = tpu.memref_slice %arg7[%add3A_95, %dma_wait3A_123] : memref<10240x128xf32, #tpu.memory_space<vmem_shared>> -> memref<128x128xf32, #tpu.memory_space<vmem_shared>>
    %dma_wait3A_125 = arith.constant 0 : i32
    %dma_wait3A_126 = tpu.memref_slice %arg7[%add3A_95, %dma_wait3A_125] : memref<10240x128xf32, #tpu.memory_space<vmem_shared>> -> memref<128x128xf32, #tpu.memory_space<vmem_shared>>
    tpu.wait_dma2 semaphore(%arg11 : memref<!tpu.dma_semaphore, #tpu.memory_space<semaphore_mem>>) src(%dma_wait3A_126 : memref<128x128xf32, #tpu.memory_space<vmem_shared>>) dst(%arg9 : memref<128x128xf32, #tpu.memory_space<vmem>>)
    %mul3A_127 = arith.constant 10240 : i32
    %mul3A_128 = arith.muli %arg0, %mul3A_127 : i32
    %add3A_129 = arith.addi %mul3A_128, %mul3A_2 : i32
    %add3A_130 = arith.constant 256 : i32
    %add3A_131 = arith.addi %add3A_129, %add3A_130 : i32
    %dma_start3A_132 = arith.constant 0 : i32
    %dma_start3A_133 = tpu.memref_slice %arg6[%add3A_131, %dma_start3A_132] : memref<20480x128xf32, #tpu.memory_space<hbm>> -> memref<128x128xf32, #tpu.memory_space<hbm>>
    %dma_start3A_134 = arith.constant 0 : i32
    %dma_start3A_135 = tpu.memref_slice %arg6[%add3A_131, %dma_start3A_134] : memref<20480x128xf32, #tpu.memory_space<hbm>> -> memref<128x128xf32, #tpu.memory_space<hbm>>
    tpu.enqueue_dma source(%arg9 : memref<128x128xf32, #tpu.memory_space<vmem>>) target(%dma_start3A_135 : memref<128x128xf32, #tpu.memory_space<hbm>>) target_semaphore(%arg13 : memref<!tpu.dma_semaphore, #tpu.memory_space<semaphore_mem>>)
    %dma_wait3A_136 = arith.constant 0 : i32
    %dma_wait3A_137 = tpu.memref_slice %arg6[%add3A_131, %dma_wait3A_136] : memref<20480x128xf32, #tpu.memory_space<hbm>> -> memref<128x128xf32, #tpu.memory_space<hbm>>
    %dma_wait3A_138 = arith.constant 0 : i32
    %dma_wait3A_139 = tpu.memref_slice %arg6[%add3A_131, %dma_wait3A_138] : memref<20480x128xf32, #tpu.memory_space<hbm>> -> memref<128x128xf32, #tpu.memory_space<hbm>>
    tpu.wait_dma2 semaphore(%arg13 : memref<!tpu.dma_semaphore, #tpu.memory_space<semaphore_mem>>) src(%arg9 : memref<128x128xf32, #tpu.memory_space<vmem>>) dst(%dma_wait3A_139 : memref<128x128xf32, #tpu.memory_space<hbm>>)
    %add3A_140 = arith.constant 512 : i32
    %add3A_141 = arith.addi %mul3A_2, %add3A_140 : i32
    %dma_start3A_142 = arith.constant 0 : i32
    %dma_start3A_143 = tpu.memref_slice %arg7[%add3A_141, %dma_start3A_142] : memref<10240x128xf32, #tpu.memory_space<vmem_shared>> -> memref<128x128xf32, #tpu.memory_space<vmem_shared>>
    %dma_start3A_144 = arith.constant 0 : i32
    %dma_start3A_145 = tpu.memref_slice %arg7[%add3A_141, %dma_start3A_144] : memref<10240x128xf32, #tpu.memory_space<vmem_shared>> -> memref<128x128xf32, #tpu.memory_space<vmem_shared>>
    tpu.enqueue_dma source(%dma_start3A_145 : memref<128x128xf32, #tpu.memory_space<vmem_shared>>) target(%arg9 : memref<128x128xf32, #tpu.memory_space<vmem>>) target_semaphore(%arg11 : memref<!tpu.dma_semaphore, #tpu.memory_space<semaphore_mem>>)
    %dma_wait3A_146 = arith.constant 0 : i32
    %dma_wait3A_147 = tpu.memref_slice %arg7[%add3A_118, %dma_wait3A_146] : memref<10240x128xf32, #tpu.memory_space<vmem_shared>> -> memref<128x128xf32, #tpu.memory_space<vmem_shared>>
    %dma_wait3A_148 = arith.constant 0 : i32
    %dma_wait3A_149 = tpu.memref_slice %arg7[%add3A_118, %dma_wait3A_148] : memref<10240x128xf32, #tpu.memory_space<vmem_shared>> -> memref<128x128xf32, #tpu.memory_space<vmem_shared>>
    tpu.wait_dma2 semaphore(%arg12 : memref<!tpu.dma_semaphore, #tpu.memory_space<semaphore_mem>>) src(%dma_wait3A_149 : memref<128x128xf32, #tpu.memory_space<vmem_shared>>) dst(%arg10 : memref<128x128xf32, #tpu.memory_space<vmem>>)
    %mul3A_150 = arith.constant 10240 : i32
    %mul3A_151 = arith.muli %arg0, %mul3A_150 : i32
    %add3A_152 = arith.addi %mul3A_151, %mul3A_2 : i32
    %add3A_153 = arith.constant 384 : i32
    %add3A_154 = arith.addi %add3A_152, %add3A_153 : i32
    %dma_start3A_155 = arith.constant 0 : i32
    %dma_start3A_156 = tpu.memref_slice %arg6[%add3A_154, %dma_start3A_155] : memref<20480x128xf32, #tpu.memory_space<hbm>> -> memref<128x128xf32, #tpu.memory_space<hbm>>
    %dma_start3A_157 = arith.constant 0 : i32
    %dma_start3A_158 = tpu.memref_slice %arg6[%add3A_154, %dma_start3A_157] : memref<20480x128xf32, #tpu.memory_space<hbm>> -> memref<128x128xf32, #tpu.memory_space<hbm>>
    tpu.enqueue_dma source(%arg10 : memref<128x128xf32, #tpu.memory_space<vmem>>) target(%dma_start3A_158 : memref<128x128xf32, #tpu.memory_space<hbm>>) target_semaphore(%arg14 : memref<!tpu.dma_semaphore, #tpu.memory_space<semaphore_mem>>)
    %dma_wait3A_159 = arith.constant 0 : i32
    %dma_wait3A_160 = tpu.memref_slice %arg7[%add3A_141, %dma_wait3A_159] : memref<10240x128xf32, #tpu.memory_space<vmem_shared>> -> memref<128x128xf32, #tpu.memory_space<vmem_shared>>
    %dma_wait3A_161 = arith.constant 0 : i32
    %dma_wait3A_162 = tpu.memref_slice %arg7[%add3A_141, %dma_wait3A_161] : memref<10240x128xf32, #tpu.memory_space<vmem_shared>> -> memref<128x128xf32, #tpu.memory_space<vmem_shared>>
    tpu.wait_dma2 semaphore(%arg11 : memref<!tpu.dma_semaphore, #tpu.memory_space<semaphore_mem>>) src(%dma_wait3A_162 : memref<128x128xf32, #tpu.memory_space<vmem_shared>>) dst(%arg9 : memref<128x128xf32, #tpu.memory_space<vmem>>)
    %mul3A_163 = arith.constant 10240 : i32
    %mul3A_164 = arith.muli %arg0, %mul3A_163 : i32
    %add3A_165 = arith.addi %mul3A_164, %mul3A_2 : i32
    %add3A_166 = arith.constant 512 : i32
    %add3A_167 = arith.addi %add3A_165, %add3A_166 : i32
    %dma_start3A_168 = arith.constant 0 : i32
    %dma_start3A_169 = tpu.memref_slice %arg6[%add3A_167, %dma_start3A_168] : memref<20480x128xf32, #tpu.memory_space<hbm>> -> memref<128x128xf32, #tpu.memory_space<hbm>>
    %dma_start3A_170 = arith.constant 0 : i32
    %dma_start3A_171 = tpu.memref_slice %arg6[%add3A_167, %dma_start3A_170] : memref<20480x128xf32, #tpu.memory_space<hbm>> -> memref<128x128xf32, #tpu.memory_space<hbm>>
    tpu.enqueue_dma source(%arg9 : memref<128x128xf32, #tpu.memory_space<vmem>>) target(%dma_start3A_171 : memref<128x128xf32, #tpu.memory_space<hbm>>) target_semaphore(%arg13 : memref<!tpu.dma_semaphore, #tpu.memory_space<semaphore_mem>>)
    %dma_wait3A_172 = arith.constant 0 : i32
    %dma_wait3A_173 = tpu.memref_slice %arg6[%add3A_167, %dma_wait3A_172] : memref<20480x128xf32, #tpu.memory_space<hbm>> -> memref<128x128xf32, #tpu.memory_space<hbm>>
    %dma_wait3A_174 = arith.constant 0 : i32
    %dma_wait3A_175 = tpu.memref_slice %arg6[%add3A_167, %dma_wait3A_174] : memref<20480x128xf32, #tpu.memory_space<hbm>> -> memref<128x128xf32, #tpu.memory_space<hbm>>
    tpu.wait_dma2 semaphore(%arg13 : memref<!tpu.dma_semaphore, #tpu.memory_space<semaphore_mem>>) src(%arg9 : memref<128x128xf32, #tpu.memory_space<vmem>>) dst(%dma_wait3A_175 : memref<128x128xf32, #tpu.memory_space<hbm>>)
    %dma_wait3A_176 = arith.constant 0 : i32
    %dma_wait3A_177 = tpu.memref_slice %arg6[%add3A_154, %dma_wait3A_176] : memref<20480x128xf32, #tpu.memory_space<hbm>> -> memref<128x128xf32, #tpu.memory_space<hbm>>
    %dma_wait3A_178 = arith.constant 0 : i32
    %dma_wait3A_179 = tpu.memref_slice %arg6[%add3A_154, %dma_wait3A_178] : memref<20480x128xf32, #tpu.memory_space<hbm>> -> memref<128x128xf32, #tpu.memory_space<hbm>>
    tpu.wait_dma2 semaphore(%arg14 : memref<!tpu.dma_semaphore, #tpu.memory_space<semaphore_mem>>) src(%arg10 : memref<128x128xf32, #tpu.memory_space<vmem>>) dst(%dma_wait3A_179 : memref<128x128xf32, #tpu.memory_space<hbm>>)
    return
  }
}

#map = affine_map<(d0, d1) -> (0, 0)>
#map1 = affine_map<(d0, d1) -> (0)>
module attributes {stable_mosaic.version = 14 : i64} {
  func.func @body(%arg0: i32, %arg1: i32, %arg2: memref<10000x128xf32, #tpu.memory_space<hbm>>, %arg3: memref<320000xi32, #tpu.memory_space<hbm>>, %arg4: memref<320000xi32, #tpu.memory_space<hbm>>, %arg5: memref<128x128xf32, #tpu.memory_space<hbm>>, %arg6: memref<20480x128xf32, #tpu.memory_space<hbm>>, %arg7: memref<10240x128xf32, #tpu.memory_space<vmem_shared>>, %arg8: memref<2x128xi32, #tpu.memory_space<vmem>>, %arg9: memref<128x128xf32, #tpu.memory_space<vmem>>, %arg10: memref<128x128xf32, #tpu.memory_space<vmem>>, %arg11: memref<!tpu.dma_semaphore, #tpu.memory_space<semaphore_mem>>, %arg12: memref<!tpu.dma_semaphore, #tpu.memory_space<semaphore_mem>>, %arg13: memref<!tpu.dma_semaphore, #tpu.memory_space<semaphore_mem>>, %arg14: memref<!tpu.dma_semaphore, #tpu.memory_space<semaphore_mem>>, %arg15: memref<16xi32, #tpu.memory_space<vmem>>, %arg16: memref<16x128xf32, #tpu.memory_space<vmem>>, %arg17: memref<2x128xi32, #tpu.memory_space<vmem>>, %arg18: memref<16xi32, #tpu.memory_space<vmem>>) attributes {dimension_semantics = [#tpu.dimension_semantics<core_parallel>, #tpu.dimension_semantics<subcore_parallel>], iteration_bounds = array<i64: 2, 16>, scalar_prefetch = 0 : i64, scratch_operands = 12 : i64, tpu.core_type = #tpu.core_type<sc_vector_subcore>, window_params = [{transform_indices = #map}, {transform_indices = #map1}, {transform_indices = #map1}, {transform_indices = #map}, {transform_indices = #map}]} {
    %mul3A = arith.constant 2 : i32
    %mul3A_0 = arith.muli %arg1, %mul3A : i32
    %add3A = arith.addi %mul3A_0, %arg0 : i32
    %mul3A_1 = arith.constant 640 : i32
    %mul3A_2 = arith.muli %arg1, %mul3A_1 : i32
    "tpu.region"() ({
      %run_scoped3A = tpu.sem_alloc : memref<!tpu.dma_semaphore, #tpu.memory_space<semaphore_mem>>
      tpu.enqueue_dma source(%arg5 : memref<128x128xf32, #tpu.memory_space<hbm>>) target(%arg9 : memref<128x128xf32, #tpu.memory_space<vmem>>) target_semaphore(%run_scoped3A : memref<!tpu.dma_semaphore, #tpu.memory_space<semaphore_mem>>)
      tpu.wait_dma2 semaphore(%run_scoped3A : memref<!tpu.dma_semaphore, #tpu.memory_space<semaphore_mem>>) src(%arg5 : memref<128x128xf32, #tpu.memory_space<hbm>>) dst(%arg9 : memref<128x128xf32, #tpu.memory_space<vmem>>)
      tpu.yield
    }) : () -> ()
    %add3A_3 = arith.constant 0 : i32
    %add3A_4 = arith.addi %mul3A_2, %add3A_3 : i32
    %dma_start3A = arith.constant 0 : i32
    %dma_start3A_5 = tpu.memref_slice %arg7[%add3A_4, %dma_start3A] : memref<10240x128xf32, #tpu.memory_space<vmem_shared>> -> memref<128x128xf32, #tpu.memory_space<vmem_shared>>
    %dma_start3A_6 = arith.constant 0 : i32
    %dma_start3A_7 = tpu.memref_slice %arg7[%add3A_4, %dma_start3A_6] : memref<10240x128xf32, #tpu.memory_space<vmem_shared>> -> memref<128x128xf32, #tpu.memory_space<vmem_shared>>
    tpu.enqueue_dma source(%arg9 : memref<128x128xf32, #tpu.memory_space<vmem>>) target(%dma_start3A_7 : memref<128x128xf32, #tpu.memory_space<vmem_shared>>) target_semaphore(%arg13 : memref<!tpu.dma_semaphore, #tpu.memory_space<semaphore_mem>>)
    %add3A_8 = arith.constant 128 : i32
    %add3A_9 = arith.addi %mul3A_2, %add3A_8 : i32
    %dma_start3A_10 = arith.constant 0 : i32
    %dma_start3A_11 = tpu.memref_slice %arg7[%add3A_9, %dma_start3A_10] : memref<10240x128xf32, #tpu.memory_space<vmem_shared>> -> memref<128x128xf32, #tpu.memory_space<vmem_shared>>
    %dma_start3A_12 = arith.constant 0 : i32
    %dma_start3A_13 = tpu.memref_slice %arg7[%add3A_9, %dma_start3A_12] : memref<10240x128xf32, #tpu.memory_space<vmem_shared>> -> memref<128x128xf32, #tpu.memory_space<vmem_shared>>
    tpu.enqueue_dma source(%arg9 : memref<128x128xf32, #tpu.memory_space<vmem>>) target(%dma_start3A_13 : memref<128x128xf32, #tpu.memory_space<vmem_shared>>) target_semaphore(%arg13 : memref<!tpu.dma_semaphore, #tpu.memory_space<semaphore_mem>>)
    %add3A_14 = arith.constant 256 : i32
    %add3A_15 = arith.addi %mul3A_2, %add3A_14 : i32
    %dma_start3A_16 = arith.constant 0 : i32
    %dma_start3A_17 = tpu.memref_slice %arg7[%add3A_15, %dma_start3A_16] : memref<10240x128xf32, #tpu.memory_space<vmem_shared>> -> memref<128x128xf32, #tpu.memory_space<vmem_shared>>
    %dma_start3A_18 = arith.constant 0 : i32
    %dma_start3A_19 = tpu.memref_slice %arg7[%add3A_15, %dma_start3A_18] : memref<10240x128xf32, #tpu.memory_space<vmem_shared>> -> memref<128x128xf32, #tpu.memory_space<vmem_shared>>
    tpu.enqueue_dma source(%arg9 : memref<128x128xf32, #tpu.memory_space<vmem>>) target(%dma_start3A_19 : memref<128x128xf32, #tpu.memory_space<vmem_shared>>) target_semaphore(%arg13 : memref<!tpu.dma_semaphore, #tpu.memory_space<semaphore_mem>>)
    %add3A_20 = arith.constant 384 : i32
    %add3A_21 = arith.addi %mul3A_2, %add3A_20 : i32
    %dma_start3A_22 = arith.constant 0 : i32
    %dma_start3A_23 = tpu.memref_slice %arg7[%add3A_21, %dma_start3A_22] : memref<10240x128xf32, #tpu.memory_space<vmem_shared>> -> memref<128x128xf32, #tpu.memory_space<vmem_shared>>
    %dma_start3A_24 = arith.constant 0 : i32
    %dma_start3A_25 = tpu.memref_slice %arg7[%add3A_21, %dma_start3A_24] : memref<10240x128xf32, #tpu.memory_space<vmem_shared>> -> memref<128x128xf32, #tpu.memory_space<vmem_shared>>
    tpu.enqueue_dma source(%arg9 : memref<128x128xf32, #tpu.memory_space<vmem>>) target(%dma_start3A_25 : memref<128x128xf32, #tpu.memory_space<vmem_shared>>) target_semaphore(%arg13 : memref<!tpu.dma_semaphore, #tpu.memory_space<semaphore_mem>>)
    %add3A_26 = arith.constant 512 : i32
    %add3A_27 = arith.addi %mul3A_2, %add3A_26 : i32
    %dma_start3A_28 = arith.constant 0 : i32
    %dma_start3A_29 = tpu.memref_slice %arg7[%add3A_27, %dma_start3A_28] : memref<10240x128xf32, #tpu.memory_space<vmem_shared>> -> memref<128x128xf32, #tpu.memory_space<vmem_shared>>
    %dma_start3A_30 = arith.constant 0 : i32
    %dma_start3A_31 = tpu.memref_slice %arg7[%add3A_27, %dma_start3A_30] : memref<10240x128xf32, #tpu.memory_space<vmem_shared>> -> memref<128x128xf32, #tpu.memory_space<vmem_shared>>
    tpu.enqueue_dma source(%arg9 : memref<128x128xf32, #tpu.memory_space<vmem>>) target(%dma_start3A_31 : memref<128x128xf32, #tpu.memory_space<vmem_shared>>) target_semaphore(%arg13 : memref<!tpu.dma_semaphore, #tpu.memory_space<semaphore_mem>>)
    %dma_wait3A = arith.constant 0 : i32
    %dma_wait3A_32 = tpu.memref_slice %arg7[%add3A_4, %dma_wait3A] : memref<10240x128xf32, #tpu.memory_space<vmem_shared>> -> memref<128x128xf32, #tpu.memory_space<vmem_shared>>
    %dma_wait3A_33 = arith.constant 0 : i32
    %dma_wait3A_34 = tpu.memref_slice %arg7[%add3A_4, %dma_wait3A_33] : memref<10240x128xf32, #tpu.memory_space<vmem_shared>> -> memref<128x128xf32, #tpu.memory_space<vmem_shared>>
    tpu.wait_dma2 semaphore(%arg13 : memref<!tpu.dma_semaphore, #tpu.memory_space<semaphore_mem>>) src(%arg9 : memref<128x128xf32, #tpu.memory_space<vmem>>) dst(%dma_wait3A_34 : memref<128x128xf32, #tpu.memory_space<vmem_shared>>)
    %dma_wait3A_35 = arith.constant 0 : i32
    %dma_wait3A_36 = tpu.memref_slice %arg7[%add3A_9, %dma_wait3A_35] : memref<10240x128xf32, #tpu.memory_space<vmem_shared>> -> memref<128x128xf32, #tpu.memory_space<vmem_shared>>
    %dma_wait3A_37 = arith.constant 0 : i32
    %dma_wait3A_38 = tpu.memref_slice %arg7[%add3A_9, %dma_wait3A_37] : memref<10240x128xf32, #tpu.memory_space<vmem_shared>> -> memref<128x128xf32, #tpu.memory_space<vmem_shared>>
    tpu.wait_dma2 semaphore(%arg13 : memref<!tpu.dma_semaphore, #tpu.memory_space<semaphore_mem>>) src(%arg9 : memref<128x128xf32, #tpu.memory_space<vmem>>) dst(%dma_wait3A_38 : memref<128x128xf32, #tpu.memory_space<vmem_shared>>)
    %dma_wait3A_39 = arith.constant 0 : i32
    %dma_wait3A_40 = tpu.memref_slice %arg7[%add3A_15, %dma_wait3A_39] : memref<10240x128xf32, #tpu.memory_space<vmem_shared>> -> memref<128x128xf32, #tpu.memory_space<vmem_shared>>
    %dma_wait3A_41 = arith.constant 0 : i32
    %dma_wait3A_42 = tpu.memref_slice %arg7[%add3A_15, %dma_wait3A_41] : memref<10240x128xf32, #tpu.memory_space<vmem_shared>> -> memref<128x128xf32, #tpu.memory_space<vmem_shared>>
    tpu.wait_dma2 semaphore(%arg13 : memref<!tpu.dma_semaphore, #tpu.memory_space<semaphore_mem>>) src(%arg9 : memref<128x128xf32, #tpu.memory_space<vmem>>) dst(%dma_wait3A_42 : memref<128x128xf32, #tpu.memory_space<vmem_shared>>)
    %dma_wait3A_43 = arith.constant 0 : i32
    %dma_wait3A_44 = tpu.memref_slice %arg7[%add3A_21, %dma_wait3A_43] : memref<10240x128xf32, #tpu.memory_space<vmem_shared>> -> memref<128x128xf32, #tpu.memory_space<vmem_shared>>
    %dma_wait3A_45 = arith.constant 0 : i32
    %dma_wait3A_46 = tpu.memref_slice %arg7[%add3A_21, %dma_wait3A_45] : memref<10240x128xf32, #tpu.memory_space<vmem_shared>> -> memref<128x128xf32, #tpu.memory_space<vmem_shared>>
    tpu.wait_dma2 semaphore(%arg13 : memref<!tpu.dma_semaphore, #tpu.memory_space<semaphore_mem>>) src(%arg9 : memref<128x128xf32, #tpu.memory_space<vmem>>) dst(%dma_wait3A_46 : memref<128x128xf32, #tpu.memory_space<vmem_shared>>)
    %dma_wait3A_47 = arith.constant 0 : i32
    %dma_wait3A_48 = tpu.memref_slice %arg7[%add3A_27, %dma_wait3A_47] : memref<10240x128xf32, #tpu.memory_space<vmem_shared>> -> memref<128x128xf32, #tpu.memory_space<vmem_shared>>
    %dma_wait3A_49 = arith.constant 0 : i32
    %dma_wait3A_50 = tpu.memref_slice %arg7[%add3A_27, %dma_wait3A_49] : memref<10240x128xf32, #tpu.memory_space<vmem_shared>> -> memref<128x128xf32, #tpu.memory_space<vmem_shared>>
    tpu.wait_dma2 semaphore(%arg13 : memref<!tpu.dma_semaphore, #tpu.memory_space<semaphore_mem>>) src(%arg9 : memref<128x128xf32, #tpu.memory_space<vmem>>) dst(%dma_wait3A_50 : memref<128x128xf32, #tpu.memory_space<vmem_shared>>)
    %barrier3A = arith.constant 0 : index
    tpu.barrier barrier_id(%barrier3A)
    %mul3A_51 = arith.constant 10000 : i32
    %mul3A_52 = arith.muli %add3A, %mul3A_51 : i32
    %scan3A = arith.constant 0 : i32
    %scan3A_53 = arith.constant 0 : i32
    %scan3A_54 = arith.constant 39 : i32
    %scan3A_55 = arith.addi %scan3A_53, %scan3A_54 : i32
    %scan3A_56 = arith.constant 1 : i32
    scf.for %scan3A_180 = %scan3A_53 to %scan3A_55 step %scan3A_56  : i32 {
      %mul3A_181 = arith.constant 256 : i32
      %mul3A_182 = arith.muli %scan3A_180, %mul3A_181 : i32
      %add3A_183 = arith.addi %mul3A_52, %mul3A_182 : i32
      %add3A_184 = arith.constant 128 : i32
      %add3A_185 = arith.addi %add3A_183, %add3A_184 : i32
      %run_scoped3A = arith.constant 0 : i32
      "tpu.region"() ({
        %run_scoped3A_245 = tpu.sem_alloc : memref<!tpu.dma_semaphore, #tpu.memory_space<semaphore_mem>>
        %dma_start3A_246 = arith.constant 0 : i32
        %dma_start3A_247 = tpu.memref_slice %arg8[%run_scoped3A, %dma_start3A_246] : memref<2x128xi32, #tpu.memory_space<vmem>> -> memref<1x128xi32, #tpu.memory_space<vmem>>
        %dma_start3A_248 = tpu.memref_squeeze %dma_start3A_247 : memref<1x128xi32, #tpu.memory_space<vmem>> -> memref<128xi32, #tpu.memory_space<vmem>>
        %dma_start3A_249 = tpu.memref_slice %arg4[%add3A_183] : memref<320000xi32, #tpu.memory_space<hbm>> -> memref<128xi32, #tpu.memory_space<hbm>>
        %dma_start3A_250 = arith.constant 0 : i32
        %dma_start3A_251 = tpu.memref_slice %arg8[%run_scoped3A, %dma_start3A_250] : memref<2x128xi32, #tpu.memory_space<vmem>> -> memref<1x128xi32, #tpu.memory_space<vmem>>
        %dma_start3A_252 = tpu.memref_squeeze %dma_start3A_251 : memref<1x128xi32, #tpu.memory_space<vmem>> -> memref<128xi32, #tpu.memory_space<vmem>>
        %dma_start3A_253 = tpu.memref_slice %arg4[%add3A_183] : memref<320000xi32, #tpu.memory_space<hbm>> -> memref<128xi32, #tpu.memory_space<hbm>>
        tpu.enqueue_dma source(%dma_start3A_253 : memref<128xi32, #tpu.memory_space<hbm>>) target(%dma_start3A_252 : memref<128xi32, #tpu.memory_space<vmem>>) target_semaphore(%run_scoped3A_245 : memref<!tpu.dma_semaphore, #tpu.memory_space<semaphore_mem>>)
        %dma_wait3A_254 = arith.constant 0 : i32
        %dma_wait3A_255 = tpu.memref_slice %arg8[%run_scoped3A, %dma_wait3A_254] : memref<2x128xi32, #tpu.memory_space<vmem>> -> memref<1x128xi32, #tpu.memory_space<vmem>>
        %dma_wait3A_256 = tpu.memref_squeeze %dma_wait3A_255 : memref<1x128xi32, #tpu.memory_space<vmem>> -> memref<128xi32, #tpu.memory_space<vmem>>
        %dma_wait3A_257 = tpu.memref_slice %arg4[%add3A_183] : memref<320000xi32, #tpu.memory_space<hbm>> -> memref<128xi32, #tpu.memory_space<hbm>>
        %dma_wait3A_258 = arith.constant 0 : i32
        %dma_wait3A_259 = tpu.memref_slice %arg8[%run_scoped3A, %dma_wait3A_258] : memref<2x128xi32, #tpu.memory_space<vmem>> -> memref<1x128xi32, #tpu.memory_space<vmem>>
        %dma_wait3A_260 = tpu.memref_squeeze %dma_wait3A_259 : memref<1x128xi32, #tpu.memory_space<vmem>> -> memref<128xi32, #tpu.memory_space<vmem>>
        %dma_wait3A_261 = tpu.memref_slice %arg4[%add3A_183] : memref<320000xi32, #tpu.memory_space<hbm>> -> memref<128xi32, #tpu.memory_space<hbm>>
        tpu.wait_dma2 semaphore(%run_scoped3A_245 : memref<!tpu.dma_semaphore, #tpu.memory_space<semaphore_mem>>) src(%dma_wait3A_261 : memref<128xi32, #tpu.memory_space<hbm>>) dst(%dma_wait3A_260 : memref<128xi32, #tpu.memory_space<vmem>>)
        tpu.yield
      }) : () -> ()
      %run_scoped3A_186 = arith.constant 0 : i32
      "tpu.region"() ({
        %run_scoped3A_245 = tpu.sem_alloc : memref<!tpu.dma_semaphore, #tpu.memory_space<semaphore_mem>>
        %dma_start3A_246 = arith.constant 0 : i32
        %dma_start3A_247 = tpu.memref_slice %arg17[%run_scoped3A_186, %dma_start3A_246] : memref<2x128xi32, #tpu.memory_space<vmem>> -> memref<1x128xi32, #tpu.memory_space<vmem>>
        %dma_start3A_248 = tpu.memref_squeeze %dma_start3A_247 : memref<1x128xi32, #tpu.memory_space<vmem>> -> memref<128xi32, #tpu.memory_space<vmem>>
        %dma_start3A_249 = tpu.memref_slice %arg3[%add3A_183] : memref<320000xi32, #tpu.memory_space<hbm>> -> memref<128xi32, #tpu.memory_space<hbm>>
        %dma_start3A_250 = arith.constant 0 : i32
        %dma_start3A_251 = tpu.memref_slice %arg17[%run_scoped3A_186, %dma_start3A_250] : memref<2x128xi32, #tpu.memory_space<vmem>> -> memref<1x128xi32, #tpu.memory_space<vmem>>
        %dma_start3A_252 = tpu.memref_squeeze %dma_start3A_251 : memref<1x128xi32, #tpu.memory_space<vmem>> -> memref<128xi32, #tpu.memory_space<vmem>>
        %dma_start3A_253 = tpu.memref_slice %arg3[%add3A_183] : memref<320000xi32, #tpu.memory_space<hbm>> -> memref<128xi32, #tpu.memory_space<hbm>>
        tpu.enqueue_dma source(%dma_start3A_253 : memref<128xi32, #tpu.memory_space<hbm>>) target(%dma_start3A_252 : memref<128xi32, #tpu.memory_space<vmem>>) target_semaphore(%run_scoped3A_245 : memref<!tpu.dma_semaphore, #tpu.memory_space<semaphore_mem>>)
        %dma_wait3A_254 = arith.constant 0 : i32
        %dma_wait3A_255 = tpu.memref_slice %arg17[%run_scoped3A_186, %dma_wait3A_254] : memref<2x128xi32, #tpu.memory_space<vmem>> -> memref<1x128xi32, #tpu.memory_space<vmem>>
        %dma_wait3A_256 = tpu.memref_squeeze %dma_wait3A_255 : memref<1x128xi32, #tpu.memory_space<vmem>> -> memref<128xi32, #tpu.memory_space<vmem>>
        %dma_wait3A_257 = tpu.memref_slice %arg3[%add3A_183] : memref<320000xi32, #tpu.memory_space<hbm>> -> memref<128xi32, #tpu.memory_space<hbm>>
        %dma_wait3A_258 = arith.constant 0 : i32
        %dma_wait3A_259 = tpu.memref_slice %arg17[%run_scoped3A_186, %dma_wait3A_258] : memref<2x128xi32, #tpu.memory_space<vmem>> -> memref<1x128xi32, #tpu.memory_space<vmem>>
        %dma_wait3A_260 = tpu.memref_squeeze %dma_wait3A_259 : memref<1x128xi32, #tpu.memory_space<vmem>> -> memref<128xi32, #tpu.memory_space<vmem>>
        %dma_wait3A_261 = tpu.memref_slice %arg3[%add3A_183] : memref<320000xi32, #tpu.memory_space<hbm>> -> memref<128xi32, #tpu.memory_space<hbm>>
        tpu.wait_dma2 semaphore(%run_scoped3A_245 : memref<!tpu.dma_semaphore, #tpu.memory_space<semaphore_mem>>) src(%dma_wait3A_261 : memref<128xi32, #tpu.memory_space<hbm>>) dst(%dma_wait3A_260 : memref<128xi32, #tpu.memory_space<vmem>>)
        tpu.yield
      }) : () -> ()
      %dma_start3A_187 = arith.constant 0 : i32
      %dma_start3A_188 = arith.constant 0 : i32
      %dma_start3A_189 = tpu.memref_slice %arg17[%dma_start3A_187, %dma_start3A_188] : memref<2x128xi32, #tpu.memory_space<vmem>> -> memref<1x128xi32, #tpu.memory_space<vmem>>
      %dma_start3A_190 = tpu.memref_squeeze %dma_start3A_189 : memref<1x128xi32, #tpu.memory_space<vmem>> -> memref<128xi32, #tpu.memory_space<vmem>>
      %dma_start3A_191 = arith.constant 0 : i32
      %dma_start3A_192 = arith.constant 0 : i32
      %dma_start3A_193 = tpu.memref_slice %arg2[%dma_start3A_191, %dma_start3A_192] : memref<10000x128xf32, #tpu.memory_space<hbm>> -> memref<10000x128xf32, #tpu.memory_space<hbm>>
      tpu.enqueue_indirect_dma source(%dma_start3A_193 : memref<10000x128xf32, #tpu.memory_space<hbm>>) target(%arg9 : memref<128x128xf32, #tpu.memory_space<vmem>>) offsets(%dma_start3A_190 : memref<128xi32, #tpu.memory_space<vmem>>) semaphore(%arg11 : memref<!tpu.dma_semaphore, #tpu.memory_space<semaphore_mem>>)
      %run_scoped3A_194 = arith.constant 1 : i32
      "tpu.region"() ({
        %run_scoped3A_245 = tpu.sem_alloc : memref<!tpu.dma_semaphore, #tpu.memory_space<semaphore_mem>>
        %dma_start3A_246 = arith.constant 0 : i32
        %dma_start3A_247 = tpu.memref_slice %arg8[%run_scoped3A_194, %dma_start3A_246] : memref<2x128xi32, #tpu.memory_space<vmem>> -> memref<1x128xi32, #tpu.memory_space<vmem>>
        %dma_start3A_248 = tpu.memref_squeeze %dma_start3A_247 : memref<1x128xi32, #tpu.memory_space<vmem>> -> memref<128xi32, #tpu.memory_space<vmem>>
        %dma_start3A_249 = tpu.memref_slice %arg4[%add3A_185] : memref<320000xi32, #tpu.memory_space<hbm>> -> memref<128xi32, #tpu.memory_space<hbm>>
        %dma_start3A_250 = arith.constant 0 : i32
        %dma_start3A_251 = tpu.memref_slice %arg8[%run_scoped3A_194, %dma_start3A_250] : memref<2x128xi32, #tpu.memory_space<vmem>> -> memref<1x128xi32, #tpu.memory_space<vmem>>
        %dma_start3A_252 = tpu.memref_squeeze %dma_start3A_251 : memref<1x128xi32, #tpu.memory_space<vmem>> -> memref<128xi32, #tpu.memory_space<vmem>>
        %dma_start3A_253 = tpu.memref_slice %arg4[%add3A_185] : memref<320000xi32, #tpu.memory_space<hbm>> -> memref<128xi32, #tpu.memory_space<hbm>>
        tpu.enqueue_dma source(%dma_start3A_253 : memref<128xi32, #tpu.memory_space<hbm>>) target(%dma_start3A_252 : memref<128xi32, #tpu.memory_space<vmem>>) target_semaphore(%run_scoped3A_245 : memref<!tpu.dma_semaphore, #tpu.memory_space<semaphore_mem>>)
        %dma_wait3A_254 = arith.constant 0 : i32
        %dma_wait3A_255 = tpu.memref_slice %arg8[%run_scoped3A_194, %dma_wait3A_254] : memref<2x128xi32, #tpu.memory_space<vmem>> -> memref<1x128xi32, #tpu.memory_space<vmem>>
        %dma_wait3A_256 = tpu.memref_squeeze %dma_wait3A_255 : memref<1x128xi32, #tpu.memory_space<vmem>> -> memref<128xi32, #tpu.memory_space<vmem>>
        %dma_wait3A_257 = tpu.memref_slice %arg4[%add3A_185] : memref<320000xi32, #tpu.memory_space<hbm>> -> memref<128xi32, #tpu.memory_space<hbm>>
        %dma_wait3A_258 = arith.constant 0 : i32
        %dma_wait3A_259 = tpu.memref_slice %arg8[%run_scoped3A_194, %dma_wait3A_258] : memref<2x128xi32, #tpu.memory_space<vmem>> -> memref<1x128xi32, #tpu.memory_space<vmem>>
        %dma_wait3A_260 = tpu.memref_squeeze %dma_wait3A_259 : memref<1x128xi32, #tpu.memory_space<vmem>> -> memref<128xi32, #tpu.memory_space<vmem>>
        %dma_wait3A_261 = tpu.memref_slice %arg4[%add3A_185] : memref<320000xi32, #tpu.memory_space<hbm>> -> memref<128xi32, #tpu.memory_space<hbm>>
        tpu.wait_dma2 semaphore(%run_scoped3A_245 : memref<!tpu.dma_semaphore, #tpu.memory_space<semaphore_mem>>) src(%dma_wait3A_261 : memref<128xi32, #tpu.memory_space<hbm>>) dst(%dma_wait3A_260 : memref<128xi32, #tpu.memory_space<vmem>>)
        tpu.yield
      }) : () -> ()
      %run_scoped3A_195 = arith.constant 1 : i32
      "tpu.region"() ({
        %run_scoped3A_245 = tpu.sem_alloc : memref<!tpu.dma_semaphore, #tpu.memory_space<semaphore_mem>>
        %dma_start3A_246 = arith.constant 0 : i32
        %dma_start3A_247 = tpu.memref_slice %arg17[%run_scoped3A_195, %dma_start3A_246] : memref<2x128xi32, #tpu.memory_space<vmem>> -> memref<1x128xi32, #tpu.memory_space<vmem>>
        %dma_start3A_248 = tpu.memref_squeeze %dma_start3A_247 : memref<1x128xi32, #tpu.memory_space<vmem>> -> memref<128xi32, #tpu.memory_space<vmem>>
        %dma_start3A_249 = tpu.memref_slice %arg3[%add3A_185] : memref<320000xi32, #tpu.memory_space<hbm>> -> memref<128xi32, #tpu.memory_space<hbm>>
        %dma_start3A_250 = arith.constant 0 : i32
        %dma_start3A_251 = tpu.memref_slice %arg17[%run_scoped3A_195, %dma_start3A_250] : memref<2x128xi32, #tpu.memory_space<vmem>> -> memref<1x128xi32, #tpu.memory_space<vmem>>
        %dma_start3A_252 = tpu.memref_squeeze %dma_start3A_251 : memref<1x128xi32, #tpu.memory_space<vmem>> -> memref<128xi32, #tpu.memory_space<vmem>>
        %dma_start3A_253 = tpu.memref_slice %arg3[%add3A_185] : memref<320000xi32, #tpu.memory_space<hbm>> -> memref<128xi32, #tpu.memory_space<hbm>>
        tpu.enqueue_dma source(%dma_start3A_253 : memref<128xi32, #tpu.memory_space<hbm>>) target(%dma_start3A_252 : memref<128xi32, #tpu.memory_space<vmem>>) target_semaphore(%run_scoped3A_245 : memref<!tpu.dma_semaphore, #tpu.memory_space<semaphore_mem>>)
        %dma_wait3A_254 = arith.constant 0 : i32
        %dma_wait3A_255 = tpu.memref_slice %arg17[%run_scoped3A_195, %dma_wait3A_254] : memref<2x128xi32, #tpu.memory_space<vmem>> -> memref<1x128xi32, #tpu.memory_space<vmem>>
        %dma_wait3A_256 = tpu.memref_squeeze %dma_wait3A_255 : memref<1x128xi32, #tpu.memory_space<vmem>> -> memref<128xi32, #tpu.memory_space<vmem>>
        %dma_wait3A_257 = tpu.memref_slice %arg3[%add3A_185] : memref<320000xi32, #tpu.memory_space<hbm>> -> memref<128xi32, #tpu.memory_space<hbm>>
        %dma_wait3A_258 = arith.constant 0 : i32
        %dma_wait3A_259 = tpu.memref_slice %arg17[%run_scoped3A_195, %dma_wait3A_258] : memref<2x128xi32, #tpu.memory_space<vmem>> -> memref<1x128xi32, #tpu.memory_space<vmem>>
        %dma_wait3A_260 = tpu.memref_squeeze %dma_wait3A_259 : memref<1x128xi32, #tpu.memory_space<vmem>> -> memref<128xi32, #tpu.memory_space<vmem>>
        %dma_wait3A_261 = tpu.memref_slice %arg3[%add3A_185] : memref<320000xi32, #tpu.memory_space<hbm>> -> memref<128xi32, #tpu.memory_space<hbm>>
        tpu.wait_dma2 semaphore(%run_scoped3A_245 : memref<!tpu.dma_semaphore, #tpu.memory_space<semaphore_mem>>) src(%dma_wait3A_261 : memref<128xi32, #tpu.memory_space<hbm>>) dst(%dma_wait3A_260 : memref<128xi32, #tpu.memory_space<vmem>>)
        tpu.yield
      }) : () -> ()
      %dma_start3A_196 = arith.constant 1 : i32
      %dma_start3A_197 = arith.constant 0 : i32
      %dma_start3A_198 = tpu.memref_slice %arg17[%dma_start3A_196, %dma_start3A_197] : memref<2x128xi32, #tpu.memory_space<vmem>> -> memref<1x128xi32, #tpu.memory_space<vmem>>
      %dma_start3A_199 = tpu.memref_squeeze %dma_start3A_198 : memref<1x128xi32, #tpu.memory_space<vmem>> -> memref<128xi32, #tpu.memory_space<vmem>>
      %dma_start3A_200 = arith.constant 0 : i32
      %dma_start3A_201 = arith.constant 0 : i32
      %dma_start3A_202 = tpu.memref_slice %arg2[%dma_start3A_200, %dma_start3A_201] : memref<10000x128xf32, #tpu.memory_space<hbm>> -> memref<10000x128xf32, #tpu.memory_space<hbm>>
      tpu.enqueue_indirect_dma source(%dma_start3A_202 : memref<10000x128xf32, #tpu.memory_space<hbm>>) target(%arg10 : memref<128x128xf32, #tpu.memory_space<vmem>>) offsets(%dma_start3A_199 : memref<128xi32, #tpu.memory_space<vmem>>) semaphore(%arg12 : memref<!tpu.dma_semaphore, #tpu.memory_space<semaphore_mem>>)
      %dma_wait3A_203 = arith.constant 0 : i32
      %dma_wait3A_204 = arith.constant 0 : i32
      %dma_wait3A_205 = tpu.memref_slice %arg17[%dma_wait3A_203, %dma_wait3A_204] : memref<2x128xi32, #tpu.memory_space<vmem>> -> memref<1x128xi32, #tpu.memory_space<vmem>>
      %dma_wait3A_206 = tpu.memref_squeeze %dma_wait3A_205 : memref<1x128xi32, #tpu.memory_space<vmem>> -> memref<128xi32, #tpu.memory_space<vmem>>
      %dma_wait3A_207 = arith.constant 0 : i32
      %dma_wait3A_208 = arith.constant 0 : i32
      %dma_wait3A_209 = tpu.memref_slice %arg2[%dma_wait3A_207, %dma_wait3A_208] : memref<10000x128xf32, #tpu.memory_space<hbm>> -> memref<10000x128xf32, #tpu.memory_space<hbm>>
      tpu.wait_indirect_dma semaphore(%arg11 : memref<!tpu.dma_semaphore, #tpu.memory_space<semaphore_mem>>) src(%dma_wait3A_209 : memref<10000x128xf32, #tpu.memory_space<hbm>>) dst(%arg9 : memref<128x128xf32, #tpu.memory_space<vmem>>)
      %dma_start3A_210 = arith.constant 0 : i32
      %dma_start3A_211 = arith.constant 0 : i32
      %dma_start3A_212 = tpu.memref_slice %arg8[%dma_start3A_210, %dma_start3A_211] : memref<2x128xi32, #tpu.memory_space<vmem>> -> memref<1x128xi32, #tpu.memory_space<vmem>>
      %dma_start3A_213 = tpu.memref_squeeze %dma_start3A_212 : memref<1x128xi32, #tpu.memory_space<vmem>> -> memref<128xi32, #tpu.memory_space<vmem>>
      %dma_start3A_214 = arith.constant 0 : i32
      %dma_start3A_215 = arith.constant 0 : i32
      %dma_start3A_216 = tpu.memref_slice %arg7[%dma_start3A_214, %dma_start3A_215] : memref<10240x128xf32, #tpu.memory_space<vmem_shared>> -> memref<10240x128xf32, #tpu.memory_space<vmem_shared>>
      tpu.enqueue_indirect_dma source(%arg9 : memref<128x128xf32, #tpu.memory_space<vmem>>) target(%dma_start3A_216 : memref<10240x128xf32, #tpu.memory_space<vmem_shared>>) offsets(%dma_start3A_213 : memref<128xi32, #tpu.memory_space<vmem>>) semaphore(%arg13 : memref<!tpu.dma_semaphore, #tpu.memory_space<semaphore_mem>>) {add = true}
      %dma_wait3A_217 = arith.constant 1 : i32
      %dma_wait3A_218 = arith.constant 0 : i32
      %dma_wait3A_219 = tpu.memref_slice %arg17[%dma_wait3A_217, %dma_wait3A_218] : memref<2x128xi32, #tpu.memory_space<vmem>> -> memref<1x128xi32, #tpu.memory_space<vmem>>
      %dma_wait3A_220 = tpu.memref_squeeze %dma_wait3A_219 : memref<1x128xi32, #tpu.memory_space<vmem>> -> memref<128xi32, #tpu.memory_space<vmem>>
      %dma_wait3A_221 = arith.constant 0 : i32
      %dma_wait3A_222 = arith.constant 0 : i32
      %dma_wait3A_223 = tpu.memref_slice %arg2[%dma_wait3A_221, %dma_wait3A_222] : memref<10000x128xf32, #tpu.memory_space<hbm>> -> memref<10000x128xf32, #tpu.memory_space<hbm>>
      tpu.wait_indirect_dma semaphore(%arg12 : memref<!tpu.dma_semaphore, #tpu.memory_space<semaphore_mem>>) src(%dma_wait3A_223 : memref<10000x128xf32, #tpu.memory_space<hbm>>) dst(%arg10 : memref<128x128xf32, #tpu.memory_space<vmem>>)
      %dma_start3A_224 = arith.constant 1 : i32
      %dma_start3A_225 = arith.constant 0 : i32
      %dma_start3A_226 = tpu.memref_slice %arg8[%dma_start3A_224, %dma_start3A_225] : memref<2x128xi32, #tpu.memory_space<vmem>> -> memref<1x128xi32, #tpu.memory_space<vmem>>
      %dma_start3A_227 = tpu.memref_squeeze %dma_start3A_226 : memref<1x128xi32, #tpu.memory_space<vmem>> -> memref<128xi32, #tpu.memory_space<vmem>>
      %dma_start3A_228 = arith.constant 0 : i32
      %dma_start3A_229 = arith.constant 0 : i32
      %dma_start3A_230 = tpu.memref_slice %arg7[%dma_start3A_228, %dma_start3A_229] : memref<10240x128xf32, #tpu.memory_space<vmem_shared>> -> memref<10240x128xf32, #tpu.memory_space<vmem_shared>>
      tpu.enqueue_indirect_dma source(%arg10 : memref<128x128xf32, #tpu.memory_space<vmem>>) target(%dma_start3A_230 : memref<10240x128xf32, #tpu.memory_space<vmem_shared>>) offsets(%dma_start3A_227 : memref<128xi32, #tpu.memory_space<vmem>>) semaphore(%arg14 : memref<!tpu.dma_semaphore, #tpu.memory_space<semaphore_mem>>) {add = true}
      %dma_wait3A_231 = arith.constant 0 : i32
      %dma_wait3A_232 = arith.constant 0 : i32
      %dma_wait3A_233 = tpu.memref_slice %arg8[%dma_wait3A_231, %dma_wait3A_232] : memref<2x128xi32, #tpu.memory_space<vmem>> -> memref<1x128xi32, #tpu.memory_space<vmem>>
      %dma_wait3A_234 = tpu.memref_squeeze %dma_wait3A_233 : memref<1x128xi32, #tpu.memory_space<vmem>> -> memref<128xi32, #tpu.memory_space<vmem>>
      %dma_wait3A_235 = arith.constant 0 : i32
      %dma_wait3A_236 = arith.constant 0 : i32
      %dma_wait3A_237 = tpu.memref_slice %arg7[%dma_wait3A_235, %dma_wait3A_236] : memref<10240x128xf32, #tpu.memory_space<vmem_shared>> -> memref<10240x128xf32, #tpu.memory_space<vmem_shared>>
      tpu.wait_indirect_dma semaphore(%arg13 : memref<!tpu.dma_semaphore, #tpu.memory_space<semaphore_mem>>) src(%arg9 : memref<128x128xf32, #tpu.memory_space<vmem>>) dst(%dma_wait3A_237 : memref<10240x128xf32, #tpu.memory_space<vmem_shared>>)
      %dma_wait3A_238 = arith.constant 1 : i32
      %dma_wait3A_239 = arith.constant 0 : i32
      %dma_wait3A_240 = tpu.memref_slice %arg8[%dma_wait3A_238, %dma_wait3A_239] : memref<2x128xi32, #tpu.memory_space<vmem>> -> memref<1x128xi32, #tpu.memory_space<vmem>>
      %dma_wait3A_241 = tpu.memref_squeeze %dma_wait3A_240 : memref<1x128xi32, #tpu.memory_space<vmem>> -> memref<128xi32, #tpu.memory_space<vmem>>
      %dma_wait3A_242 = arith.constant 0 : i32
      %dma_wait3A_243 = arith.constant 0 : i32
      %dma_wait3A_244 = tpu.memref_slice %arg7[%dma_wait3A_242, %dma_wait3A_243] : memref<10240x128xf32, #tpu.memory_space<vmem_shared>> -> memref<10240x128xf32, #tpu.memory_space<vmem_shared>>
      tpu.wait_indirect_dma semaphore(%arg14 : memref<!tpu.dma_semaphore, #tpu.memory_space<semaphore_mem>>) src(%arg10 : memref<128x128xf32, #tpu.memory_space<vmem>>) dst(%dma_wait3A_244 : memref<10240x128xf32, #tpu.memory_space<vmem_shared>>)
    }
    %scan3A_57 = arith.constant 39 : i32
    %add3A_58 = arith.constant 9984 : i32
    %add3A_59 = arith.addi %mul3A_52, %add3A_58 : i32
    "tpu.region"() ({
      %run_scoped3A = tpu.sem_alloc : memref<!tpu.dma_semaphore, #tpu.memory_space<semaphore_mem>>
      %dma_start3A_180 = tpu.memref_slice %arg4[%add3A_59] : memref<320000xi32, #tpu.memory_space<hbm>> -> memref<16xi32, #tpu.memory_space<hbm>>
      %dma_start3A_181 = tpu.memref_slice %arg4[%add3A_59] : memref<320000xi32, #tpu.memory_space<hbm>> -> memref<16xi32, #tpu.memory_space<hbm>>
      tpu.enqueue_dma source(%dma_start3A_181 : memref<16xi32, #tpu.memory_space<hbm>>) target(%arg15 : memref<16xi32, #tpu.memory_space<vmem>>) target_semaphore(%run_scoped3A : memref<!tpu.dma_semaphore, #tpu.memory_space<semaphore_mem>>)
      %dma_wait3A_182 = tpu.memref_slice %arg4[%add3A_59] : memref<320000xi32, #tpu.memory_space<hbm>> -> memref<16xi32, #tpu.memory_space<hbm>>
      %dma_wait3A_183 = tpu.memref_slice %arg4[%add3A_59] : memref<320000xi32, #tpu.memory_space<hbm>> -> memref<16xi32, #tpu.memory_space<hbm>>
      tpu.wait_dma2 semaphore(%run_scoped3A : memref<!tpu.dma_semaphore, #tpu.memory_space<semaphore_mem>>) src(%dma_wait3A_183 : memref<16xi32, #tpu.memory_space<hbm>>) dst(%arg15 : memref<16xi32, #tpu.memory_space<vmem>>)
      tpu.yield
    }) : () -> ()
    "tpu.region"() ({
      %run_scoped3A = tpu.sem_alloc : memref<!tpu.dma_semaphore, #tpu.memory_space<semaphore_mem>>
      %dma_start3A_180 = tpu.memref_slice %arg3[%add3A_59] : memref<320000xi32, #tpu.memory_space<hbm>> -> memref<16xi32, #tpu.memory_space<hbm>>
      %dma_start3A_181 = tpu.memref_slice %arg3[%add3A_59] : memref<320000xi32, #tpu.memory_space<hbm>> -> memref<16xi32, #tpu.memory_space<hbm>>
      tpu.enqueue_dma source(%dma_start3A_181 : memref<16xi32, #tpu.memory_space<hbm>>) target(%arg18 : memref<16xi32, #tpu.memory_space<vmem>>) target_semaphore(%run_scoped3A : memref<!tpu.dma_semaphore, #tpu.memory_space<semaphore_mem>>)
      %dma_wait3A_182 = tpu.memref_slice %arg3[%add3A_59] : memref<320000xi32, #tpu.memory_space<hbm>> -> memref<16xi32, #tpu.memory_space<hbm>>
      %dma_wait3A_183 = tpu.memref_slice %arg3[%add3A_59] : memref<320000xi32, #tpu.memory_space<hbm>> -> memref<16xi32, #tpu.memory_space<hbm>>
      tpu.wait_dma2 semaphore(%run_scoped3A : memref<!tpu.dma_semaphore, #tpu.memory_space<semaphore_mem>>) src(%dma_wait3A_183 : memref<16xi32, #tpu.memory_space<hbm>>) dst(%arg18 : memref<16xi32, #tpu.memory_space<vmem>>)
      tpu.yield
    }) : () -> ()
    %dma_start3A_60 = arith.constant 0 : i32
    %dma_start3A_61 = arith.constant 0 : i32
    %dma_start3A_62 = tpu.memref_slice %arg2[%dma_start3A_60, %dma_start3A_61] : memref<10000x128xf32, #tpu.memory_space<hbm>> -> memref<10000x128xf32, #tpu.memory_space<hbm>>
    tpu.enqueue_indirect_dma source(%dma_start3A_62 : memref<10000x128xf32, #tpu.memory_space<hbm>>) target(%arg16 : memref<16x128xf32, #tpu.memory_space<vmem>>) offsets(%arg18 : memref<16xi32, #tpu.memory_space<vmem>>) semaphore(%arg11 : memref<!tpu.dma_semaphore, #tpu.memory_space<semaphore_mem>>)
    %dma_wait3A_63 = arith.constant 0 : i32
    %dma_wait3A_64 = arith.constant 0 : i32
    %dma_wait3A_65 = tpu.memref_slice %arg2[%dma_wait3A_63, %dma_wait3A_64] : memref<10000x128xf32, #tpu.memory_space<hbm>> -> memref<10000x128xf32, #tpu.memory_space<hbm>>
    tpu.wait_indirect_dma semaphore(%arg11 : memref<!tpu.dma_semaphore, #tpu.memory_space<semaphore_mem>>) src(%dma_wait3A_65 : memref<10000x128xf32, #tpu.memory_space<hbm>>) dst(%arg16 : memref<16x128xf32, #tpu.memory_space<vmem>>)
    "tpu.region"() ({
      %run_scoped3A = tpu.sem_alloc : memref<!tpu.dma_semaphore, #tpu.memory_space<semaphore_mem>>
      %dma_start3A_180 = arith.constant 0 : i32
      %dma_start3A_181 = arith.constant 0 : i32
      %dma_start3A_182 = tpu.memref_slice %arg7[%dma_start3A_180, %dma_start3A_181] : memref<10240x128xf32, #tpu.memory_space<vmem_shared>> -> memref<10240x128xf32, #tpu.memory_space<vmem_shared>>
      tpu.enqueue_indirect_dma source(%arg16 : memref<16x128xf32, #tpu.memory_space<vmem>>) target(%dma_start3A_182 : memref<10240x128xf32, #tpu.memory_space<vmem_shared>>) offsets(%arg15 : memref<16xi32, #tpu.memory_space<vmem>>) semaphore(%run_scoped3A : memref<!tpu.dma_semaphore, #tpu.memory_space<semaphore_mem>>) {add = true}
      %dma_wait3A_183 = arith.constant 0 : i32
      %dma_wait3A_184 = arith.constant 0 : i32
      %dma_wait3A_185 = tpu.memref_slice %arg7[%dma_wait3A_183, %dma_wait3A_184] : memref<10240x128xf32, #tpu.memory_space<vmem_shared>> -> memref<10240x128xf32, #tpu.memory_space<vmem_shared>>
      tpu.wait_indirect_dma semaphore(%run_scoped3A : memref<!tpu.dma_semaphore, #tpu.memory_space<semaphore_mem>>) src(%arg16 : memref<16x128xf32, #tpu.memory_space<vmem>>) dst(%dma_wait3A_185 : memref<10240x128xf32, #tpu.memory_space<vmem_shared>>)
      tpu.yield
    }) : () -> ()
    %barrier3A_66 = arith.constant 0 : index
    tpu.barrier barrier_id(%barrier3A_66)
    %dma_start3A_67 = arith.constant 0 : i32
    %dma_start3A_68 = tpu.memref_slice %arg7[%mul3A_2, %dma_start3A_67] : memref<10240x128xf32, #tpu.memory_space<vmem_shared>> -> memref<128x128xf32, #tpu.memory_space<vmem_shared>>
    %dma_start3A_69 = arith.constant 0 : i32
    %dma_start3A_70 = tpu.memref_slice %arg7[%mul3A_2, %dma_start3A_69] : memref<10240x128xf32, #tpu.memory_space<vmem_shared>> -> memref<128x128xf32, #tpu.memory_space<vmem_shared>>
    tpu.enqueue_dma source(%dma_start3A_70 : memref<128x128xf32, #tpu.memory_space<vmem_shared>>) target(%arg9 : memref<128x128xf32, #tpu.memory_space<vmem>>) target_semaphore(%arg11 : memref<!tpu.dma_semaphore, #tpu.memory_space<semaphore_mem>>)
    %add3A_71 = arith.constant 128 : i32
    %add3A_72 = arith.addi %mul3A_2, %add3A_71 : i32
    %dma_start3A_73 = arith.constant 0 : i32
    %dma_start3A_74 = tpu.memref_slice %arg7[%add3A_72, %dma_start3A_73] : memref<10240x128xf32, #tpu.memory_space<vmem_shared>> -> memref<128x128xf32, #tpu.memory_space<vmem_shared>>
    %dma_start3A_75 = arith.constant 0 : i32
    %dma_start3A_76 = tpu.memref_slice %arg7[%add3A_72, %dma_start3A_75] : memref<10240x128xf32, #tpu.memory_space<vmem_shared>> -> memref<128x128xf32, #tpu.memory_space<vmem_shared>>
    tpu.enqueue_dma source(%dma_start3A_76 : memref<128x128xf32, #tpu.memory_space<vmem_shared>>) target(%arg10 : memref<128x128xf32, #tpu.memory_space<vmem>>) target_semaphore(%arg12 : memref<!tpu.dma_semaphore, #tpu.memory_space<semaphore_mem>>)
    %dma_wait3A_77 = arith.constant 0 : i32
    %dma_wait3A_78 = tpu.memref_slice %arg7[%mul3A_2, %dma_wait3A_77] : memref<10240x128xf32, #tpu.memory_space<vmem_shared>> -> memref<128x128xf32, #tpu.memory_space<vmem_shared>>
    %dma_wait3A_79 = arith.constant 0 : i32
    %dma_wait3A_80 = tpu.memref_slice %arg7[%mul3A_2, %dma_wait3A_79] : memref<10240x128xf32, #tpu.memory_space<vmem_shared>> -> memref<128x128xf32, #tpu.memory_space<vmem_shared>>
    tpu.wait_dma2 semaphore(%arg11 : memref<!tpu.dma_semaphore, #tpu.memory_space<semaphore_mem>>) src(%dma_wait3A_80 : memref<128x128xf32, #tpu.memory_space<vmem_shared>>) dst(%arg9 : memref<128x128xf32, #tpu.memory_space<vmem>>)
    %mul3A_81 = arith.constant 10240 : i32
    %mul3A_82 = arith.muli %arg0, %mul3A_81 : i32
    %add3A_83 = arith.addi %mul3A_82, %mul3A_2 : i32
    %add3A_84 = arith.constant 0 : i32
    %add3A_85 = arith.addi %add3A_83, %add3A_84 : i32
    %dma_start3A_86 = arith.constant 0 : i32
    %dma_start3A_87 = tpu.memref_slice %arg6[%add3A_85, %dma_start3A_86] : memref<20480x128xf32, #tpu.memory_space<hbm>> -> memref<128x128xf32, #tpu.memory_space<hbm>>
    %dma_start3A_88 = arith.constant 0 : i32
    %dma_start3A_89 = tpu.memref_slice %arg6[%add3A_85, %dma_start3A_88] : memref<20480x128xf32, #tpu.memory_space<hbm>> -> memref<128x128xf32, #tpu.memory_space<hbm>>
    tpu.enqueue_dma source(%arg9 : memref<128x128xf32, #tpu.memory_space<vmem>>) target(%dma_start3A_89 : memref<128x128xf32, #tpu.memory_space<hbm>>) target_semaphore(%arg13 : memref<!tpu.dma_semaphore, #tpu.memory_space<semaphore_mem>>)
    %dma_wait3A_90 = arith.constant 0 : i32
    %dma_wait3A_91 = tpu.memref_slice %arg6[%add3A_85, %dma_wait3A_90] : memref<20480x128xf32, #tpu.memory_space<hbm>> -> memref<128x128xf32, #tpu.memory_space<hbm>>
    %dma_wait3A_92 = arith.constant 0 : i32
    %dma_wait3A_93 = tpu.memref_slice %arg6[%add3A_85, %dma_wait3A_92] : memref<20480x128xf32, #tpu.memory_space<hbm>> -> memref<128x128xf32, #tpu.memory_space<hbm>>
    tpu.wait_dma2 semaphore(%arg13 : memref<!tpu.dma_semaphore, #tpu.memory_space<semaphore_mem>>) src(%arg9 : memref<128x128xf32, #tpu.memory_space<vmem>>) dst(%dma_wait3A_93 : memref<128x128xf32, #tpu.memory_space<hbm>>)
    %add3A_94 = arith.constant 256 : i32
    %add3A_95 = arith.addi %mul3A_2, %add3A_94 : i32
    %dma_start3A_96 = arith.constant 0 : i32
    %dma_start3A_97 = tpu.memref_slice %arg7[%add3A_95, %dma_start3A_96] : memref<10240x128xf32, #tpu.memory_space<vmem_shared>> -> memref<128x128xf32, #tpu.memory_space<vmem_shared>>
    %dma_start3A_98 = arith.constant 0 : i32
    %dma_start3A_99 = tpu.memref_slice %arg7[%add3A_95, %dma_start3A_98] : memref<10240x128xf32, #tpu.memory_space<vmem_shared>> -> memref<128x128xf32, #tpu.memory_space<vmem_shared>>
    tpu.enqueue_dma source(%dma_start3A_99 : memref<128x128xf32, #tpu.memory_space<vmem_shared>>) target(%arg9 : memref<128x128xf32, #tpu.memory_space<vmem>>) target_semaphore(%arg11 : memref<!tpu.dma_semaphore, #tpu.memory_space<semaphore_mem>>)
    %dma_wait3A_100 = arith.constant 0 : i32
    %dma_wait3A_101 = tpu.memref_slice %arg7[%add3A_72, %dma_wait3A_100] : memref<10240x128xf32, #tpu.memory_space<vmem_shared>> -> memref<128x128xf32, #tpu.memory_space<vmem_shared>>
    %dma_wait3A_102 = arith.constant 0 : i32
    %dma_wait3A_103 = tpu.memref_slice %arg7[%add3A_72, %dma_wait3A_102] : memref<10240x128xf32, #tpu.memory_space<vmem_shared>> -> memref<128x128xf32, #tpu.memory_space<vmem_shared>>
    tpu.wait_dma2 semaphore(%arg12 : memref<!tpu.dma_semaphore, #tpu.memory_space<semaphore_mem>>) src(%dma_wait3A_103 : memref<128x128xf32, #tpu.memory_space<vmem_shared>>) dst(%arg10 : memref<128x128xf32, #tpu.memory_space<vmem>>)
    %mul3A_104 = arith.constant 10240 : i32
    %mul3A_105 = arith.muli %arg0, %mul3A_104 : i32
    %add3A_106 = arith.addi %mul3A_105, %mul3A_2 : i32
    %add3A_107 = arith.constant 128 : i32
    %add3A_108 = arith.addi %add3A_106, %add3A_107 : i32
    %dma_start3A_109 = arith.constant 0 : i32
    %dma_start3A_110 = tpu.memref_slice %arg6[%add3A_108, %dma_start3A_109] : memref<20480x128xf32, #tpu.memory_space<hbm>> -> memref<128x128xf32, #tpu.memory_space<hbm>>
    %dma_start3A_111 = arith.constant 0 : i32
    %dma_start3A_112 = tpu.memref_slice %arg6[%add3A_108, %dma_start3A_111] : memref<20480x128xf32, #tpu.memory_space<hbm>> -> memref<128x128xf32, #tpu.memory_space<hbm>>
    tpu.enqueue_dma source(%arg10 : memref<128x128xf32, #tpu.memory_space<vmem>>) target(%dma_start3A_112 : memref<128x128xf32, #tpu.memory_space<hbm>>) target_semaphore(%arg14 : memref<!tpu.dma_semaphore, #tpu.memory_space<semaphore_mem>>)
    %dma_wait3A_113 = arith.constant 0 : i32
    %dma_wait3A_114 = tpu.memref_slice %arg6[%add3A_108, %dma_wait3A_113] : memref<20480x128xf32, #tpu.memory_space<hbm>> -> memref<128x128xf32, #tpu.memory_space<hbm>>
    %dma_wait3A_115 = arith.constant 0 : i32
    %dma_wait3A_116 = tpu.memref_slice %arg6[%add3A_108, %dma_wait3A_115] : memref<20480x128xf32, #tpu.memory_space<hbm>> -> memref<128x128xf32, #tpu.memory_space<hbm>>
    tpu.wait_dma2 semaphore(%arg14 : memref<!tpu.dma_semaphore, #tpu.memory_space<semaphore_mem>>) src(%arg10 : memref<128x128xf32, #tpu.memory_space<vmem>>) dst(%dma_wait3A_116 : memref<128x128xf32, #tpu.memory_space<hbm>>)
    %add3A_117 = arith.constant 384 : i32
    %add3A_118 = arith.addi %mul3A_2, %add3A_117 : i32
    %dma_start3A_119 = arith.constant 0 : i32
    %dma_start3A_120 = tpu.memref_slice %arg7[%add3A_118, %dma_start3A_119] : memref<10240x128xf32, #tpu.memory_space<vmem_shared>> -> memref<128x128xf32, #tpu.memory_space<vmem_shared>>
    %dma_start3A_121 = arith.constant 0 : i32
    %dma_start3A_122 = tpu.memref_slice %arg7[%add3A_118, %dma_start3A_121] : memref<10240x128xf32, #tpu.memory_space<vmem_shared>> -> memref<128x128xf32, #tpu.memory_space<vmem_shared>>
    tpu.enqueue_dma source(%dma_start3A_122 : memref<128x128xf32, #tpu.memory_space<vmem_shared>>) target(%arg10 : memref<128x128xf32, #tpu.memory_space<vmem>>) target_semaphore(%arg12 : memref<!tpu.dma_semaphore, #tpu.memory_space<semaphore_mem>>)
    %dma_wait3A_123 = arith.constant 0 : i32
    %dma_wait3A_124 = tpu.memref_slice %arg7[%add3A_95, %dma_wait3A_123] : memref<10240x128xf32, #tpu.memory_space<vmem_shared>> -> memref<128x128xf32, #tpu.memory_space<vmem_shared>>
    %dma_wait3A_125 = arith.constant 0 : i32
    %dma_wait3A_126 = tpu.memref_slice %arg7[%add3A_95, %dma_wait3A_125] : memref<10240x128xf32, #tpu.memory_space<vmem_shared>> -> memref<128x128xf32, #tpu.memory_space<vmem_shared>>
    tpu.wait_dma2 semaphore(%arg11 : memref<!tpu.dma_semaphore, #tpu.memory_space<semaphore_mem>>) src(%dma_wait3A_126 : memref<128x128xf32, #tpu.memory_space<vmem_shared>>) dst(%arg9 : memref<128x128xf32, #tpu.memory_space<vmem>>)
    %mul3A_127 = arith.constant 10240 : i32
    %mul3A_128 = arith.muli %arg0, %mul3A_127 : i32
    %add3A_129 = arith.addi %mul3A_128, %mul3A_2 : i32
    %add3A_130 = arith.constant 256 : i32
    %add3A_131 = arith.addi %add3A_129, %add3A_130 : i32
    %dma_start3A_132 = arith.constant 0 : i32
    %dma_start3A_133 = tpu.memref_slice %arg6[%add3A_131, %dma_start3A_132] : memref<20480x128xf32, #tpu.memory_space<hbm>> -> memref<128x128xf32, #tpu.memory_space<hbm>>
    %dma_start3A_134 = arith.constant 0 : i32
    %dma_start3A_135 = tpu.memref_slice %arg6[%add3A_131, %dma_start3A_134] : memref<20480x128xf32, #tpu.memory_space<hbm>> -> memref<128x128xf32, #tpu.memory_space<hbm>>
    tpu.enqueue_dma source(%arg9 : memref<128x128xf32, #tpu.memory_space<vmem>>) target(%dma_start3A_135 : memref<128x128xf32, #tpu.memory_space<hbm>>) target_semaphore(%arg13 : memref<!tpu.dma_semaphore, #tpu.memory_space<semaphore_mem>>)
    %dma_wait3A_136 = arith.constant 0 : i32
    %dma_wait3A_137 = tpu.memref_slice %arg6[%add3A_131, %dma_wait3A_136] : memref<20480x128xf32, #tpu.memory_space<hbm>> -> memref<128x128xf32, #tpu.memory_space<hbm>>
    %dma_wait3A_138 = arith.constant 0 : i32
    %dma_wait3A_139 = tpu.memref_slice %arg6[%add3A_131, %dma_wait3A_138] : memref<20480x128xf32, #tpu.memory_space<hbm>> -> memref<128x128xf32, #tpu.memory_space<hbm>>
    tpu.wait_dma2 semaphore(%arg13 : memref<!tpu.dma_semaphore, #tpu.memory_space<semaphore_mem>>) src(%arg9 : memref<128x128xf32, #tpu.memory_space<vmem>>) dst(%dma_wait3A_139 : memref<128x128xf32, #tpu.memory_space<hbm>>)
    %add3A_140 = arith.constant 512 : i32
    %add3A_141 = arith.addi %mul3A_2, %add3A_140 : i32
    %dma_start3A_142 = arith.constant 0 : i32
    %dma_start3A_143 = tpu.memref_slice %arg7[%add3A_141, %dma_start3A_142] : memref<10240x128xf32, #tpu.memory_space<vmem_shared>> -> memref<128x128xf32, #tpu.memory_space<vmem_shared>>
    %dma_start3A_144 = arith.constant 0 : i32
    %dma_start3A_145 = tpu.memref_slice %arg7[%add3A_141, %dma_start3A_144] : memref<10240x128xf32, #tpu.memory_space<vmem_shared>> -> memref<128x128xf32, #tpu.memory_space<vmem_shared>>
    tpu.enqueue_dma source(%dma_start3A_145 : memref<128x128xf32, #tpu.memory_space<vmem_shared>>) target(%arg9 : memref<128x128xf32, #tpu.memory_space<vmem>>) target_semaphore(%arg11 : memref<!tpu.dma_semaphore, #tpu.memory_space<semaphore_mem>>)
    %dma_wait3A_146 = arith.constant 0 : i32
    %dma_wait3A_147 = tpu.memref_slice %arg7[%add3A_118, %dma_wait3A_146] : memref<10240x128xf32, #tpu.memory_space<vmem_shared>> -> memref<128x128xf32, #tpu.memory_space<vmem_shared>>
    %dma_wait3A_148 = arith.constant 0 : i32
    %dma_wait3A_149 = tpu.memref_slice %arg7[%add3A_118, %dma_wait3A_148] : memref<10240x128xf32, #tpu.memory_space<vmem_shared>> -> memref<128x128xf32, #tpu.memory_space<vmem_shared>>
    tpu.wait_dma2 semaphore(%arg12 : memref<!tpu.dma_semaphore, #tpu.memory_space<semaphore_mem>>) src(%dma_wait3A_149 : memref<128x128xf32, #tpu.memory_space<vmem_shared>>) dst(%arg10 : memref<128x128xf32, #tpu.memory_space<vmem>>)
    %mul3A_150 = arith.constant 10240 : i32
    %mul3A_151 = arith.muli %arg0, %mul3A_150 : i32
    %add3A_152 = arith.addi %mul3A_151, %mul3A_2 : i32
    %add3A_153 = arith.constant 384 : i32
    %add3A_154 = arith.addi %add3A_152, %add3A_153 : i32
    %dma_start3A_155 = arith.constant 0 : i32
    %dma_start3A_156 = tpu.memref_slice %arg6[%add3A_154, %dma_start3A_155] : memref<20480x128xf32, #tpu.memory_space<hbm>> -> memref<128x128xf32, #tpu.memory_space<hbm>>
    %dma_start3A_157 = arith.constant 0 : i32
    %dma_start3A_158 = tpu.memref_slice %arg6[%add3A_154, %dma_start3A_157] : memref<20480x128xf32, #tpu.memory_space<hbm>> -> memref<128x128xf32, #tpu.memory_space<hbm>>
    tpu.enqueue_dma source(%arg10 : memref<128x128xf32, #tpu.memory_space<vmem>>) target(%dma_start3A_158 : memref<128x128xf32, #tpu.memory_space<hbm>>) target_semaphore(%arg14 : memref<!tpu.dma_semaphore, #tpu.memory_space<semaphore_mem>>)
    %dma_wait3A_159 = arith.constant 0 : i32
    %dma_wait3A_160 = tpu.memref_slice %arg7[%add3A_141, %dma_wait3A_159] : memref<10240x128xf32, #tpu.memory_space<vmem_shared>> -> memref<128x128xf32, #tpu.memory_space<vmem_shared>>
    %dma_wait3A_161 = arith.constant 0 : i32
    %dma_wait3A_162 = tpu.memref_slice %arg7[%add3A_141, %dma_wait3A_161] : memref<10240x128xf32, #tpu.memory_space<vmem_shared>> -> memref<128x128xf32, #tpu.memory_space<vmem_shared>>
    tpu.wait_dma2 semaphore(%arg11 : memref<!tpu.dma_semaphore, #tpu.memory_space<semaphore_mem>>) src(%dma_wait3A_162 : memref<128x128xf32, #tpu.memory_space<vmem_shared>>) dst(%arg9 : memref<128x128xf32, #tpu.memory_space<vmem>>)
    %mul3A_163 = arith.constant 10240 : i32
    %mul3A_164 = arith.muli %arg0, %mul3A_163 : i32
    %add3A_165 = arith.addi %mul3A_164, %mul3A_2 : i32
    %add3A_166 = arith.constant 512 : i32
    %add3A_167 = arith.addi %add3A_165, %add3A_166 : i32
    %dma_start3A_168 = arith.constant 0 : i32
    %dma_start3A_169 = tpu.memref_slice %arg6[%add3A_167, %dma_start3A_168] : memref<20480x128xf32, #tpu.memory_space<hbm>> -> memref<128x128xf32, #tpu.memory_space<hbm>>
    %dma_start3A_170 = arith.constant 0 : i32
    %dma_start3A_171 = tpu.memref_slice %arg6[%add3A_167, %dma_start3A_170] : memref<20480x128xf32, #tpu.memory_space<hbm>> -> memref<128x128xf32, #tpu.memory_space<hbm>>
    tpu.enqueue_dma source(%arg9 : memref<128x128xf32, #tpu.memory_space<vmem>>) target(%dma_start3A_171 : memref<128x128xf32, #tpu.memory_space<hbm>>) target_semaphore(%arg13 : memref<!tpu.dma_semaphore, #tpu.memory_space<semaphore_mem>>)
    %dma_wait3A_172 = arith.constant 0 : i32
    %dma_wait3A_173 = tpu.memref_slice %arg6[%add3A_167, %dma_wait3A_172] : memref<20480x128xf32, #tpu.memory_space<hbm>> -> memref<128x128xf32, #tpu.memory_space<hbm>>
    %dma_wait3A_174 = arith.constant 0 : i32
    %dma_wait3A_175 = tpu.memref_slice %arg6[%add3A_167, %dma_wait3A_174] : memref<20480x128xf32, #tpu.memory_space<hbm>> -> memref<128x128xf32, #tpu.memory_space<hbm>>
    tpu.wait_dma2 semaphore(%arg13 : memref<!tpu.dma_semaphore, #tpu.memory_space<semaphore_mem>>) src(%arg9 : memref<128x128xf32, #tpu.memory_space<vmem>>) dst(%dma_wait3A_175 : memref<128x128xf32, #tpu.memory_space<hbm>>)
    %dma_wait3A_176 = arith.constant 0 : i32
    %dma_wait3A_177 = tpu.memref_slice %arg6[%add3A_154, %dma_wait3A_176] : memref<20480x128xf32, #tpu.memory_space<hbm>> -> memref<128x128xf32, #tpu.memory_space<hbm>>
    %dma_wait3A_178 = arith.constant 0 : i32
    %dma_wait3A_179 = tpu.memref_slice %arg6[%add3A_154, %dma_wait3A_178] : memref<20480x128xf32, #tpu.memory_space<hbm>> -> memref<128x128xf32, #tpu.memory_space<hbm>>
    tpu.wait_dma2 semaphore(%arg14 : memref<!tpu.dma_semaphore, #tpu.memory_space<semaphore_mem>>) src(%arg10 : memref<128x128xf32, #tpu.memory_space<vmem>>) dst(%dma_wait3A_179 : memref<128x128xf32, #tpu.memory_space<hbm>>)
    return
  }
}

#map = affine_map<(d0, d1) -> (0, 0)>
#map1 = affine_map<(d0, d1) -> (0)>
module attributes {stable_mosaic.version = 14 : i64} {
  func.func @body(%arg0: i32, %arg1: i32, %arg2: memref<128x128xf32, #tpu.memory_space<hbm>>, %arg3: memref<320000xi32, #tpu.memory_space<hbm>>, %arg4: memref<128x128xf32, #tpu.memory_space<hbm>>, %arg5: memref<20480x128xf32, #tpu.memory_space<hbm>>, %arg6: memref<10240x128xf32, #tpu.memory_space<vmem_shared>>, %arg7: memref<2x128xi32, #tpu.memory_space<vmem>>, %arg8: memref<128x128xf32, #tpu.memory_space<vmem>>, %arg9: memref<128x128xf32, #tpu.memory_space<vmem>>, %arg10: memref<!tpu.dma_semaphore, #tpu.memory_space<semaphore_mem>>, %arg11: memref<!tpu.dma_semaphore, #tpu.memory_space<semaphore_mem>>, %arg12: memref<!tpu.dma_semaphore, #tpu.memory_space<semaphore_mem>>, %arg13: memref<!tpu.dma_semaphore, #tpu.memory_space<semaphore_mem>>, %arg14: memref<16xi32, #tpu.memory_space<vmem>>, %arg15: memref<16x128xf32, #tpu.memory_space<vmem>>) attributes {dimension_semantics = [#tpu.dimension_semantics<core_parallel>, #tpu.dimension_semantics<subcore_parallel>], iteration_bounds = array<i64: 2, 16>, scalar_prefetch = 0 : i64, scratch_operands = 10 : i64, tpu.core_type = #tpu.core_type<sc_vector_subcore>, window_params = [{transform_indices = #map}, {transform_indices = #map1}, {transform_indices = #map}, {transform_indices = #map}]} {
    %mul3A = arith.constant 2 : i32
    %mul3A_0 = arith.muli %arg1, %mul3A : i32
    %add3A = arith.addi %mul3A_0, %arg0 : i32
    %mul3A_1 = arith.constant 640 : i32
    %mul3A_2 = arith.muli %arg1, %mul3A_1 : i32
    "tpu.region"() ({
      %run_scoped3A = tpu.sem_alloc : memref<!tpu.dma_semaphore, #tpu.memory_space<semaphore_mem>>
      tpu.enqueue_dma source(%arg4 : memref<128x128xf32, #tpu.memory_space<hbm>>) target(%arg8 : memref<128x128xf32, #tpu.memory_space<vmem>>) target_semaphore(%run_scoped3A : memref<!tpu.dma_semaphore, #tpu.memory_space<semaphore_mem>>)
      tpu.wait_dma2 semaphore(%run_scoped3A : memref<!tpu.dma_semaphore, #tpu.memory_space<semaphore_mem>>) src(%arg4 : memref<128x128xf32, #tpu.memory_space<hbm>>) dst(%arg8 : memref<128x128xf32, #tpu.memory_space<vmem>>)
      tpu.yield
    }) : () -> ()
    %add3A_3 = arith.constant 0 : i32
    %add3A_4 = arith.addi %mul3A_2, %add3A_3 : i32
    %dma_start3A = arith.constant 0 : i32
    %dma_start3A_5 = tpu.memref_slice %arg6[%add3A_4, %dma_start3A] : memref<10240x128xf32, #tpu.memory_space<vmem_shared>> -> memref<128x128xf32, #tpu.memory_space<vmem_shared>>
    %dma_start3A_6 = arith.constant 0 : i32
    %dma_start3A_7 = tpu.memref_slice %arg6[%add3A_4, %dma_start3A_6] : memref<10240x128xf32, #tpu.memory_space<vmem_shared>> -> memref<128x128xf32, #tpu.memory_space<vmem_shared>>
    tpu.enqueue_dma source(%arg8 : memref<128x128xf32, #tpu.memory_space<vmem>>) target(%dma_start3A_7 : memref<128x128xf32, #tpu.memory_space<vmem_shared>>) target_semaphore(%arg12 : memref<!tpu.dma_semaphore, #tpu.memory_space<semaphore_mem>>)
    %add3A_8 = arith.constant 128 : i32
    %add3A_9 = arith.addi %mul3A_2, %add3A_8 : i32
    %dma_start3A_10 = arith.constant 0 : i32
    %dma_start3A_11 = tpu.memref_slice %arg6[%add3A_9, %dma_start3A_10] : memref<10240x128xf32, #tpu.memory_space<vmem_shared>> -> memref<128x128xf32, #tpu.memory_space<vmem_shared>>
    %dma_start3A_12 = arith.constant 0 : i32
    %dma_start3A_13 = tpu.memref_slice %arg6[%add3A_9, %dma_start3A_12] : memref<10240x128xf32, #tpu.memory_space<vmem_shared>> -> memref<128x128xf32, #tpu.memory_space<vmem_shared>>
    tpu.enqueue_dma source(%arg8 : memref<128x128xf32, #tpu.memory_space<vmem>>) target(%dma_start3A_13 : memref<128x128xf32, #tpu.memory_space<vmem_shared>>) target_semaphore(%arg12 : memref<!tpu.dma_semaphore, #tpu.memory_space<semaphore_mem>>)
    %add3A_14 = arith.constant 256 : i32
    %add3A_15 = arith.addi %mul3A_2, %add3A_14 : i32
    %dma_start3A_16 = arith.constant 0 : i32
    %dma_start3A_17 = tpu.memref_slice %arg6[%add3A_15, %dma_start3A_16] : memref<10240x128xf32, #tpu.memory_space<vmem_shared>> -> memref<128x128xf32, #tpu.memory_space<vmem_shared>>
    %dma_start3A_18 = arith.constant 0 : i32
    %dma_start3A_19 = tpu.memref_slice %arg6[%add3A_15, %dma_start3A_18] : memref<10240x128xf32, #tpu.memory_space<vmem_shared>> -> memref<128x128xf32, #tpu.memory_space<vmem_shared>>
    tpu.enqueue_dma source(%arg8 : memref<128x128xf32, #tpu.memory_space<vmem>>) target(%dma_start3A_19 : memref<128x128xf32, #tpu.memory_space<vmem_shared>>) target_semaphore(%arg12 : memref<!tpu.dma_semaphore, #tpu.memory_space<semaphore_mem>>)
    %add3A_20 = arith.constant 384 : i32
    %add3A_21 = arith.addi %mul3A_2, %add3A_20 : i32
    %dma_start3A_22 = arith.constant 0 : i32
    %dma_start3A_23 = tpu.memref_slice %arg6[%add3A_21, %dma_start3A_22] : memref<10240x128xf32, #tpu.memory_space<vmem_shared>> -> memref<128x128xf32, #tpu.memory_space<vmem_shared>>
    %dma_start3A_24 = arith.constant 0 : i32
    %dma_start3A_25 = tpu.memref_slice %arg6[%add3A_21, %dma_start3A_24] : memref<10240x128xf32, #tpu.memory_space<vmem_shared>> -> memref<128x128xf32, #tpu.memory_space<vmem_shared>>
    tpu.enqueue_dma source(%arg8 : memref<128x128xf32, #tpu.memory_space<vmem>>) target(%dma_start3A_25 : memref<128x128xf32, #tpu.memory_space<vmem_shared>>) target_semaphore(%arg12 : memref<!tpu.dma_semaphore, #tpu.memory_space<semaphore_mem>>)
    %add3A_26 = arith.constant 512 : i32
    %add3A_27 = arith.addi %mul3A_2, %add3A_26 : i32
    %dma_start3A_28 = arith.constant 0 : i32
    %dma_start3A_29 = tpu.memref_slice %arg6[%add3A_27, %dma_start3A_28] : memref<10240x128xf32, #tpu.memory_space<vmem_shared>> -> memref<128x128xf32, #tpu.memory_space<vmem_shared>>
    %dma_start3A_30 = arith.constant 0 : i32
    %dma_start3A_31 = tpu.memref_slice %arg6[%add3A_27, %dma_start3A_30] : memref<10240x128xf32, #tpu.memory_space<vmem_shared>> -> memref<128x128xf32, #tpu.memory_space<vmem_shared>>
    tpu.enqueue_dma source(%arg8 : memref<128x128xf32, #tpu.memory_space<vmem>>) target(%dma_start3A_31 : memref<128x128xf32, #tpu.memory_space<vmem_shared>>) target_semaphore(%arg12 : memref<!tpu.dma_semaphore, #tpu.memory_space<semaphore_mem>>)
    %dma_wait3A = arith.constant 0 : i32
    %dma_wait3A_32 = tpu.memref_slice %arg6[%add3A_4, %dma_wait3A] : memref<10240x128xf32, #tpu.memory_space<vmem_shared>> -> memref<128x128xf32, #tpu.memory_space<vmem_shared>>
    %dma_wait3A_33 = arith.constant 0 : i32
    %dma_wait3A_34 = tpu.memref_slice %arg6[%add3A_4, %dma_wait3A_33] : memref<10240x128xf32, #tpu.memory_space<vmem_shared>> -> memref<128x128xf32, #tpu.memory_space<vmem_shared>>
    tpu.wait_dma2 semaphore(%arg12 : memref<!tpu.dma_semaphore, #tpu.memory_space<semaphore_mem>>) src(%arg8 : memref<128x128xf32, #tpu.memory_space<vmem>>) dst(%dma_wait3A_34 : memref<128x128xf32, #tpu.memory_space<vmem_shared>>)
    %dma_wait3A_35 = arith.constant 0 : i32
    %dma_wait3A_36 = tpu.memref_slice %arg6[%add3A_9, %dma_wait3A_35] : memref<10240x128xf32, #tpu.memory_space<vmem_shared>> -> memref<128x128xf32, #tpu.memory_space<vmem_shared>>
    %dma_wait3A_37 = arith.constant 0 : i32
    %dma_wait3A_38 = tpu.memref_slice %arg6[%add3A_9, %dma_wait3A_37] : memref<10240x128xf32, #tpu.memory_space<vmem_shared>> -> memref<128x128xf32, #tpu.memory_space<vmem_shared>>
    tpu.wait_dma2 semaphore(%arg12 : memref<!tpu.dma_semaphore, #tpu.memory_space<semaphore_mem>>) src(%arg8 : memref<128x128xf32, #tpu.memory_space<vmem>>) dst(%dma_wait3A_38 : memref<128x128xf32, #tpu.memory_space<vmem_shared>>)
    %dma_wait3A_39 = arith.constant 0 : i32
    %dma_wait3A_40 = tpu.memref_slice %arg6[%add3A_15, %dma_wait3A_39] : memref<10240x128xf32, #tpu.memory_space<vmem_shared>> -> memref<128x128xf32, #tpu.memory_space<vmem_shared>>
    %dma_wait3A_41 = arith.constant 0 : i32
    %dma_wait3A_42 = tpu.memref_slice %arg6[%add3A_15, %dma_wait3A_41] : memref<10240x128xf32, #tpu.memory_space<vmem_shared>> -> memref<128x128xf32, #tpu.memory_space<vmem_shared>>
    tpu.wait_dma2 semaphore(%arg12 : memref<!tpu.dma_semaphore, #tpu.memory_space<semaphore_mem>>) src(%arg8 : memref<128x128xf32, #tpu.memory_space<vmem>>) dst(%dma_wait3A_42 : memref<128x128xf32, #tpu.memory_space<vmem_shared>>)
    %dma_wait3A_43 = arith.constant 0 : i32
    %dma_wait3A_44 = tpu.memref_slice %arg6[%add3A_21, %dma_wait3A_43] : memref<10240x128xf32, #tpu.memory_space<vmem_shared>> -> memref<128x128xf32, #tpu.memory_space<vmem_shared>>
    %dma_wait3A_45 = arith.constant 0 : i32
    %dma_wait3A_46 = tpu.memref_slice %arg6[%add3A_21, %dma_wait3A_45] : memref<10240x128xf32, #tpu.memory_space<vmem_shared>> -> memref<128x128xf32, #tpu.memory_space<vmem_shared>>
    tpu.wait_dma2 semaphore(%arg12 : memref<!tpu.dma_semaphore, #tpu.memory_space<semaphore_mem>>) src(%arg8 : memref<128x128xf32, #tpu.memory_space<vmem>>) dst(%dma_wait3A_46 : memref<128x128xf32, #tpu.memory_space<vmem_shared>>)
    %dma_wait3A_47 = arith.constant 0 : i32
    %dma_wait3A_48 = tpu.memref_slice %arg6[%add3A_27, %dma_wait3A_47] : memref<10240x128xf32, #tpu.memory_space<vmem_shared>> -> memref<128x128xf32, #tpu.memory_space<vmem_shared>>
    %dma_wait3A_49 = arith.constant 0 : i32
    %dma_wait3A_50 = tpu.memref_slice %arg6[%add3A_27, %dma_wait3A_49] : memref<10240x128xf32, #tpu.memory_space<vmem_shared>> -> memref<128x128xf32, #tpu.memory_space<vmem_shared>>
    tpu.wait_dma2 semaphore(%arg12 : memref<!tpu.dma_semaphore, #tpu.memory_space<semaphore_mem>>) src(%arg8 : memref<128x128xf32, #tpu.memory_space<vmem>>) dst(%dma_wait3A_50 : memref<128x128xf32, #tpu.memory_space<vmem_shared>>)
    "tpu.region"() ({
      %run_scoped3A = tpu.sem_alloc : memref<!tpu.dma_semaphore, #tpu.memory_space<semaphore_mem>>
      tpu.enqueue_dma source(%arg2 : memref<128x128xf32, #tpu.memory_space<hbm>>) target(%arg8 : memref<128x128xf32, #tpu.memory_space<vmem>>) target_semaphore(%run_scoped3A : memref<!tpu.dma_semaphore, #tpu.memory_space<semaphore_mem>>)
      tpu.wait_dma2 semaphore(%run_scoped3A : memref<!tpu.dma_semaphore, #tpu.memory_space<semaphore_mem>>) src(%arg2 : memref<128x128xf32, #tpu.memory_space<hbm>>) dst(%arg8 : memref<128x128xf32, #tpu.memory_space<vmem>>)
      tpu.yield
    }) : () -> ()
    "tpu.region"() ({
      %run_scoped3A = tpu.sem_alloc : memref<!tpu.dma_semaphore, #tpu.memory_space<semaphore_mem>>
      tpu.enqueue_dma source(%arg2 : memref<128x128xf32, #tpu.memory_space<hbm>>) target(%arg9 : memref<128x128xf32, #tpu.memory_space<vmem>>) target_semaphore(%run_scoped3A : memref<!tpu.dma_semaphore, #tpu.memory_space<semaphore_mem>>)
      tpu.wait_dma2 semaphore(%run_scoped3A : memref<!tpu.dma_semaphore, #tpu.memory_space<semaphore_mem>>) src(%arg2 : memref<128x128xf32, #tpu.memory_space<hbm>>) dst(%arg9 : memref<128x128xf32, #tpu.memory_space<vmem>>)
      tpu.yield
    }) : () -> ()
    "tpu.region"() ({
      %run_scoped3A = tpu.sem_alloc : memref<!tpu.dma_semaphore, #tpu.memory_space<semaphore_mem>>
      %dma_start3A_174 = arith.constant 0 : i32
      %dma_start3A_175 = arith.constant 0 : i32
      %dma_start3A_176 = tpu.memref_slice %arg2[%dma_start3A_174, %dma_start3A_175] : memref<128x128xf32, #tpu.memory_space<hbm>> -> memref<16x128xf32, #tpu.memory_space<hbm>>
      %dma_start3A_177 = arith.constant 0 : i32
      %dma_start3A_178 = arith.constant 0 : i32
      %dma_start3A_179 = tpu.memref_slice %arg2[%dma_start3A_177, %dma_start3A_178] : memref<128x128xf32, #tpu.memory_space<hbm>> -> memref<16x128xf32, #tpu.memory_space<hbm>>
      tpu.enqueue_dma source(%dma_start3A_179 : memref<16x128xf32, #tpu.memory_space<hbm>>) target(%arg15 : memref<16x128xf32, #tpu.memory_space<vmem>>) target_semaphore(%run_scoped3A : memref<!tpu.dma_semaphore, #tpu.memory_space<semaphore_mem>>)
      %dma_wait3A_180 = arith.constant 0 : i32
      %dma_wait3A_181 = arith.constant 0 : i32
      %dma_wait3A_182 = tpu.memref_slice %arg2[%dma_wait3A_180, %dma_wait3A_181] : memref<128x128xf32, #tpu.memory_space<hbm>> -> memref<16x128xf32, #tpu.memory_space<hbm>>
      %dma_wait3A_183 = arith.constant 0 : i32
      %dma_wait3A_184 = arith.constant 0 : i32
      %dma_wait3A_185 = tpu.memref_slice %arg2[%dma_wait3A_183, %dma_wait3A_184] : memref<128x128xf32, #tpu.memory_space<hbm>> -> memref<16x128xf32, #tpu.memory_space<hbm>>
      tpu.wait_dma2 semaphore(%run_scoped3A : memref<!tpu.dma_semaphore, #tpu.memory_space<semaphore_mem>>) src(%dma_wait3A_185 : memref<16x128xf32, #tpu.memory_space<hbm>>) dst(%arg15 : memref<16x128xf32, #tpu.memory_space<vmem>>)
      tpu.yield
    }) : () -> ()
    %barrier3A = arith.constant 0 : index
    tpu.barrier barrier_id(%barrier3A)
    %mul3A_51 = arith.constant 10000 : i32
    %mul3A_52 = arith.muli %add3A, %mul3A_51 : i32
    %scan3A = arith.constant 0 : i32
    %scan3A_53 = arith.constant 0 : i32
    %scan3A_54 = arith.constant 39 : i32
    %scan3A_55 = arith.addi %scan3A_53, %scan3A_54 : i32
    %scan3A_56 = arith.constant 1 : i32
    scf.for %scan3A_174 = %scan3A_53 to %scan3A_55 step %scan3A_56  : i32 {
      %mul3A_175 = arith.constant 256 : i32
      %mul3A_176 = arith.muli %scan3A_174, %mul3A_175 : i32
      %add3A_177 = arith.addi %mul3A_52, %mul3A_176 : i32
      %add3A_178 = arith.constant 128 : i32
      %add3A_179 = arith.addi %add3A_177, %add3A_178 : i32
      %run_scoped3A = arith.constant 0 : i32
      "tpu.region"() ({
        %run_scoped3A_209 = tpu.sem_alloc : memref<!tpu.dma_semaphore, #tpu.memory_space<semaphore_mem>>
        %dma_start3A_210 = arith.constant 0 : i32
        %dma_start3A_211 = tpu.memref_slice %arg7[%run_scoped3A, %dma_start3A_210] : memref<2x128xi32, #tpu.memory_space<vmem>> -> memref<1x128xi32, #tpu.memory_space<vmem>>
        %dma_start3A_212 = tpu.memref_squeeze %dma_start3A_211 : memref<1x128xi32, #tpu.memory_space<vmem>> -> memref<128xi32, #tpu.memory_space<vmem>>
        %dma_start3A_213 = tpu.memref_slice %arg3[%add3A_177] : memref<320000xi32, #tpu.memory_space<hbm>> -> memref<128xi32, #tpu.memory_space<hbm>>
        %dma_start3A_214 = arith.constant 0 : i32
        %dma_start3A_215 = tpu.memref_slice %arg7[%run_scoped3A, %dma_start3A_214] : memref<2x128xi32, #tpu.memory_space<vmem>> -> memref<1x128xi32, #tpu.memory_space<vmem>>
        %dma_start3A_216 = tpu.memref_squeeze %dma_start3A_215 : memref<1x128xi32, #tpu.memory_space<vmem>> -> memref<128xi32, #tpu.memory_space<vmem>>
        %dma_start3A_217 = tpu.memref_slice %arg3[%add3A_177] : memref<320000xi32, #tpu.memory_space<hbm>> -> memref<128xi32, #tpu.memory_space<hbm>>
        tpu.enqueue_dma source(%dma_start3A_217 : memref<128xi32, #tpu.memory_space<hbm>>) target(%dma_start3A_216 : memref<128xi32, #tpu.memory_space<vmem>>) target_semaphore(%run_scoped3A_209 : memref<!tpu.dma_semaphore, #tpu.memory_space<semaphore_mem>>)
        %dma_wait3A_218 = arith.constant 0 : i32
        %dma_wait3A_219 = tpu.memref_slice %arg7[%run_scoped3A, %dma_wait3A_218] : memref<2x128xi32, #tpu.memory_space<vmem>> -> memref<1x128xi32, #tpu.memory_space<vmem>>
        %dma_wait3A_220 = tpu.memref_squeeze %dma_wait3A_219 : memref<1x128xi32, #tpu.memory_space<vmem>> -> memref<128xi32, #tpu.memory_space<vmem>>
        %dma_wait3A_221 = tpu.memref_slice %arg3[%add3A_177] : memref<320000xi32, #tpu.memory_space<hbm>> -> memref<128xi32, #tpu.memory_space<hbm>>
        %dma_wait3A_222 = arith.constant 0 : i32
        %dma_wait3A_223 = tpu.memref_slice %arg7[%run_scoped3A, %dma_wait3A_222] : memref<2x128xi32, #tpu.memory_space<vmem>> -> memref<1x128xi32, #tpu.memory_space<vmem>>
        %dma_wait3A_224 = tpu.memref_squeeze %dma_wait3A_223 : memref<1x128xi32, #tpu.memory_space<vmem>> -> memref<128xi32, #tpu.memory_space<vmem>>
        %dma_wait3A_225 = tpu.memref_slice %arg3[%add3A_177] : memref<320000xi32, #tpu.memory_space<hbm>> -> memref<128xi32, #tpu.memory_space<hbm>>
        tpu.wait_dma2 semaphore(%run_scoped3A_209 : memref<!tpu.dma_semaphore, #tpu.memory_space<semaphore_mem>>) src(%dma_wait3A_225 : memref<128xi32, #tpu.memory_space<hbm>>) dst(%dma_wait3A_224 : memref<128xi32, #tpu.memory_space<vmem>>)
        tpu.yield
      }) : () -> ()
      %run_scoped3A_180 = arith.constant 1 : i32
      "tpu.region"() ({
        %run_scoped3A_209 = tpu.sem_alloc : memref<!tpu.dma_semaphore, #tpu.memory_space<semaphore_mem>>
        %dma_start3A_210 = arith.constant 0 : i32
        %dma_start3A_211 = tpu.memref_slice %arg7[%run_scoped3A_180, %dma_start3A_210] : memref<2x128xi32, #tpu.memory_space<vmem>> -> memref<1x128xi32, #tpu.memory_space<vmem>>
        %dma_start3A_212 = tpu.memref_squeeze %dma_start3A_211 : memref<1x128xi32, #tpu.memory_space<vmem>> -> memref<128xi32, #tpu.memory_space<vmem>>
        %dma_start3A_213 = tpu.memref_slice %arg3[%add3A_179] : memref<320000xi32, #tpu.memory_space<hbm>> -> memref<128xi32, #tpu.memory_space<hbm>>
        %dma_start3A_214 = arith.constant 0 : i32
        %dma_start3A_215 = tpu.memref_slice %arg7[%run_scoped3A_180, %dma_start3A_214] : memref<2x128xi32, #tpu.memory_space<vmem>> -> memref<1x128xi32, #tpu.memory_space<vmem>>
        %dma_start3A_216 = tpu.memref_squeeze %dma_start3A_215 : memref<1x128xi32, #tpu.memory_space<vmem>> -> memref<128xi32, #tpu.memory_space<vmem>>
        %dma_start3A_217 = tpu.memref_slice %arg3[%add3A_179] : memref<320000xi32, #tpu.memory_space<hbm>> -> memref<128xi32, #tpu.memory_space<hbm>>
        tpu.enqueue_dma source(%dma_start3A_217 : memref<128xi32, #tpu.memory_space<hbm>>) target(%dma_start3A_216 : memref<128xi32, #tpu.memory_space<vmem>>) target_semaphore(%run_scoped3A_209 : memref<!tpu.dma_semaphore, #tpu.memory_space<semaphore_mem>>)
        %dma_wait3A_218 = arith.constant 0 : i32
        %dma_wait3A_219 = tpu.memref_slice %arg7[%run_scoped3A_180, %dma_wait3A_218] : memref<2x128xi32, #tpu.memory_space<vmem>> -> memref<1x128xi32, #tpu.memory_space<vmem>>
        %dma_wait3A_220 = tpu.memref_squeeze %dma_wait3A_219 : memref<1x128xi32, #tpu.memory_space<vmem>> -> memref<128xi32, #tpu.memory_space<vmem>>
        %dma_wait3A_221 = tpu.memref_slice %arg3[%add3A_179] : memref<320000xi32, #tpu.memory_space<hbm>> -> memref<128xi32, #tpu.memory_space<hbm>>
        %dma_wait3A_222 = arith.constant 0 : i32
        %dma_wait3A_223 = tpu.memref_slice %arg7[%run_scoped3A_180, %dma_wait3A_222] : memref<2x128xi32, #tpu.memory_space<vmem>> -> memref<1x128xi32, #tpu.memory_space<vmem>>
        %dma_wait3A_224 = tpu.memref_squeeze %dma_wait3A_223 : memref<1x128xi32, #tpu.memory_space<vmem>> -> memref<128xi32, #tpu.memory_space<vmem>>
        %dma_wait3A_225 = tpu.memref_slice %arg3[%add3A_179] : memref<320000xi32, #tpu.memory_space<hbm>> -> memref<128xi32, #tpu.memory_space<hbm>>
        tpu.wait_dma2 semaphore(%run_scoped3A_209 : memref<!tpu.dma_semaphore, #tpu.memory_space<semaphore_mem>>) src(%dma_wait3A_225 : memref<128xi32, #tpu.memory_space<hbm>>) dst(%dma_wait3A_224 : memref<128xi32, #tpu.memory_space<vmem>>)
        tpu.yield
      }) : () -> ()
      %dma_start3A_181 = arith.constant 0 : i32
      %dma_start3A_182 = arith.constant 0 : i32
      %dma_start3A_183 = tpu.memref_slice %arg7[%dma_start3A_181, %dma_start3A_182] : memref<2x128xi32, #tpu.memory_space<vmem>> -> memref<1x128xi32, #tpu.memory_space<vmem>>
      %dma_start3A_184 = tpu.memref_squeeze %dma_start3A_183 : memref<1x128xi32, #tpu.memory_space<vmem>> -> memref<128xi32, #tpu.memory_space<vmem>>
      %dma_start3A_185 = arith.constant 0 : i32
      %dma_start3A_186 = arith.constant 0 : i32
      %dma_start3A_187 = tpu.memref_slice %arg6[%dma_start3A_185, %dma_start3A_186] : memref<10240x128xf32, #tpu.memory_space<vmem_shared>> -> memref<10240x128xf32, #tpu.memory_space<vmem_shared>>
      tpu.enqueue_indirect_dma source(%arg8 : memref<128x128xf32, #tpu.memory_space<vmem>>) target(%dma_start3A_187 : memref<10240x128xf32, #tpu.memory_space<vmem_shared>>) offsets(%dma_start3A_184 : memref<128xi32, #tpu.memory_space<vmem>>) semaphore(%arg12 : memref<!tpu.dma_semaphore, #tpu.memory_space<semaphore_mem>>) {add = true}
      %dma_start3A_188 = arith.constant 1 : i32
      %dma_start3A_189 = arith.constant 0 : i32
      %dma_start3A_190 = tpu.memref_slice %arg7[%dma_start3A_188, %dma_start3A_189] : memref<2x128xi32, #tpu.memory_space<vmem>> -> memref<1x128xi32, #tpu.memory_space<vmem>>
      %dma_start3A_191 = tpu.memref_squeeze %dma_start3A_190 : memref<1x128xi32, #tpu.memory_space<vmem>> -> memref<128xi32, #tpu.memory_space<vmem>>
      %dma_start3A_192 = arith.constant 0 : i32
      %dma_start3A_193 = arith.constant 0 : i32
      %dma_start3A_194 = tpu.memref_slice %arg6[%dma_start3A_192, %dma_start3A_193] : memref<10240x128xf32, #tpu.memory_space<vmem_shared>> -> memref<10240x128xf32, #tpu.memory_space<vmem_shared>>
      tpu.enqueue_indirect_dma source(%arg9 : memref<128x128xf32, #tpu.memory_space<vmem>>) target(%dma_start3A_194 : memref<10240x128xf32, #tpu.memory_space<vmem_shared>>) offsets(%dma_start3A_191 : memref<128xi32, #tpu.memory_space<vmem>>) semaphore(%arg13 : memref<!tpu.dma_semaphore, #tpu.memory_space<semaphore_mem>>) {add = true}
      %dma_wait3A_195 = arith.constant 0 : i32
      %dma_wait3A_196 = arith.constant 0 : i32
      %dma_wait3A_197 = tpu.memref_slice %arg7[%dma_wait3A_195, %dma_wait3A_196] : memref<2x128xi32, #tpu.memory_space<vmem>> -> memref<1x128xi32, #tpu.memory_space<vmem>>
      %dma_wait3A_198 = tpu.memref_squeeze %dma_wait3A_197 : memref<1x128xi32, #tpu.memory_space<vmem>> -> memref<128xi32, #tpu.memory_space<vmem>>
      %dma_wait3A_199 = arith.constant 0 : i32
      %dma_wait3A_200 = arith.constant 0 : i32
      %dma_wait3A_201 = tpu.memref_slice %arg6[%dma_wait3A_199, %dma_wait3A_200] : memref<10240x128xf32, #tpu.memory_space<vmem_shared>> -> memref<10240x128xf32, #tpu.memory_space<vmem_shared>>
      tpu.wait_indirect_dma semaphore(%arg12 : memref<!tpu.dma_semaphore, #tpu.memory_space<semaphore_mem>>) src(%arg8 : memref<128x128xf32, #tpu.memory_space<vmem>>) dst(%dma_wait3A_201 : memref<10240x128xf32, #tpu.memory_space<vmem_shared>>)
      %dma_wait3A_202 = arith.constant 1 : i32
      %dma_wait3A_203 = arith.constant 0 : i32
      %dma_wait3A_204 = tpu.memref_slice %arg7[%dma_wait3A_202, %dma_wait3A_203] : memref<2x128xi32, #tpu.memory_space<vmem>> -> memref<1x128xi32, #tpu.memory_space<vmem>>
      %dma_wait3A_205 = tpu.memref_squeeze %dma_wait3A_204 : memref<1x128xi32, #tpu.memory_space<vmem>> -> memref<128xi32, #tpu.memory_space<vmem>>
      %dma_wait3A_206 = arith.constant 0 : i32
      %dma_wait3A_207 = arith.constant 0 : i32
      %dma_wait3A_208 = tpu.memref_slice %arg6[%dma_wait3A_206, %dma_wait3A_207] : memref<10240x128xf32, #tpu.memory_space<vmem_shared>> -> memref<10240x128xf32, #tpu.memory_space<vmem_shared>>
      tpu.wait_indirect_dma semaphore(%arg13 : memref<!tpu.dma_semaphore, #tpu.memory_space<semaphore_mem>>) src(%arg9 : memref<128x128xf32, #tpu.memory_space<vmem>>) dst(%dma_wait3A_208 : memref<10240x128xf32, #tpu.memory_space<vmem_shared>>)
    }
    %scan3A_57 = arith.constant 39 : i32
    %add3A_58 = arith.constant 9984 : i32
    %add3A_59 = arith.addi %mul3A_52, %add3A_58 : i32
    "tpu.region"() ({
      %run_scoped3A = tpu.sem_alloc : memref<!tpu.dma_semaphore, #tpu.memory_space<semaphore_mem>>
      %dma_start3A_174 = tpu.memref_slice %arg3[%add3A_59] : memref<320000xi32, #tpu.memory_space<hbm>> -> memref<16xi32, #tpu.memory_space<hbm>>
      %dma_start3A_175 = tpu.memref_slice %arg3[%add3A_59] : memref<320000xi32, #tpu.memory_space<hbm>> -> memref<16xi32, #tpu.memory_space<hbm>>
      tpu.enqueue_dma source(%dma_start3A_175 : memref<16xi32, #tpu.memory_space<hbm>>) target(%arg14 : memref<16xi32, #tpu.memory_space<vmem>>) target_semaphore(%run_scoped3A : memref<!tpu.dma_semaphore, #tpu.memory_space<semaphore_mem>>)
      %dma_wait3A_176 = tpu.memref_slice %arg3[%add3A_59] : memref<320000xi32, #tpu.memory_space<hbm>> -> memref<16xi32, #tpu.memory_space<hbm>>
      %dma_wait3A_177 = tpu.memref_slice %arg3[%add3A_59] : memref<320000xi32, #tpu.memory_space<hbm>> -> memref<16xi32, #tpu.memory_space<hbm>>
      tpu.wait_dma2 semaphore(%run_scoped3A : memref<!tpu.dma_semaphore, #tpu.memory_space<semaphore_mem>>) src(%dma_wait3A_177 : memref<16xi32, #tpu.memory_space<hbm>>) dst(%arg14 : memref<16xi32, #tpu.memory_space<vmem>>)
      tpu.yield
    }) : () -> ()
    "tpu.region"() ({
      %run_scoped3A = tpu.sem_alloc : memref<!tpu.dma_semaphore, #tpu.memory_space<semaphore_mem>>
      %dma_start3A_174 = arith.constant 0 : i32
      %dma_start3A_175 = arith.constant 0 : i32
      %dma_start3A_176 = tpu.memref_slice %arg6[%dma_start3A_174, %dma_start3A_175] : memref<10240x128xf32, #tpu.memory_space<vmem_shared>> -> memref<10240x128xf32, #tpu.memory_space<vmem_shared>>
      tpu.enqueue_indirect_dma source(%arg15 : memref<16x128xf32, #tpu.memory_space<vmem>>) target(%dma_start3A_176 : memref<10240x128xf32, #tpu.memory_space<vmem_shared>>) offsets(%arg14 : memref<16xi32, #tpu.memory_space<vmem>>) semaphore(%run_scoped3A : memref<!tpu.dma_semaphore, #tpu.memory_space<semaphore_mem>>) {add = true}
      %dma_wait3A_177 = arith.constant 0 : i32
      %dma_wait3A_178 = arith.constant 0 : i32
      %dma_wait3A_179 = tpu.memref_slice %arg6[%dma_wait3A_177, %dma_wait3A_178] : memref<10240x128xf32, #tpu.memory_space<vmem_shared>> -> memref<10240x128xf32, #tpu.memory_space<vmem_shared>>
      tpu.wait_indirect_dma semaphore(%run_scoped3A : memref<!tpu.dma_semaphore, #tpu.memory_space<semaphore_mem>>) src(%arg15 : memref<16x128xf32, #tpu.memory_space<vmem>>) dst(%dma_wait3A_179 : memref<10240x128xf32, #tpu.memory_space<vmem_shared>>)
      tpu.yield
    }) : () -> ()
    %barrier3A_60 = arith.constant 0 : index
    tpu.barrier barrier_id(%barrier3A_60)
    %dma_start3A_61 = arith.constant 0 : i32
    %dma_start3A_62 = tpu.memref_slice %arg6[%mul3A_2, %dma_start3A_61] : memref<10240x128xf32, #tpu.memory_space<vmem_shared>> -> memref<128x128xf32, #tpu.memory_space<vmem_shared>>
    %dma_start3A_63 = arith.constant 0 : i32
    %dma_start3A_64 = tpu.memref_slice %arg6[%mul3A_2, %dma_start3A_63] : memref<10240x128xf32, #tpu.memory_space<vmem_shared>> -> memref<128x128xf32, #tpu.memory_space<vmem_shared>>
    tpu.enqueue_dma source(%dma_start3A_64 : memref<128x128xf32, #tpu.memory_space<vmem_shared>>) target(%arg8 : memref<128x128xf32, #tpu.memory_space<vmem>>) target_semaphore(%arg10 : memref<!tpu.dma_semaphore, #tpu.memory_space<semaphore_mem>>)
    %add3A_65 = arith.constant 128 : i32
    %add3A_66 = arith.addi %mul3A_2, %add3A_65 : i32
    %dma_start3A_67 = arith.constant 0 : i32
    %dma_start3A_68 = tpu.memref_slice %arg6[%add3A_66, %dma_start3A_67] : memref<10240x128xf32, #tpu.memory_space<vmem_shared>> -> memref<128x128xf32, #tpu.memory_space<vmem_shared>>
    %dma_start3A_69 = arith.constant 0 : i32
    %dma_start3A_70 = tpu.memref_slice %arg6[%add3A_66, %dma_start3A_69] : memref<10240x128xf32, #tpu.memory_space<vmem_shared>> -> memref<128x128xf32, #tpu.memory_space<vmem_shared>>
    tpu.enqueue_dma source(%dma_start3A_70 : memref<128x128xf32, #tpu.memory_space<vmem_shared>>) target(%arg9 : memref<128x128xf32, #tpu.memory_space<vmem>>) target_semaphore(%arg11 : memref<!tpu.dma_semaphore, #tpu.memory_space<semaphore_mem>>)
    %dma_wait3A_71 = arith.constant 0 : i32
    %dma_wait3A_72 = tpu.memref_slice %arg6[%mul3A_2, %dma_wait3A_71] : memref<10240x128xf32, #tpu.memory_space<vmem_shared>> -> memref<128x128xf32, #tpu.memory_space<vmem_shared>>
    %dma_wait3A_73 = arith.constant 0 : i32
    %dma_wait3A_74 = tpu.memref_slice %arg6[%mul3A_2, %dma_wait3A_73] : memref<10240x128xf32, #tpu.memory_space<vmem_shared>> -> memref<128x128xf32, #tpu.memory_space<vmem_shared>>
    tpu.wait_dma2 semaphore(%arg10 : memref<!tpu.dma_semaphore, #tpu.memory_space<semaphore_mem>>) src(%dma_wait3A_74 : memref<128x128xf32, #tpu.memory_space<vmem_shared>>) dst(%arg8 : memref<128x128xf32, #tpu.memory_space<vmem>>)
    %mul3A_75 = arith.constant 10240 : i32
    %mul3A_76 = arith.muli %arg0, %mul3A_75 : i32
    %add3A_77 = arith.addi %mul3A_76, %mul3A_2 : i32
    %add3A_78 = arith.constant 0 : i32
    %add3A_79 = arith.addi %add3A_77, %add3A_78 : i32
    %dma_start3A_80 = arith.constant 0 : i32
    %dma_start3A_81 = tpu.memref_slice %arg5[%add3A_79, %dma_start3A_80] : memref<20480x128xf32, #tpu.memory_space<hbm>> -> memref<128x128xf32, #tpu.memory_space<hbm>>
    %dma_start3A_82 = arith.constant 0 : i32
    %dma_start3A_83 = tpu.memref_slice %arg5[%add3A_79, %dma_start3A_82] : memref<20480x128xf32, #tpu.memory_space<hbm>> -> memref<128x128xf32, #tpu.memory_space<hbm>>
    tpu.enqueue_dma source(%arg8 : memref<128x128xf32, #tpu.memory_space<vmem>>) target(%dma_start3A_83 : memref<128x128xf32, #tpu.memory_space<hbm>>) target_semaphore(%arg12 : memref<!tpu.dma_semaphore, #tpu.memory_space<semaphore_mem>>)
    %dma_wait3A_84 = arith.constant 0 : i32
    %dma_wait3A_85 = tpu.memref_slice %arg5[%add3A_79, %dma_wait3A_84] : memref<20480x128xf32, #tpu.memory_space<hbm>> -> memref<128x128xf32, #tpu.memory_space<hbm>>
    %dma_wait3A_86 = arith.constant 0 : i32
    %dma_wait3A_87 = tpu.memref_slice %arg5[%add3A_79, %dma_wait3A_86] : memref<20480x128xf32, #tpu.memory_space<hbm>> -> memref<128x128xf32, #tpu.memory_space<hbm>>
    tpu.wait_dma2 semaphore(%arg12 : memref<!tpu.dma_semaphore, #tpu.memory_space<semaphore_mem>>) src(%arg8 : memref<128x128xf32, #tpu.memory_space<vmem>>) dst(%dma_wait3A_87 : memref<128x128xf32, #tpu.memory_space<hbm>>)
    %add3A_88 = arith.constant 256 : i32
    %add3A_89 = arith.addi %mul3A_2, %add3A_88 : i32
    %dma_start3A_90 = arith.constant 0 : i32
    %dma_start3A_91 = tpu.memref_slice %arg6[%add3A_89, %dma_start3A_90] : memref<10240x128xf32, #tpu.memory_space<vmem_shared>> -> memref<128x128xf32, #tpu.memory_space<vmem_shared>>
    %dma_start3A_92 = arith.constant 0 : i32
    %dma_start3A_93 = tpu.memref_slice %arg6[%add3A_89, %dma_start3A_92] : memref<10240x128xf32, #tpu.memory_space<vmem_shared>> -> memref<128x128xf32, #tpu.memory_space<vmem_shared>>
    tpu.enqueue_dma source(%dma_start3A_93 : memref<128x128xf32, #tpu.memory_space<vmem_shared>>) target(%arg8 : memref<128x128xf32, #tpu.memory_space<vmem>>) target_semaphore(%arg10 : memref<!tpu.dma_semaphore, #tpu.memory_space<semaphore_mem>>)
    %dma_wait3A_94 = arith.constant 0 : i32
    %dma_wait3A_95 = tpu.memref_slice %arg6[%add3A_66, %dma_wait3A_94] : memref<10240x128xf32, #tpu.memory_space<vmem_shared>> -> memref<128x128xf32, #tpu.memory_space<vmem_shared>>
    %dma_wait3A_96 = arith.constant 0 : i32
    %dma_wait3A_97 = tpu.memref_slice %arg6[%add3A_66, %dma_wait3A_96] : memref<10240x128xf32, #tpu.memory_space<vmem_shared>> -> memref<128x128xf32, #tpu.memory_space<vmem_shared>>
    tpu.wait_dma2 semaphore(%arg11 : memref<!tpu.dma_semaphore, #tpu.memory_space<semaphore_mem>>) src(%dma_wait3A_97 : memref<128x128xf32, #tpu.memory_space<vmem_shared>>) dst(%arg9 : memref<128x128xf32, #tpu.memory_space<vmem>>)
    %mul3A_98 = arith.constant 10240 : i32
    %mul3A_99 = arith.muli %arg0, %mul3A_98 : i32
    %add3A_100 = arith.addi %mul3A_99, %mul3A_2 : i32
    %add3A_101 = arith.constant 128 : i32
    %add3A_102 = arith.addi %add3A_100, %add3A_101 : i32
    %dma_start3A_103 = arith.constant 0 : i32
    %dma_start3A_104 = tpu.memref_slice %arg5[%add3A_102, %dma_start3A_103] : memref<20480x128xf32, #tpu.memory_space<hbm>> -> memref<128x128xf32, #tpu.memory_space<hbm>>
    %dma_start3A_105 = arith.constant 0 : i32
    %dma_start3A_106 = tpu.memref_slice %arg5[%add3A_102, %dma_start3A_105] : memref<20480x128xf32, #tpu.memory_space<hbm>> -> memref<128x128xf32, #tpu.memory_space<hbm>>
    tpu.enqueue_dma source(%arg9 : memref<128x128xf32, #tpu.memory_space<vmem>>) target(%dma_start3A_106 : memref<128x128xf32, #tpu.memory_space<hbm>>) target_semaphore(%arg13 : memref<!tpu.dma_semaphore, #tpu.memory_space<semaphore_mem>>)
    %dma_wait3A_107 = arith.constant 0 : i32
    %dma_wait3A_108 = tpu.memref_slice %arg5[%add3A_102, %dma_wait3A_107] : memref<20480x128xf32, #tpu.memory_space<hbm>> -> memref<128x128xf32, #tpu.memory_space<hbm>>
    %dma_wait3A_109 = arith.constant 0 : i32
    %dma_wait3A_110 = tpu.memref_slice %arg5[%add3A_102, %dma_wait3A_109] : memref<20480x128xf32, #tpu.memory_space<hbm>> -> memref<128x128xf32, #tpu.memory_space<hbm>>
    tpu.wait_dma2 semaphore(%arg13 : memref<!tpu.dma_semaphore, #tpu.memory_space<semaphore_mem>>) src(%arg9 : memref<128x128xf32, #tpu.memory_space<vmem>>) dst(%dma_wait3A_110 : memref<128x128xf32, #tpu.memory_space<hbm>>)
    %add3A_111 = arith.constant 384 : i32
    %add3A_112 = arith.addi %mul3A_2, %add3A_111 : i32
    %dma_start3A_113 = arith.constant 0 : i32
    %dma_start3A_114 = tpu.memref_slice %arg6[%add3A_112, %dma_start3A_113] : memref<10240x128xf32, #tpu.memory_space<vmem_shared>> -> memref<128x128xf32, #tpu.memory_space<vmem_shared>>
    %dma_start3A_115 = arith.constant 0 : i32
    %dma_start3A_116 = tpu.memref_slice %arg6[%add3A_112, %dma_start3A_115] : memref<10240x128xf32, #tpu.memory_space<vmem_shared>> -> memref<128x128xf32, #tpu.memory_space<vmem_shared>>
    tpu.enqueue_dma source(%dma_start3A_116 : memref<128x128xf32, #tpu.memory_space<vmem_shared>>) target(%arg9 : memref<128x128xf32, #tpu.memory_space<vmem>>) target_semaphore(%arg11 : memref<!tpu.dma_semaphore, #tpu.memory_space<semaphore_mem>>)
    %dma_wait3A_117 = arith.constant 0 : i32
    %dma_wait3A_118 = tpu.memref_slice %arg6[%add3A_89, %dma_wait3A_117] : memref<10240x128xf32, #tpu.memory_space<vmem_shared>> -> memref<128x128xf32, #tpu.memory_space<vmem_shared>>
    %dma_wait3A_119 = arith.constant 0 : i32
    %dma_wait3A_120 = tpu.memref_slice %arg6[%add3A_89, %dma_wait3A_119] : memref<10240x128xf32, #tpu.memory_space<vmem_shared>> -> memref<128x128xf32, #tpu.memory_space<vmem_shared>>
    tpu.wait_dma2 semaphore(%arg10 : memref<!tpu.dma_semaphore, #tpu.memory_space<semaphore_mem>>) src(%dma_wait3A_120 : memref<128x128xf32, #tpu.memory_space<vmem_shared>>) dst(%arg8 : memref<128x128xf32, #tpu.memory_space<vmem>>)
    %mul3A_121 = arith.constant 10240 : i32
    %mul3A_122 = arith.muli %arg0, %mul3A_121 : i32
    %add3A_123 = arith.addi %mul3A_122, %mul3A_2 : i32
    %add3A_124 = arith.constant 256 : i32
    %add3A_125 = arith.addi %add3A_123, %add3A_124 : i32
    %dma_start3A_126 = arith.constant 0 : i32
    %dma_start3A_127 = tpu.memref_slice %arg5[%add3A_125, %dma_start3A_126] : memref<20480x128xf32, #tpu.memory_space<hbm>> -> memref<128x128xf32, #tpu.memory_space<hbm>>
    %dma_start3A_128 = arith.constant 0 : i32
    %dma_start3A_129 = tpu.memref_slice %arg5[%add3A_125, %dma_start3A_128] : memref<20480x128xf32, #tpu.memory_space<hbm>> -> memref<128x128xf32, #tpu.memory_space<hbm>>
    tpu.enqueue_dma source(%arg8 : memref<128x128xf32, #tpu.memory_space<vmem>>) target(%dma_start3A_129 : memref<128x128xf32, #tpu.memory_space<hbm>>) target_semaphore(%arg12 : memref<!tpu.dma_semaphore, #tpu.memory_space<semaphore_mem>>)
    %dma_wait3A_130 = arith.constant 0 : i32
    %dma_wait3A_131 = tpu.memref_slice %arg5[%add3A_125, %dma_wait3A_130] : memref<20480x128xf32, #tpu.memory_space<hbm>> -> memref<128x128xf32, #tpu.memory_space<hbm>>
    %dma_wait3A_132 = arith.constant 0 : i32
    %dma_wait3A_133 = tpu.memref_slice %arg5[%add3A_125, %dma_wait3A_132] : memref<20480x128xf32, #tpu.memory_space<hbm>> -> memref<128x128xf32, #tpu.memory_space<hbm>>
    tpu.wait_dma2 semaphore(%arg12 : memref<!tpu.dma_semaphore, #tpu.memory_space<semaphore_mem>>) src(%arg8 : memref<128x128xf32, #tpu.memory_space<vmem>>) dst(%dma_wait3A_133 : memref<128x128xf32, #tpu.memory_space<hbm>>)
    %add3A_134 = arith.constant 512 : i32
    %add3A_135 = arith.addi %mul3A_2, %add3A_134 : i32
    %dma_start3A_136 = arith.constant 0 : i32
    %dma_start3A_137 = tpu.memref_slice %arg6[%add3A_135, %dma_start3A_136] : memref<10240x128xf32, #tpu.memory_space<vmem_shared>> -> memref<128x128xf32, #tpu.memory_space<vmem_shared>>
    %dma_start3A_138 = arith.constant 0 : i32
    %dma_start3A_139 = tpu.memref_slice %arg6[%add3A_135, %dma_start3A_138] : memref<10240x128xf32, #tpu.memory_space<vmem_shared>> -> memref<128x128xf32, #tpu.memory_space<vmem_shared>>
    tpu.enqueue_dma source(%dma_start3A_139 : memref<128x128xf32, #tpu.memory_space<vmem_shared>>) target(%arg8 : memref<128x128xf32, #tpu.memory_space<vmem>>) target_semaphore(%arg10 : memref<!tpu.dma_semaphore, #tpu.memory_space<semaphore_mem>>)
    %dma_wait3A_140 = arith.constant 0 : i32
    %dma_wait3A_141 = tpu.memref_slice %arg6[%add3A_112, %dma_wait3A_140] : memref<10240x128xf32, #tpu.memory_space<vmem_shared>> -> memref<128x128xf32, #tpu.memory_space<vmem_shared>>
    %dma_wait3A_142 = arith.constant 0 : i32
    %dma_wait3A_143 = tpu.memref_slice %arg6[%add3A_112, %dma_wait3A_142] : memref<10240x128xf32, #tpu.memory_space<vmem_shared>> -> memref<128x128xf32, #tpu.memory_space<vmem_shared>>
    tpu.wait_dma2 semaphore(%arg11 : memref<!tpu.dma_semaphore, #tpu.memory_space<semaphore_mem>>) src(%dma_wait3A_143 : memref<128x128xf32, #tpu.memory_space<vmem_shared>>) dst(%arg9 : memref<128x128xf32, #tpu.memory_space<vmem>>)
    %mul3A_144 = arith.constant 10240 : i32
    %mul3A_145 = arith.muli %arg0, %mul3A_144 : i32
    %add3A_146 = arith.addi %mul3A_145, %mul3A_2 : i32
    %add3A_147 = arith.constant 384 : i32
    %add3A_148 = arith.addi %add3A_146, %add3A_147 : i32
    %dma_start3A_149 = arith.constant 0 : i32
    %dma_start3A_150 = tpu.memref_slice %arg5[%add3A_148, %dma_start3A_149] : memref<20480x128xf32, #tpu.memory_space<hbm>> -> memref<128x128xf32, #tpu.memory_space<hbm>>
    %dma_start3A_151 = arith.constant 0 : i32
    %dma_start3A_152 = tpu.memref_slice %arg5[%add3A_148, %dma_start3A_151] : memref<20480x128xf32, #tpu.memory_space<hbm>> -> memref<128x128xf32, #tpu.memory_space<hbm>>
    tpu.enqueue_dma source(%arg9 : memref<128x128xf32, #tpu.memory_space<vmem>>) target(%dma_start3A_152 : memref<128x128xf32, #tpu.memory_space<hbm>>) target_semaphore(%arg13 : memref<!tpu.dma_semaphore, #tpu.memory_space<semaphore_mem>>)
    %dma_wait3A_153 = arith.constant 0 : i32
    %dma_wait3A_154 = tpu.memref_slice %arg6[%add3A_135, %dma_wait3A_153] : memref<10240x128xf32, #tpu.memory_space<vmem_shared>> -> memref<128x128xf32, #tpu.memory_space<vmem_shared>>
    %dma_wait3A_155 = arith.constant 0 : i32
    %dma_wait3A_156 = tpu.memref_slice %arg6[%add3A_135, %dma_wait3A_155] : memref<10240x128xf32, #tpu.memory_space<vmem_shared>> -> memref<128x128xf32, #tpu.memory_space<vmem_shared>>
    tpu.wait_dma2 semaphore(%arg10 : memref<!tpu.dma_semaphore, #tpu.memory_space<semaphore_mem>>) src(%dma_wait3A_156 : memref<128x128xf32, #tpu.memory_space<vmem_shared>>) dst(%arg8 : memref<128x128xf32, #tpu.memory_space<vmem>>)
    %mul3A_157 = arith.constant 10240 : i32
    %mul3A_158 = arith.muli %arg0, %mul3A_157 : i32
    %add3A_159 = arith.addi %mul3A_158, %mul3A_2 : i32
    %add3A_160 = arith.constant 512 : i32
    %add3A_161 = arith.addi %add3A_159, %add3A_160 : i32
    %dma_start3A_162 = arith.constant 0 : i32
    %dma_start3A_163 = tpu.memref_slice %arg5[%add3A_161, %dma_start3A_162] : memref<20480x128xf32, #tpu.memory_space<hbm>> -> memref<128x128xf32, #tpu.memory_space<hbm>>
    %dma_start3A_164 = arith.constant 0 : i32
    %dma_start3A_165 = tpu.memref_slice %arg5[%add3A_161, %dma_start3A_164] : memref<20480x128xf32, #tpu.memory_space<hbm>> -> memref<128x128xf32, #tpu.memory_space<hbm>>
    tpu.enqueue_dma source(%arg8 : memref<128x128xf32, #tpu.memory_space<vmem>>) target(%dma_start3A_165 : memref<128x128xf32, #tpu.memory_space<hbm>>) target_semaphore(%arg12 : memref<!tpu.dma_semaphore, #tpu.memory_space<semaphore_mem>>)
    %dma_wait3A_166 = arith.constant 0 : i32
    %dma_wait3A_167 = tpu.memref_slice %arg5[%add3A_161, %dma_wait3A_166] : memref<20480x128xf32, #tpu.memory_space<hbm>> -> memref<128x128xf32, #tpu.memory_space<hbm>>
    %dma_wait3A_168 = arith.constant 0 : i32
    %dma_wait3A_169 = tpu.memref_slice %arg5[%add3A_161, %dma_wait3A_168] : memref<20480x128xf32, #tpu.memory_space<hbm>> -> memref<128x128xf32, #tpu.memory_space<hbm>>
    tpu.wait_dma2 semaphore(%arg12 : memref<!tpu.dma_semaphore, #tpu.memory_space<semaphore_mem>>) src(%arg8 : memref<128x128xf32, #tpu.memory_space<vmem>>) dst(%dma_wait3A_169 : memref<128x128xf32, #tpu.memory_space<hbm>>)
    %dma_wait3A_170 = arith.constant 0 : i32
    %dma_wait3A_171 = tpu.memref_slice %arg5[%add3A_148, %dma_wait3A_170] : memref<20480x128xf32, #tpu.memory_space<hbm>> -> memref<128x128xf32, #tpu.memory_space<hbm>>
    %dma_wait3A_172 = arith.constant 0 : i32
    %dma_wait3A_173 = tpu.memref_slice %arg5[%add3A_148, %dma_wait3A_172] : memref<20480x128xf32, #tpu.memory_space<hbm>> -> memref<128x128xf32, #tpu.memory_space<hbm>>
    tpu.wait_dma2 semaphore(%arg13 : memref<!tpu.dma_semaphore, #tpu.memory_space<semaphore_mem>>) src(%arg9 : memref<128x128xf32, #tpu.memory_space<vmem>>) dst(%dma_wait3A_173 : memref<128x128xf32, #tpu.memory_space<hbm>>)
    return
  }
}

#map = affine_map<(d0, d1) -> (0, 0)>
#map1 = affine_map<(d0, d1) -> (0)>
module attributes {stable_mosaic.version = 14 : i64} {
  func.func @body(%arg0: i32, %arg1: i32, %arg2: memref<10000x128xf32, #tpu.memory_space<hbm>>, %arg3: memref<320000xi32, #tpu.memory_space<hbm>>, %arg4: memref<320000xi32, #tpu.memory_space<hbm>>, %arg5: memref<128x128xf32, #tpu.memory_space<hbm>>, %arg6: memref<20480x128xf32, #tpu.memory_space<hbm>>, %arg7: memref<10240x128xf32, #tpu.memory_space<vmem_shared>>, %arg8: memref<2x128xi32, #tpu.memory_space<vmem>>, %arg9: memref<128x128xf32, #tpu.memory_space<vmem>>, %arg10: memref<128x128xf32, #tpu.memory_space<vmem>>, %arg11: memref<!tpu.dma_semaphore, #tpu.memory_space<semaphore_mem>>, %arg12: memref<!tpu.dma_semaphore, #tpu.memory_space<semaphore_mem>>, %arg13: memref<!tpu.dma_semaphore, #tpu.memory_space<semaphore_mem>>, %arg14: memref<!tpu.dma_semaphore, #tpu.memory_space<semaphore_mem>>, %arg15: memref<16xi32, #tpu.memory_space<vmem>>, %arg16: memref<16x128xf32, #tpu.memory_space<vmem>>, %arg17: memref<2x128xi32, #tpu.memory_space<vmem>>, %arg18: memref<16xi32, #tpu.memory_space<vmem>>) attributes {dimension_semantics = [#tpu.dimension_semantics<core_parallel>, #tpu.dimension_semantics<subcore_parallel>], iteration_bounds = array<i64: 2, 16>, scalar_prefetch = 0 : i64, scratch_operands = 12 : i64, tpu.core_type = #tpu.core_type<sc_vector_subcore>, window_params = [{transform_indices = #map}, {transform_indices = #map1}, {transform_indices = #map1}, {transform_indices = #map}, {transform_indices = #map}]} {
    %mul3A = arith.constant 2 : i32
    %mul3A_0 = arith.muli %arg1, %mul3A : i32
    %add3A = arith.addi %mul3A_0, %arg0 : i32
    %mul3A_1 = arith.constant 640 : i32
    %mul3A_2 = arith.muli %arg1, %mul3A_1 : i32
    "tpu.region"() ({
      %run_scoped3A = tpu.sem_alloc : memref<!tpu.dma_semaphore, #tpu.memory_space<semaphore_mem>>
      tpu.enqueue_dma source(%arg5 : memref<128x128xf32, #tpu.memory_space<hbm>>) target(%arg9 : memref<128x128xf32, #tpu.memory_space<vmem>>) target_semaphore(%run_scoped3A : memref<!tpu.dma_semaphore, #tpu.memory_space<semaphore_mem>>)
      tpu.wait_dma2 semaphore(%run_scoped3A : memref<!tpu.dma_semaphore, #tpu.memory_space<semaphore_mem>>) src(%arg5 : memref<128x128xf32, #tpu.memory_space<hbm>>) dst(%arg9 : memref<128x128xf32, #tpu.memory_space<vmem>>)
      tpu.yield
    }) : () -> ()
    %add3A_3 = arith.constant 0 : i32
    %add3A_4 = arith.addi %mul3A_2, %add3A_3 : i32
    %dma_start3A = arith.constant 0 : i32
    %dma_start3A_5 = tpu.memref_slice %arg7[%add3A_4, %dma_start3A] : memref<10240x128xf32, #tpu.memory_space<vmem_shared>> -> memref<128x128xf32, #tpu.memory_space<vmem_shared>>
    %dma_start3A_6 = arith.constant 0 : i32
    %dma_start3A_7 = tpu.memref_slice %arg7[%add3A_4, %dma_start3A_6] : memref<10240x128xf32, #tpu.memory_space<vmem_shared>> -> memref<128x128xf32, #tpu.memory_space<vmem_shared>>
    tpu.enqueue_dma source(%arg9 : memref<128x128xf32, #tpu.memory_space<vmem>>) target(%dma_start3A_7 : memref<128x128xf32, #tpu.memory_space<vmem_shared>>) target_semaphore(%arg13 : memref<!tpu.dma_semaphore, #tpu.memory_space<semaphore_mem>>)
    %add3A_8 = arith.constant 128 : i32
    %add3A_9 = arith.addi %mul3A_2, %add3A_8 : i32
    %dma_start3A_10 = arith.constant 0 : i32
    %dma_start3A_11 = tpu.memref_slice %arg7[%add3A_9, %dma_start3A_10] : memref<10240x128xf32, #tpu.memory_space<vmem_shared>> -> memref<128x128xf32, #tpu.memory_space<vmem_shared>>
    %dma_start3A_12 = arith.constant 0 : i32
    %dma_start3A_13 = tpu.memref_slice %arg7[%add3A_9, %dma_start3A_12] : memref<10240x128xf32, #tpu.memory_space<vmem_shared>> -> memref<128x128xf32, #tpu.memory_space<vmem_shared>>
    tpu.enqueue_dma source(%arg9 : memref<128x128xf32, #tpu.memory_space<vmem>>) target(%dma_start3A_13 : memref<128x128xf32, #tpu.memory_space<vmem_shared>>) target_semaphore(%arg13 : memref<!tpu.dma_semaphore, #tpu.memory_space<semaphore_mem>>)
    %add3A_14 = arith.constant 256 : i32
    %add3A_15 = arith.addi %mul3A_2, %add3A_14 : i32
    %dma_start3A_16 = arith.constant 0 : i32
    %dma_start3A_17 = tpu.memref_slice %arg7[%add3A_15, %dma_start3A_16] : memref<10240x128xf32, #tpu.memory_space<vmem_shared>> -> memref<128x128xf32, #tpu.memory_space<vmem_shared>>
    %dma_start3A_18 = arith.constant 0 : i32
    %dma_start3A_19 = tpu.memref_slice %arg7[%add3A_15, %dma_start3A_18] : memref<10240x128xf32, #tpu.memory_space<vmem_shared>> -> memref<128x128xf32, #tpu.memory_space<vmem_shared>>
    tpu.enqueue_dma source(%arg9 : memref<128x128xf32, #tpu.memory_space<vmem>>) target(%dma_start3A_19 : memref<128x128xf32, #tpu.memory_space<vmem_shared>>) target_semaphore(%arg13 : memref<!tpu.dma_semaphore, #tpu.memory_space<semaphore_mem>>)
    %add3A_20 = arith.constant 384 : i32
    %add3A_21 = arith.addi %mul3A_2, %add3A_20 : i32
    %dma_start3A_22 = arith.constant 0 : i32
    %dma_start3A_23 = tpu.memref_slice %arg7[%add3A_21, %dma_start3A_22] : memref<10240x128xf32, #tpu.memory_space<vmem_shared>> -> memref<128x128xf32, #tpu.memory_space<vmem_shared>>
    %dma_start3A_24 = arith.constant 0 : i32
    %dma_start3A_25 = tpu.memref_slice %arg7[%add3A_21, %dma_start3A_24] : memref<10240x128xf32, #tpu.memory_space<vmem_shared>> -> memref<128x128xf32, #tpu.memory_space<vmem_shared>>
    tpu.enqueue_dma source(%arg9 : memref<128x128xf32, #tpu.memory_space<vmem>>) target(%dma_start3A_25 : memref<128x128xf32, #tpu.memory_space<vmem_shared>>) target_semaphore(%arg13 : memref<!tpu.dma_semaphore, #tpu.memory_space<semaphore_mem>>)
    %add3A_26 = arith.constant 512 : i32
    %add3A_27 = arith.addi %mul3A_2, %add3A_26 : i32
    %dma_start3A_28 = arith.constant 0 : i32
    %dma_start3A_29 = tpu.memref_slice %arg7[%add3A_27, %dma_start3A_28] : memref<10240x128xf32, #tpu.memory_space<vmem_shared>> -> memref<128x128xf32, #tpu.memory_space<vmem_shared>>
    %dma_start3A_30 = arith.constant 0 : i32
    %dma_start3A_31 = tpu.memref_slice %arg7[%add3A_27, %dma_start3A_30] : memref<10240x128xf32, #tpu.memory_space<vmem_shared>> -> memref<128x128xf32, #tpu.memory_space<vmem_shared>>
    tpu.enqueue_dma source(%arg9 : memref<128x128xf32, #tpu.memory_space<vmem>>) target(%dma_start3A_31 : memref<128x128xf32, #tpu.memory_space<vmem_shared>>) target_semaphore(%arg13 : memref<!tpu.dma_semaphore, #tpu.memory_space<semaphore_mem>>)
    %dma_wait3A = arith.constant 0 : i32
    %dma_wait3A_32 = tpu.memref_slice %arg7[%add3A_4, %dma_wait3A] : memref<10240x128xf32, #tpu.memory_space<vmem_shared>> -> memref<128x128xf32, #tpu.memory_space<vmem_shared>>
    %dma_wait3A_33 = arith.constant 0 : i32
    %dma_wait3A_34 = tpu.memref_slice %arg7[%add3A_4, %dma_wait3A_33] : memref<10240x128xf32, #tpu.memory_space<vmem_shared>> -> memref<128x128xf32, #tpu.memory_space<vmem_shared>>
    tpu.wait_dma2 semaphore(%arg13 : memref<!tpu.dma_semaphore, #tpu.memory_space<semaphore_mem>>) src(%arg9 : memref<128x128xf32, #tpu.memory_space<vmem>>) dst(%dma_wait3A_34 : memref<128x128xf32, #tpu.memory_space<vmem_shared>>)
    %dma_wait3A_35 = arith.constant 0 : i32
    %dma_wait3A_36 = tpu.memref_slice %arg7[%add3A_9, %dma_wait3A_35] : memref<10240x128xf32, #tpu.memory_space<vmem_shared>> -> memref<128x128xf32, #tpu.memory_space<vmem_shared>>
    %dma_wait3A_37 = arith.constant 0 : i32
    %dma_wait3A_38 = tpu.memref_slice %arg7[%add3A_9, %dma_wait3A_37] : memref<10240x128xf32, #tpu.memory_space<vmem_shared>> -> memref<128x128xf32, #tpu.memory_space<vmem_shared>>
    tpu.wait_dma2 semaphore(%arg13 : memref<!tpu.dma_semaphore, #tpu.memory_space<semaphore_mem>>) src(%arg9 : memref<128x128xf32, #tpu.memory_space<vmem>>) dst(%dma_wait3A_38 : memref<128x128xf32, #tpu.memory_space<vmem_shared>>)
    %dma_wait3A_39 = arith.constant 0 : i32
    %dma_wait3A_40 = tpu.memref_slice %arg7[%add3A_15, %dma_wait3A_39] : memref<10240x128xf32, #tpu.memory_space<vmem_shared>> -> memref<128x128xf32, #tpu.memory_space<vmem_shared>>
    %dma_wait3A_41 = arith.constant 0 : i32
    %dma_wait3A_42 = tpu.memref_slice %arg7[%add3A_15, %dma_wait3A_41] : memref<10240x128xf32, #tpu.memory_space<vmem_shared>> -> memref<128x128xf32, #tpu.memory_space<vmem_shared>>
    tpu.wait_dma2 semaphore(%arg13 : memref<!tpu.dma_semaphore, #tpu.memory_space<semaphore_mem>>) src(%arg9 : memref<128x128xf32, #tpu.memory_space<vmem>>) dst(%dma_wait3A_42 : memref<128x128xf32, #tpu.memory_space<vmem_shared>>)
    %dma_wait3A_43 = arith.constant 0 : i32
    %dma_wait3A_44 = tpu.memref_slice %arg7[%add3A_21, %dma_wait3A_43] : memref<10240x128xf32, #tpu.memory_space<vmem_shared>> -> memref<128x128xf32, #tpu.memory_space<vmem_shared>>
    %dma_wait3A_45 = arith.constant 0 : i32
    %dma_wait3A_46 = tpu.memref_slice %arg7[%add3A_21, %dma_wait3A_45] : memref<10240x128xf32, #tpu.memory_space<vmem_shared>> -> memref<128x128xf32, #tpu.memory_space<vmem_shared>>
    tpu.wait_dma2 semaphore(%arg13 : memref<!tpu.dma_semaphore, #tpu.memory_space<semaphore_mem>>) src(%arg9 : memref<128x128xf32, #tpu.memory_space<vmem>>) dst(%dma_wait3A_46 : memref<128x128xf32, #tpu.memory_space<vmem_shared>>)
    %dma_wait3A_47 = arith.constant 0 : i32
    %dma_wait3A_48 = tpu.memref_slice %arg7[%add3A_27, %dma_wait3A_47] : memref<10240x128xf32, #tpu.memory_space<vmem_shared>> -> memref<128x128xf32, #tpu.memory_space<vmem_shared>>
    %dma_wait3A_49 = arith.constant 0 : i32
    %dma_wait3A_50 = tpu.memref_slice %arg7[%add3A_27, %dma_wait3A_49] : memref<10240x128xf32, #tpu.memory_space<vmem_shared>> -> memref<128x128xf32, #tpu.memory_space<vmem_shared>>
    tpu.wait_dma2 semaphore(%arg13 : memref<!tpu.dma_semaphore, #tpu.memory_space<semaphore_mem>>) src(%arg9 : memref<128x128xf32, #tpu.memory_space<vmem>>) dst(%dma_wait3A_50 : memref<128x128xf32, #tpu.memory_space<vmem_shared>>)
    %barrier3A = arith.constant 0 : index
    tpu.barrier barrier_id(%barrier3A)
    %mul3A_51 = arith.constant 10000 : i32
    %mul3A_52 = arith.muli %add3A, %mul3A_51 : i32
    %scan3A = arith.constant 0 : i32
    %scan3A_53 = arith.constant 0 : i32
    %scan3A_54 = arith.constant 39 : i32
    %scan3A_55 = arith.addi %scan3A_53, %scan3A_54 : i32
    %scan3A_56 = arith.constant 1 : i32
    scf.for %scan3A_180 = %scan3A_53 to %scan3A_55 step %scan3A_56  : i32 {
      %mul3A_181 = arith.constant 256 : i32
      %mul3A_182 = arith.muli %scan3A_180, %mul3A_181 : i32
      %add3A_183 = arith.addi %mul3A_52, %mul3A_182 : i32
      %add3A_184 = arith.constant 128 : i32
      %add3A_185 = arith.addi %add3A_183, %add3A_184 : i32
      %run_scoped3A = arith.constant 0 : i32
      "tpu.region"() ({
        %run_scoped3A_245 = tpu.sem_alloc : memref<!tpu.dma_semaphore, #tpu.memory_space<semaphore_mem>>
        %dma_start3A_246 = arith.constant 0 : i32
        %dma_start3A_247 = tpu.memref_slice %arg8[%run_scoped3A, %dma_start3A_246] : memref<2x128xi32, #tpu.memory_space<vmem>> -> memref<1x128xi32, #tpu.memory_space<vmem>>
        %dma_start3A_248 = tpu.memref_squeeze %dma_start3A_247 : memref<1x128xi32, #tpu.memory_space<vmem>> -> memref<128xi32, #tpu.memory_space<vmem>>
        %dma_start3A_249 = tpu.memref_slice %arg4[%add3A_183] : memref<320000xi32, #tpu.memory_space<hbm>> -> memref<128xi32, #tpu.memory_space<hbm>>
        %dma_start3A_250 = arith.constant 0 : i32
        %dma_start3A_251 = tpu.memref_slice %arg8[%run_scoped3A, %dma_start3A_250] : memref<2x128xi32, #tpu.memory_space<vmem>> -> memref<1x128xi32, #tpu.memory_space<vmem>>
        %dma_start3A_252 = tpu.memref_squeeze %dma_start3A_251 : memref<1x128xi32, #tpu.memory_space<vmem>> -> memref<128xi32, #tpu.memory_space<vmem>>
        %dma_start3A_253 = tpu.memref_slice %arg4[%add3A_183] : memref<320000xi32, #tpu.memory_space<hbm>> -> memref<128xi32, #tpu.memory_space<hbm>>
        tpu.enqueue_dma source(%dma_start3A_253 : memref<128xi32, #tpu.memory_space<hbm>>) target(%dma_start3A_252 : memref<128xi32, #tpu.memory_space<vmem>>) target_semaphore(%run_scoped3A_245 : memref<!tpu.dma_semaphore, #tpu.memory_space<semaphore_mem>>)
        %dma_wait3A_254 = arith.constant 0 : i32
        %dma_wait3A_255 = tpu.memref_slice %arg8[%run_scoped3A, %dma_wait3A_254] : memref<2x128xi32, #tpu.memory_space<vmem>> -> memref<1x128xi32, #tpu.memory_space<vmem>>
        %dma_wait3A_256 = tpu.memref_squeeze %dma_wait3A_255 : memref<1x128xi32, #tpu.memory_space<vmem>> -> memref<128xi32, #tpu.memory_space<vmem>>
        %dma_wait3A_257 = tpu.memref_slice %arg4[%add3A_183] : memref<320000xi32, #tpu.memory_space<hbm>> -> memref<128xi32, #tpu.memory_space<hbm>>
        %dma_wait3A_258 = arith.constant 0 : i32
        %dma_wait3A_259 = tpu.memref_slice %arg8[%run_scoped3A, %dma_wait3A_258] : memref<2x128xi32, #tpu.memory_space<vmem>> -> memref<1x128xi32, #tpu.memory_space<vmem>>
        %dma_wait3A_260 = tpu.memref_squeeze %dma_wait3A_259 : memref<1x128xi32, #tpu.memory_space<vmem>> -> memref<128xi32, #tpu.memory_space<vmem>>
        %dma_wait3A_261 = tpu.memref_slice %arg4[%add3A_183] : memref<320000xi32, #tpu.memory_space<hbm>> -> memref<128xi32, #tpu.memory_space<hbm>>
        tpu.wait_dma2 semaphore(%run_scoped3A_245 : memref<!tpu.dma_semaphore, #tpu.memory_space<semaphore_mem>>) src(%dma_wait3A_261 : memref<128xi32, #tpu.memory_space<hbm>>) dst(%dma_wait3A_260 : memref<128xi32, #tpu.memory_space<vmem>>)
        tpu.yield
      }) : () -> ()
      %run_scoped3A_186 = arith.constant 0 : i32
      "tpu.region"() ({
        %run_scoped3A_245 = tpu.sem_alloc : memref<!tpu.dma_semaphore, #tpu.memory_space<semaphore_mem>>
        %dma_start3A_246 = arith.constant 0 : i32
        %dma_start3A_247 = tpu.memref_slice %arg17[%run_scoped3A_186, %dma_start3A_246] : memref<2x128xi32, #tpu.memory_space<vmem>> -> memref<1x128xi32, #tpu.memory_space<vmem>>
        %dma_start3A_248 = tpu.memref_squeeze %dma_start3A_247 : memref<1x128xi32, #tpu.memory_space<vmem>> -> memref<128xi32, #tpu.memory_space<vmem>>
        %dma_start3A_249 = tpu.memref_slice %arg3[%add3A_183] : memref<320000xi32, #tpu.memory_space<hbm>> -> memref<128xi32, #tpu.memory_space<hbm>>
        %dma_start3A_250 = arith.constant 0 : i32
        %dma_start3A_251 = tpu.memref_slice %arg17[%run_scoped3A_186, %dma_start3A_250] : memref<2x128xi32, #tpu.memory_space<vmem>> -> memref<1x128xi32, #tpu.memory_space<vmem>>
        %dma_start3A_252 = tpu.memref_squeeze %dma_start3A_251 : memref<1x128xi32, #tpu.memory_space<vmem>> -> memref<128xi32, #tpu.memory_space<vmem>>
        %dma_start3A_253 = tpu.memref_slice %arg3[%add3A_183] : memref<320000xi32, #tpu.memory_space<hbm>> -> memref<128xi32, #tpu.memory_space<hbm>>
        tpu.enqueue_dma source(%dma_start3A_253 : memref<128xi32, #tpu.memory_space<hbm>>) target(%dma_start3A_252 : memref<128xi32, #tpu.memory_space<vmem>>) target_semaphore(%run_scoped3A_245 : memref<!tpu.dma_semaphore, #tpu.memory_space<semaphore_mem>>)
        %dma_wait3A_254 = arith.constant 0 : i32
        %dma_wait3A_255 = tpu.memref_slice %arg17[%run_scoped3A_186, %dma_wait3A_254] : memref<2x128xi32, #tpu.memory_space<vmem>> -> memref<1x128xi32, #tpu.memory_space<vmem>>
        %dma_wait3A_256 = tpu.memref_squeeze %dma_wait3A_255 : memref<1x128xi32, #tpu.memory_space<vmem>> -> memref<128xi32, #tpu.memory_space<vmem>>
        %dma_wait3A_257 = tpu.memref_slice %arg3[%add3A_183] : memref<320000xi32, #tpu.memory_space<hbm>> -> memref<128xi32, #tpu.memory_space<hbm>>
        %dma_wait3A_258 = arith.constant 0 : i32
        %dma_wait3A_259 = tpu.memref_slice %arg17[%run_scoped3A_186, %dma_wait3A_258] : memref<2x128xi32, #tpu.memory_space<vmem>> -> memref<1x128xi32, #tpu.memory_space<vmem>>
        %dma_wait3A_260 = tpu.memref_squeeze %dma_wait3A_259 : memref<1x128xi32, #tpu.memory_space<vmem>> -> memref<128xi32, #tpu.memory_space<vmem>>
        %dma_wait3A_261 = tpu.memref_slice %arg3[%add3A_183] : memref<320000xi32, #tpu.memory_space<hbm>> -> memref<128xi32, #tpu.memory_space<hbm>>
        tpu.wait_dma2 semaphore(%run_scoped3A_245 : memref<!tpu.dma_semaphore, #tpu.memory_space<semaphore_mem>>) src(%dma_wait3A_261 : memref<128xi32, #tpu.memory_space<hbm>>) dst(%dma_wait3A_260 : memref<128xi32, #tpu.memory_space<vmem>>)
        tpu.yield
      }) : () -> ()
      %dma_start3A_187 = arith.constant 0 : i32
      %dma_start3A_188 = arith.constant 0 : i32
      %dma_start3A_189 = tpu.memref_slice %arg17[%dma_start3A_187, %dma_start3A_188] : memref<2x128xi32, #tpu.memory_space<vmem>> -> memref<1x128xi32, #tpu.memory_space<vmem>>
      %dma_start3A_190 = tpu.memref_squeeze %dma_start3A_189 : memref<1x128xi32, #tpu.memory_space<vmem>> -> memref<128xi32, #tpu.memory_space<vmem>>
      %dma_start3A_191 = arith.constant 0 : i32
      %dma_start3A_192 = arith.constant 0 : i32
      %dma_start3A_193 = tpu.memref_slice %arg2[%dma_start3A_191, %dma_start3A_192] : memref<10000x128xf32, #tpu.memory_space<hbm>> -> memref<10000x128xf32, #tpu.memory_space<hbm>>
      tpu.enqueue_indirect_dma source(%dma_start3A_193 : memref<10000x128xf32, #tpu.memory_space<hbm>>) target(%arg9 : memref<128x128xf32, #tpu.memory_space<vmem>>) offsets(%dma_start3A_190 : memref<128xi32, #tpu.memory_space<vmem>>) semaphore(%arg11 : memref<!tpu.dma_semaphore, #tpu.memory_space<semaphore_mem>>)
      %run_scoped3A_194 = arith.constant 1 : i32
      "tpu.region"() ({
        %run_scoped3A_245 = tpu.sem_alloc : memref<!tpu.dma_semaphore, #tpu.memory_space<semaphore_mem>>
        %dma_start3A_246 = arith.constant 0 : i32
        %dma_start3A_247 = tpu.memref_slice %arg8[%run_scoped3A_194, %dma_start3A_246] : memref<2x128xi32, #tpu.memory_space<vmem>> -> memref<1x128xi32, #tpu.memory_space<vmem>>
        %dma_start3A_248 = tpu.memref_squeeze %dma_start3A_247 : memref<1x128xi32, #tpu.memory_space<vmem>> -> memref<128xi32, #tpu.memory_space<vmem>>
        %dma_start3A_249 = tpu.memref_slice %arg4[%add3A_185] : memref<320000xi32, #tpu.memory_space<hbm>> -> memref<128xi32, #tpu.memory_space<hbm>>
        %dma_start3A_250 = arith.constant 0 : i32
        %dma_start3A_251 = tpu.memref_slice %arg8[%run_scoped3A_194, %dma_start3A_250] : memref<2x128xi32, #tpu.memory_space<vmem>> -> memref<1x128xi32, #tpu.memory_space<vmem>>
        %dma_start3A_252 = tpu.memref_squeeze %dma_start3A_251 : memref<1x128xi32, #tpu.memory_space<vmem>> -> memref<128xi32, #tpu.memory_space<vmem>>
        %dma_start3A_253 = tpu.memref_slice %arg4[%add3A_185] : memref<320000xi32, #tpu.memory_space<hbm>> -> memref<128xi32, #tpu.memory_space<hbm>>
        tpu.enqueue_dma source(%dma_start3A_253 : memref<128xi32, #tpu.memory_space<hbm>>) target(%dma_start3A_252 : memref<128xi32, #tpu.memory_space<vmem>>) target_semaphore(%run_scoped3A_245 : memref<!tpu.dma_semaphore, #tpu.memory_space<semaphore_mem>>)
        %dma_wait3A_254 = arith.constant 0 : i32
        %dma_wait3A_255 = tpu.memref_slice %arg8[%run_scoped3A_194, %dma_wait3A_254] : memref<2x128xi32, #tpu.memory_space<vmem>> -> memref<1x128xi32, #tpu.memory_space<vmem>>
        %dma_wait3A_256 = tpu.memref_squeeze %dma_wait3A_255 : memref<1x128xi32, #tpu.memory_space<vmem>> -> memref<128xi32, #tpu.memory_space<vmem>>
        %dma_wait3A_257 = tpu.memref_slice %arg4[%add3A_185] : memref<320000xi32, #tpu.memory_space<hbm>> -> memref<128xi32, #tpu.memory_space<hbm>>
        %dma_wait3A_258 = arith.constant 0 : i32
        %dma_wait3A_259 = tpu.memref_slice %arg8[%run_scoped3A_194, %dma_wait3A_258] : memref<2x128xi32, #tpu.memory_space<vmem>> -> memref<1x128xi32, #tpu.memory_space<vmem>>
        %dma_wait3A_260 = tpu.memref_squeeze %dma_wait3A_259 : memref<1x128xi32, #tpu.memory_space<vmem>> -> memref<128xi32, #tpu.memory_space<vmem>>
        %dma_wait3A_261 = tpu.memref_slice %arg4[%add3A_185] : memref<320000xi32, #tpu.memory_space<hbm>> -> memref<128xi32, #tpu.memory_space<hbm>>
        tpu.wait_dma2 semaphore(%run_scoped3A_245 : memref<!tpu.dma_semaphore, #tpu.memory_space<semaphore_mem>>) src(%dma_wait3A_261 : memref<128xi32, #tpu.memory_space<hbm>>) dst(%dma_wait3A_260 : memref<128xi32, #tpu.memory_space<vmem>>)
        tpu.yield
      }) : () -> ()
      %run_scoped3A_195 = arith.constant 1 : i32
      "tpu.region"() ({
        %run_scoped3A_245 = tpu.sem_alloc : memref<!tpu.dma_semaphore, #tpu.memory_space<semaphore_mem>>
        %dma_start3A_246 = arith.constant 0 : i32
        %dma_start3A_247 = tpu.memref_slice %arg17[%run_scoped3A_195, %dma_start3A_246] : memref<2x128xi32, #tpu.memory_space<vmem>> -> memref<1x128xi32, #tpu.memory_space<vmem>>
        %dma_start3A_248 = tpu.memref_squeeze %dma_start3A_247 : memref<1x128xi32, #tpu.memory_space<vmem>> -> memref<128xi32, #tpu.memory_space<vmem>>
        %dma_start3A_249 = tpu.memref_slice %arg3[%add3A_185] : memref<320000xi32, #tpu.memory_space<hbm>> -> memref<128xi32, #tpu.memory_space<hbm>>
        %dma_start3A_250 = arith.constant 0 : i32
        %dma_start3A_251 = tpu.memref_slice %arg17[%run_scoped3A_195, %dma_start3A_250] : memref<2x128xi32, #tpu.memory_space<vmem>> -> memref<1x128xi32, #tpu.memory_space<vmem>>
        %dma_start3A_252 = tpu.memref_squeeze %dma_start3A_251 : memref<1x128xi32, #tpu.memory_space<vmem>> -> memref<128xi32, #tpu.memory_space<vmem>>
        %dma_start3A_253 = tpu.memref_slice %arg3[%add3A_185] : memref<320000xi32, #tpu.memory_space<hbm>> -> memref<128xi32, #tpu.memory_space<hbm>>
        tpu.enqueue_dma source(%dma_start3A_253 : memref<128xi32, #tpu.memory_space<hbm>>) target(%dma_start3A_252 : memref<128xi32, #tpu.memory_space<vmem>>) target_semaphore(%run_scoped3A_245 : memref<!tpu.dma_semaphore, #tpu.memory_space<semaphore_mem>>)
        %dma_wait3A_254 = arith.constant 0 : i32
        %dma_wait3A_255 = tpu.memref_slice %arg17[%run_scoped3A_195, %dma_wait3A_254] : memref<2x128xi32, #tpu.memory_space<vmem>> -> memref<1x128xi32, #tpu.memory_space<vmem>>
        %dma_wait3A_256 = tpu.memref_squeeze %dma_wait3A_255 : memref<1x128xi32, #tpu.memory_space<vmem>> -> memref<128xi32, #tpu.memory_space<vmem>>
        %dma_wait3A_257 = tpu.memref_slice %arg3[%add3A_185] : memref<320000xi32, #tpu.memory_space<hbm>> -> memref<128xi32, #tpu.memory_space<hbm>>
        %dma_wait3A_258 = arith.constant 0 : i32
        %dma_wait3A_259 = tpu.memref_slice %arg17[%run_scoped3A_195, %dma_wait3A_258] : memref<2x128xi32, #tpu.memory_space<vmem>> -> memref<1x128xi32, #tpu.memory_space<vmem>>
        %dma_wait3A_260 = tpu.memref_squeeze %dma_wait3A_259 : memref<1x128xi32, #tpu.memory_space<vmem>> -> memref<128xi32, #tpu.memory_space<vmem>>
        %dma_wait3A_261 = tpu.memref_slice %arg3[%add3A_185] : memref<320000xi32, #tpu.memory_space<hbm>> -> memref<128xi32, #tpu.memory_space<hbm>>
        tpu.wait_dma2 semaphore(%run_scoped3A_245 : memref<!tpu.dma_semaphore, #tpu.memory_space<semaphore_mem>>) src(%dma_wait3A_261 : memref<128xi32, #tpu.memory_space<hbm>>) dst(%dma_wait3A_260 : memref<128xi32, #tpu.memory_space<vmem>>)
        tpu.yield
      }) : () -> ()
      %dma_start3A_196 = arith.constant 1 : i32
      %dma_start3A_197 = arith.constant 0 : i32
      %dma_start3A_198 = tpu.memref_slice %arg17[%dma_start3A_196, %dma_start3A_197] : memref<2x128xi32, #tpu.memory_space<vmem>> -> memref<1x128xi32, #tpu.memory_space<vmem>>
      %dma_start3A_199 = tpu.memref_squeeze %dma_start3A_198 : memref<1x128xi32, #tpu.memory_space<vmem>> -> memref<128xi32, #tpu.memory_space<vmem>>
      %dma_start3A_200 = arith.constant 0 : i32
      %dma_start3A_201 = arith.constant 0 : i32
      %dma_start3A_202 = tpu.memref_slice %arg2[%dma_start3A_200, %dma_start3A_201] : memref<10000x128xf32, #tpu.memory_space<hbm>> -> memref<10000x128xf32, #tpu.memory_space<hbm>>
      tpu.enqueue_indirect_dma source(%dma_start3A_202 : memref<10000x128xf32, #tpu.memory_space<hbm>>) target(%arg10 : memref<128x128xf32, #tpu.memory_space<vmem>>) offsets(%dma_start3A_199 : memref<128xi32, #tpu.memory_space<vmem>>) semaphore(%arg12 : memref<!tpu.dma_semaphore, #tpu.memory_space<semaphore_mem>>)
      %dma_wait3A_203 = arith.constant 0 : i32
      %dma_wait3A_204 = arith.constant 0 : i32
      %dma_wait3A_205 = tpu.memref_slice %arg17[%dma_wait3A_203, %dma_wait3A_204] : memref<2x128xi32, #tpu.memory_space<vmem>> -> memref<1x128xi32, #tpu.memory_space<vmem>>
      %dma_wait3A_206 = tpu.memref_squeeze %dma_wait3A_205 : memref<1x128xi32, #tpu.memory_space<vmem>> -> memref<128xi32, #tpu.memory_space<vmem>>
      %dma_wait3A_207 = arith.constant 0 : i32
      %dma_wait3A_208 = arith.constant 0 : i32
      %dma_wait3A_209 = tpu.memref_slice %arg2[%dma_wait3A_207, %dma_wait3A_208] : memref<10000x128xf32, #tpu.memory_space<hbm>> -> memref<10000x128xf32, #tpu.memory_space<hbm>>
      tpu.wait_indirect_dma semaphore(%arg11 : memref<!tpu.dma_semaphore, #tpu.memory_space<semaphore_mem>>) src(%dma_wait3A_209 : memref<10000x128xf32, #tpu.memory_space<hbm>>) dst(%arg9 : memref<128x128xf32, #tpu.memory_space<vmem>>)
      %dma_start3A_210 = arith.constant 0 : i32
      %dma_start3A_211 = arith.constant 0 : i32
      %dma_start3A_212 = tpu.memref_slice %arg8[%dma_start3A_210, %dma_start3A_211] : memref<2x128xi32, #tpu.memory_space<vmem>> -> memref<1x128xi32, #tpu.memory_space<vmem>>
      %dma_start3A_213 = tpu.memref_squeeze %dma_start3A_212 : memref<1x128xi32, #tpu.memory_space<vmem>> -> memref<128xi32, #tpu.memory_space<vmem>>
      %dma_start3A_214 = arith.constant 0 : i32
      %dma_start3A_215 = arith.constant 0 : i32
      %dma_start3A_216 = tpu.memref_slice %arg7[%dma_start3A_214, %dma_start3A_215] : memref<10240x128xf32, #tpu.memory_space<vmem_shared>> -> memref<10240x128xf32, #tpu.memory_space<vmem_shared>>
      tpu.enqueue_indirect_dma source(%arg9 : memref<128x128xf32, #tpu.memory_space<vmem>>) target(%dma_start3A_216 : memref<10240x128xf32, #tpu.memory_space<vmem_shared>>) offsets(%dma_start3A_213 : memref<128xi32, #tpu.memory_space<vmem>>) semaphore(%arg13 : memref<!tpu.dma_semaphore, #tpu.memory_space<semaphore_mem>>) {add = true}
      %dma_wait3A_217 = arith.constant 1 : i32
      %dma_wait3A_218 = arith.constant 0 : i32
      %dma_wait3A_219 = tpu.memref_slice %arg17[%dma_wait3A_217, %dma_wait3A_218] : memref<2x128xi32, #tpu.memory_space<vmem>> -> memref<1x128xi32, #tpu.memory_space<vmem>>
      %dma_wait3A_220 = tpu.memref_squeeze %dma_wait3A_219 : memref<1x128xi32, #tpu.memory_space<vmem>> -> memref<128xi32, #tpu.memory_space<vmem>>
      %dma_wait3A_221 = arith.constant 0 : i32
      %dma_wait3A_222 = arith.constant 0 : i32
      %dma_wait3A_223 = tpu.memref_slice %arg2[%dma_wait3A_221, %dma_wait3A_222] : memref<10000x128xf32, #tpu.memory_space<hbm>> -> memref<10000x128xf32, #tpu.memory_space<hbm>>
      tpu.wait_indirect_dma semaphore(%arg12 : memref<!tpu.dma_semaphore, #tpu.memory_space<semaphore_mem>>) src(%dma_wait3A_223 : memref<10000x128xf32, #tpu.memory_space<hbm>>) dst(%arg10 : memref<128x128xf32, #tpu.memory_space<vmem>>)
      %dma_start3A_224 = arith.constant 1 : i32
      %dma_start3A_225 = arith.constant 0 : i32
      %dma_start3A_226 = tpu.memref_slice %arg8[%dma_start3A_224, %dma_start3A_225] : memref<2x128xi32, #tpu.memory_space<vmem>> -> memref<1x128xi32, #tpu.memory_space<vmem>>
      %dma_start3A_227 = tpu.memref_squeeze %dma_start3A_226 : memref<1x128xi32, #tpu.memory_space<vmem>> -> memref<128xi32, #tpu.memory_space<vmem>>
      %dma_start3A_228 = arith.constant 0 : i32
      %dma_start3A_229 = arith.constant 0 : i32
      %dma_start3A_230 = tpu.memref_slice %arg7[%dma_start3A_228, %dma_start3A_229] : memref<10240x128xf32, #tpu.memory_space<vmem_shared>> -> memref<10240x128xf32, #tpu.memory_space<vmem_shared>>
      tpu.enqueue_indirect_dma source(%arg10 : memref<128x128xf32, #tpu.memory_space<vmem>>) target(%dma_start3A_230 : memref<10240x128xf32, #tpu.memory_space<vmem_shared>>) offsets(%dma_start3A_227 : memref<128xi32, #tpu.memory_space<vmem>>) semaphore(%arg14 : memref<!tpu.dma_semaphore, #tpu.memory_space<semaphore_mem>>) {add = true}
      %dma_wait3A_231 = arith.constant 0 : i32
      %dma_wait3A_232 = arith.constant 0 : i32
      %dma_wait3A_233 = tpu.memref_slice %arg8[%dma_wait3A_231, %dma_wait3A_232] : memref<2x128xi32, #tpu.memory_space<vmem>> -> memref<1x128xi32, #tpu.memory_space<vmem>>
      %dma_wait3A_234 = tpu.memref_squeeze %dma_wait3A_233 : memref<1x128xi32, #tpu.memory_space<vmem>> -> memref<128xi32, #tpu.memory_space<vmem>>
      %dma_wait3A_235 = arith.constant 0 : i32
      %dma_wait3A_236 = arith.constant 0 : i32
      %dma_wait3A_237 = tpu.memref_slice %arg7[%dma_wait3A_235, %dma_wait3A_236] : memref<10240x128xf32, #tpu.memory_space<vmem_shared>> -> memref<10240x128xf32, #tpu.memory_space<vmem_shared>>
      tpu.wait_indirect_dma semaphore(%arg13 : memref<!tpu.dma_semaphore, #tpu.memory_space<semaphore_mem>>) src(%arg9 : memref<128x128xf32, #tpu.memory_space<vmem>>) dst(%dma_wait3A_237 : memref<10240x128xf32, #tpu.memory_space<vmem_shared>>)
      %dma_wait3A_238 = arith.constant 1 : i32
      %dma_wait3A_239 = arith.constant 0 : i32
      %dma_wait3A_240 = tpu.memref_slice %arg8[%dma_wait3A_238, %dma_wait3A_239] : memref<2x128xi32, #tpu.memory_space<vmem>> -> memref<1x128xi32, #tpu.memory_space<vmem>>
      %dma_wait3A_241 = tpu.memref_squeeze %dma_wait3A_240 : memref<1x128xi32, #tpu.memory_space<vmem>> -> memref<128xi32, #tpu.memory_space<vmem>>
      %dma_wait3A_242 = arith.constant 0 : i32
      %dma_wait3A_243 = arith.constant 0 : i32
      %dma_wait3A_244 = tpu.memref_slice %arg7[%dma_wait3A_242, %dma_wait3A_243] : memref<10240x128xf32, #tpu.memory_space<vmem_shared>> -> memref<10240x128xf32, #tpu.memory_space<vmem_shared>>
      tpu.wait_indirect_dma semaphore(%arg14 : memref<!tpu.dma_semaphore, #tpu.memory_space<semaphore_mem>>) src(%arg10 : memref<128x128xf32, #tpu.memory_space<vmem>>) dst(%dma_wait3A_244 : memref<10240x128xf32, #tpu.memory_space<vmem_shared>>)
    }
    %scan3A_57 = arith.constant 39 : i32
    %add3A_58 = arith.constant 9984 : i32
    %add3A_59 = arith.addi %mul3A_52, %add3A_58 : i32
    "tpu.region"() ({
      %run_scoped3A = tpu.sem_alloc : memref<!tpu.dma_semaphore, #tpu.memory_space<semaphore_mem>>
      %dma_start3A_180 = tpu.memref_slice %arg4[%add3A_59] : memref<320000xi32, #tpu.memory_space<hbm>> -> memref<16xi32, #tpu.memory_space<hbm>>
      %dma_start3A_181 = tpu.memref_slice %arg4[%add3A_59] : memref<320000xi32, #tpu.memory_space<hbm>> -> memref<16xi32, #tpu.memory_space<hbm>>
      tpu.enqueue_dma source(%dma_start3A_181 : memref<16xi32, #tpu.memory_space<hbm>>) target(%arg15 : memref<16xi32, #tpu.memory_space<vmem>>) target_semaphore(%run_scoped3A : memref<!tpu.dma_semaphore, #tpu.memory_space<semaphore_mem>>)
      %dma_wait3A_182 = tpu.memref_slice %arg4[%add3A_59] : memref<320000xi32, #tpu.memory_space<hbm>> -> memref<16xi32, #tpu.memory_space<hbm>>
      %dma_wait3A_183 = tpu.memref_slice %arg4[%add3A_59] : memref<320000xi32, #tpu.memory_space<hbm>> -> memref<16xi32, #tpu.memory_space<hbm>>
      tpu.wait_dma2 semaphore(%run_scoped3A : memref<!tpu.dma_semaphore, #tpu.memory_space<semaphore_mem>>) src(%dma_wait3A_183 : memref<16xi32, #tpu.memory_space<hbm>>) dst(%arg15 : memref<16xi32, #tpu.memory_space<vmem>>)
      tpu.yield
    }) : () -> ()
    "tpu.region"() ({
      %run_scoped3A = tpu.sem_alloc : memref<!tpu.dma_semaphore, #tpu.memory_space<semaphore_mem>>
      %dma_start3A_180 = tpu.memref_slice %arg3[%add3A_59] : memref<320000xi32, #tpu.memory_space<hbm>> -> memref<16xi32, #tpu.memory_space<hbm>>
      %dma_start3A_181 = tpu.memref_slice %arg3[%add3A_59] : memref<320000xi32, #tpu.memory_space<hbm>> -> memref<16xi32, #tpu.memory_space<hbm>>
      tpu.enqueue_dma source(%dma_start3A_181 : memref<16xi32, #tpu.memory_space<hbm>>) target(%arg18 : memref<16xi32, #tpu.memory_space<vmem>>) target_semaphore(%run_scoped3A : memref<!tpu.dma_semaphore, #tpu.memory_space<semaphore_mem>>)
      %dma_wait3A_182 = tpu.memref_slice %arg3[%add3A_59] : memref<320000xi32, #tpu.memory_space<hbm>> -> memref<16xi32, #tpu.memory_space<hbm>>
      %dma_wait3A_183 = tpu.memref_slice %arg3[%add3A_59] : memref<320000xi32, #tpu.memory_space<hbm>> -> memref<16xi32, #tpu.memory_space<hbm>>
      tpu.wait_dma2 semaphore(%run_scoped3A : memref<!tpu.dma_semaphore, #tpu.memory_space<semaphore_mem>>) src(%dma_wait3A_183 : memref<16xi32, #tpu.memory_space<hbm>>) dst(%arg18 : memref<16xi32, #tpu.memory_space<vmem>>)
      tpu.yield
    }) : () -> ()
    %dma_start3A_60 = arith.constant 0 : i32
    %dma_start3A_61 = arith.constant 0 : i32
    %dma_start3A_62 = tpu.memref_slice %arg2[%dma_start3A_60, %dma_start3A_61] : memref<10000x128xf32, #tpu.memory_space<hbm>> -> memref<10000x128xf32, #tpu.memory_space<hbm>>
    tpu.enqueue_indirect_dma source(%dma_start3A_62 : memref<10000x128xf32, #tpu.memory_space<hbm>>) target(%arg16 : memref<16x128xf32, #tpu.memory_space<vmem>>) offsets(%arg18 : memref<16xi32, #tpu.memory_space<vmem>>) semaphore(%arg11 : memref<!tpu.dma_semaphore, #tpu.memory_space<semaphore_mem>>)
    %dma_wait3A_63 = arith.constant 0 : i32
    %dma_wait3A_64 = arith.constant 0 : i32
    %dma_wait3A_65 = tpu.memref_slice %arg2[%dma_wait3A_63, %dma_wait3A_64] : memref<10000x128xf32, #tpu.memory_space<hbm>> -> memref<10000x128xf32, #tpu.memory_space<hbm>>
    tpu.wait_indirect_dma semaphore(%arg11 : memref<!tpu.dma_semaphore, #tpu.memory_space<semaphore_mem>>) src(%dma_wait3A_65 : memref<10000x128xf32, #tpu.memory_space<hbm>>) dst(%arg16 : memref<16x128xf32, #tpu.memory_space<vmem>>)
    "tpu.region"() ({
      %run_scoped3A = tpu.sem_alloc : memref<!tpu.dma_semaphore, #tpu.memory_space<semaphore_mem>>
      %dma_start3A_180 = arith.constant 0 : i32
      %dma_start3A_181 = arith.constant 0 : i32
      %dma_start3A_182 = tpu.memref_slice %arg7[%dma_start3A_180, %dma_start3A_181] : memref<10240x128xf32, #tpu.memory_space<vmem_shared>> -> memref<10240x128xf32, #tpu.memory_space<vmem_shared>>
      tpu.enqueue_indirect_dma source(%arg16 : memref<16x128xf32, #tpu.memory_space<vmem>>) target(%dma_start3A_182 : memref<10240x128xf32, #tpu.memory_space<vmem_shared>>) offsets(%arg15 : memref<16xi32, #tpu.memory_space<vmem>>) semaphore(%run_scoped3A : memref<!tpu.dma_semaphore, #tpu.memory_space<semaphore_mem>>) {add = true}
      %dma_wait3A_183 = arith.constant 0 : i32
      %dma_wait3A_184 = arith.constant 0 : i32
      %dma_wait3A_185 = tpu.memref_slice %arg7[%dma_wait3A_183, %dma_wait3A_184] : memref<10240x128xf32, #tpu.memory_space<vmem_shared>> -> memref<10240x128xf32, #tpu.memory_space<vmem_shared>>
      tpu.wait_indirect_dma semaphore(%run_scoped3A : memref<!tpu.dma_semaphore, #tpu.memory_space<semaphore_mem>>) src(%arg16 : memref<16x128xf32, #tpu.memory_space<vmem>>) dst(%dma_wait3A_185 : memref<10240x128xf32, #tpu.memory_space<vmem_shared>>)
      tpu.yield
    }) : () -> ()
    %barrier3A_66 = arith.constant 0 : index
    tpu.barrier barrier_id(%barrier3A_66)
    %dma_start3A_67 = arith.constant 0 : i32
    %dma_start3A_68 = tpu.memref_slice %arg7[%mul3A_2, %dma_start3A_67] : memref<10240x128xf32, #tpu.memory_space<vmem_shared>> -> memref<128x128xf32, #tpu.memory_space<vmem_shared>>
    %dma_start3A_69 = arith.constant 0 : i32
    %dma_start3A_70 = tpu.memref_slice %arg7[%mul3A_2, %dma_start3A_69] : memref<10240x128xf32, #tpu.memory_space<vmem_shared>> -> memref<128x128xf32, #tpu.memory_space<vmem_shared>>
    tpu.enqueue_dma source(%dma_start3A_70 : memref<128x128xf32, #tpu.memory_space<vmem_shared>>) target(%arg9 : memref<128x128xf32, #tpu.memory_space<vmem>>) target_semaphore(%arg11 : memref<!tpu.dma_semaphore, #tpu.memory_space<semaphore_mem>>)
    %add3A_71 = arith.constant 128 : i32
    %add3A_72 = arith.addi %mul3A_2, %add3A_71 : i32
    %dma_start3A_73 = arith.constant 0 : i32
    %dma_start3A_74 = tpu.memref_slice %arg7[%add3A_72, %dma_start3A_73] : memref<10240x128xf32, #tpu.memory_space<vmem_shared>> -> memref<128x128xf32, #tpu.memory_space<vmem_shared>>
    %dma_start3A_75 = arith.constant 0 : i32
    %dma_start3A_76 = tpu.memref_slice %arg7[%add3A_72, %dma_start3A_75] : memref<10240x128xf32, #tpu.memory_space<vmem_shared>> -> memref<128x128xf32, #tpu.memory_space<vmem_shared>>
    tpu.enqueue_dma source(%dma_start3A_76 : memref<128x128xf32, #tpu.memory_space<vmem_shared>>) target(%arg10 : memref<128x128xf32, #tpu.memory_space<vmem>>) target_semaphore(%arg12 : memref<!tpu.dma_semaphore, #tpu.memory_space<semaphore_mem>>)
    %dma_wait3A_77 = arith.constant 0 : i32
    %dma_wait3A_78 = tpu.memref_slice %arg7[%mul3A_2, %dma_wait3A_77] : memref<10240x128xf32, #tpu.memory_space<vmem_shared>> -> memref<128x128xf32, #tpu.memory_space<vmem_shared>>
    %dma_wait3A_79 = arith.constant 0 : i32
    %dma_wait3A_80 = tpu.memref_slice %arg7[%mul3A_2, %dma_wait3A_79] : memref<10240x128xf32, #tpu.memory_space<vmem_shared>> -> memref<128x128xf32, #tpu.memory_space<vmem_shared>>
    tpu.wait_dma2 semaphore(%arg11 : memref<!tpu.dma_semaphore, #tpu.memory_space<semaphore_mem>>) src(%dma_wait3A_80 : memref<128x128xf32, #tpu.memory_space<vmem_shared>>) dst(%arg9 : memref<128x128xf32, #tpu.memory_space<vmem>>)
    %mul3A_81 = arith.constant 10240 : i32
    %mul3A_82 = arith.muli %arg0, %mul3A_81 : i32
    %add3A_83 = arith.addi %mul3A_82, %mul3A_2 : i32
    %add3A_84 = arith.constant 0 : i32
    %add3A_85 = arith.addi %add3A_83, %add3A_84 : i32
    %dma_start3A_86 = arith.constant 0 : i32
    %dma_start3A_87 = tpu.memref_slice %arg6[%add3A_85, %dma_start3A_86] : memref<20480x128xf32, #tpu.memory_space<hbm>> -> memref<128x128xf32, #tpu.memory_space<hbm>>
    %dma_start3A_88 = arith.constant 0 : i32
    %dma_start3A_89 = tpu.memref_slice %arg6[%add3A_85, %dma_start3A_88] : memref<20480x128xf32, #tpu.memory_space<hbm>> -> memref<128x128xf32, #tpu.memory_space<hbm>>
    tpu.enqueue_dma source(%arg9 : memref<128x128xf32, #tpu.memory_space<vmem>>) target(%dma_start3A_89 : memref<128x128xf32, #tpu.memory_space<hbm>>) target_semaphore(%arg13 : memref<!tpu.dma_semaphore, #tpu.memory_space<semaphore_mem>>)
    %dma_wait3A_90 = arith.constant 0 : i32
    %dma_wait3A_91 = tpu.memref_slice %arg6[%add3A_85, %dma_wait3A_90] : memref<20480x128xf32, #tpu.memory_space<hbm>> -> memref<128x128xf32, #tpu.memory_space<hbm>>
    %dma_wait3A_92 = arith.constant 0 : i32
    %dma_wait3A_93 = tpu.memref_slice %arg6[%add3A_85, %dma_wait3A_92] : memref<20480x128xf32, #tpu.memory_space<hbm>> -> memref<128x128xf32, #tpu.memory_space<hbm>>
    tpu.wait_dma2 semaphore(%arg13 : memref<!tpu.dma_semaphore, #tpu.memory_space<semaphore_mem>>) src(%arg9 : memref<128x128xf32, #tpu.memory_space<vmem>>) dst(%dma_wait3A_93 : memref<128x128xf32, #tpu.memory_space<hbm>>)
    %add3A_94 = arith.constant 256 : i32
    %add3A_95 = arith.addi %mul3A_2, %add3A_94 : i32
    %dma_start3A_96 = arith.constant 0 : i32
    %dma_start3A_97 = tpu.memref_slice %arg7[%add3A_95, %dma_start3A_96] : memref<10240x128xf32, #tpu.memory_space<vmem_shared>> -> memref<128x128xf32, #tpu.memory_space<vmem_shared>>
    %dma_start3A_98 = arith.constant 0 : i32
    %dma_start3A_99 = tpu.memref_slice %arg7[%add3A_95, %dma_start3A_98] : memref<10240x128xf32, #tpu.memory_space<vmem_shared>> -> memref<128x128xf32, #tpu.memory_space<vmem_shared>>
    tpu.enqueue_dma source(%dma_start3A_99 : memref<128x128xf32, #tpu.memory_space<vmem_shared>>) target(%arg9 : memref<128x128xf32, #tpu.memory_space<vmem>>) target_semaphore(%arg11 : memref<!tpu.dma_semaphore, #tpu.memory_space<semaphore_mem>>)
    %dma_wait3A_100 = arith.constant 0 : i32
    %dma_wait3A_101 = tpu.memref_slice %arg7[%add3A_72, %dma_wait3A_100] : memref<10240x128xf32, #tpu.memory_space<vmem_shared>> -> memref<128x128xf32, #tpu.memory_space<vmem_shared>>
    %dma_wait3A_102 = arith.constant 0 : i32
    %dma_wait3A_103 = tpu.memref_slice %arg7[%add3A_72, %dma_wait3A_102] : memref<10240x128xf32, #tpu.memory_space<vmem_shared>> -> memref<128x128xf32, #tpu.memory_space<vmem_shared>>
    tpu.wait_dma2 semaphore(%arg12 : memref<!tpu.dma_semaphore, #tpu.memory_space<semaphore_mem>>) src(%dma_wait3A_103 : memref<128x128xf32, #tpu.memory_space<vmem_shared>>) dst(%arg10 : memref<128x128xf32, #tpu.memory_space<vmem>>)
    %mul3A_104 = arith.constant 10240 : i32
    %mul3A_105 = arith.muli %arg0, %mul3A_104 : i32
    %add3A_106 = arith.addi %mul3A_105, %mul3A_2 : i32
    %add3A_107 = arith.constant 128 : i32
    %add3A_108 = arith.addi %add3A_106, %add3A_107 : i32
    %dma_start3A_109 = arith.constant 0 : i32
    %dma_start3A_110 = tpu.memref_slice %arg6[%add3A_108, %dma_start3A_109] : memref<20480x128xf32, #tpu.memory_space<hbm>> -> memref<128x128xf32, #tpu.memory_space<hbm>>
    %dma_start3A_111 = arith.constant 0 : i32
    %dma_start3A_112 = tpu.memref_slice %arg6[%add3A_108, %dma_start3A_111] : memref<20480x128xf32, #tpu.memory_space<hbm>> -> memref<128x128xf32, #tpu.memory_space<hbm>>
    tpu.enqueue_dma source(%arg10 : memref<128x128xf32, #tpu.memory_space<vmem>>) target(%dma_start3A_112 : memref<128x128xf32, #tpu.memory_space<hbm>>) target_semaphore(%arg14 : memref<!tpu.dma_semaphore, #tpu.memory_space<semaphore_mem>>)
    %dma_wait3A_113 = arith.constant 0 : i32
    %dma_wait3A_114 = tpu.memref_slice %arg6[%add3A_108, %dma_wait3A_113] : memref<20480x128xf32, #tpu.memory_space<hbm>> -> memref<128x128xf32, #tpu.memory_space<hbm>>
    %dma_wait3A_115 = arith.constant 0 : i32
    %dma_wait3A_116 = tpu.memref_slice %arg6[%add3A_108, %dma_wait3A_115] : memref<20480x128xf32, #tpu.memory_space<hbm>> -> memref<128x128xf32, #tpu.memory_space<hbm>>
    tpu.wait_dma2 semaphore(%arg14 : memref<!tpu.dma_semaphore, #tpu.memory_space<semaphore_mem>>) src(%arg10 : memref<128x128xf32, #tpu.memory_space<vmem>>) dst(%dma_wait3A_116 : memref<128x128xf32, #tpu.memory_space<hbm>>)
    %add3A_117 = arith.constant 384 : i32
    %add3A_118 = arith.addi %mul3A_2, %add3A_117 : i32
    %dma_start3A_119 = arith.constant 0 : i32
    %dma_start3A_120 = tpu.memref_slice %arg7[%add3A_118, %dma_start3A_119] : memref<10240x128xf32, #tpu.memory_space<vmem_shared>> -> memref<128x128xf32, #tpu.memory_space<vmem_shared>>
    %dma_start3A_121 = arith.constant 0 : i32
    %dma_start3A_122 = tpu.memref_slice %arg7[%add3A_118, %dma_start3A_121] : memref<10240x128xf32, #tpu.memory_space<vmem_shared>> -> memref<128x128xf32, #tpu.memory_space<vmem_shared>>
    tpu.enqueue_dma source(%dma_start3A_122 : memref<128x128xf32, #tpu.memory_space<vmem_shared>>) target(%arg10 : memref<128x128xf32, #tpu.memory_space<vmem>>) target_semaphore(%arg12 : memref<!tpu.dma_semaphore, #tpu.memory_space<semaphore_mem>>)
    %dma_wait3A_123 = arith.constant 0 : i32
    %dma_wait3A_124 = tpu.memref_slice %arg7[%add3A_95, %dma_wait3A_123] : memref<10240x128xf32, #tpu.memory_space<vmem_shared>> -> memref<128x128xf32, #tpu.memory_space<vmem_shared>>
    %dma_wait3A_125 = arith.constant 0 : i32
    %dma_wait3A_126 = tpu.memref_slice %arg7[%add3A_95, %dma_wait3A_125] : memref<10240x128xf32, #tpu.memory_space<vmem_shared>> -> memref<128x128xf32, #tpu.memory_space<vmem_shared>>
    tpu.wait_dma2 semaphore(%arg11 : memref<!tpu.dma_semaphore, #tpu.memory_space<semaphore_mem>>) src(%dma_wait3A_126 : memref<128x128xf32, #tpu.memory_space<vmem_shared>>) dst(%arg9 : memref<128x128xf32, #tpu.memory_space<vmem>>)
    %mul3A_127 = arith.constant 10240 : i32
    %mul3A_128 = arith.muli %arg0, %mul3A_127 : i32
    %add3A_129 = arith.addi %mul3A_128, %mul3A_2 : i32
    %add3A_130 = arith.constant 256 : i32
    %add3A_131 = arith.addi %add3A_129, %add3A_130 : i32
    %dma_start3A_132 = arith.constant 0 : i32
    %dma_start3A_133 = tpu.memref_slice %arg6[%add3A_131, %dma_start3A_132] : memref<20480x128xf32, #tpu.memory_space<hbm>> -> memref<128x128xf32, #tpu.memory_space<hbm>>
    %dma_start3A_134 = arith.constant 0 : i32
    %dma_start3A_135 = tpu.memref_slice %arg6[%add3A_131, %dma_start3A_134] : memref<20480x128xf32, #tpu.memory_space<hbm>> -> memref<128x128xf32, #tpu.memory_space<hbm>>
    tpu.enqueue_dma source(%arg9 : memref<128x128xf32, #tpu.memory_space<vmem>>) target(%dma_start3A_135 : memref<128x128xf32, #tpu.memory_space<hbm>>) target_semaphore(%arg13 : memref<!tpu.dma_semaphore, #tpu.memory_space<semaphore_mem>>)
    %dma_wait3A_136 = arith.constant 0 : i32
    %dma_wait3A_137 = tpu.memref_slice %arg6[%add3A_131, %dma_wait3A_136] : memref<20480x128xf32, #tpu.memory_space<hbm>> -> memref<128x128xf32, #tpu.memory_space<hbm>>
    %dma_wait3A_138 = arith.constant 0 : i32
    %dma_wait3A_139 = tpu.memref_slice %arg6[%add3A_131, %dma_wait3A_138] : memref<20480x128xf32, #tpu.memory_space<hbm>> -> memref<128x128xf32, #tpu.memory_space<hbm>>
    tpu.wait_dma2 semaphore(%arg13 : memref<!tpu.dma_semaphore, #tpu.memory_space<semaphore_mem>>) src(%arg9 : memref<128x128xf32, #tpu.memory_space<vmem>>) dst(%dma_wait3A_139 : memref<128x128xf32, #tpu.memory_space<hbm>>)
    %add3A_140 = arith.constant 512 : i32
    %add3A_141 = arith.addi %mul3A_2, %add3A_140 : i32
    %dma_start3A_142 = arith.constant 0 : i32
    %dma_start3A_143 = tpu.memref_slice %arg7[%add3A_141, %dma_start3A_142] : memref<10240x128xf32, #tpu.memory_space<vmem_shared>> -> memref<128x128xf32, #tpu.memory_space<vmem_shared>>
    %dma_start3A_144 = arith.constant 0 : i32
    %dma_start3A_145 = tpu.memref_slice %arg7[%add3A_141, %dma_start3A_144] : memref<10240x128xf32, #tpu.memory_space<vmem_shared>> -> memref<128x128xf32, #tpu.memory_space<vmem_shared>>
    tpu.enqueue_dma source(%dma_start3A_145 : memref<128x128xf32, #tpu.memory_space<vmem_shared>>) target(%arg9 : memref<128x128xf32, #tpu.memory_space<vmem>>) target_semaphore(%arg11 : memref<!tpu.dma_semaphore, #tpu.memory_space<semaphore_mem>>)
    %dma_wait3A_146 = arith.constant 0 : i32
    %dma_wait3A_147 = tpu.memref_slice %arg7[%add3A_118, %dma_wait3A_146] : memref<10240x128xf32, #tpu.memory_space<vmem_shared>> -> memref<128x128xf32, #tpu.memory_space<vmem_shared>>
    %dma_wait3A_148 = arith.constant 0 : i32
    %dma_wait3A_149 = tpu.memref_slice %arg7[%add3A_118, %dma_wait3A_148] : memref<10240x128xf32, #tpu.memory_space<vmem_shared>> -> memref<128x128xf32, #tpu.memory_space<vmem_shared>>
    tpu.wait_dma2 semaphore(%arg12 : memref<!tpu.dma_semaphore, #tpu.memory_space<semaphore_mem>>) src(%dma_wait3A_149 : memref<128x128xf32, #tpu.memory_space<vmem_shared>>) dst(%arg10 : memref<128x128xf32, #tpu.memory_space<vmem>>)
    %mul3A_150 = arith.constant 10240 : i32
    %mul3A_151 = arith.muli %arg0, %mul3A_150 : i32
    %add3A_152 = arith.addi %mul3A_151, %mul3A_2 : i32
    %add3A_153 = arith.constant 384 : i32
    %add3A_154 = arith.addi %add3A_152, %add3A_153 : i32
    %dma_start3A_155 = arith.constant 0 : i32
    %dma_start3A_156 = tpu.memref_slice %arg6[%add3A_154, %dma_start3A_155] : memref<20480x128xf32, #tpu.memory_space<hbm>> -> memref<128x128xf32, #tpu.memory_space<hbm>>
    %dma_start3A_157 = arith.constant 0 : i32
    %dma_start3A_158 = tpu.memref_slice %arg6[%add3A_154, %dma_start3A_157] : memref<20480x128xf32, #tpu.memory_space<hbm>> -> memref<128x128xf32, #tpu.memory_space<hbm>>
    tpu.enqueue_dma source(%arg10 : memref<128x128xf32, #tpu.memory_space<vmem>>) target(%dma_start3A_158 : memref<128x128xf32, #tpu.memory_space<hbm>>) target_semaphore(%arg14 : memref<!tpu.dma_semaphore, #tpu.memory_space<semaphore_mem>>)
    %dma_wait3A_159 = arith.constant 0 : i32
    %dma_wait3A_160 = tpu.memref_slice %arg7[%add3A_141, %dma_wait3A_159] : memref<10240x128xf32, #tpu.memory_space<vmem_shared>> -> memref<128x128xf32, #tpu.memory_space<vmem_shared>>
    %dma_wait3A_161 = arith.constant 0 : i32
    %dma_wait3A_162 = tpu.memref_slice %arg7[%add3A_141, %dma_wait3A_161] : memref<10240x128xf32, #tpu.memory_space<vmem_shared>> -> memref<128x128xf32, #tpu.memory_space<vmem_shared>>
    tpu.wait_dma2 semaphore(%arg11 : memref<!tpu.dma_semaphore, #tpu.memory_space<semaphore_mem>>) src(%dma_wait3A_162 : memref<128x128xf32, #tpu.memory_space<vmem_shared>>) dst(%arg9 : memref<128x128xf32, #tpu.memory_space<vmem>>)
    %mul3A_163 = arith.constant 10240 : i32
    %mul3A_164 = arith.muli %arg0, %mul3A_163 : i32
    %add3A_165 = arith.addi %mul3A_164, %mul3A_2 : i32
    %add3A_166 = arith.constant 512 : i32
    %add3A_167 = arith.addi %add3A_165, %add3A_166 : i32
    %dma_start3A_168 = arith.constant 0 : i32
    %dma_start3A_169 = tpu.memref_slice %arg6[%add3A_167, %dma_start3A_168] : memref<20480x128xf32, #tpu.memory_space<hbm>> -> memref<128x128xf32, #tpu.memory_space<hbm>>
    %dma_start3A_170 = arith.constant 0 : i32
    %dma_start3A_171 = tpu.memref_slice %arg6[%add3A_167, %dma_start3A_170] : memref<20480x128xf32, #tpu.memory_space<hbm>> -> memref<128x128xf32, #tpu.memory_space<hbm>>
    tpu.enqueue_dma source(%arg9 : memref<128x128xf32, #tpu.memory_space<vmem>>) target(%dma_start3A_171 : memref<128x128xf32, #tpu.memory_space<hbm>>) target_semaphore(%arg13 : memref<!tpu.dma_semaphore, #tpu.memory_space<semaphore_mem>>)
    %dma_wait3A_172 = arith.constant 0 : i32
    %dma_wait3A_173 = tpu.memref_slice %arg6[%add3A_167, %dma_wait3A_172] : memref<20480x128xf32, #tpu.memory_space<hbm>> -> memref<128x128xf32, #tpu.memory_space<hbm>>
    %dma_wait3A_174 = arith.constant 0 : i32
    %dma_wait3A_175 = tpu.memref_slice %arg6[%add3A_167, %dma_wait3A_174] : memref<20480x128xf32, #tpu.memory_space<hbm>> -> memref<128x128xf32, #tpu.memory_space<hbm>>
    tpu.wait_dma2 semaphore(%arg13 : memref<!tpu.dma_semaphore, #tpu.memory_space<semaphore_mem>>) src(%arg9 : memref<128x128xf32, #tpu.memory_space<vmem>>) dst(%dma_wait3A_175 : memref<128x128xf32, #tpu.memory_space<hbm>>)
    %dma_wait3A_176 = arith.constant 0 : i32
    %dma_wait3A_177 = tpu.memref_slice %arg6[%add3A_154, %dma_wait3A_176] : memref<20480x128xf32, #tpu.memory_space<hbm>> -> memref<128x128xf32, #tpu.memory_space<hbm>>
    %dma_wait3A_178 = arith.constant 0 : i32
    %dma_wait3A_179 = tpu.memref_slice %arg6[%add3A_154, %dma_wait3A_178] : memref<20480x128xf32, #tpu.memory_space<hbm>> -> memref<128x128xf32, #tpu.memory_space<hbm>>
    tpu.wait_dma2 semaphore(%arg14 : memref<!tpu.dma_semaphore, #tpu.memory_space<semaphore_mem>>) src(%arg10 : memref<128x128xf32, #tpu.memory_space<vmem>>) dst(%dma_wait3A_179 : memref<128x128xf32, #tpu.memory_space<hbm>>)
    return
  }
}

module attributes {stable_mosaic.version = 14 : i64} {
  func.func @_conv_body(%arg0: i32, %arg1: memref<2x2000x128xf32, #tpu.memory_space<vmem>>, %arg2: memref<2x2000x128xf32, #tpu.memory_space<vmem>>, %arg3: memref<2000x128xf32, #tpu.memory_space<vmem>>, %arg4: memref<128x128xf32, #tpu.memory_space<vmem>>, %arg5: memref<128x128xf32, #tpu.memory_space<vmem>>, %arg6: memref<1x128xf32, #tpu.memory_space<vmem>>, %arg7: memref<2000x128xf32, #tpu.memory_space<vmem>>) attributes {dimension_semantics = [#tpu.dimension_semantics<arbitrary>], iteration_bounds = array<i64: 5>, scalar_prefetch = 0 : i64, scratch_operands = 0 : i64, tpu.core_type = #tpu.core_type<tc>, window_params = [{transform_indices = @transform_0, window_bounds = array<i64: 2, 2000, 128>}, {transform_indices = @transform_1, window_bounds = array<i64: 2, 2000, 128>}, {transform_indices = @transform_2, window_bounds = array<i64: 2000, 128>}, {pipeline_mode = #tpu.pipeline_mode<synchronous>, transform_indices = @transform_3, window_bounds = array<i64: 128, 128>}, {pipeline_mode = #tpu.pipeline_mode<synchronous>, transform_indices = @transform_4, window_bounds = array<i64: 128, 128>}, {pipeline_mode = #tpu.pipeline_mode<synchronous>, transform_indices = @transform_5, window_bounds = array<i64: 1, 128>}, {transform_indices = @transform_6, window_bounds = array<i64: 2000, 128>}]} {
    %get3A = arith.constant 0 : index
    %get3A_0 = arith.constant 0 : index
    %get3A_1 = arith.constant 0 : index
    %get3A_2 = vector.load %arg1[%get3A, %get3A_0, %get3A_1] : memref<2x2000x128xf32, #tpu.memory_space<vmem>>, vector<1x2000x128xf32>
    %get3A_3 = vector.shape_cast %get3A_2 : vector<1x2000x128xf32> to vector<2000x128xf32>
    %get3A_4 = arith.constant 1 : index
    %get3A_5 = arith.constant 0 : index
    %get3A_6 = arith.constant 0 : index
    %get3A_7 = vector.load %arg1[%get3A_4, %get3A_5, %get3A_6] : memref<2x2000x128xf32, #tpu.memory_space<vmem>>, vector<1x2000x128xf32>
    %get3A_8 = vector.shape_cast %get3A_7 : vector<1x2000x128xf32> to vector<2000x128xf32>
    %add3A = arith.addf %get3A_3, %get3A_8 : vector<2000x128xf32>
    %get3A_9 = arith.constant 0 : index
    %get3A_10 = arith.constant 0 : index
    %get3A_11 = arith.constant 0 : index
    %get3A_12 = vector.load %arg2[%get3A_9, %get3A_10, %get3A_11] : memref<2x2000x128xf32, #tpu.memory_space<vmem>>, vector<1x2000x1xf32>
    %get3A_13 = vector.shape_cast %get3A_12 : vector<1x2000x1xf32> to vector<2000x1xf32>
    %get3A_14 = arith.constant 1 : index
    %get3A_15 = arith.constant 0 : index
    %get3A_16 = arith.constant 0 : index
    %get3A_17 = vector.load %arg2[%get3A_14, %get3A_15, %get3A_16] : memref<2x2000x128xf32, #tpu.memory_space<vmem>>, vector<1x2000x1xf32>
    %get3A_18 = vector.shape_cast %get3A_17 : vector<1x2000x1xf32> to vector<2000x1xf32>
    %add3A_19 = arith.addf %get3A_13, %get3A_18 : vector<2000x1xf32>
    %max3A = arith.constant 1.000000e+00 : f32
    %max3A_20 = vector.broadcast %max3A : f32 to vector<2000x1xf32>
    %max3A_21 = arith.maximumf %add3A_19, %max3A_20 : vector<2000x1xf32>
    %div3A = vector.broadcast %max3A_21 : vector<2000x1xf32> to vector<2000x128xf32>
    %div3A_22 = arith.divf %add3A, %div3A : vector<2000x128xf32>
    %get3A_23 = arith.constant 0 : index
    %get3A_24 = arith.constant 0 : index
    %get3A_25 = vector.load %arg4[%get3A_23, %get3A_24] : memref<128x128xf32, #tpu.memory_space<vmem>>, vector<128x128xf32>
    %dot_general3A = arith.constant dense<0.000000e+00> : vector<2000x128xf32>
    %dot_general3A_26 = tpu.matmul %div3A_22, %get3A_25, %dot_general3A {dimension_numbers = #tpu.dot_dimension_numbers<[1], [0], [0], [1], [0, 0, 1, 1], [], []>, transpose_lhs_hint = false} : vector<2000x128xf32>, vector<128x128xf32>, vector<2000x128xf32> -> vector<2000x128xf32>
    %get3A_27 = arith.constant 0 : index
    %get3A_28 = arith.constant 0 : index
    %get3A_29 = vector.load %arg3[%get3A_27, %get3A_28] : memref<2000x128xf32, #tpu.memory_space<vmem>>, vector<2000x128xf32>
    %get3A_30 = arith.constant 0 : index
    %get3A_31 = arith.constant 0 : index
    %get3A_32 = vector.load %arg5[%get3A_30, %get3A_31] : memref<128x128xf32, #tpu.memory_space<vmem>>, vector<128x128xf32>
    %dot_general3A_33 = arith.constant dense<0.000000e+00> : vector<2000x128xf32>
    %dot_general3A_34 = tpu.matmul %get3A_29, %get3A_32, %dot_general3A_33 {dimension_numbers = #tpu.dot_dimension_numbers<[1], [0], [0], [1], [0, 0, 1, 1], [], []>, transpose_lhs_hint = false} : vector<2000x128xf32>, vector<128x128xf32>, vector<2000x128xf32> -> vector<2000x128xf32>
    %add3A_35 = arith.addf %dot_general3A_26, %dot_general3A_34 : vector<2000x128xf32>
    %get3A_36 = arith.constant 0 : index
    %get3A_37 = arith.constant 0 : index
    %get3A_38 = vector.load %arg6[%get3A_36, %get3A_37] : memref<1x128xf32, #tpu.memory_space<vmem>>, vector<1x128xf32>
    %add3A_39 = vector.broadcast %get3A_38 : vector<1x128xf32> to vector<2000x128xf32>
    %add3A_40 = arith.addf %add3A_35, %add3A_39 : vector<2000x128xf32>
    %mul3A = arith.mulf %add3A_40, %add3A_40 : vector<2000x128xf32>
    %reduce_sum3A = arith.constant dense<0.000000e+00> : vector<2000xf32>
    %reduce_sum3A_41 = vector.multi_reduction <add>, %mul3A, %reduce_sum3A [1] : vector<2000x128xf32> to vector<2000xf32>
    %broadcast_in_dim3A = vector.shape_cast %reduce_sum3A_41 : vector<2000xf32> to vector<2000x1xf32>
    %sqrt3A = math.sqrt %broadcast_in_dim3A : vector<2000x1xf32>
    %max3A_42 = arith.constant 9.99999996E-13 : f32
    %max3A_43 = vector.broadcast %max3A_42 : f32 to vector<2000x1xf32>
    %max3A_44 = arith.maximumf %sqrt3A, %max3A_43 : vector<2000x1xf32>
    %div3A_45 = vector.broadcast %max3A_44 : vector<2000x1xf32> to vector<2000x128xf32>
    %div3A_46 = arith.divf %add3A_40, %div3A_45 : vector<2000x128xf32>
    %max3A_47 = arith.constant 0.000000e+00 : f32
    %max3A_48 = vector.broadcast %max3A_47 : f32 to vector<2000x128xf32>
    %max3A_49 = arith.maximumf %div3A_46, %max3A_48 : vector<2000x128xf32>
    %swap3A = arith.constant 0 : index
    %swap3A_50 = arith.constant 0 : index
    %swap3A_51 = vector.load %arg7[%swap3A, %swap3A_50] : memref<2000x128xf32, #tpu.memory_space<vmem>>, vector<2000x128xf32>
    tpu.vector_store %arg7[%swap3A, %swap3A_50], %max3A_49 {strides = array<i32>} : memref<2000x128xf32, #tpu.memory_space<vmem>>, vector<2000x128xf32>,
    return
  }
  func.func @transform_0(%arg0: i32) -> (i32, i32, i32) {
    %c0_i32 = arith.constant 0 : i32
    %c0_i32_0 = arith.constant 0 : i32
    %c0_i32_1 = arith.constant 0 : i32
    return %c0_i32, %arg0, %c0_i32_0 : i32, i32, i32
  }
  func.func @transform_1(%arg0: i32) -> (i32, i32, i32) {
    %c0_i32 = arith.constant 0 : i32
    %c0_i32_0 = arith.constant 0 : i32
    %c0_i32_1 = arith.constant 0 : i32
    return %c0_i32, %arg0, %c0_i32_0 : i32, i32, i32
  }
  func.func @transform_2(%arg0: i32) -> (i32, i32) {
    %c0_i32 = arith.constant 0 : i32
    %c0_i32_0 = arith.constant 0 : i32
    return %arg0, %c0_i32 : i32, i32
  }
  func.func @transform_3(%arg0: i32) -> (i32, i32) {
    %c0_i32 = arith.constant 0 : i32
    %c0_i32_0 = arith.constant 0 : i32
    %c0_i32_1 = arith.constant 0 : i32
    return %c0_i32, %c0_i32_0 : i32, i32
  }
  func.func @transform_4(%arg0: i32) -> (i32, i32) {
    %c0_i32 = arith.constant 0 : i32
    %c0_i32_0 = arith.constant 0 : i32
    %c0_i32_1 = arith.constant 0 : i32
    return %c0_i32, %c0_i32_0 : i32, i32
  }
  func.func @transform_5(%arg0: i32) -> (i32, i32) {
    %c0_i32 = arith.constant 0 : i32
    %c0_i32_0 = arith.constant 0 : i32
    %c0_i32_1 = arith.constant 0 : i32
    return %c0_i32, %c0_i32_0 : i32, i32
  }
  func.func @transform_6(%arg0: i32) -> (i32, i32) {
    %c0_i32 = arith.constant 0 : i32
    %c0_i32_0 = arith.constant 0 : i32
    return %arg0, %c0_i32 : i32, i32
  }
}

module attributes {stable_mosaic.version = 14 : i64} {
  func.func @_final_body(%arg0: i32, %arg1: memref<2x2000x128xf32, #tpu.memory_space<vmem>>, %arg2: memref<2x2000x128xf32, #tpu.memory_space<vmem>>, %arg3: memref<2000x128xf32, #tpu.memory_space<vmem>>, %arg4: memref<128x128xf32, #tpu.memory_space<vmem>>, %arg5: memref<128x128xf32, #tpu.memory_space<vmem>>, %arg6: memref<1x128xf32, #tpu.memory_space<vmem>>, %arg7: memref<128x64xf32, #tpu.memory_space<vmem>>, %arg8: memref<1x64xf32, #tpu.memory_space<vmem>>, %arg9: memref<2000x64xf32, #tpu.memory_space<vmem>>) attributes {dimension_semantics = [#tpu.dimension_semantics<arbitrary>], iteration_bounds = array<i64: 5>, scalar_prefetch = 0 : i64, scratch_operands = 0 : i64, tpu.core_type = #tpu.core_type<tc>, window_params = [{transform_indices = @transform_0, window_bounds = array<i64: 2, 2000, 128>}, {transform_indices = @transform_1, window_bounds = array<i64: 2, 2000, 128>}, {transform_indices = @transform_2, window_bounds = array<i64: 2000, 128>}, {pipeline_mode = #tpu.pipeline_mode<synchronous>, transform_indices = @transform_3, window_bounds = array<i64: 128, 128>}, {pipeline_mode = #tpu.pipeline_mode<synchronous>, transform_indices = @transform_4, window_bounds = array<i64: 128, 128>}, {pipeline_mode = #tpu.pipeline_mode<synchronous>, transform_indices = @transform_5, window_bounds = array<i64: 1, 128>}, {pipeline_mode = #tpu.pipeline_mode<synchronous>, transform_indices = @transform_6, window_bounds = array<i64: 128, 64>}, {pipeline_mode = #tpu.pipeline_mode<synchronous>, transform_indices = @transform_7, window_bounds = array<i64: 1, 64>}, {transform_indices = @transform_8, window_bounds = array<i64: 2000, 64>}]} {
    %get3A = arith.constant 0 : index
    %get3A_0 = arith.constant 0 : index
    %get3A_1 = arith.constant 0 : index
    %get3A_2 = vector.load %arg1[%get3A, %get3A_0, %get3A_1] : memref<2x2000x128xf32, #tpu.memory_space<vmem>>, vector<1x2000x128xf32>
    %get3A_3 = vector.shape_cast %get3A_2 : vector<1x2000x128xf32> to vector<2000x128xf32>
    %get3A_4 = arith.constant 1 : index
    %get3A_5 = arith.constant 0 : index
    %get3A_6 = arith.constant 0 : index
    %get3A_7 = vector.load %arg1[%get3A_4, %get3A_5, %get3A_6] : memref<2x2000x128xf32, #tpu.memory_space<vmem>>, vector<1x2000x128xf32>
    %get3A_8 = vector.shape_cast %get3A_7 : vector<1x2000x128xf32> to vector<2000x128xf32>
    %add3A = arith.addf %get3A_3, %get3A_8 : vector<2000x128xf32>
    %get3A_9 = arith.constant 0 : index
    %get3A_10 = arith.constant 0 : index
    %get3A_11 = arith.constant 0 : index
    %get3A_12 = vector.load %arg2[%get3A_9, %get3A_10, %get3A_11] : memref<2x2000x128xf32, #tpu.memory_space<vmem>>, vector<1x2000x1xf32>
    %get3A_13 = vector.shape_cast %get3A_12 : vector<1x2000x1xf32> to vector<2000x1xf32>
    %get3A_14 = arith.constant 1 : index
    %get3A_15 = arith.constant 0 : index
    %get3A_16 = arith.constant 0 : index
    %get3A_17 = vector.load %arg2[%get3A_14, %get3A_15, %get3A_16] : memref<2x2000x128xf32, #tpu.memory_space<vmem>>, vector<1x2000x1xf32>
    %get3A_18 = vector.shape_cast %get3A_17 : vector<1x2000x1xf32> to vector<2000x1xf32>
    %add3A_19 = arith.addf %get3A_13, %get3A_18 : vector<2000x1xf32>
    %max3A = arith.constant 1.000000e+00 : f32
    %max3A_20 = vector.broadcast %max3A : f32 to vector<2000x1xf32>
    %max3A_21 = arith.maximumf %add3A_19, %max3A_20 : vector<2000x1xf32>
    %div3A = vector.broadcast %max3A_21 : vector<2000x1xf32> to vector<2000x128xf32>
    %div3A_22 = arith.divf %add3A, %div3A : vector<2000x128xf32>
    %get3A_23 = arith.constant 0 : index
    %get3A_24 = arith.constant 0 : index
    %get3A_25 = vector.load %arg4[%get3A_23, %get3A_24] : memref<128x128xf32, #tpu.memory_space<vmem>>, vector<128x128xf32>
    %dot_general3A = arith.constant dense<0.000000e+00> : vector<2000x128xf32>
    %dot_general3A_26 = tpu.matmul %div3A_22, %get3A_25, %dot_general3A {dimension_numbers = #tpu.dot_dimension_numbers<[1], [0], [0], [1], [0, 0, 1, 1], [], []>, transpose_lhs_hint = false} : vector<2000x128xf32>, vector<128x128xf32>, vector<2000x128xf32> -> vector<2000x128xf32>
    %get3A_27 = arith.constant 0 : index
    %get3A_28 = arith.constant 0 : index
    %get3A_29 = vector.load %arg3[%get3A_27, %get3A_28] : memref<2000x128xf32, #tpu.memory_space<vmem>>, vector<2000x128xf32>
    %get3A_30 = arith.constant 0 : index
    %get3A_31 = arith.constant 0 : index
    %get3A_32 = vector.load %arg5[%get3A_30, %get3A_31] : memref<128x128xf32, #tpu.memory_space<vmem>>, vector<128x128xf32>
    %dot_general3A_33 = arith.constant dense<0.000000e+00> : vector<2000x128xf32>
    %dot_general3A_34 = tpu.matmul %get3A_29, %get3A_32, %dot_general3A_33 {dimension_numbers = #tpu.dot_dimension_numbers<[1], [0], [0], [1], [0, 0, 1, 1], [], []>, transpose_lhs_hint = false} : vector<2000x128xf32>, vector<128x128xf32>, vector<2000x128xf32> -> vector<2000x128xf32>
    %add3A_35 = arith.addf %dot_general3A_26, %dot_general3A_34 : vector<2000x128xf32>
    %get3A_36 = arith.constant 0 : index
    %get3A_37 = arith.constant 0 : index
    %get3A_38 = vector.load %arg6[%get3A_36, %get3A_37] : memref<1x128xf32, #tpu.memory_space<vmem>>, vector<1x128xf32>
    %add3A_39 = vector.broadcast %get3A_38 : vector<1x128xf32> to vector<2000x128xf32>
    %add3A_40 = arith.addf %add3A_35, %add3A_39 : vector<2000x128xf32>
    %mul3A = arith.mulf %add3A_40, %add3A_40 : vector<2000x128xf32>
    %reduce_sum3A = arith.constant dense<0.000000e+00> : vector<2000xf32>
    %reduce_sum3A_41 = vector.multi_reduction <add>, %mul3A, %reduce_sum3A [1] : vector<2000x128xf32> to vector<2000xf32>
    %broadcast_in_dim3A = vector.shape_cast %reduce_sum3A_41 : vector<2000xf32> to vector<2000x1xf32>
    %sqrt3A = math.sqrt %broadcast_in_dim3A : vector<2000x1xf32>
    %max3A_42 = arith.constant 9.99999996E-13 : f32
    %max3A_43 = vector.broadcast %max3A_42 : f32 to vector<2000x1xf32>
    %max3A_44 = arith.maximumf %sqrt3A, %max3A_43 : vector<2000x1xf32>
    %div3A_45 = vector.broadcast %max3A_44 : vector<2000x1xf32> to vector<2000x128xf32>
    %div3A_46 = arith.divf %add3A_40, %div3A_45 : vector<2000x128xf32>
    %get3A_47 = arith.constant 0 : index
    %get3A_48 = arith.constant 0 : index
    %get3A_49 = vector.load %arg7[%get3A_47, %get3A_48] : memref<128x64xf32, #tpu.memory_space<vmem>>, vector<128x64xf32>
    %dot_general3A_50 = arith.constant dense<0.000000e+00> : vector<2000x64xf32>
    %dot_general3A_51 = tpu.matmul %div3A_46, %get3A_49, %dot_general3A_50 {dimension_numbers = #tpu.dot_dimension_numbers<[1], [0], [0], [1], [0, 0, 1, 1], [], []>, transpose_lhs_hint = false} : vector<2000x128xf32>, vector<128x64xf32>, vector<2000x64xf32> -> vector<2000x64xf32>
    %get3A_52 = arith.constant 0 : index
    %get3A_53 = arith.constant 0 : index
    %get3A_54 = vector.load %arg8[%get3A_52, %get3A_53] : memref<1x64xf32, #tpu.memory_space<vmem>>, vector<1x64xf32>
    %add3A_55 = vector.broadcast %get3A_54 : vector<1x64xf32> to vector<2000x64xf32>
    %add3A_56 = arith.addf %dot_general3A_51, %add3A_55 : vector<2000x64xf32>
    %reduce_max3A = arith.constant dense<0xFF800000> : vector<2000xf32>
    %reduce_max3A_57 = vector.multi_reduction <maximumf>, %add3A_56, %reduce_max3A [1] : vector<2000x64xf32> to vector<2000xf32>
    %broadcast_in_dim3A_58 = vector.shape_cast %reduce_max3A_57 : vector<2000xf32> to vector<2000x1xf32>
    %sub3A = vector.broadcast %broadcast_in_dim3A_58 : vector<2000x1xf32> to vector<2000x64xf32>
    %sub3A_59 = arith.subf %add3A_56, %sub3A : vector<2000x64xf32>
    %exp3A = math.exp %sub3A_59 : vector<2000x64xf32>
    %reduce_sum3A_60 = arith.constant dense<0.000000e+00> : vector<2000xf32>
    %reduce_sum3A_61 = vector.multi_reduction <add>, %exp3A, %reduce_sum3A_60 [1] : vector<2000x64xf32> to vector<2000xf32>
    %broadcast_in_dim3A_62 = vector.shape_cast %reduce_sum3A_61 : vector<2000xf32> to vector<2000x1xf32>
    %div3A_63 = vector.broadcast %broadcast_in_dim3A_62 : vector<2000x1xf32> to vector<2000x64xf32>
    %div3A_64 = arith.divf %exp3A, %div3A_63 : vector<2000x64xf32>
    %swap3A = arith.constant 0 : index
    %swap3A_65 = arith.constant 0 : index
    %swap3A_66 = vector.load %arg9[%swap3A, %swap3A_65] : memref<2000x64xf32, #tpu.memory_space<vmem>>, vector<2000x64xf32>
    tpu.vector_store %arg9[%swap3A, %swap3A_65], %div3A_64 {strides = array<i32>} : memref<2000x64xf32, #tpu.memory_space<vmem>>, vector<2000x64xf32>,
    return
  }
  func.func @transform_0(%arg0: i32) -> (i32, i32, i32) {
    %c0_i32 = arith.constant 0 : i32
    %c0_i32_0 = arith.constant 0 : i32
    %c0_i32_1 = arith.constant 0 : i32
    return %c0_i32, %arg0, %c0_i32_0 : i32, i32, i32
  }
  func.func @transform_1(%arg0: i32) -> (i32, i32, i32) {
    %c0_i32 = arith.constant 0 : i32
    %c0_i32_0 = arith.constant 0 : i32
    %c0_i32_1 = arith.constant 0 : i32
    return %c0_i32, %arg0, %c0_i32_0 : i32, i32, i32
  }
  func.func @transform_2(%arg0: i32) -> (i32, i32) {
    %c0_i32 = arith.constant 0 : i32
    %c0_i32_0 = arith.constant 0 : i32
    return %arg0, %c0_i32 : i32, i32
  }
  func.func @transform_3(%arg0: i32) -> (i32, i32) {
    %c0_i32 = arith.constant 0 : i32
    %c0_i32_0 = arith.constant 0 : i32
    %c0_i32_1 = arith.constant 0 : i32
    return %c0_i32, %c0_i32_0 : i32, i32
  }
  func.func @transform_4(%arg0: i32) -> (i32, i32) {
    %c0_i32 = arith.constant 0 : i32
    %c0_i32_0 = arith.constant 0 : i32
    %c0_i32_1 = arith.constant 0 : i32
    return %c0_i32, %c0_i32_0 : i32, i32
  }
  func.func @transform_5(%arg0: i32) -> (i32, i32) {
    %c0_i32 = arith.constant 0 : i32
    %c0_i32_0 = arith.constant 0 : i32
    %c0_i32_1 = arith.constant 0 : i32
    return %c0_i32, %c0_i32_0 : i32, i32
  }
  func.func @transform_6(%arg0: i32) -> (i32, i32) {
    %c0_i32 = arith.constant 0 : i32
    %c0_i32_0 = arith.constant 0 : i32
    %c0_i32_1 = arith.constant 0 : i32
    return %c0_i32, %c0_i32_0 : i32, i32
  }
  func.func @transform_7(%arg0: i32) -> (i32, i32) {
    %c0_i32 = arith.constant 0 : i32
    %c0_i32_0 = arith.constant 0 : i32
    %c0_i32_1 = arith.constant 0 : i32
    return %c0_i32, %c0_i32_0 : i32, i32
  }
  func.func @transform_8(%arg0: i32) -> (i32, i32) {
    %c0_i32 = arith.constant 0 : i32
    %c0_i32_0 = arith.constant 0 : i32
    return %arg0, %c0_i32 : i32, i32
  }
}

</mosaic_0001>

<sc_bundles>
// kernel: kernel.12.cloned.1.call-start
scs
__scs_entry_jumppad:
0x0: {  	(pc) =	sbr.rel $0x88, $3  }
0x1: {  	(tag) =	ssettag $0x0;
	lr =	simm.s32 $0x1  }
0x2: {  	[smem:$0x3F94] =	sst lr;
	_ =	strace $0xD0000000  }
0x3: {  	_ = 	snop  }
0x4: {  	_ = 	snop  }
0x5: {  	_ = 	snop  }
0x6: {  	_ = 	snop  }
0x7: {  	_ = 	snop  }
__scs_overlays_trampoline_lowered:
0x8: {  	[smem:$0x3FA3] =	sst s0  }
0x9: {  	[smem:$0x3FA4] =	sst s1  }
0xa: {  	[smem:$0x3FA5] =	sst s2  }
0xb: {  	[smem:$0x3FA6] =	sst s3  }
0xc: {  	[smem:$0x3FA7] =	sst s4  }
0xd: {  	[smem:$0x3FA8] =	sst s5  }
0xe: {  	[smem:$0x3FA9] =	sst s6  }
0xf: {  	[smem:$0x3FAA] =	sst s7  }
0x10: {  	[smem:$0x3FAB] =	sst s8  }
0x11: {  	[smem:$0x3FAC] =	sst s9;
	s0 =	simm.s32 @!p0 $0x0  }
0x12: {  	s1 =	sld [smem:$0x3F92];
	s0 =	simm.s32 @p0 $0x1  }
0x13: {  	[smem:$0x3FAD] =	sst s0;
	s0 =	simm.s32 @!p1 $0x0  }
0x14: {  	s2 =	sld [smem:$0x3F91];
	s0 =	simm.s32 @p1 $0x1  }
0x15: {  	[smem:$0x3FAE] =	sst s0;
	s0 =	simm.s32 @!p2 $0x0  }
0x16: {  	s3 =	sld [smem:$0x3FDB];
	s0 =	simm.s32 @p2 $0x1  }
0x17: {  	s4 =	simm.s32 $0x1BF5;
	[smem:$0x3FB0] =	sst s0  }
0x18: {  	s0 =	sld [smem:$0x3F93];
	_ =	swait.ge [sflag:s4], $0x0  }
0x19: {  	s7 =	sld [smem:$0x3F94]  }
0x1a: {  	s8 =	sadd.s32 $0xFFFFE003, lr  }
0x1b: {  	s9 =	sadd.s32 $0xFFFFFEF7, lr;
	s5 =	simm.s32 $0xFFFFFFFF;
	p2 =	slt.u32 s8, $0xFFFFF086  }
0x1c: {  	p1 =	slt.u32 s9, $0xF7A;
	s5 =	simm.s32 @!p2 $0x0  }
0x1d: {  	s5 =	simm.s32 @p1 $0x1;
	p0 =	seq.s32 s7, s2  }
0x1e: {  	s7 =	smul.u32 @!p0 $0xF7A, s2;
	p2 =	seq.s32 @!p0 s5, $0x0  }
0x1f: {  	s9 =	smul.u32 $0xF7A, s1;
	s8 =	simm.s32 @!p0 $0x1BF5;
	p2 =	por !p2, p0  }
0x20: {  	[sflag:s8] =	ssyncset.s32 @!p0 $0xFFFFF086;
	s6 =	sadd.s32 @!p0 s3, s7;
	s7 =	simm.s32 @!p0 $0x108  }
0x21: {  	s3 =	sadd.s32 s3, s9;
	s6 =	sadd.s32 @!p0 $0x88, s6;
	s7 =	simm.s32 @p2 $0x1082  }
0x22: {  	[simem:s7], [sflag:s8] =	dma.local @!p0 [hbm:s6], $0xF7A  }
0x23: {  	s9 =	sor.u32 $0xD0000000, s2;
	s6 =	simm.s32 $0x108;
	_ =	swait.ge @!p0 [sflag:s8], $0x0  }
0x24: {  	s3 =	sadd.s32 $0x88, s3;
	s6 =	simm.s32 @!p1 $0x1082;
	[sflag:s4] =	ssyncset.s32 $0xFFFFF086  }
0x25: {  	[simem:s6], [sflag:s4] =	dma.local [hbm:s3], $0xF7A  }
0x26: {  	[smem:$0x3F94] =	sst s1;
	(tag) =	ssettag s2;
	_ =	strace s9  }
0x27: {  	s1 =	sld [smem:$0x3FA4]  }
0x28: {  	s2 =	sld [smem:$0x3FA5]  }
0x29: {  	s4 =	sld [smem:$0x3FA7]  }
0x2a: {  	p0 =	seq.s32 s5, $0x0;
	s5 =	sld [smem:$0x3FA8]  }
0x2b: {  	s6 =	sld [smem:$0x3FA9]  }
0x2c: {  	s7 =	sld [smem:$0x3FAA]  }
0x2d: {  	s3 =	simm.s32 $0x108;
	s8 =	sld [smem:$0x3FAB]  }
0x2e: {  	s3 =	simm.s32 @!p0 $0x1082;
	s9 =	sld [smem:$0x3FAC]  }
0x2f: {  	lr =	sadd.s32 s0, s3;
	s0 =	sld [smem:$0x3FA3]  }
0x30: {  	s3 =	sld [smem:$0x3FA6]  }
0x31: {  	[smem:$0x3FAF] =	sst s10  }
0x32: {  	s10 =	sld [smem:$0x3FAD];
	_ =	sdelay $0x3  }
0x33: {  	p0 =	seq.s32 s10, $0x1;
	s10 =	sld [smem:$0x3FAF];
	_ =	sdelay $0x3  }
0x34: {  	[smem:$0x3FAF] =	sst s10  }
0x35: {  	s10 =	sld [smem:$0x3FAE];
	_ =	sdelay $0x3  }
0x36: {  	p1 =	seq.s32 s10, $0x1;
	s10 =	sld [smem:$0x3FAF];
	_ =	sdelay $0x3  }
0x37: {  	[smem:$0x3FAF] =	sst s10  }
0x38: {  	s10 =	sld [smem:$0x3FB0]  }
0x39: {  	_ = 	snop;
	(pc) =	sbr.ind lr, $3  }
0x3a: {  	_ = 	snop  }
0x3b: {  	_ = 	snop  }
0x3c: {  	p2 =	seq.s32 s10, $0x1;
	s10 =	sld [smem:$0x3FAF]  }
0x3d: {  	_ =	shalt  }
0x3e: {  	_ =	shalt  }
0x3f: {  	_ =	shalt  }
0x40: {  	_ =	shalt  }
0x41: {  	_ =	shalt  }
0x42: {  	_ =	shalt  }
0x43: {  	_ =	shalt  }
0x44: {  	_ =	shalt  }
0x45: {  	_ =	shalt  }
0x46: {  	_ =	shalt  }
0x47: {  	_ =	shalt  }
0x48: {  	_ =	shalt  }
0x49: {  	_ =	shalt  }
0x4a: {  	_ =	shalt  }
0x4b: {  	_ =	shalt  }
0x4c: {  	_ =	shalt  }
0x4d: {  	_ =	shalt  }
0x4e: {  	_ =	shalt  }
0x4f: {  	_ =	shalt  }
0x50: {  	_ =	shalt  }
0x51: {  	_ =	shalt  }
0x52: {  	_ =	shalt  }
0x53: {  	_ =	shalt  }
0x54: {  	_ =	shalt  }
0x55: {  	_ =	shalt  }
0x56: {  	_ =	shalt  }
0x57: {  	_ =	shalt  }
0x58: {  	_ =	shalt  }
0x59: {  	_ =	shalt  }
0x5a: {  	_ =	shalt  }
0x5b: {  	_ =	shalt  }
0x5c: {  	_ =	shalt  }
0x5d: {  	_ =	shalt  }
0x5e: {  	_ =	shalt  }
0x5f: {  	_ =	shalt  }
0x60: {  	_ =	shalt  }
0x61: {  	_ =	shalt  }
0x62: {  	_ =	shalt  }
0x63: {  	_ =	shalt  }
0x64: {  	_ =	shalt  }
0x65: {  	_ =	shalt  }
0x66: {  	_ =	shalt  }
0x67: {  	_ =	shalt  }
0x68: {  	_ =	shalt  }
0x69: {  	_ =	shalt  }
0x6a: {  	_ =	shalt  }
0x6b: {  	_ =	shalt  }
0x6c: {  	_ =	shalt  }
0x6d: {  	_ =	shalt  }
0x6e: {  	_ =	shalt  }
0x6f: {  	_ =	shalt  }
0x70: {  	_ =	shalt  }
0x71: {  	_ =	shalt  }
0x72: {  	_ =	shalt  }
0x73: {  	_ =	shalt  }
0x74: {  	_ =	shalt  }
0x75: {  	_ =	shalt  }
0x76: {  	_ =	shalt  }
0x77: {  	_ =	shalt  }
0x78: {  	_ =	shalt  }
0x79: {  	_ =	shalt  }
0x7a: {  	_ =	shalt  }
0x7b: {  	_ =	shalt  }
0x7c: {  	_ =	shalt  }
0x7d: {  	_ =	shalt  }
0x7e: {  	_ =	shalt  }
0x7f: {  	_ =	shalt  }
0x80: {  	_ =	shalt  }
0x81: {  	_ =	shalt  }
0x82: {  	_ =	shalt  }
0x83: {  	_ =	shalt  }
0x84: {  	_ =	shalt  }
0x85: {  	_ =	shalt  }
0x86: {  	_ =	shalt  }
0x87: {  	_ =	shalt  }
.Lfunc_end0:
.L_simem_size_0:
called_computation.1_lowered:
.L_overlay_start_0:
0x88: {  	s2 =	sld [smem:$0x3FD9]  }
0x89: {  	s3 =	sld [smem:$0x3FFE];
	_ =	sdelay $0x1  }
0x8a: {  	s1 =	srdreg.scid  }
0x8b: {  	s0 =	sand.u32 $0x1, s1  }
0x8c: {  	s17 =	sshll.u32 s0, $0xA;
	s2 =	sadd.s32 s3, s2  }
0x8d: {  	s2 =	sadd.s32 s2, s17  }
0x8e: {  	[smem:$0x3FBB] =	sst s2  }
0x8f: {  	_ = 	snop  }
0x90: {  	s2 =	sld [smem:$0x3FC9]  }
0x91: {  	s18 =	sld [smem:$0x3FD0];
	(tm) =	ssettm $0x1  }
0x92: {  	s4 =	sld [smem:$0x3FFB];
	_ =	sdelay $0x3  }
0x93: {  	_ =	strace s4  }
0x94: {  	s4 =	sld [smem:$0x3FFC];
	_ =	sdelay $0x3  }
0x95: {  	_ =	strace s4  }
0x96: {  	s4 =	sld [smem:$0x3FFD];
	_ =	sdelay $0x3  }
0x97: {  	_ =	strace s4  }
0x98: {  	_ =	strace $0x8FFFFFFF  }
0x99: {  	s19 =	sld [smem:$0x3FDB];
	_ =	sdelay $0x1  }
0x9a: {  	s5 =	simm.s32 $_scs_section_size  }
0x9b: {  	s6 =	simm.s32 $_size__tile_overlayer_lowered;
	s7 =	simm.s32 $_tile_overlayer_lowered  }
0x9c: {  	s22 =	simm.s32 $0x1BFF;
	s21 =	sshll.u32 s7, $0x1;
	s4 =	sadd.s32 s5, s19  }
0x9d: {  	s8 =	simm.s32 $0x0;
	s20 =	sshll.u32 s6, $0x1;
	s6 =	sadd.s32 s21, s4  }
0x9e: {  	[timem:s8], [sflag:s22] =	dma.local [hbm:s6], s20  }
0x9f: {  	_ =	swait.ge [sflag:s22], s20  }
0xa0: {  	s5 =	ssub.s32 $0x0, s20;
	[sflag:s22] =	ssyncset.done $0x0  }
0xa1: {  	[sflag:s22] =	ssyncadd.s32 s5;
	_ =	sdelay $0x1  }
0xa2: {  	s23 =	simm.s32 $0x1B8B  }
0xa3: {  	_ =	swait.ge [sflag:s23], $0x1  }
0xa4: {  	[sflag:s23] =	ssyncset.done $0x0  }
0xa5: {  	s25 =	simm.s32 $0x1B8E;
	s24 =	sld [smem:$0x3FFE];
	[sflag:s23] =	ssyncadd.s32 $0xFFFFFFFF  }
0xa6: {  	s26 =	simm.s32 $execute0_lowered;
	[smem:$0x3FD2] =	sst s25  }
0xa7: {  	s6 =	sshll.u32 s26, $0x1;
	_ =	strace $0x80000046;
	[dreg:$0x1] =	wrdreg $0xFFFFFFFF  }
0xa8: {  	s28 =	simm.s32 $_size_execute0_lowered;
	s4 =	sadd.s32 s4, s6;
	[dreg:$0x0] =	wrdreg $0x0  }
0xa9: {  	s6 =	sshll.u32 s28, $0x1;
	[dreg:$0x2] =	wrdreg s4  }
0xaa: {  	[dreg:$0x3] =	wrdreg s6  }
0xab: {  	[dreg:$0x4] =	wrdreg $0xC0  }
0xac: {  	_ =	task [dreg:s8], $0x5FFFF  }
0xad: {  	[dreg:$0x1] =	wrdreg $0xFFFFFFFF  }
0xae: {  	[dreg:$0x0] =	wrdreg $0x60  }
0xaf: {  	[dreg:$0x2] =	wrdreg s2  }
0xb0: {  	[dreg:$0x3] =	wrdreg s24  }
0xb1: {  	[dreg:$0x4] =	wrdreg s18  }
0xb2: {  	[dreg:$0x5] =	wrdreg $0x0  }
0xb3: {  	[dreg:$0x6] =	wrdreg $0xA  }
0xb4: {  	_ =	task.clear_ibuf [dreg:s8], $0x7FFFF;
	_ =	strace $0x90000046  }
0xb5: {  	s29 =	simm.s32 $0xA;
	_ =	strace $0x80000048  }
0xb6: {  	_ =	swait.ge [sflag:s29], $0x1  }
0xb7: {  	[sflag:s29] =	ssyncadd.s32 $0xFFFFFFFF  }
0xb8: {  	_ =	strace $0x90000048  }
0xb9: {  	_ =	sfence  }
0xba: {  	s30 =	sld [smem:$0x0];
	_ =	sdelay $0x2  }
0xbb: {  	s31 =	sshll.u32 s1, $0xD;
	s1 =	sshrl.u32 s1, $0x2  }
0xbc: {  	s3 =	sand.u32 $0x4000, s31;
	s1 =	sadd.s32 s1, s30  }
0xbd: {  	s0 =	sor.u32 s3, s0;
	s1 =	sshll.u32 s1, $0x11  }
0xbe: {  	s0 =	sor.u32 s1, s0  }
0xbf: {  	s0 =	sadd.s32 $0x8F2B, s0  }
0xc0: {  	[sflag:s0] =	ssyncadd.remote.s32 $0x1  }
0xc1: {  	_ =	sfence.sel $0xFFFF  }
0xc2: {  	[dreg:$0x0] =	wrdreg $0xFFFFFFFF;
	(pc) =	sbr.abs _section_cstart, $3  }
0xc3: {  	[dreg:$0x1] =	wrdreg $0xFFFFFFFF  }
0xc4: {  	_ =	task.clear_ibuf [dreg:s8], $0x2FFFF;
	_ =	strace $0x9FFFFFFF  }
0xc5: {  	(tm) =	ssettm $0x7FFFFFFF  }
tec
execute0_lowered:
.L_overlay_start_1:
0x0: {  	(tag) =	ssettag $0x1  }
0x1: {  	s1 =	rddreg [dreg:$0x0]  }
0x2: {  	s0 =	rddreg [dreg:$0x1]  }
0x3: {  	s2 =	rddreg [dreg:$0x2];
	s4 =	srdreg.scid  }
0x4: {  	s14 =	stileid.u32;
	s3 =	rddreg [dreg:$0x3];
	s28 =	simm.s32 $0x1C980  }
0x5: {  	s29 =	simm.s32 $0x80;
	s30 =	simm.s32 $0x14080;
	s31 =	simm.s32 $0x1CA00  }
0x6: {  	s16 =	simm.s32 $0x0;
	s5 =	sand.u32 $0x1, s4;
	s6 =	smul.u32 $0x280, s14  }
0x7: {  	s4 =	simm.s32 $0x0;
	s11 =	sadd.s32 $0x3400, s0;
	s17 =	smul.u32 $0x50000, s14  }
0x8: {  	s8 =	sadd.s32 $0xD200, s0;
	s18 =	sshll.u32 s14, $0x1;
	s14 =	smul.u32 $0x4E20, s14  }
0x9: {  	s7 =	smul.u32 $0x2800, s5;
	[smem:$0x7FF] =	sst s4;
	s19 =	ssub.s32 $0x2, s5  }
0xa: {  	s9 =	sor.u32 s5, s18;
	s5 =	smul.u32 $0x2710, s5;
	_ =	strace $0x80000047  }
0xb: {  	[dreg:$0x5] =	wrdreg s8;
	s21 =	sshrl.u32 s19, $0x1;
	s10 =	smul.u32 $0x2710, s9  }
0xc: {  	s20 =	sshrl.u32 s17, $0x2;
	s6 =	sadd.s32 s6, s7;
	s12 =	ssub.s32 s19, s21  }
0xd: {  	s5 =	sadd.s32 s5, s14;
	s6 =	sshll.u32 s6, $0x4;
	s13 =	sshrl.u32 s10, $0x3  }
0xe: {  	s26 =	sadd.s32 $0x80, s5;
	s12 =	smax.u32 s12, $0x1;
	s5 =	sshrl.u32 s5, $0x3  }
0xf: {  	s0 =	sadd.s32 s6, s0;
	s6 =	sadd.s32 s20, s3;
	s13 =	sadd.s32 $0x4E0, s13  }
0x10: {  	[dreg:$0xd] =	wrdreg s12;
	s19 =	sadd.s32 s5, s11;
	s15 =	sadd.s32 s2, s13  }
0x11: {  	s20 =	sadd.s32 s5, s2;
	s13 =	sadd.s32 s11, s13;
	[dreg:$0x6] =	wrdreg s15  }
0x12: {  	s5 =	simm.s32 $0x2;
	s22 =	sadd.s32 $0xDA00, s0;
	[dreg:$0x7] =	wrdreg s13  }
0x13: {  	s7 =	sadd.s32 $0x4000, s6;
	s23 =	sadd.s32 $0xE200, s0;
	[dreg:$0x8] =	wrdreg s22  }
0x14: {  	s8 =	sadd.s32 $0x8000, s6;
	s24 =	sadd.s32 $0xEA00, s0;
	[dreg:$0x9] =	wrdreg s23  }
0x15: {  	s9 =	sadd.s32 $0xC000, s6;
	s25 =	sadd.s32 $0xF200, s0;
	[dreg:$0xa] =	wrdreg s24  }
0x16: {  	s10 =	sadd.s32 $0x10000, s6;
	s0 =	sadd.s32 $0xFA00, s0;
	[dreg:$0xb] =	wrdreg s25  }
0x17: {  	[dreg:$0xc] =	wrdreg s0;
	s0 =	sshrl.u32 s26, $0x3;
	s23 =	simm.s32 $0x14100  }
0x18: {  	s24 =	simm.s32 $0x5;
	s25 =	simm.s32 $0x3;
	s26 =	simm.s32 $0x14000  }
0x19: {  	s15 =	simm.s32 $0x1C180;
	s21 =	sadd.s32 s0, s11;
	s22 =	sadd.s32 s0, s2  }
0x1a: {  	s2 =	simm.s32 $0x18100;
	s0 =	simm.s32 $0x1;
	s11 =	simm.s32 $0x4  }
.LBB2_1:
0x1b: {  	s12 =	rddreg [dreg:$0x5]  }
0x1c: {  	[tilespmem:s23], [sflag:$0x5] =	stream.linear.gather [hbm4b:s12+s4], $0x4000, $0x38;
	[tilespmem:$0x1CB00] =	vst v63  }
0x1d: {  	_ =	swait.ge [sflag:s24], $0x4000  }
0x1e: {  	[sflag:s24] =	ssyncset.done $0x0  }
0x1f: {  	[sflag:s24] =	ssyncadd.s32 $0xFFFFC000  }
0x20: {  	[spmem:s6] =	stream.linear.scatter [tilespmem:s23], [sflag:$0x3], $0x4000, $0x38;
	[tilespmem:$0x1CB00] =	vst v63  }
0x21: {  	_ = 	snop  }
0x22: {  	[spmem:s7] =	stream.linear.scatter [tilespmem:s23], [sflag:$0x3], $0x4000, $0x38;
	[tilespmem:$0x1CB00] =	vst v63  }
0x23: {  	_ = 	snop  }
0x24: {  	[spmem:s8] =	stream.linear.scatter [tilespmem:s23], [sflag:$0x3], $0x4000, $0x38;
	[tilespmem:$0x1CB00] =	vst v63  }
0x25: {  	_ = 	snop  }
0x26: {  	[spmem:s9] =	stream.linear.scatter [tilespmem:s23], [sflag:$0x3], $0x4000, $0x38;
	[tilespmem:$0x1CB00] =	vst v63  }
0x27: {  	_ = 	snop  }
0x28: {  	[spmem:s10] =	stream.linear.scatter [tilespmem:s23], [sflag:$0x3], $0x4000, $0x38;
	[tilespmem:$0x1CB00] =	vst v63  }
0x29: {  	_ =	swait.ge [sflag:s25], $0x4000  }
0x2a: {  	[sflag:s25] =	ssyncset.done $0x0  }
0x2b: {  	[sflag:s25] =	ssyncadd.s32 $0xFFFFC000  }
0x2c: {  	_ =	swait.ge [sflag:s25], $0x4000  }
0x2d: {  	[sflag:s25] =	ssyncset.done $0x0  }
0x2e: {  	[sflag:s25] =	ssyncadd.s32 $0xFFFFC000  }
0x2f: {  	_ =	swait.ge [sflag:s25], $0x4000  }
0x30: {  	[sflag:s25] =	ssyncset.done $0x0  }
0x31: {  	[sflag:s25] =	ssyncadd.s32 $0xFFFFC000  }
0x32: {  	_ =	swait.ge [sflag:s25], $0x4000  }
0x33: {  	[sflag:s25] =	ssyncset.done $0x0  }
0x34: {  	[sflag:s25] =	ssyncadd.s32 $0xFFFFC000  }
0x35: {  	_ =	swait.ge [sflag:s25], $0x4000  }
0x36: {  	[sflag:s25] =	ssyncset.done $0x0  }
0x37: {  	[sflag:s25] =	ssyncadd.s32 $0xFFFFC000  }
0x38: {  	s13 =	sadd.s32 $0x0, s20;
	[bflag:$0x0] =	sbarrier.arrive $0xFFFF  }
0x39: {  	[tilespmem:s26], [sflag:$0x5] =	stream.linear.gather [hbm4b:s13+s4], $0x80, $0x38;
	[tilespmem:$0x1CB00] =	vst v63  }
0x3a: {  	_ =	swait.ge [sflag:s24], $0x80  }
0x3b: {  	[sflag:s24] =	ssyncset.done $0x0  }
0x3c: {  	s14 =	sadd.s32 $0x0, s19;
	[sflag:s24] =	ssyncadd.s32 $0xFFFFFF80  }
0x3d: {  	[tilespmem:s28], [sflag:$0x5] =	stream.linear.gather [hbm4b:s14+s4], $0x80, $0x38;
	[tilespmem:$0x1CB00] =	vst v63  }
0x3e: {  	_ =	swait.ge [sflag:s24], $0x80  }
0x3f: {  	[sflag:s24] =	ssyncset.done $0x0  }
0x40: {  	[sflag:s24] =	ssyncadd.s32 $0xFFFFFF80  }
0x41: {  	[tilespmem:s23], [sflag:$0x1] =	stream.indirect.gather [hbm4b:s1+s29], $0x80, s28, s29, $0xb8;
	[tilespmem:$0x1CB00] =	vst v63  }
0x42: {  	s17 =	sadd.s32 $0x0, s22  }
0x43: {  	[tilespmem:s30], [sflag:$0x5] =	stream.linear.gather [hbm4b:s17+s4], $0x80, $0x38;
	[tilespmem:$0x1CB00] =	vst v63  }
0x44: {  	_ =	swait.ge [sflag:s24], $0x80  }
0x45: {  	[sflag:s24] =	ssyncset.done $0x0  }
0x46: {  	s18 =	sadd.s32 $0x0, s21;
	[sflag:s24] =	ssyncadd.s32 $0xFFFFFF80  }
0x47: {  	[tilespmem:s31], [sflag:$0x5] =	stream.linear.gather [hbm4b:s18+s4], $0x80, $0x38;
	[tilespmem:$0x1CB00] =	vst v63  }
0x48: {  	_ =	swait.ge [sflag:s24], $0x80  }
0x49: {  	[sflag:s24] =	ssyncset.done $0x0  }
0x4a: {  	[sflag:s24] =	ssyncadd.s32 $0xFFFFFF80  }
0x4b: {  	[tilespmem:s2], [sflag:$0x2] =	stream.indirect.gather [hbm4b:s1+s29], $0x80, s31, s29, $0xb8;
	[tilespmem:$0x1CB00] =	vst v63  }
0x4c: {  	_ =	swait.ge [sflag:s0], $0x4000  }
0x4d: {  	[sflag:s0] =	ssyncset.done $0x0  }
0x4e: {  	[sflag:s0] =	ssyncadd.s32 $0xFFFFC000  }
0x4f: {  	[spmem:s3] =	stream.indirect.scatter.add.f32 [tilespmem:s23], [sflag:$0x3], $0x80, s26, s29, $0xb8;
	[tilespmem:$0x1CB00] =	vst v63  }
0x50: {  	_ =	swait.ge [sflag:s5], $0x4000  }
0x51: {  	[sflag:s5] =	ssyncset.done $0x0  }
0x52: {  	[sflag:s5] =	ssyncadd.s32 $0xFFFFC000  }
0x53: {  	[spmem:s3] =	stream.indirect.scatter.add.f32 [tilespmem:s2], [sflag:$0x4], $0x80, s30, s29, $0xb8;
	[tilespmem:$0x1CB00] =	vst v63  }
0x54: {  	_ =	swait.ge [sflag:s25], $0x4000  }
0x55: {  	[sflag:s25] =	ssyncset.done $0x0  }
0x56: {  	[sflag:s25] =	ssyncadd.s32 $0xFFFFC000  }
0x57: {  	_ =	swait.ge [sflag:s11], $0x4000  }
0x58: {  	s17 =	simm.s32 $0x20;
	s18 =	simm.s32 $0x40;
	[sflag:s11] =	ssyncset.done $0x0  }
.LBB2_2:
0x59: {  	s13 =	sadd.s32 s17, s20  }
0x5a: {  	[sflag:s11] =	ssyncadd.s32 $0xFFFFC000;
	s14 =	smov.u32 s18;
	s12 =	sadd.s32 $0x20, s18  }
0x5b: {  	[tilespmem:s26], [sflag:$0x5] =	stream.linear.gather [hbm4b:s13+s4], $0x80, $0x38;
	[tilespmem:$0x1CB00] =	vst v63  }
0x5c: {  	p0 =	sne.s32 s18, $0x4C0;
	_ =	swait.ge [sflag:s24], $0x80  }
0x5d: {  	[sflag:s24] =	ssyncset.done $0x0  }
0x5e: {  	s13 =	sadd.s32 s17, s19;
	[sflag:s24] =	ssyncadd.s32 $0xFFFFFF80  }
0x5f: {  	[tilespmem:s28], [sflag:$0x5] =	stream.linear.gather [hbm4b:s13+s4], $0x80, $0x38;
	[tilespmem:$0x1CB00] =	vst v63  }
0x60: {  	_ =	swait.ge [sflag:s24], $0x80  }
0x61: {  	[sflag:s24] =	ssyncset.done $0x0  }
0x62: {  	[sflag:s24] =	ssyncadd.s32 $0xFFFFFF80  }
0x63: {  	[tilespmem:s23], [sflag:$0x1] =	stream.indirect.gather [hbm4b:s1+s29], $0x80, s28, s29, $0xb8;
	[tilespmem:$0x1CB00] =	vst v63  }
0x64: {  	s13 =	sadd.s32 s17, s22  }
0x65: {  	[tilespmem:s30], [sflag:$0x5] =	stream.linear.gather [hbm4b:s13+s4], $0x80, $0x38;
	[tilespmem:$0x1CB00] =	vst v63  }
0x66: {  	_ =	swait.ge [sflag:s24], $0x80  }
0x67: {  	[sflag:s24] =	ssyncset.done $0x0  }
0x68: {  	s13 =	sadd.s32 s17, s21;
	s17 =	smov.u32 s14;
	[sflag:s24] =	ssyncadd.s32 $0xFFFFFF80  }
0x69: {  	[tilespmem:s31], [sflag:$0x5] =	stream.linear.gather [hbm4b:s13+s4], $0x80, $0x38;
	[tilespmem:$0x1CB00] =	vst v63  }
0x6a: {  	_ =	swait.ge [sflag:s24], $0x80  }
0x6b: {  	[sflag:s24] =	ssyncset.done $0x0  }
0x6c: {  	[sflag:s24] =	ssyncadd.s32 $0xFFFFFF80  }
0x6d: {  	[tilespmem:s2], [sflag:$0x2] =	stream.indirect.gather [hbm4b:s1+s29], $0x80, s31, s29, $0xb8;
	[tilespmem:$0x1CB00] =	vst v63  }
0x6e: {  	_ =	swait.ge [sflag:s0], $0x4000  }
0x6f: {  	[sflag:s0] =	ssyncset.done $0x0  }
0x70: {  	[sflag:s0] =	ssyncadd.s32 $0xFFFFC000  }
0x71: {  	[spmem:s3] =	stream.indirect.scatter.add.f32 [tilespmem:s23], [sflag:$0x3], $0x80, s26, s29, $0xb8;
	[tilespmem:$0x1CB00] =	vst v63  }
0x72: {  	_ =	swait.ge [sflag:s5], $0x4000  }
0x73: {  	[sflag:s5] =	ssyncset.done $0x0  }
0x74: {  	[sflag:s5] =	ssyncadd.s32 $0xFFFFC000  }
0x75: {  	[spmem:s3] =	stream.indirect.scatter.add.f32 [tilespmem:s2], [sflag:$0x4], $0x80, s30, s29, $0xb8;
	[tilespmem:$0x1CB00] =	vst v63  }
.Ltmp0:
0x76: {  	_ =	swait.ge [sflag:s25], $0x4000;
	(pc) =	sbr.rel @p0 .LBB2_2-.Ltmp0, $4  }
0x77: {  	[sflag:s25] =	ssyncset.done $0x0  }
0x78: {  	[sflag:s25] =	ssyncadd.s32 $0xFFFFC000  }
0x79: {  	_ =	swait.ge [sflag:s11], $0x4000  }
0x7a: {  	s18 =	smov.u32 s12;
	[sflag:s11] =	ssyncset.done $0x0  }
0x7b: {  	s12 =	sadd.s32 s17, s20;
	[sflag:s11] =	ssyncadd.s32 $0xFFFFC000  }
0x7c: {  	[tilespmem:s26], [sflag:$0x5] =	stream.linear.gather [hbm4b:s12+s4], $0x80, $0x38;
	[tilespmem:$0x1CB00] =	vst v63  }
0x7d: {  	_ =	swait.ge [sflag:s24], $0x80  }
0x7e: {  	[sflag:s24] =	ssyncset.done $0x0  }
0x7f: {  	s14 =	sadd.s32 s17, s19;
	[sflag:s24] =	ssyncadd.s32 $0xFFFFFF80  }
0x80: {  	[tilespmem:s28], [sflag:$0x5] =	stream.linear.gather [hbm4b:s14+s4], $0x80, $0x38;
	[tilespmem:$0x1CB00] =	vst v63  }
0x81: {  	_ =	swait.ge [sflag:s24], $0x80  }
0x82: {  	[sflag:s24] =	ssyncset.done $0x0  }
0x83: {  	[sflag:s24] =	ssyncadd.s32 $0xFFFFFF80  }
0x84: {  	[tilespmem:s23], [sflag:$0x1] =	stream.indirect.gather [hbm4b:s1+s29], $0x80, s28, s29, $0xb8;
	[tilespmem:$0x1CB00] =	vst v63  }
0x85: {  	s18 =	sadd.s32 s17, s22  }
0x86: {  	[tilespmem:s30], [sflag:$0x5] =	stream.linear.gather [hbm4b:s18+s4], $0x80, $0x38;
	[tilespmem:$0x1CB00] =	vst v63  }
0x87: {  	_ =	swait.ge [sflag:s24], $0x80  }
0x88: {  	[sflag:s24] =	ssyncset.done $0x0  }
0x89: {  	s13 =	sadd.s32 s17, s21;
	[sflag:s24] =	ssyncadd.s32 $0xFFFFFF80  }
0x8a: {  	[tilespmem:s31], [sflag:$0x5] =	stream.linear.gather [hbm4b:s13+s4], $0x80, $0x38;
	[tilespmem:$0x1CB00] =	vst v63  }
0x8b: {  	_ =	swait.ge [sflag:s24], $0x80  }
0x8c: {  	[sflag:s24] =	ssyncset.done $0x0  }
0x8d: {  	[sflag:s24] =	ssyncadd.s32 $0xFFFFFF80  }
0x8e: {  	[tilespmem:s2], [sflag:$0x2] =	stream.indirect.gather [hbm4b:s1+s29], $0x80, s31, s29, $0xb8;
	[tilespmem:$0x1CB00] =	vst v63  }
0x8f: {  	_ =	swait.ge [sflag:s0], $0x4000  }
0x90: {  	[sflag:s0] =	ssyncset.done $0x0  }
0x91: {  	[sflag:s0] =	ssyncadd.s32 $0xFFFFC000  }
0x92: {  	[spmem:s3] =	stream.indirect.scatter.add.f32 [tilespmem:s23], [sflag:$0x3], $0x80, s26, s29, $0xb8;
	[tilespmem:$0x1CB00] =	vst v63  }
0x93: {  	_ =	swait.ge [sflag:s5], $0x4000  }
0x94: {  	[sflag:s5] =	ssyncset.done $0x0  }
0x95: {  	[sflag:s5] =	ssyncadd.s32 $0xFFFFC000  }
0x96: {  	[spmem:s3] =	stream.indirect.scatter.add.f32 [tilespmem:s2], [sflag:$0x4], $0x80, s30, s29, $0xb8;
	[tilespmem:$0x1CB00] =	vst v63  }
0x97: {  	_ =	swait.ge [sflag:s25], $0x4000  }
0x98: {  	[sflag:s25] =	ssyncset.done $0x0  }
0x99: {  	[sflag:s25] =	ssyncadd.s32 $0xFFFFC000  }
0x9a: {  	_ =	swait.ge [sflag:s11], $0x4000  }
0x9b: {  	[sflag:s11] =	ssyncset.done $0x0  }
0x9c: {  	s13 =	simm.s32 $0x1C100;
	s14 =	rddreg [dreg:$0x6];
	[sflag:s11] =	ssyncadd.s32 $0xFFFFC000  }
0x9d: {  	[tilespmem:s13], [sflag:$0x5] =	stream.linear.gather [hbm4b:s14+s4], $0x10, $0x38;
	[tilespmem:$0x1CB00] =	vst v63  }
0x9e: {  	_ =	swait.ge [sflag:s24], $0x10  }
0x9f: {  	[sflag:s24] =	ssyncset.done $0x0  }
0xa0: {  	s14 =	simm.s32 $0x1CA80;
	s17 =	rddreg [dreg:$0x7];
	[sflag:s24] =	ssyncadd.s32 $0xFFFFFFF0  }
0xa1: {  	[tilespmem:s14], [sflag:$0x5] =	stream.linear.gather [hbm4b:s17+s4], $0x10, $0x38;
	[tilespmem:$0x1CB00] =	vst v63  }
0xa2: {  	_ =	swait.ge [sflag:s24], $0x10  }
0xa3: {  	[sflag:s24] =	ssyncset.done $0x0  }
0xa4: {  	s18 =	simm.s32 $0x10;
	[sflag:s24] =	ssyncadd.s32 $0xFFFFFFF0  }
0xa5: {  	[tilespmem:s15], [sflag:$0x1] =	stream.indirect.gather [hbm4b:s1+s18], $0x80, s14, s18, $0xb8;
	[tilespmem:$0x1CB00] =	vst v63  }
0xa6: {  	_ =	swait.ge [sflag:s0], $0x800  }
0xa7: {  	[sflag:s0] =	ssyncset.done $0x0  }
0xa8: {  	[sflag:s0] =	ssyncadd.s32 $0xFFFFF800  }
0xa9: {  	[spmem:s3] =	stream.indirect.scatter.add.f32 [tilespmem:s15], [sflag:$0x5], $0x80, s13, s18, $0xb8;
	[tilespmem:$0x1CB00] =	vst v63  }
0xaa: {  	_ =	swait.ge [sflag:s24], $0x800  }
0xab: {  	[sflag:s24] =	ssyncset.done $0x0  }
0xac: {  	[sflag:s24] =	ssyncadd.s32 $0xFFFFF800  }
0xad: {  	[bflag:$0x0] =	sbarrier.arrive $0xFFFF  }
0xae: {  	[tilespmem:s23], [sflag:$0x1] =	stream.linear.gather [spmem:s6], $0x4000, $0x38;
	[tilespmem:$0x1CB00] =	vst v63  }
0xaf: {  	_ = 	snop  }
0xb0: {  	[tilespmem:s2], [sflag:$0x2] =	stream.linear.gather [spmem:s7], $0x4000, $0x38;
	[tilespmem:$0x1CB00] =	vst v63  }
0xb1: {  	_ =	swait.ge [sflag:s0], $0x4000  }
0xb2: {  	[sflag:s0] =	ssyncset.done $0x0  }
0xb3: {  	s17 =	rddreg [dreg:$0x8];
	[sflag:s0] =	ssyncadd.s32 $0xFFFFC000  }
0xb4: {  	[hbm4b:s17+s4] =	stream.linear.scatter [tilespmem:s23], [sflag:$0x3], $0x4000, $0x38;
	[tilespmem:$0x1CB00] =	vst v63  }
0xb5: {  	_ =	swait.ge [sflag:s25], $0x4000  }
0xb6: {  	[sflag:s25] =	ssyncset.done $0x0  }
0xb7: {  	[sflag:s25] =	ssyncadd.s32 $0xFFFFC000  }
0xb8: {  	[tilespmem:s23], [sflag:$0x1] =	stream.linear.gather [spmem:s8], $0x4000, $0x38;
	[tilespmem:$0x1CB00] =	vst v63  }
0xb9: {  	_ =	swait.ge [sflag:s5], $0x4000  }
0xba: {  	[sflag:s5] =	ssyncset.done $0x0  }
0xbb: {  	s18 =	rddreg [dreg:$0x9];
	[sflag:s5] =	ssyncadd.s32 $0xFFFFC000  }
0xbc: {  	[hbm4b:s18+s4] =	stream.linear.scatter [tilespmem:s2], [sflag:$0x4], $0x4000, $0x38;
	[tilespmem:$0x1CB00] =	vst v63  }
0xbd: {  	_ =	swait.ge [sflag:s11], $0x4000  }
0xbe: {  	[sflag:s11] =	ssyncset.done $0x0  }
0xbf: {  	[sflag:s11] =	ssyncadd.s32 $0xFFFFC000  }
0xc0: {  	[tilespmem:s2], [sflag:$0x2] =	stream.linear.gather [spmem:s9], $0x4000, $0x38;
	[tilespmem:$0x1CB00] =	vst v63  }
0xc1: {  	_ =	swait.ge [sflag:s0], $0x4000  }
0xc2: {  	[sflag:s0] =	ssyncset.done $0x0  }
0xc3: {  	s13 =	rddreg [dreg:$0xa];
	[sflag:s0] =	ssyncadd.s32 $0xFFFFC000  }
0xc4: {  	[hbm4b:s13+s4] =	stream.linear.scatter [tilespmem:s23], [sflag:$0x3], $0x4000, $0x38;
	[tilespmem:$0x1CB00] =	vst v63  }
0xc5: {  	_ =	swait.ge [sflag:s25], $0x4000  }
0xc6: {  	[sflag:s25] =	ssyncset.done $0x0  }
0xc7: {  	[sflag:s25] =	ssyncadd.s32 $0xFFFFC000  }
0xc8: {  	[tilespmem:s23], [sflag:$0x1] =	stream.linear.gather [spmem:s10], $0x4000, $0x38;
	[tilespmem:$0x1CB00] =	vst v63  }
0xc9: {  	_ =	swait.ge [sflag:s5], $0x4000  }
0xca: {  	[sflag:s5] =	ssyncset.done $0x0  }
0xcb: {  	s14 =	rddreg [dreg:$0xb];
	[sflag:s5] =	ssyncadd.s32 $0xFFFFC000  }
0xcc: {  	[hbm4b:s14+s4] =	stream.linear.scatter [tilespmem:s2], [sflag:$0x4], $0x4000, $0x38;
	[tilespmem:$0x1CB00] =	vst v63  }
0xcd: {  	_ =	swait.ge [sflag:s0], $0x4000  }
0xce: {  	[sflag:s0] =	ssyncset.done $0x0  }
0xcf: {  	s17 =	rddreg [dreg:$0xc];
	[sflag:s0] =	ssyncadd.s32 $0xFFFFC000  }
0xd0: {  	[hbm4b:s17+s4] =	stream.linear.scatter [tilespmem:s23], [sflag:$0x3], $0x4000, $0x38;
	[tilespmem:$0x1CB00] =	vst v63  }
0xd1: {  	_ =	swait.ge [sflag:s25], $0x4000  }
0xd2: {  	[sflag:s25] =	ssyncset.done $0x0  }
0xd3: {  	[sflag:s25] =	ssyncadd.s32 $0xFFFFC000  }
0xd4: {  	_ =	swait.ge [sflag:s11], $0x4000  }
0xd5: {  	s16 =	sadd.s32 $0x1, s16;
	s18 =	rddreg [dreg:$0xd]  }
0xd6: {  	p0 =	sne.s32 s16, s18  }
.Ltmp1:
0xd7: {  	_ = 	snop;
	(pc) =	sbr.rel @p0 .LBB2_1-.Ltmp1, $3  }
0xd8: {  	_ =	sdelay $0x1  }
0xd9: {  	[sflag:s11] =	ssyncset.done $0x0  }
0xda: {  	[sflag:s11] =	ssyncadd.s32 $0xFFFFC000  }
0xdb: {  	_ =	sfence.sel $0x180000  }
0xdc: {  	[bflag:$0x0] =	sbarrier.arrive $0xFFFF  }
0xdd: {  	_ =	strace $0x90000047  }
0xde: {  	s0 =	stileid.u32;
	[bflag:$0x2] =	sbarrier.arrive $0xFFFF  }
0xdf: {  	p0 =	sne.s32 s0, $0x0;
	s0 =	rddreg [dreg:$0x4]  }
0xe0: {  	s0 =	sadd.s32 @!p0 $0x100000, s0  }
0xe1: {  	[sflag:s0] =	ssyncadd.tile.s32 @!p0 $0x1;
	_ =	shalt  }
.Lfunc_end2:
_tile_overlayer_lowered:
.L_overlay_start_2:
0xe2: {  	(tag) =	ssettag $0x2  }
0xe3: {  	s0 =	rddreg [dreg:$0x0];
	s2 =	stileid.u32  }
0xe4: {  	s1 =	rddreg [dreg:$0x1];
	p0 =	sne.s32 s2, $0x0  }
0xe5: {  	s3 =	rddreg [dreg:$0x2];
	[bflag:$0x3] =	sbarrier.arrive $0xFFFF;
	s2 =	simm.s32 @!p0 $0x1C05  }
0xe6: {  	[timem:s3], [sflag:s2] =	dma.local @!p0 [hbm:s0], s1  }
0xe7: {  	s0 =	simm.s32 @!p0 $0x5  }
0xe8: {  	_ =	swait.ge @!p0 [sflag:s0], s1  }
0xe9: {  	s1 =	ssub.s32 @!p0 $0x0, s1;
	[sflag:s0] =	ssyncset.done @!p0 $0x0  }
0xea: {  	[sflag:s0] =	ssyncadd.s32 @!p0 s1  }
0xeb: {  	[bflag:$0x3] =	sbarrier.arrive $0xFFFF  }
0xec: {  	_ =	shalt  }

// kernel: kernel.15.cloned.1.call-start
scs
__scs_entry_jumppad:
0x0: {  	(pc) =	sbr.rel $0x88, $3  }
0x1: {  	(tag) =	ssettag $0x0;
	lr =	simm.s32 $0x1  }
0x2: {  	[smem:$0x3F94] =	sst lr;
	_ =	strace $0xD0000000  }
0x3: {  	_ = 	snop  }
0x4: {  	_ = 	snop  }
0x5: {  	_ = 	snop  }
0x6: {  	_ = 	snop  }
0x7: {  	_ = 	snop  }
__scs_overlays_trampoline_lowered:
0x8: {  	[smem:$0x3FA3] =	sst s0  }
0x9: {  	[smem:$0x3FA4] =	sst s1  }
0xa: {  	[smem:$0x3FA5] =	sst s2  }
0xb: {  	[smem:$0x3FA6] =	sst s3  }
0xc: {  	[smem:$0x3FA7] =	sst s4  }
0xd: {  	[smem:$0x3FA8] =	sst s5  }
0xe: {  	[smem:$0x3FA9] =	sst s6  }
0xf: {  	[smem:$0x3FAA] =	sst s7  }
0x10: {  	[smem:$0x3FAB] =	sst s8  }
0x11: {  	[smem:$0x3FAC] =	sst s9;
	s0 =	simm.s32 @!p0 $0x0  }
0x12: {  	s1 =	sld [smem:$0x3F92];
	s0 =	simm.s32 @p0 $0x1  }
0x13: {  	[smem:$0x3FAD] =	sst s0;
	s0 =	simm.s32 @!p1 $0x0  }
0x14: {  	s2 =	sld [smem:$0x3F91];
	s0 =	simm.s32 @p1 $0x1  }
0x15: {  	[smem:$0x3FAE] =	sst s0;
	s0 =	simm.s32 @!p2 $0x0  }
0x16: {  	s3 =	sld [smem:$0x3FDB];
	s0 =	simm.s32 @p2 $0x1  }
0x17: {  	s4 =	simm.s32 $0x1BF5;
	[smem:$0x3FB0] =	sst s0  }
0x18: {  	s0 =	sld [smem:$0x3F93];
	_ =	swait.ge [sflag:s4], $0x0  }
0x19: {  	s7 =	sld [smem:$0x3F94]  }
0x1a: {  	s8 =	sadd.s32 $0xFFFFE003, lr  }
0x1b: {  	s9 =	sadd.s32 $0xFFFFFEF7, lr;
	s5 =	simm.s32 $0xFFFFFFFF;
	p2 =	slt.u32 s8, $0xFFFFF086  }
0x1c: {  	p1 =	slt.u32 s9, $0xF7A;
	s5 =	simm.s32 @!p2 $0x0  }
0x1d: {  	s5 =	simm.s32 @p1 $0x1;
	p0 =	seq.s32 s7, s2  }
0x1e: {  	s7 =	smul.u32 @!p0 $0xF7A, s2;
	p2 =	seq.s32 @!p0 s5, $0x0  }
0x1f: {  	s9 =	smul.u32 $0xF7A, s1;
	s8 =	simm.s32 @!p0 $0x1BF5;
	p2 =	por !p2, p0  }
0x20: {  	[sflag:s8] =	ssyncset.s32 @!p0 $0xFFFFF086;
	s6 =	sadd.s32 @!p0 s3, s7;
	s7 =	simm.s32 @!p0 $0x108  }
0x21: {  	s3 =	sadd.s32 s3, s9;
	s6 =	sadd.s32 @!p0 $0x88, s6;
	s7 =	simm.s32 @p2 $0x1082  }
0x22: {  	[simem:s7], [sflag:s8] =	dma.local @!p0 [hbm:s6], $0xF7A  }
0x23: {  	s9 =	sor.u32 $0xD0000000, s2;
	s6 =	simm.s32 $0x108;
	_ =	swait.ge @!p0 [sflag:s8], $0x0  }
0x24: {  	s3 =	sadd.s32 $0x88, s3;
	s6 =	simm.s32 @!p1 $0x1082;
	[sflag:s4] =	ssyncset.s32 $0xFFFFF086  }
0x25: {  	[simem:s6], [sflag:s4] =	dma.local [hbm:s3], $0xF7A  }
0x26: {  	[smem:$0x3F94] =	sst s1;
	(tag) =	ssettag s2;
	_ =	strace s9  }
0x27: {  	s1 =	sld [smem:$0x3FA4]  }
0x28: {  	s2 =	sld [smem:$0x3FA5]  }
0x29: {  	s4 =	sld [smem:$0x3FA7]  }
0x2a: {  	p0 =	seq.s32 s5, $0x0;
	s5 =	sld [smem:$0x3FA8]  }
0x2b: {  	s6 =	sld [smem:$0x3FA9]  }
0x2c: {  	s7 =	sld [smem:$0x3FAA]  }
0x2d: {  	s3 =	simm.s32 $0x108;
	s8 =	sld [smem:$0x3FAB]  }
0x2e: {  	s3 =	simm.s32 @!p0 $0x1082;
	s9 =	sld [smem:$0x3FAC]  }
0x2f: {  	lr =	sadd.s32 s0, s3;
	s0 =	sld [smem:$0x3FA3]  }
0x30: {  	s3 =	sld [smem:$0x3FA6]  }
0x31: {  	[smem:$0x3FAF] =	sst s10  }
0x32: {  	s10 =	sld [smem:$0x3FAD];
	_ =	sdelay $0x3  }
0x33: {  	p0 =	seq.s32 s10, $0x1;
	s10 =	sld [smem:$0x3FAF];
	_ =	sdelay $0x3  }
0x34: {  	[smem:$0x3FAF] =	sst s10  }
0x35: {  	s10 =	sld [smem:$0x3FAE];
	_ =	sdelay $0x3  }
0x36: {  	p1 =	seq.s32 s10, $0x1;
	s10 =	sld [smem:$0x3FAF];
	_ =	sdelay $0x3  }
0x37: {  	[smem:$0x3FAF] =	sst s10  }
0x38: {  	s10 =	sld [smem:$0x3FB0]  }
0x39: {  	_ = 	snop;
	(pc) =	sbr.ind lr, $3  }
0x3a: {  	_ = 	snop  }
0x3b: {  	_ = 	snop  }
0x3c: {  	p2 =	seq.s32 s10, $0x1;
	s10 =	sld [smem:$0x3FAF]  }
0x3d: {  	_ =	shalt  }
0x3e: {  	_ =	shalt  }
0x3f: {  	_ =	shalt  }
0x40: {  	_ =	shalt  }
0x41: {  	_ =	shalt  }
0x42: {  	_ =	shalt  }
0x43: {  	_ =	shalt  }
0x44: {  	_ =	shalt  }
0x45: {  	_ =	shalt  }
0x46: {  	_ =	shalt  }
0x47: {  	_ =	shalt  }
0x48: {  	_ =	shalt  }
0x49: {  	_ =	shalt  }
0x4a: {  	_ =	shalt  }
0x4b: {  	_ =	shalt  }
0x4c: {  	_ =	shalt  }
0x4d: {  	_ =	shalt  }
0x4e: {  	_ =	shalt  }
0x4f: {  	_ =	shalt  }
0x50: {  	_ =	shalt  }
0x51: {  	_ =	shalt  }
0x52: {  	_ =	shalt  }
0x53: {  	_ =	shalt  }
0x54: {  	_ =	shalt  }
0x55: {  	_ =	shalt  }
0x56: {  	_ =	shalt  }
0x57: {  	_ =	shalt  }
0x58: {  	_ =	shalt  }
0x59: {  	_ =	shalt  }
0x5a: {  	_ =	shalt  }
0x5b: {  	_ =	shalt  }
0x5c: {  	_ =	shalt  }
0x5d: {  	_ =	shalt  }
0x5e: {  	_ =	shalt  }
0x5f: {  	_ =	shalt  }
0x60: {  	_ =	shalt  }
0x61: {  	_ =	shalt  }
0x62: {  	_ =	shalt  }
0x63: {  	_ =	shalt  }
0x64: {  	_ =	shalt  }
0x65: {  	_ =	shalt  }
0x66: {  	_ =	shalt  }
0x67: {  	_ =	shalt  }
0x68: {  	_ =	shalt  }
0x69: {  	_ =	shalt  }
0x6a: {  	_ =	shalt  }
0x6b: {  	_ =	shalt  }
0x6c: {  	_ =	shalt  }
0x6d: {  	_ =	shalt  }
0x6e: {  	_ =	shalt  }
0x6f: {  	_ =	shalt  }
0x70: {  	_ =	shalt  }
0x71: {  	_ =	shalt  }
0x72: {  	_ =	shalt  }
0x73: {  	_ =	shalt  }
0x74: {  	_ =	shalt  }
0x75: {  	_ =	shalt  }
0x76: {  	_ =	shalt  }
0x77: {  	_ =	shalt  }
0x78: {  	_ =	shalt  }
0x79: {  	_ =	shalt  }
0x7a: {  	_ =	shalt  }
0x7b: {  	_ =	shalt  }
0x7c: {  	_ =	shalt  }
0x7d: {  	_ =	shalt  }
0x7e: {  	_ =	shalt  }
0x7f: {  	_ =	shalt  }
0x80: {  	_ =	shalt  }
0x81: {  	_ =	shalt  }
0x82: {  	_ =	shalt  }
0x83: {  	_ =	shalt  }
0x84: {  	_ =	shalt  }
0x85: {  	_ =	shalt  }
0x86: {  	_ =	shalt  }
0x87: {  	_ =	shalt  }
.Lfunc_end0:
.L_simem_size_0:
called_computation.2_lowered:
.L_overlay_start_0:
0x88: {  	s2 =	sld [smem:$0x3FD9]  }
0x89: {  	s3 =	sld [smem:$0x3FFE];
	_ =	sdelay $0x1  }
0x8a: {  	s1 =	srdreg.scid  }
0x8b: {  	s0 =	sand.u32 $0x1, s1  }
0x8c: {  	s17 =	sshll.u32 s0, $0xA;
	s2 =	sadd.s32 s3, s2  }
0x8d: {  	s2 =	sadd.s32 s2, s17  }
0x8e: {  	[smem:$0x3FBB] =	sst s2  }
0x8f: {  	_ = 	snop  }
0x90: {  	s2 =	sld [smem:$0x3FD0];
	(tm) =	ssettm $0x1  }
0x91: {  	s18 =	sld [smem:$0x3FFB];
	_ =	sdelay $0x3  }
0x92: {  	_ =	strace s18  }
0x93: {  	s3 =	sld [smem:$0x3FFC];
	_ =	sdelay $0x3  }
0x94: {  	_ =	strace s3  }
0x95: {  	s3 =	sld [smem:$0x3FFD];
	_ =	sdelay $0x3  }
0x96: {  	_ =	strace s3  }
0x97: {  	_ =	strace $0x8FFFFFFF  }
0x98: {  	s19 =	sld [smem:$0x3FDB];
	_ =	sdelay $0x1  }
0x99: {  	s4 =	simm.s32 $_scs_section_size  }
0x9a: {  	s5 =	simm.s32 $_size__tile_overlayer_lowered;
	s6 =	simm.s32 $_tile_overlayer_lowered  }
0x9b: {  	s22 =	simm.s32 $0x1BFF;
	s21 =	sshll.u32 s6, $0x1;
	s3 =	sadd.s32 s4, s19  }
0x9c: {  	s7 =	simm.s32 $0x0;
	s20 =	sshll.u32 s5, $0x1;
	s5 =	sadd.s32 s21, s3  }
0x9d: {  	[timem:s7], [sflag:s22] =	dma.local [hbm:s5], s20  }
0x9e: {  	_ =	swait.ge [sflag:s22], s20  }
0x9f: {  	s4 =	ssub.s32 $0x0, s20;
	[sflag:s22] =	ssyncset.done $0x0  }
0xa0: {  	[sflag:s22] =	ssyncadd.s32 s4;
	_ =	sdelay $0x1  }
0xa1: {  	s23 =	simm.s32 $0x1B8B  }
0xa2: {  	_ =	swait.ge [sflag:s23], $0x1  }
0xa3: {  	[sflag:s23] =	ssyncset.done $0x0  }
0xa4: {  	s25 =	simm.s32 $0x1B8E;
	s24 =	sld [smem:$0x3FFE];
	[sflag:s23] =	ssyncadd.s32 $0xFFFFFFFF  }
0xa5: {  	s26 =	simm.s32 $execute0_lowered;
	[smem:$0x3FD2] =	sst s25  }
0xa6: {  	s5 =	sshll.u32 s26, $0x1;
	_ =	strace $0x8000004C;
	[dreg:$0x1] =	wrdreg $0xFFFFFFFF  }
0xa7: {  	s28 =	simm.s32 $_size_execute0_lowered;
	s3 =	sadd.s32 s3, s5;
	[dreg:$0x0] =	wrdreg $0x0  }
0xa8: {  	s5 =	sshll.u32 s28, $0x1;
	[dreg:$0x2] =	wrdreg s3  }
0xa9: {  	[dreg:$0x3] =	wrdreg s5  }
0xaa: {  	[dreg:$0x4] =	wrdreg $0xC0  }
0xab: {  	_ =	task [dreg:s7], $0x5FFFF  }
0xac: {  	[dreg:$0x1] =	wrdreg $0xFFFFFFFF  }
0xad: {  	[dreg:$0x0] =	wrdreg $0x60  }
0xae: {  	[dreg:$0x2] =	wrdreg s24  }
0xaf: {  	[dreg:$0x3] =	wrdreg s2  }
0xb0: {  	[dreg:$0x4] =	wrdreg $0x0  }
0xb1: {  	[dreg:$0x5] =	wrdreg $0x9  }
0xb2: {  	_ =	task.clear_ibuf [dreg:s7], $0x6FFFF;
	_ =	strace $0x9000004C  }
0xb3: {  	s29 =	simm.s32 $0x9;
	_ =	strace $0x8000004E  }
0xb4: {  	_ =	swait.ge [sflag:s29], $0x1  }
0xb5: {  	[sflag:s29] =	ssyncadd.s32 $0xFFFFFFFF  }
0xb6: {  	_ =	strace $0x9000004E  }
0xb7: {  	_ =	sfence  }
0xb8: {  	s30 =	sld [smem:$0x0];
	_ =	sdelay $0x2  }
0xb9: {  	s31 =	sshll.u32 s1, $0xD;
	s1 =	sshrl.u32 s1, $0x2  }
0xba: {  	s3 =	sand.u32 $0x4000, s31;
	s1 =	sadd.s32 s1, s30  }
0xbb: {  	s0 =	sor.u32 s3, s0;
	s1 =	sshll.u32 s1, $0x11  }
0xbc: {  	s0 =	sor.u32 s1, s0  }
0xbd: {  	s0 =	sadd.s32 $0x8F2B, s0  }
0xbe: {  	[sflag:s0] =	ssyncadd.remote.s32 $0x1  }
0xbf: {  	_ =	sfence.sel $0xFFFF  }
0xc0: {  	[dreg:$0x0] =	wrdreg $0xFFFFFFFF;
	(pc) =	sbr.abs _section_cstart, $3  }
0xc1: {  	[dreg:$0x1] =	wrdreg $0xFFFFFFFF  }
0xc2: {  	_ =	task.clear_ibuf [dreg:s7], $0x2FFFF;
	_ =	strace $0x9FFFFFFF  }
0xc3: {  	(tm) =	ssettm $0x7FFFFFFF  }
tec
execute0_lowered:
.L_overlay_start_1:
0x0: {  	(tag) =	ssettag $0x1  }
0x1: {  	s0 =	rddreg [dreg:$0x0]  }
0x2: {  	s1 =	rddreg [dreg:$0x1]  }
0x3: {  	s3 =	srdreg.scid;
	s14 =	stileid.u32  }
0x4: {  	s2 =	rddreg [dreg:$0x2];
	s28 =	simm.s32 $0x1C980;
	s29 =	simm.s32 $0x80  }
0x5: {  	s30 =	simm.s32 $0x14080;
	s31 =	simm.s32 $0x1CA00;
	s16 =	simm.s32 $0x0  }
0x6: {  	s5 =	sand.u32 $0x1, s3;
	s6 =	smul.u32 $0x280, s14;
	s3 =	simm.s32 $0x0  }
0x7: {  	s4 =	sadd.s32 $0xDA00, s0;
	s11 =	sadd.s32 $0x3400, s0;
	s17 =	smul.u32 $0x50000, s14  }
0x8: {  	s8 =	sadd.s32 $0xD200, s0;
	s18 =	sshll.u32 s14, $0x1;
	s14 =	smul.u32 $0x4E20, s14  }
0x9: {  	s7 =	smul.u32 $0x2800, s5;
	[smem:$0x7FF] =	sst s3;
	s19 =	ssub.s32 $0x2, s5  }
0xa: {  	s9 =	sor.u32 s5, s18;
	s5 =	smul.u32 $0x2710, s5;
	_ =	strace $0x8000004D  }
0xb: {  	[dreg:$0x4] =	wrdreg s8;
	s21 =	sshrl.u32 s19, $0x1;
	s10 =	smul.u32 $0x2710, s9  }
0xc: {  	s20 =	sshrl.u32 s17, $0x2;
	s6 =	sadd.s32 s6, s7;
	s12 =	ssub.s32 s19, s21  }
0xd: {  	s5 =	sadd.s32 s5, s14;
	s6 =	sshll.u32 s6, $0x4;
	s13 =	sshrl.u32 s10, $0x3  }
0xe: {  	s26 =	sadd.s32 $0x80, s5;
	s12 =	smax.u32 s12, $0x1;
	s5 =	sshrl.u32 s5, $0x3  }
0xf: {  	s0 =	sadd.s32 s6, s0;
	s6 =	sadd.s32 s20, s2;
	s13 =	sadd.s32 $0x4E0, s13  }
0x10: {  	[dreg:$0xc] =	wrdreg s12;
	s19 =	sadd.s32 s5, s11;
	s15 =	sadd.s32 s1, s13  }
0x11: {  	s20 =	sadd.s32 s5, s1;
	s13 =	sadd.s32 s11, s13;
	[dreg:$0x5] =	wrdreg s15  }
0x12: {  	s5 =	simm.s32 $0x2;
	s22 =	sadd.s32 $0xAE200, s0;
	[dreg:$0x6] =	wrdreg s13  }
0x13: {  	s7 =	sadd.s32 $0x4000, s6;
	s23 =	sadd.s32 $0xAEA00, s0;
	[dreg:$0x7] =	wrdreg s22  }
0x14: {  	s8 =	sadd.s32 $0x8000, s6;
	s24 =	sadd.s32 $0xAF200, s0;
	[dreg:$0x8] =	wrdreg s23  }
0x15: {  	s9 =	sadd.s32 $0xC000, s6;
	s25 =	sadd.s32 $0xAFA00, s0;
	[dreg:$0x9] =	wrdreg s24  }
0x16: {  	s10 =	sadd.s32 $0x10000, s6;
	s0 =	sadd.s32 $0xB0200, s0;
	[dreg:$0xa] =	wrdreg s25  }
0x17: {  	[dreg:$0xb] =	wrdreg s0;
	s0 =	sshrl.u32 s26, $0x3;
	s23 =	simm.s32 $0x14100  }
0x18: {  	s24 =	simm.s32 $0x5;
	s25 =	simm.s32 $0x3;
	s26 =	simm.s32 $0x14000  }
0x19: {  	s15 =	simm.s32 $0x1C180;
	s21 =	sadd.s32 s0, s11;
	s22 =	sadd.s32 s0, s1  }
0x1a: {  	s1 =	simm.s32 $0x18100;
	s0 =	simm.s32 $0x1;
	s11 =	simm.s32 $0x4  }
.LBB2_1:
0x1b: {  	s12 =	rddreg [dreg:$0x4]  }
0x1c: {  	[tilespmem:s23], [sflag:$0x5] =	stream.linear.gather [hbm4b:s12+s3], $0x4000, $0x38;
	[tilespmem:$0x1CB00] =	vst v63  }
0x1d: {  	_ =	swait.ge [sflag:s24], $0x4000  }
0x1e: {  	[sflag:s24] =	ssyncset.done $0x0  }
0x1f: {  	[sflag:s24] =	ssyncadd.s32 $0xFFFFC000  }
0x20: {  	[spmem:s6] =	stream.linear.scatter [tilespmem:s23], [sflag:$0x3], $0x4000, $0x38;
	[tilespmem:$0x1CB00] =	vst v63  }
0x21: {  	_ = 	snop  }
0x22: {  	[spmem:s7] =	stream.linear.scatter [tilespmem:s23], [sflag:$0x3], $0x4000, $0x38;
	[tilespmem:$0x1CB00] =	vst v63  }
0x23: {  	_ = 	snop  }
0x24: {  	[spmem:s8] =	stream.linear.scatter [tilespmem:s23], [sflag:$0x3], $0x4000, $0x38;
	[tilespmem:$0x1CB00] =	vst v63  }
0x25: {  	_ = 	snop  }
0x26: {  	[spmem:s9] =	stream.linear.scatter [tilespmem:s23], [sflag:$0x3], $0x4000, $0x38;
	[tilespmem:$0x1CB00] =	vst v63  }
0x27: {  	_ = 	snop  }
0x28: {  	[spmem:s10] =	stream.linear.scatter [tilespmem:s23], [sflag:$0x3], $0x4000, $0x38;
	[tilespmem:$0x1CB00] =	vst v63  }
0x29: {  	_ =	swait.ge [sflag:s25], $0x4000  }
0x2a: {  	[sflag:s25] =	ssyncset.done $0x0  }
0x2b: {  	[sflag:s25] =	ssyncadd.s32 $0xFFFFC000  }
0x2c: {  	_ =	swait.ge [sflag:s25], $0x4000  }
0x2d: {  	[sflag:s25] =	ssyncset.done $0x0  }
0x2e: {  	[sflag:s25] =	ssyncadd.s32 $0xFFFFC000  }
0x2f: {  	_ =	swait.ge [sflag:s25], $0x4000  }
0x30: {  	[sflag:s25] =	ssyncset.done $0x0  }
0x31: {  	[sflag:s25] =	ssyncadd.s32 $0xFFFFC000  }
0x32: {  	_ =	swait.ge [sflag:s25], $0x4000  }
0x33: {  	[sflag:s25] =	ssyncset.done $0x0  }
0x34: {  	[sflag:s25] =	ssyncadd.s32 $0xFFFFC000  }
0x35: {  	_ =	swait.ge [sflag:s25], $0x4000  }
0x36: {  	[sflag:s25] =	ssyncset.done $0x0  }
0x37: {  	[sflag:s25] =	ssyncadd.s32 $0xFFFFC000  }
0x38: {  	s13 =	sadd.s32 $0x0, s20;
	[bflag:$0x0] =	sbarrier.arrive $0xFFFF  }
0x39: {  	[tilespmem:s26], [sflag:$0x5] =	stream.linear.gather [hbm4b:s13+s3], $0x80, $0x38;
	[tilespmem:$0x1CB00] =	vst v63  }
0x3a: {  	_ =	swait.ge [sflag:s24], $0x80  }
0x3b: {  	[sflag:s24] =	ssyncset.done $0x0  }
0x3c: {  	s14 =	sadd.s32 $0x0, s19;
	[sflag:s24] =	ssyncadd.s32 $0xFFFFFF80  }
0x3d: {  	[tilespmem:s28], [sflag:$0x5] =	stream.linear.gather [hbm4b:s14+s3], $0x80, $0x38;
	[tilespmem:$0x1CB00] =	vst v63  }
0x3e: {  	_ =	swait.ge [sflag:s24], $0x80  }
0x3f: {  	[sflag:s24] =	ssyncset.done $0x0  }
0x40: {  	[sflag:s24] =	ssyncadd.s32 $0xFFFFFF80  }
0x41: {  	[tilespmem:s23], [sflag:$0x1] =	stream.indirect.gather [hbm4b:s4+s29], $0x80, s28, s29, $0xb8;
	[tilespmem:$0x1CB00] =	vst v63  }
0x42: {  	s17 =	sadd.s32 $0x0, s22  }
0x43: {  	[tilespmem:s30], [sflag:$0x5] =	stream.linear.gather [hbm4b:s17+s3], $0x80, $0x38;
	[tilespmem:$0x1CB00] =	vst v63  }
0x44: {  	_ =	swait.ge [sflag:s24], $0x80  }
0x45: {  	[sflag:s24] =	ssyncset.done $0x0  }
0x46: {  	s18 =	sadd.s32 $0x0, s21;
	[sflag:s24] =	ssyncadd.s32 $0xFFFFFF80  }
0x47: {  	[tilespmem:s31], [sflag:$0x5] =	stream.linear.gather [hbm4b:s18+s3], $0x80, $0x38;
	[tilespmem:$0x1CB00] =	vst v63  }
0x48: {  	_ =	swait.ge [sflag:s24], $0x80  }
0x49: {  	[sflag:s24] =	ssyncset.done $0x0  }
0x4a: {  	[sflag:s24] =	ssyncadd.s32 $0xFFFFFF80  }
0x4b: {  	[tilespmem:s1], [sflag:$0x2] =	stream.indirect.gather [hbm4b:s4+s29], $0x80, s31, s29, $0xb8;
	[tilespmem:$0x1CB00] =	vst v63  }
0x4c: {  	_ =	swait.ge [sflag:s0], $0x4000  }
0x4d: {  	[sflag:s0] =	ssyncset.done $0x0  }
0x4e: {  	[sflag:s0] =	ssyncadd.s32 $0xFFFFC000  }
0x4f: {  	[spmem:s2] =	stream.indirect.scatter.add.f32 [tilespmem:s23], [sflag:$0x3], $0x80, s26, s29, $0xb8;
	[tilespmem:$0x1CB00] =	vst v63  }
0x50: {  	_ =	swait.ge [sflag:s5], $0x4000  }
0x51: {  	[sflag:s5] =	ssyncset.done $0x0  }
0x52: {  	[sflag:s5] =	ssyncadd.s32 $0xFFFFC000  }
0x53: {  	[spmem:s2] =	stream.indirect.scatter.add.f32 [tilespmem:s1], [sflag:$0x4], $0x80, s30, s29, $0xb8;
	[tilespmem:$0x1CB00] =	vst v63  }
0x54: {  	_ =	swait.ge [sflag:s25], $0x4000  }
0x55: {  	[sflag:s25] =	ssyncset.done $0x0  }
0x56: {  	[sflag:s25] =	ssyncadd.s32 $0xFFFFC000  }
0x57: {  	_ =	swait.ge [sflag:s11], $0x4000  }
0x58: {  	s17 =	simm.s32 $0x20;
	s18 =	simm.s32 $0x40;
	[sflag:s11] =	ssyncset.done $0x0  }
.LBB2_2:
0x59: {  	s13 =	sadd.s32 s17, s20  }
0x5a: {  	[sflag:s11] =	ssyncadd.s32 $0xFFFFC000;
	s14 =	smov.u32 s18;
	s12 =	sadd.s32 $0x20, s18  }
0x5b: {  	[tilespmem:s26], [sflag:$0x5] =	stream.linear.gather [hbm4b:s13+s3], $0x80, $0x38;
	[tilespmem:$0x1CB00] =	vst v63  }
0x5c: {  	p0 =	sne.s32 s18, $0x4C0;
	_ =	swait.ge [sflag:s24], $0x80  }
0x5d: {  	[sflag:s24] =	ssyncset.done $0x0  }
0x5e: {  	s13 =	sadd.s32 s17, s19;
	[sflag:s24] =	ssyncadd.s32 $0xFFFFFF80  }
0x5f: {  	[tilespmem:s28], [sflag:$0x5] =	stream.linear.gather [hbm4b:s13+s3], $0x80, $0x38;
	[tilespmem:$0x1CB00] =	vst v63  }
0x60: {  	_ =	swait.ge [sflag:s24], $0x80  }
0x61: {  	[sflag:s24] =	ssyncset.done $0x0  }
0x62: {  	[sflag:s24] =	ssyncadd.s32 $0xFFFFFF80  }
0x63: {  	[tilespmem:s23], [sflag:$0x1] =	stream.indirect.gather [hbm4b:s4+s29], $0x80, s28, s29, $0xb8;
	[tilespmem:$0x1CB00] =	vst v63  }
0x64: {  	s13 =	sadd.s32 s17, s22  }
0x65: {  	[tilespmem:s30], [sflag:$0x5] =	stream.linear.gather [hbm4b:s13+s3], $0x80, $0x38;
	[tilespmem:$0x1CB00] =	vst v63  }
0x66: {  	_ =	swait.ge [sflag:s24], $0x80  }
0x67: {  	[sflag:s24] =	ssyncset.done $0x0  }
0x68: {  	s13 =	sadd.s32 s17, s21;
	s17 =	smov.u32 s14;
	[sflag:s24] =	ssyncadd.s32 $0xFFFFFF80  }
0x69: {  	[tilespmem:s31], [sflag:$0x5] =	stream.linear.gather [hbm4b:s13+s3], $0x80, $0x38;
	[tilespmem:$0x1CB00] =	vst v63  }
0x6a: {  	_ =	swait.ge [sflag:s24], $0x80  }
0x6b: {  	[sflag:s24] =	ssyncset.done $0x0  }
0x6c: {  	[sflag:s24] =	ssyncadd.s32 $0xFFFFFF80  }
0x6d: {  	[tilespmem:s1], [sflag:$0x2] =	stream.indirect.gather [hbm4b:s4+s29], $0x80, s31, s29, $0xb8;
	[tilespmem:$0x1CB00] =	vst v63  }
0x6e: {  	_ =	swait.ge [sflag:s0], $0x4000  }
0x6f: {  	[sflag:s0] =	ssyncset.done $0x0  }
0x70: {  	[sflag:s0] =	ssyncadd.s32 $0xFFFFC000  }
0x71: {  	[spmem:s2] =	stream.indirect.scatter.add.f32 [tilespmem:s23], [sflag:$0x3], $0x80, s26, s29, $0xb8;
	[tilespmem:$0x1CB00] =	vst v63  }
0x72: {  	_ =	swait.ge [sflag:s5], $0x4000  }
0x73: {  	[sflag:s5] =	ssyncset.done $0x0  }
0x74: {  	[sflag:s5] =	ssyncadd.s32 $0xFFFFC000  }
0x75: {  	[spmem:s2] =	stream.indirect.scatter.add.f32 [tilespmem:s1], [sflag:$0x4], $0x80, s30, s29, $0xb8;
	[tilespmem:$0x1CB00] =	vst v63  }
.Ltmp0:
0x76: {  	_ =	swait.ge [sflag:s25], $0x4000;
	(pc) =	sbr.rel @p0 .LBB2_2-.Ltmp0, $4  }
0x77: {  	[sflag:s25] =	ssyncset.done $0x0  }
0x78: {  	[sflag:s25] =	ssyncadd.s32 $0xFFFFC000  }
0x79: {  	_ =	swait.ge [sflag:s11], $0x4000  }
0x7a: {  	s18 =	smov.u32 s12;
	[sflag:s11] =	ssyncset.done $0x0  }
0x7b: {  	s12 =	sadd.s32 s17, s20;
	[sflag:s11] =	ssyncadd.s32 $0xFFFFC000  }
0x7c: {  	[tilespmem:s26], [sflag:$0x5] =	stream.linear.gather [hbm4b:s12+s3], $0x80, $0x38;
	[tilespmem:$0x1CB00] =	vst v63  }
0x7d: {  	_ =	swait.ge [sflag:s24], $0x80  }
0x7e: {  	[sflag:s24] =	ssyncset.done $0x0  }
0x7f: {  	s14 =	sadd.s32 s17, s19;
	[sflag:s24] =	ssyncadd.s32 $0xFFFFFF80  }
0x80: {  	[tilespmem:s28], [sflag:$0x5] =	stream.linear.gather [hbm4b:s14+s3], $0x80, $0x38;
	[tilespmem:$0x1CB00] =	vst v63  }
0x81: {  	_ =	swait.ge [sflag:s24], $0x80  }
0x82: {  	[sflag:s24] =	ssyncset.done $0x0  }
0x83: {  	[sflag:s24] =	ssyncadd.s32 $0xFFFFFF80  }
0x84: {  	[tilespmem:s23], [sflag:$0x1] =	stream.indirect.gather [hbm4b:s4+s29], $0x80, s28, s29, $0xb8;
	[tilespmem:$0x1CB00] =	vst v63  }
0x85: {  	s18 =	sadd.s32 s17, s22  }
0x86: {  	[tilespmem:s30], [sflag:$0x5] =	stream.linear.gather [hbm4b:s18+s3], $0x80, $0x38;
	[tilespmem:$0x1CB00] =	vst v63  }
0x87: {  	_ =	swait.ge [sflag:s24], $0x80  }
0x88: {  	[sflag:s24] =	ssyncset.done $0x0  }
0x89: {  	s13 =	sadd.s32 s17, s21;
	[sflag:s24] =	ssyncadd.s32 $0xFFFFFF80  }
0x8a: {  	[tilespmem:s31], [sflag:$0x5] =	stream.linear.gather [hbm4b:s13+s3], $0x80, $0x38;
	[tilespmem:$0x1CB00] =	vst v63  }
0x8b: {  	_ =	swait.ge [sflag:s24], $0x80  }
0x8c: {  	[sflag:s24] =	ssyncset.done $0x0  }
0x8d: {  	[sflag:s24] =	ssyncadd.s32 $0xFFFFFF80  }
0x8e: {  	[tilespmem:s1], [sflag:$0x2] =	stream.indirect.gather [hbm4b:s4+s29], $0x80, s31, s29, $0xb8;
	[tilespmem:$0x1CB00] =	vst v63  }
0x8f: {  	_ =	swait.ge [sflag:s0], $0x4000  }
0x90: {  	[sflag:s0] =	ssyncset.done $0x0  }
0x91: {  	[sflag:s0] =	ssyncadd.s32 $0xFFFFC000  }
0x92: {  	[spmem:s2] =	stream.indirect.scatter.add.f32 [tilespmem:s23], [sflag:$0x3], $0x80, s26, s29, $0xb8;
	[tilespmem:$0x1CB00] =	vst v63  }
0x93: {  	_ =	swait.ge [sflag:s5], $0x4000  }
0x94: {  	[sflag:s5] =	ssyncset.done $0x0  }
0x95: {  	[sflag:s5] =	ssyncadd.s32 $0xFFFFC000  }
0x96: {  	[spmem:s2] =	stream.indirect.scatter.add.f32 [tilespmem:s1], [sflag:$0x4], $0x80, s30, s29, $0xb8;
	[tilespmem:$0x1CB00] =	vst v63  }
0x97: {  	_ =	swait.ge [sflag:s25], $0x4000  }
0x98: {  	[sflag:s25] =	ssyncset.done $0x0  }
0x99: {  	[sflag:s25] =	ssyncadd.s32 $0xFFFFC000  }
0x9a: {  	_ =	swait.ge [sflag:s11], $0x4000  }
0x9b: {  	[sflag:s11] =	ssyncset.done $0x0  }
0x9c: {  	s13 =	simm.s32 $0x1C100;
	s14 =	rddreg [dreg:$0x5];
	[sflag:s11] =	ssyncadd.s32 $0xFFFFC000  }
0x9d: {  	[tilespmem:s13], [sflag:$0x5] =	stream.linear.gather [hbm4b:s14+s3], $0x10, $0x38;
	[tilespmem:$0x1CB00] =	vst v63  }
0x9e: {  	_ =	swait.ge [sflag:s24], $0x10  }
0x9f: {  	[sflag:s24] =	ssyncset.done $0x0  }
0xa0: {  	s14 =	simm.s32 $0x1CA80;
	s17 =	rddreg [dreg:$0x6];
	[sflag:s24] =	ssyncadd.s32 $0xFFFFFFF0  }
0xa1: {  	[tilespmem:s14], [sflag:$0x5] =	stream.linear.gather [hbm4b:s17+s3], $0x10, $0x38;
	[tilespmem:$0x1CB00] =	vst v63  }
0xa2: {  	_ =	swait.ge [sflag:s24], $0x10  }
0xa3: {  	[sflag:s24] =	ssyncset.done $0x0  }
0xa4: {  	s18 =	simm.s32 $0x10;
	[sflag:s24] =	ssyncadd.s32 $0xFFFFFFF0  }
0xa5: {  	[tilespmem:s15], [sflag:$0x1] =	stream.indirect.gather [hbm4b:s4+s18], $0x80, s14, s18, $0xb8;
	[tilespmem:$0x1CB00] =	vst v63  }
0xa6: {  	_ =	swait.ge [sflag:s0], $0x800  }
0xa7: {  	[sflag:s0] =	ssyncset.done $0x0  }
0xa8: {  	[sflag:s0] =	ssyncadd.s32 $0xFFFFF800  }
0xa9: {  	[spmem:s2] =	stream.indirect.scatter.add.f32 [tilespmem:s15], [sflag:$0x5], $0x80, s13, s18, $0xb8;
	[tilespmem:$0x1CB00] =	vst v63  }
0xaa: {  	_ =	swait.ge [sflag:s24], $0x800  }
0xab: {  	[sflag:s24] =	ssyncset.done $0x0  }
0xac: {  	[sflag:s24] =	ssyncadd.s32 $0xFFFFF800  }
0xad: {  	[bflag:$0x0] =	sbarrier.arrive $0xFFFF  }
0xae: {  	[tilespmem:s23], [sflag:$0x1] =	stream.linear.gather [spmem:s6], $0x4000, $0x38;
	[tilespmem:$0x1CB00] =	vst v63  }
0xaf: {  	_ = 	snop  }
0xb0: {  	[tilespmem:s1], [sflag:$0x2] =	stream.linear.gather [spmem:s7], $0x4000, $0x38;
	[tilespmem:$0x1CB00] =	vst v63  }
0xb1: {  	_ =	swait.ge [sflag:s0], $0x4000  }
0xb2: {  	[sflag:s0] =	ssyncset.done $0x0  }
0xb3: {  	s17 =	rddreg [dreg:$0x7];
	[sflag:s0] =	ssyncadd.s32 $0xFFFFC000  }
0xb4: {  	[hbm4b:s17+s3] =	stream.linear.scatter [tilespmem:s23], [sflag:$0x3], $0x4000, $0x38;
	[tilespmem:$0x1CB00] =	vst v63  }
0xb5: {  	_ =	swait.ge [sflag:s25], $0x4000  }
0xb6: {  	[sflag:s25] =	ssyncset.done $0x0  }
0xb7: {  	[sflag:s25] =	ssyncadd.s32 $0xFFFFC000  }
0xb8: {  	[tilespmem:s23], [sflag:$0x1] =	stream.linear.gather [spmem:s8], $0x4000, $0x38;
	[tilespmem:$0x1CB00] =	vst v63  }
0xb9: {  	_ =	swait.ge [sflag:s5], $0x4000  }
0xba: {  	[sflag:s5] =	ssyncset.done $0x0  }
0xbb: {  	s18 =	rddreg [dreg:$0x8];
	[sflag:s5] =	ssyncadd.s32 $0xFFFFC000  }
0xbc: {  	[hbm4b:s18+s3] =	stream.linear.scatter [tilespmem:s1], [sflag:$0x4], $0x4000, $0x38;
	[tilespmem:$0x1CB00] =	vst v63  }
0xbd: {  	_ =	swait.ge [sflag:s11], $0x4000  }
0xbe: {  	[sflag:s11] =	ssyncset.done $0x0  }
0xbf: {  	[sflag:s11] =	ssyncadd.s32 $0xFFFFC000  }
0xc0: {  	[tilespmem:s1], [sflag:$0x2] =	stream.linear.gather [spmem:s9], $0x4000, $0x38;
	[tilespmem:$0x1CB00] =	vst v63  }
0xc1: {  	_ =	swait.ge [sflag:s0], $0x4000  }
0xc2: {  	[sflag:s0] =	ssyncset.done $0x0  }
0xc3: {  	s13 =	rddreg [dreg:$0x9];
	[sflag:s0] =	ssyncadd.s32 $0xFFFFC000  }
0xc4: {  	[hbm4b:s13+s3] =	stream.linear.scatter [tilespmem:s23], [sflag:$0x3], $0x4000, $0x38;
	[tilespmem:$0x1CB00] =	vst v63  }
0xc5: {  	_ =	swait.ge [sflag:s25], $0x4000  }
0xc6: {  	[sflag:s25] =	ssyncset.done $0x0  }
0xc7: {  	[sflag:s25] =	ssyncadd.s32 $0xFFFFC000  }
0xc8: {  	[tilespmem:s23], [sflag:$0x1] =	stream.linear.gather [spmem:s10], $0x4000, $0x38;
	[tilespmem:$0x1CB00] =	vst v63  }
0xc9: {  	_ =	swait.ge [sflag:s5], $0x4000  }
0xca: {  	[sflag:s5] =	ssyncset.done $0x0  }
0xcb: {  	s14 =	rddreg [dreg:$0xa];
	[sflag:s5] =	ssyncadd.s32 $0xFFFFC000  }
0xcc: {  	[hbm4b:s14+s3] =	stream.linear.scatter [tilespmem:s1], [sflag:$0x4], $0x4000, $0x38;
	[tilespmem:$0x1CB00] =	vst v63  }
0xcd: {  	_ =	swait.ge [sflag:s0], $0x4000  }
0xce: {  	[sflag:s0] =	ssyncset.done $0x0  }
0xcf: {  	s17 =	rddreg [dreg:$0xb];
	[sflag:s0] =	ssyncadd.s32 $0xFFFFC000  }
0xd0: {  	[hbm4b:s17+s3] =	stream.linear.scatter [tilespmem:s23], [sflag:$0x3], $0x4000, $0x38;
	[tilespmem:$0x1CB00] =	vst v63  }
0xd1: {  	_ =	swait.ge [sflag:s25], $0x4000  }
0xd2: {  	[sflag:s25] =	ssyncset.done $0x0  }
0xd3: {  	[sflag:s25] =	ssyncadd.s32 $0xFFFFC000  }
0xd4: {  	_ =	swait.ge [sflag:s11], $0x4000  }
0xd5: {  	s16 =	sadd.s32 $0x1, s16;
	s18 =	rddreg [dreg:$0xc]  }
0xd6: {  	p0 =	sne.s32 s16, s18  }
.Ltmp1:
0xd7: {  	_ = 	snop;
	(pc) =	sbr.rel @p0 .LBB2_1-.Ltmp1, $3  }
0xd8: {  	_ =	sdelay $0x1  }
0xd9: {  	[sflag:s11] =	ssyncset.done $0x0  }
0xda: {  	[sflag:s11] =	ssyncadd.s32 $0xFFFFC000  }
0xdb: {  	_ =	sfence.sel $0x180000  }
0xdc: {  	[bflag:$0x0] =	sbarrier.arrive $0xFFFF  }
0xdd: {  	_ =	strace $0x9000004D  }
0xde: {  	s0 =	stileid.u32;
	[bflag:$0x2] =	sbarrier.arrive $0xFFFF  }
0xdf: {  	p0 =	sne.s32 s0, $0x0;
	s0 =	rddreg [dreg:$0x3]  }
0xe0: {  	s0 =	sadd.s32 @!p0 $0x100000, s0  }
0xe1: {  	[sflag:s0] =	ssyncadd.tile.s32 @!p0 $0x1;
	_ =	shalt  }
.Lfunc_end2:
_tile_overlayer_lowered:
.L_overlay_start_2:
0xe2: {  	(tag) =	ssettag $0x2  }
0xe3: {  	s0 =	rddreg [dreg:$0x0];
	s2 =	stileid.u32  }
0xe4: {  	s1 =	rddreg [dreg:$0x1];
	p0 =	sne.s32 s2, $0x0  }
0xe5: {  	s3 =	rddreg [dreg:$0x2];
	[bflag:$0x3] =	sbarrier.arrive $0xFFFF;
	s2 =	simm.s32 @!p0 $0x1C05  }
0xe6: {  	[timem:s3], [sflag:s2] =	dma.local @!p0 [hbm:s0], s1  }
0xe7: {  	s0 =	simm.s32 @!p0 $0x5  }
0xe8: {  	_ =	swait.ge @!p0 [sflag:s0], s1  }
0xe9: {  	s1 =	ssub.s32 @!p0 $0x0, s1;
	[sflag:s0] =	ssyncset.done @!p0 $0x0  }
0xea: {  	[sflag:s0] =	ssyncadd.s32 @!p0 s1  }
0xeb: {  	[bflag:$0x3] =	sbarrier.arrive $0xFFFF  }
0xec: {  	_ =	shalt  }

// kernel: kernel.18.cloned.1.call-start
scs
__scs_entry_jumppad:
0x0: {  	(pc) =	sbr.rel $0x88, $3  }
0x1: {  	(tag) =	ssettag $0x0;
	lr =	simm.s32 $0x1  }
0x2: {  	[smem:$0x3F94] =	sst lr;
	_ =	strace $0xD0000000  }
0x3: {  	_ = 	snop  }
0x4: {  	_ = 	snop  }
0x5: {  	_ = 	snop  }
0x6: {  	_ = 	snop  }
0x7: {  	_ = 	snop  }
__scs_overlays_trampoline_lowered:
0x8: {  	[smem:$0x3FA3] =	sst s0  }
0x9: {  	[smem:$0x3FA4] =	sst s1  }
0xa: {  	[smem:$0x3FA5] =	sst s2  }
0xb: {  	[smem:$0x3FA6] =	sst s3  }
0xc: {  	[smem:$0x3FA7] =	sst s4  }
0xd: {  	[smem:$0x3FA8] =	sst s5  }
0xe: {  	[smem:$0x3FA9] =	sst s6  }
0xf: {  	[smem:$0x3FAA] =	sst s7  }
0x10: {  	[smem:$0x3FAB] =	sst s8  }
0x11: {  	[smem:$0x3FAC] =	sst s9;
	s0 =	simm.s32 @!p0 $0x0  }
0x12: {  	s1 =	sld [smem:$0x3F92];
	s0 =	simm.s32 @p0 $0x1  }
0x13: {  	[smem:$0x3FAD] =	sst s0;
	s0 =	simm.s32 @!p1 $0x0  }
0x14: {  	s2 =	sld [smem:$0x3F91];
	s0 =	simm.s32 @p1 $0x1  }
0x15: {  	[smem:$0x3FAE] =	sst s0;
	s0 =	simm.s32 @!p2 $0x0  }
0x16: {  	s3 =	sld [smem:$0x3FDB];
	s0 =	simm.s32 @p2 $0x1  }
0x17: {  	s4 =	simm.s32 $0x1BF5;
	[smem:$0x3FB0] =	sst s0  }
0x18: {  	s0 =	sld [smem:$0x3F93];
	_ =	swait.ge [sflag:s4], $0x0  }
0x19: {  	s7 =	sld [smem:$0x3F94]  }
0x1a: {  	s8 =	sadd.s32 $0xFFFFE003, lr  }
0x1b: {  	s9 =	sadd.s32 $0xFFFFFEF7, lr;
	s5 =	simm.s32 $0xFFFFFFFF;
	p2 =	slt.u32 s8, $0xFFFFF086  }
0x1c: {  	p1 =	slt.u32 s9, $0xF7A;
	s5 =	simm.s32 @!p2 $0x0  }
0x1d: {  	s5 =	simm.s32 @p1 $0x1;
	p0 =	seq.s32 s7, s2  }
0x1e: {  	s7 =	smul.u32 @!p0 $0xF7A, s2;
	p2 =	seq.s32 @!p0 s5, $0x0  }
0x1f: {  	s9 =	smul.u32 $0xF7A, s1;
	s8 =	simm.s32 @!p0 $0x1BF5;
	p2 =	por !p2, p0  }
0x20: {  	[sflag:s8] =	ssyncset.s32 @!p0 $0xFFFFF086;
	s6 =	sadd.s32 @!p0 s3, s7;
	s7 =	simm.s32 @!p0 $0x108  }
0x21: {  	s3 =	sadd.s32 s3, s9;
	s6 =	sadd.s32 @!p0 $0x88, s6;
	s7 =	simm.s32 @p2 $0x1082  }
0x22: {  	[simem:s7], [sflag:s8] =	dma.local @!p0 [hbm:s6], $0xF7A  }
0x23: {  	s9 =	sor.u32 $0xD0000000, s2;
	s6 =	simm.s32 $0x108;
	_ =	swait.ge @!p0 [sflag:s8], $0x0  }
0x24: {  	s3 =	sadd.s32 $0x88, s3;
	s6 =	simm.s32 @!p1 $0x1082;
	[sflag:s4] =	ssyncset.s32 $0xFFFFF086  }
0x25: {  	[simem:s6], [sflag:s4] =	dma.local [hbm:s3], $0xF7A  }
0x26: {  	[smem:$0x3F94] =	sst s1;
	(tag) =	ssettag s2;
	_ =	strace s9  }
0x27: {  	s1 =	sld [smem:$0x3FA4]  }
0x28: {  	s2 =	sld [smem:$0x3FA5]  }
0x29: {  	s4 =	sld [smem:$0x3FA7]  }
0x2a: {  	p0 =	seq.s32 s5, $0x0;
	s5 =	sld [smem:$0x3FA8]  }
0x2b: {  	s6 =	sld [smem:$0x3FA9]  }
0x2c: {  	s7 =	sld [smem:$0x3FAA]  }
0x2d: {  	s3 =	simm.s32 $0x108;
	s8 =	sld [smem:$0x3FAB]  }
0x2e: {  	s3 =	simm.s32 @!p0 $0x1082;
	s9 =	sld [smem:$0x3FAC]  }
0x2f: {  	lr =	sadd.s32 s0, s3;
	s0 =	sld [smem:$0x3FA3]  }
0x30: {  	s3 =	sld [smem:$0x3FA6]  }
0x31: {  	[smem:$0x3FAF] =	sst s10  }
0x32: {  	s10 =	sld [smem:$0x3FAD];
	_ =	sdelay $0x3  }
0x33: {  	p0 =	seq.s32 s10, $0x1;
	s10 =	sld [smem:$0x3FAF];
	_ =	sdelay $0x3  }
0x34: {  	[smem:$0x3FAF] =	sst s10  }
0x35: {  	s10 =	sld [smem:$0x3FAE];
	_ =	sdelay $0x3  }
0x36: {  	p1 =	seq.s32 s10, $0x1;
	s10 =	sld [smem:$0x3FAF];
	_ =	sdelay $0x3  }
0x37: {  	[smem:$0x3FAF] =	sst s10  }
0x38: {  	s10 =	sld [smem:$0x3FB0]  }
0x39: {  	_ = 	snop;
	(pc) =	sbr.ind lr, $3  }
0x3a: {  	_ = 	snop  }
0x3b: {  	_ = 	snop  }
0x3c: {  	p2 =	seq.s32 s10, $0x1;
	s10 =	sld [smem:$0x3FAF]  }
0x3d: {  	_ =	shalt  }
0x3e: {  	_ =	shalt  }
0x3f: {  	_ =	shalt  }
0x40: {  	_ =	shalt  }
0x41: {  	_ =	shalt  }
0x42: {  	_ =	shalt  }
0x43: {  	_ =	shalt  }
0x44: {  	_ =	shalt  }
0x45: {  	_ =	shalt  }
0x46: {  	_ =	shalt  }
0x47: {  	_ =	shalt  }
0x48: {  	_ =	shalt  }
0x49: {  	_ =	shalt  }
0x4a: {  	_ =	shalt  }
0x4b: {  	_ =	shalt  }
0x4c: {  	_ =	shalt  }
0x4d: {  	_ =	shalt  }
0x4e: {  	_ =	shalt  }
0x4f: {  	_ =	shalt  }
0x50: {  	_ =	shalt  }
0x51: {  	_ =	shalt  }
0x52: {  	_ =	shalt  }
0x53: {  	_ =	shalt  }
0x54: {  	_ =	shalt  }
0x55: {  	_ =	shalt  }
0x56: {  	_ =	shalt  }
0x57: {  	_ =	shalt  }
0x58: {  	_ =	shalt  }
0x59: {  	_ =	shalt  }
0x5a: {  	_ =	shalt  }
0x5b: {  	_ =	shalt  }
0x5c: {  	_ =	shalt  }
0x5d: {  	_ =	shalt  }
0x5e: {  	_ =	shalt  }
0x5f: {  	_ =	shalt  }
0x60: {  	_ =	shalt  }
0x61: {  	_ =	shalt  }
0x62: {  	_ =	shalt  }
0x63: {  	_ =	shalt  }
0x64: {  	_ =	shalt  }
0x65: {  	_ =	shalt  }
0x66: {  	_ =	shalt  }
0x67: {  	_ =	shalt  }
0x68: {  	_ =	shalt  }
0x69: {  	_ =	shalt  }
0x6a: {  	_ =	shalt  }
0x6b: {  	_ =	shalt  }
0x6c: {  	_ =	shalt  }
0x6d: {  	_ =	shalt  }
0x6e: {  	_ =	shalt  }
0x6f: {  	_ =	shalt  }
0x70: {  	_ =	shalt  }
0x71: {  	_ =	shalt  }
0x72: {  	_ =	shalt  }
0x73: {  	_ =	shalt  }
0x74: {  	_ =	shalt  }
0x75: {  	_ =	shalt  }
0x76: {  	_ =	shalt  }
0x77: {  	_ =	shalt  }
0x78: {  	_ =	shalt  }
0x79: {  	_ =	shalt  }
0x7a: {  	_ =	shalt  }
0x7b: {  	_ =	shalt  }
0x7c: {  	_ =	shalt  }
0x7d: {  	_ =	shalt  }
0x7e: {  	_ =	shalt  }
0x7f: {  	_ =	shalt  }
0x80: {  	_ =	shalt  }
0x81: {  	_ =	shalt  }
0x82: {  	_ =	shalt  }
0x83: {  	_ =	shalt  }
0x84: {  	_ =	shalt  }
0x85: {  	_ =	shalt  }
0x86: {  	_ =	shalt  }
0x87: {  	_ =	shalt  }
.Lfunc_end0:
.L_simem_size_0:
called_computation.3_lowered:
.L_overlay_start_0:
0x88: {  	s2 =	sld [smem:$0x3FD9]  }
0x89: {  	s3 =	sld [smem:$0x3FFE];
	_ =	sdelay $0x1  }
0x8a: {  	s1 =	srdreg.scid  }
0x8b: {  	s0 =	sand.u32 $0x1, s1  }
0x8c: {  	s17 =	sshll.u32 s0, $0xA;
	s2 =	sadd.s32 s3, s2  }
0x8d: {  	s2 =	sadd.s32 s2, s17  }
0x8e: {  	[smem:$0x3FBB] =	sst s2  }
0x8f: {  	_ = 	snop  }
0x90: {  	s2 =	sld [smem:$0x3FD0];
	(tm) =	ssettm $0x1  }
0x91: {  	s18 =	sld [smem:$0x3FFB];
	_ =	sdelay $0x3  }
0x92: {  	_ =	strace s18  }
0x93: {  	s3 =	sld [smem:$0x3FFC];
	_ =	sdelay $0x3  }
0x94: {  	_ =	strace s3  }
0x95: {  	s3 =	sld [smem:$0x3FFD];
	_ =	sdelay $0x3  }
0x96: {  	_ =	strace s3  }
0x97: {  	_ =	strace $0x8FFFFFFF  }
0x98: {  	s19 =	sld [smem:$0x3FDB];
	_ =	sdelay $0x1  }
0x99: {  	s4 =	simm.s32 $_scs_section_size  }
0x9a: {  	s5 =	simm.s32 $_size__tile_overlayer_lowered;
	s6 =	simm.s32 $_tile_overlayer_lowered  }
0x9b: {  	s22 =	simm.s32 $0x1BFF;
	s21 =	sshll.u32 s6, $0x1;
	s3 =	sadd.s32 s4, s19  }
0x9c: {  	s7 =	simm.s32 $0x0;
	s20 =	sshll.u32 s5, $0x1;
	s5 =	sadd.s32 s21, s3  }
0x9d: {  	[timem:s7], [sflag:s22] =	dma.local [hbm:s5], s20  }
0x9e: {  	_ =	swait.ge [sflag:s22], s20  }
0x9f: {  	s4 =	ssub.s32 $0x0, s20;
	[sflag:s22] =	ssyncset.done $0x0  }
0xa0: {  	[sflag:s22] =	ssyncadd.s32 s4;
	_ =	sdelay $0x1  }
0xa1: {  	s23 =	simm.s32 $0x1B8B  }
0xa2: {  	_ =	swait.ge [sflag:s23], $0x1  }
0xa3: {  	[sflag:s23] =	ssyncset.done $0x0  }
0xa4: {  	s25 =	simm.s32 $0x1B8E;
	s24 =	sld [smem:$0x3FFE];
	[sflag:s23] =	ssyncadd.s32 $0xFFFFFFFF  }
0xa5: {  	s26 =	simm.s32 $execute0_lowered;
	[smem:$0x3FD2] =	sst s25  }
0xa6: {  	s5 =	sshll.u32 s26, $0x1;
	_ =	strace $0x8000004F;
	[dreg:$0x1] =	wrdreg $0xFFFFFFFF  }
0xa7: {  	s28 =	simm.s32 $_size_execute0_lowered;
	s3 =	sadd.s32 s3, s5;
	[dreg:$0x0] =	wrdreg $0x0  }
0xa8: {  	s5 =	sshll.u32 s28, $0x1;
	[dreg:$0x2] =	wrdreg s3  }
0xa9: {  	[dreg:$0x3] =	wrdreg s5  }
0xaa: {  	[dreg:$0x4] =	wrdreg $0xC0  }
0xab: {  	_ =	task [dreg:s7], $0x5FFFF  }
0xac: {  	[dreg:$0x1] =	wrdreg $0xFFFFFFFF  }
0xad: {  	[dreg:$0x0] =	wrdreg $0x60  }
0xae: {  	[dreg:$0x2] =	wrdreg s24  }
0xaf: {  	[dreg:$0x3] =	wrdreg s2  }
0xb0: {  	[dreg:$0x4] =	wrdreg $0x0  }
0xb1: {  	[dreg:$0x5] =	wrdreg $0x9  }
0xb2: {  	_ =	task.clear_ibuf [dreg:s7], $0x6FFFF;
	_ =	strace $0x9000004F  }
0xb3: {  	s29 =	simm.s32 $0x9;
	_ =	strace $0x80000051  }
0xb4: {  	_ =	swait.ge [sflag:s29], $0x1  }
0xb5: {  	[sflag:s29] =	ssyncadd.s32 $0xFFFFFFFF  }
0xb6: {  	_ =	strace $0x90000051  }
0xb7: {  	_ =	sfence  }
0xb8: {  	s30 =	sld [smem:$0x0];
	_ =	sdelay $0x2  }
0xb9: {  	s31 =	sshll.u32 s1, $0xD;
	s1 =	sshrl.u32 s1, $0x2  }
0xba: {  	s3 =	sand.u32 $0x4000, s31;
	s1 =	sadd.s32 s1, s30  }
0xbb: {  	s0 =	sor.u32 s3, s0;
	s1 =	sshll.u32 s1, $0x11  }
0xbc: {  	s0 =	sor.u32 s1, s0  }
0xbd: {  	s0 =	sadd.s32 $0x8F2B, s0  }
0xbe: {  	[sflag:s0] =	ssyncadd.remote.s32 $0x1  }
0xbf: {  	_ =	sfence.sel $0xFFFF  }
0xc0: {  	[dreg:$0x0] =	wrdreg $0xFFFFFFFF;
	(pc) =	sbr.abs _section_cstart, $3  }
0xc1: {  	[dreg:$0x1] =	wrdreg $0xFFFFFFFF  }
0xc2: {  	_ =	task.clear_ibuf [dreg:s7], $0x2FFFF;
	_ =	strace $0x9FFFFFFF  }
0xc3: {  	(tm) =	ssettm $0x7FFFFFFF  }
tec
execute0_lowered:
.L_overlay_start_1:
0x0: {  	(tag) =	ssettag $0x1  }
0x1: {  	s0 =	rddreg [dreg:$0x0]  }
0x2: {  	s1 =	rddreg [dreg:$0x1]  }
0x3: {  	s3 =	srdreg.scid;
	s14 =	stileid.u32  }
0x4: {  	s2 =	rddreg [dreg:$0x2];
	s28 =	simm.s32 $0x1C980;
	s29 =	simm.s32 $0x80  }
0x5: {  	s30 =	simm.s32 $0x14080;
	s31 =	simm.s32 $0x1CA00;
	s16 =	simm.s32 $0x0  }
0x6: {  	s5 =	sand.u32 $0x1, s3;
	s6 =	smul.u32 $0x280, s14;
	s3 =	simm.s32 $0x0  }
0x7: {  	s4 =	sadd.s32 $0xDA00, s0;
	s11 =	sadd.s32 $0x3400, s0;
	s17 =	smul.u32 $0x50000, s14  }
0x8: {  	s8 =	sadd.s32 $0xD200, s0;
	s18 =	sshll.u32 s14, $0x1;
	s14 =	smul.u32 $0x4E20, s14  }
0x9: {  	s7 =	smul.u32 $0x2800, s5;
	[smem:$0x7FF] =	sst s3;
	s19 =	ssub.s32 $0x2, s5  }
0xa: {  	s9 =	sor.u32 s5, s18;
	s5 =	smul.u32 $0x2710, s5;
	_ =	strace $0x80000050  }
0xb: {  	[dreg:$0x4] =	wrdreg s8;
	s21 =	sshrl.u32 s19, $0x1;
	s10 =	smul.u32 $0x2710, s9  }
0xc: {  	s20 =	sshrl.u32 s17, $0x2;
	s6 =	sadd.s32 s6, s7;
	s12 =	ssub.s32 s19, s21  }
0xd: {  	s5 =	sadd.s32 s5, s14;
	s6 =	sshll.u32 s6, $0x4;
	s13 =	sshrl.u32 s10, $0x3  }
0xe: {  	s26 =	sadd.s32 $0x80, s5;
	s12 =	smax.u32 s12, $0x1;
	s5 =	sshrl.u32 s5, $0x3  }
0xf: {  	s0 =	sadd.s32 s6, s0;
	s6 =	sadd.s32 s20, s2;
	s13 =	sadd.s32 $0x4E0, s13  }
0x10: {  	[dreg:$0xc] =	wrdreg s12;
	s19 =	sadd.s32 s5, s11;
	s15 =	sadd.s32 s1, s13  }
0x11: {  	s20 =	sadd.s32 s5, s1;
	s13 =	sadd.s32 s11, s13;
	[dreg:$0x5] =	wrdreg s15  }
0x12: {  	s5 =	simm.s32 $0x2;
	s22 =	sadd.s32 $0xAE200, s0;
	[dreg:$0x6] =	wrdreg s13  }
0x13: {  	s7 =	sadd.s32 $0x4000, s6;
	s23 =	sadd.s32 $0xAEA00, s0;
	[dreg:$0x7] =	wrdreg s22  }
0x14: {  	s8 =	sadd.s32 $0x8000, s6;
	s24 =	sadd.s32 $0xAF200, s0;
	[dreg:$0x8] =	wrdreg s23  }
0x15: {  	s9 =	sadd.s32 $0xC000, s6;
	s25 =	sadd.s32 $0xAFA00, s0;
	[dreg:$0x9] =	wrdreg s24  }
0x16: {  	s10 =	sadd.s32 $0x10000, s6;
	s0 =	sadd.s32 $0xB0200, s0;
	[dreg:$0xa] =	wrdreg s25  }
0x17: {  	[dreg:$0xb] =	wrdreg s0;
	s0 =	sshrl.u32 s26, $0x3;
	s23 =	simm.s32 $0x14100  }
0x18: {  	s24 =	simm.s32 $0x5;
	s25 =	simm.s32 $0x3;
	s26 =	simm.s32 $0x14000  }
0x19: {  	s15 =	simm.s32 $0x1C180;
	s21 =	sadd.s32 s0, s11;
	s22 =	sadd.s32 s0, s1  }
0x1a: {  	s1 =	simm.s32 $0x18100;
	s0 =	simm.s32 $0x1;
	s11 =	simm.s32 $0x4  }
.LBB2_1:
0x1b: {  	s12 =	rddreg [dreg:$0x4]  }
0x1c: {  	[tilespmem:s23], [sflag:$0x5] =	stream.linear.gather [hbm4b:s12+s3], $0x4000, $0x38;
	[tilespmem:$0x1CB00] =	vst v63  }
0x1d: {  	_ =	swait.ge [sflag:s24], $0x4000  }
0x1e: {  	[sflag:s24] =	ssyncset.done $0x0  }
0x1f: {  	[sflag:s24] =	ssyncadd.s32 $0xFFFFC000  }
0x20: {  	[spmem:s6] =	stream.linear.scatter [tilespmem:s23], [sflag:$0x3], $0x4000, $0x38;
	[tilespmem:$0x1CB00] =	vst v63  }
0x21: {  	_ = 	snop  }
0x22: {  	[spmem:s7] =	stream.linear.scatter [tilespmem:s23], [sflag:$0x3], $0x4000, $0x38;
	[tilespmem:$0x1CB00] =	vst v63  }
0x23: {  	_ = 	snop  }
0x24: {  	[spmem:s8] =	stream.linear.scatter [tilespmem:s23], [sflag:$0x3], $0x4000, $0x38;
	[tilespmem:$0x1CB00] =	vst v63  }
0x25: {  	_ = 	snop  }
0x26: {  	[spmem:s9] =	stream.linear.scatter [tilespmem:s23], [sflag:$0x3], $0x4000, $0x38;
	[tilespmem:$0x1CB00] =	vst v63  }
0x27: {  	_ = 	snop  }
0x28: {  	[spmem:s10] =	stream.linear.scatter [tilespmem:s23], [sflag:$0x3], $0x4000, $0x38;
	[tilespmem:$0x1CB00] =	vst v63  }
0x29: {  	_ =	swait.ge [sflag:s25], $0x4000  }
0x2a: {  	[sflag:s25] =	ssyncset.done $0x0  }
0x2b: {  	[sflag:s25] =	ssyncadd.s32 $0xFFFFC000  }
0x2c: {  	_ =	swait.ge [sflag:s25], $0x4000  }
0x2d: {  	[sflag:s25] =	ssyncset.done $0x0  }
0x2e: {  	[sflag:s25] =	ssyncadd.s32 $0xFFFFC000  }
0x2f: {  	_ =	swait.ge [sflag:s25], $0x4000  }
0x30: {  	[sflag:s25] =	ssyncset.done $0x0  }
0x31: {  	[sflag:s25] =	ssyncadd.s32 $0xFFFFC000  }
0x32: {  	_ =	swait.ge [sflag:s25], $0x4000  }
0x33: {  	[sflag:s25] =	ssyncset.done $0x0  }
0x34: {  	[sflag:s25] =	ssyncadd.s32 $0xFFFFC000  }
0x35: {  	_ =	swait.ge [sflag:s25], $0x4000  }
0x36: {  	[sflag:s25] =	ssyncset.done $0x0  }
0x37: {  	[sflag:s25] =	ssyncadd.s32 $0xFFFFC000  }
0x38: {  	s13 =	sadd.s32 $0x0, s20;
	[bflag:$0x0] =	sbarrier.arrive $0xFFFF  }
0x39: {  	[tilespmem:s26], [sflag:$0x5] =	stream.linear.gather [hbm4b:s13+s3], $0x80, $0x38;
	[tilespmem:$0x1CB00] =	vst v63  }
0x3a: {  	_ =	swait.ge [sflag:s24], $0x80  }
0x3b: {  	[sflag:s24] =	ssyncset.done $0x0  }
0x3c: {  	s14 =	sadd.s32 $0x0, s19;
	[sflag:s24] =	ssyncadd.s32 $0xFFFFFF80  }
0x3d: {  	[tilespmem:s28], [sflag:$0x5] =	stream.linear.gather [hbm4b:s14+s3], $0x80, $0x38;
	[tilespmem:$0x1CB00] =	vst v63  }
0x3e: {  	_ =	swait.ge [sflag:s24], $0x80  }
0x3f: {  	[sflag:s24] =	ssyncset.done $0x0  }
0x40: {  	[sflag:s24] =	ssyncadd.s32 $0xFFFFFF80  }
0x41: {  	[tilespmem:s23], [sflag:$0x1] =	stream.indirect.gather [hbm4b:s4+s29], $0x80, s28, s29, $0xb8;
	[tilespmem:$0x1CB00] =	vst v63  }
0x42: {  	s17 =	sadd.s32 $0x0, s22  }
0x43: {  	[tilespmem:s30], [sflag:$0x5] =	stream.linear.gather [hbm4b:s17+s3], $0x80, $0x38;
	[tilespmem:$0x1CB00] =	vst v63  }
0x44: {  	_ =	swait.ge [sflag:s24], $0x80  }
0x45: {  	[sflag:s24] =	ssyncset.done $0x0  }
0x46: {  	s18 =	sadd.s32 $0x0, s21;
	[sflag:s24] =	ssyncadd.s32 $0xFFFFFF80  }
0x47: {  	[tilespmem:s31], [sflag:$0x5] =	stream.linear.gather [hbm4b:s18+s3], $0x80, $0x38;
	[tilespmem:$0x1CB00] =	vst v63  }
0x48: {  	_ =	swait.ge [sflag:s24], $0x80  }
0x49: {  	[sflag:s24] =	ssyncset.done $0x0  }
0x4a: {  	[sflag:s24] =	ssyncadd.s32 $0xFFFFFF80  }
0x4b: {  	[tilespmem:s1], [sflag:$0x2] =	stream.indirect.gather [hbm4b:s4+s29], $0x80, s31, s29, $0xb8;
	[tilespmem:$0x1CB00] =	vst v63  }
0x4c: {  	_ =	swait.ge [sflag:s0], $0x4000  }
0x4d: {  	[sflag:s0] =	ssyncset.done $0x0  }
0x4e: {  	[sflag:s0] =	ssyncadd.s32 $0xFFFFC000  }
0x4f: {  	[spmem:s2] =	stream.indirect.scatter.add.f32 [tilespmem:s23], [sflag:$0x3], $0x80, s26, s29, $0xb8;
	[tilespmem:$0x1CB00] =	vst v63  }
0x50: {  	_ =	swait.ge [sflag:s5], $0x4000  }
0x51: {  	[sflag:s5] =	ssyncset.done $0x0  }
0x52: {  	[sflag:s5] =	ssyncadd.s32 $0xFFFFC000  }
0x53: {  	[spmem:s2] =	stream.indirect.scatter.add.f32 [tilespmem:s1], [sflag:$0x4], $0x80, s30, s29, $0xb8;
	[tilespmem:$0x1CB00] =	vst v63  }
0x54: {  	_ =	swait.ge [sflag:s25], $0x4000  }
0x55: {  	[sflag:s25] =	ssyncset.done $0x0  }
0x56: {  	[sflag:s25] =	ssyncadd.s32 $0xFFFFC000  }
0x57: {  	_ =	swait.ge [sflag:s11], $0x4000  }
0x58: {  	s17 =	simm.s32 $0x20;
	s18 =	simm.s32 $0x40;
	[sflag:s11] =	ssyncset.done $0x0  }
.LBB2_2:
0x59: {  	s13 =	sadd.s32 s17, s20  }
0x5a: {  	[sflag:s11] =	ssyncadd.s32 $0xFFFFC000;
	s14 =	smov.u32 s18;
	s12 =	sadd.s32 $0x20, s18  }
0x5b: {  	[tilespmem:s26], [sflag:$0x5] =	stream.linear.gather [hbm4b:s13+s3], $0x80, $0x38;
	[tilespmem:$0x1CB00] =	vst v63  }
0x5c: {  	p0 =	sne.s32 s18, $0x4C0;
	_ =	swait.ge [sflag:s24], $0x80  }
0x5d: {  	[sflag:s24] =	ssyncset.done $0x0  }
0x5e: {  	s13 =	sadd.s32 s17, s19;
	[sflag:s24] =	ssyncadd.s32 $0xFFFFFF80  }
0x5f: {  	[tilespmem:s28], [sflag:$0x5] =	stream.linear.gather [hbm4b:s13+s3], $0x80, $0x38;
	[tilespmem:$0x1CB00] =	vst v63  }
0x60: {  	_ =	swait.ge [sflag:s24], $0x80  }
0x61: {  	[sflag:s24] =	ssyncset.done $0x0  }
0x62: {  	[sflag:s24] =	ssyncadd.s32 $0xFFFFFF80  }
0x63: {  	[tilespmem:s23], [sflag:$0x1] =	stream.indirect.gather [hbm4b:s4+s29], $0x80, s28, s29, $0xb8;
	[tilespmem:$0x1CB00] =	vst v63  }
0x64: {  	s13 =	sadd.s32 s17, s22  }
0x65: {  	[tilespmem:s30], [sflag:$0x5] =	stream.linear.gather [hbm4b:s13+s3], $0x80, $0x38;
	[tilespmem:$0x1CB00] =	vst v63  }
0x66: {  	_ =	swait.ge [sflag:s24], $0x80  }
0x67: {  	[sflag:s24] =	ssyncset.done $0x0  }
0x68: {  	s13 =	sadd.s32 s17, s21;
	s17 =	smov.u32 s14;
	[sflag:s24] =	ssyncadd.s32 $0xFFFFFF80  }
0x69: {  	[tilespmem:s31], [sflag:$0x5] =	stream.linear.gather [hbm4b:s13+s3], $0x80, $0x38;
	[tilespmem:$0x1CB00] =	vst v63  }
0x6a: {  	_ =	swait.ge [sflag:s24], $0x80  }
0x6b: {  	[sflag:s24] =	ssyncset.done $0x0  }
0x6c: {  	[sflag:s24] =	ssyncadd.s32 $0xFFFFFF80  }
0x6d: {  	[tilespmem:s1], [sflag:$0x2] =	stream.indirect.gather [hbm4b:s4+s29], $0x80, s31, s29, $0xb8;
	[tilespmem:$0x1CB00] =	vst v63  }
0x6e: {  	_ =	swait.ge [sflag:s0], $0x4000  }
0x6f: {  	[sflag:s0] =	ssyncset.done $0x0  }
0x70: {  	[sflag:s0] =	ssyncadd.s32 $0xFFFFC000  }
0x71: {  	[spmem:s2] =	stream.indirect.scatter.add.f32 [tilespmem:s23], [sflag:$0x3], $0x80, s26, s29, $0xb8;
	[tilespmem:$0x1CB00] =	vst v63  }
0x72: {  	_ =	swait.ge [sflag:s5], $0x4000  }
0x73: {  	[sflag:s5] =	ssyncset.done $0x0  }
0x74: {  	[sflag:s5] =	ssyncadd.s32 $0xFFFFC000  }
0x75: {  	[spmem:s2] =	stream.indirect.scatter.add.f32 [tilespmem:s1], [sflag:$0x4], $0x80, s30, s29, $0xb8;
	[tilespmem:$0x1CB00] =	vst v63  }
.Ltmp0:
0x76: {  	_ =	swait.ge [sflag:s25], $0x4000;
	(pc) =	sbr.rel @p0 .LBB2_2-.Ltmp0, $4  }
0x77: {  	[sflag:s25] =	ssyncset.done $0x0  }
0x78: {  	[sflag:s25] =	ssyncadd.s32 $0xFFFFC000  }
0x79: {  	_ =	swait.ge [sflag:s11], $0x4000  }
0x7a: {  	s18 =	smov.u32 s12;
	[sflag:s11] =	ssyncset.done $0x0  }
0x7b: {  	s12 =	sadd.s32 s17, s20;
	[sflag:s11] =	ssyncadd.s32 $0xFFFFC000  }
0x7c: {  	[tilespmem:s26], [sflag:$0x5] =	stream.linear.gather [hbm4b:s12+s3], $0x80, $0x38;
	[tilespmem:$0x1CB00] =	vst v63  }
0x7d: {  	_ =	swait.ge [sflag:s24], $0x80  }
0x7e: {  	[sflag:s24] =	ssyncset.done $0x0  }
0x7f: {  	s14 =	sadd.s32 s17, s19;
	[sflag:s24] =	ssyncadd.s32 $0xFFFFFF80  }
0x80: {  	[tilespmem:s28], [sflag:$0x5] =	stream.linear.gather [hbm4b:s14+s3], $0x80, $0x38;
	[tilespmem:$0x1CB00] =	vst v63  }
0x81: {  	_ =	swait.ge [sflag:s24], $0x80  }
0x82: {  	[sflag:s24] =	ssyncset.done $0x0  }
0x83: {  	[sflag:s24] =	ssyncadd.s32 $0xFFFFFF80  }
0x84: {  	[tilespmem:s23], [sflag:$0x1] =	stream.indirect.gather [hbm4b:s4+s29], $0x80, s28, s29, $0xb8;
	[tilespmem:$0x1CB00] =	vst v63  }
0x85: {  	s18 =	sadd.s32 s17, s22  }
0x86: {  	[tilespmem:s30], [sflag:$0x5] =	stream.linear.gather [hbm4b:s18+s3], $0x80, $0x38;
	[tilespmem:$0x1CB00] =	vst v63  }
0x87: {  	_ =	swait.ge [sflag:s24], $0x80  }
0x88: {  	[sflag:s24] =	ssyncset.done $0x0  }
0x89: {  	s13 =	sadd.s32 s17, s21;
	[sflag:s24] =	ssyncadd.s32 $0xFFFFFF80  }
0x8a: {  	[tilespmem:s31], [sflag:$0x5] =	stream.linear.gather [hbm4b:s13+s3], $0x80, $0x38;
	[tilespmem:$0x1CB00] =	vst v63  }
0x8b: {  	_ =	swait.ge [sflag:s24], $0x80  }
0x8c: {  	[sflag:s24] =	ssyncset.done $0x0  }
0x8d: {  	[sflag:s24] =	ssyncadd.s32 $0xFFFFFF80  }
0x8e: {  	[tilespmem:s1], [sflag:$0x2] =	stream.indirect.gather [hbm4b:s4+s29], $0x80, s31, s29, $0xb8;
	[tilespmem:$0x1CB00] =	vst v63  }
0x8f: {  	_ =	swait.ge [sflag:s0], $0x4000  }
0x90: {  	[sflag:s0] =	ssyncset.done $0x0  }
0x91: {  	[sflag:s0] =	ssyncadd.s32 $0xFFFFC000  }
0x92: {  	[spmem:s2] =	stream.indirect.scatter.add.f32 [tilespmem:s23], [sflag:$0x3], $0x80, s26, s29, $0xb8;
	[tilespmem:$0x1CB00] =	vst v63  }
0x93: {  	_ =	swait.ge [sflag:s5], $0x4000  }
0x94: {  	[sflag:s5] =	ssyncset.done $0x0  }
0x95: {  	[sflag:s5] =	ssyncadd.s32 $0xFFFFC000  }
0x96: {  	[spmem:s2] =	stream.indirect.scatter.add.f32 [tilespmem:s1], [sflag:$0x4], $0x80, s30, s29, $0xb8;
	[tilespmem:$0x1CB00] =	vst v63  }
0x97: {  	_ =	swait.ge [sflag:s25], $0x4000  }
0x98: {  	[sflag:s25] =	ssyncset.done $0x0  }
0x99: {  	[sflag:s25] =	ssyncadd.s32 $0xFFFFC000  }
0x9a: {  	_ =	swait.ge [sflag:s11], $0x4000  }
0x9b: {  	[sflag:s11] =	ssyncset.done $0x0  }
0x9c: {  	s13 =	simm.s32 $0x1C100;
	s14 =	rddreg [dreg:$0x5];
	[sflag:s11] =	ssyncadd.s32 $0xFFFFC000  }
0x9d: {  	[tilespmem:s13], [sflag:$0x5] =	stream.linear.gather [hbm4b:s14+s3], $0x10, $0x38;
	[tilespmem:$0x1CB00] =	vst v63  }
0x9e: {  	_ =	swait.ge [sflag:s24], $0x10  }
0x9f: {  	[sflag:s24] =	ssyncset.done $0x0  }
0xa0: {  	s14 =	simm.s32 $0x1CA80;
	s17 =	rddreg [dreg:$0x6];
	[sflag:s24] =	ssyncadd.s32 $0xFFFFFFF0  }
0xa1: {  	[tilespmem:s14], [sflag:$0x5] =	stream.linear.gather [hbm4b:s17+s3], $0x10, $0x38;
	[tilespmem:$0x1CB00] =	vst v63  }
0xa2: {  	_ =	swait.ge [sflag:s24], $0x10  }
0xa3: {  	[sflag:s24] =	ssyncset.done $0x0  }
0xa4: {  	s18 =	simm.s32 $0x10;
	[sflag:s24] =	ssyncadd.s32 $0xFFFFFFF0  }
0xa5: {  	[tilespmem:s15], [sflag:$0x1] =	stream.indirect.gather [hbm4b:s4+s18], $0x80, s14, s18, $0xb8;
	[tilespmem:$0x1CB00] =	vst v63  }
0xa6: {  	_ =	swait.ge [sflag:s0], $0x800  }
0xa7: {  	[sflag:s0] =	ssyncset.done $0x0  }
0xa8: {  	[sflag:s0] =	ssyncadd.s32 $0xFFFFF800  }
0xa9: {  	[spmem:s2] =	stream.indirect.scatter.add.f32 [tilespmem:s15], [sflag:$0x5], $0x80, s13, s18, $0xb8;
	[tilespmem:$0x1CB00] =	vst v63  }
0xaa: {  	_ =	swait.ge [sflag:s24], $0x800  }
0xab: {  	[sflag:s24] =	ssyncset.done $0x0  }
0xac: {  	[sflag:s24] =	ssyncadd.s32 $0xFFFFF800  }
0xad: {  	[bflag:$0x0] =	sbarrier.arrive $0xFFFF  }
0xae: {  	[tilespmem:s23], [sflag:$0x1] =	stream.linear.gather [spmem:s6], $0x4000, $0x38;
	[tilespmem:$0x1CB00] =	vst v63  }
0xaf: {  	_ = 	snop  }
0xb0: {  	[tilespmem:s1], [sflag:$0x2] =	stream.linear.gather [spmem:s7], $0x4000, $0x38;
	[tilespmem:$0x1CB00] =	vst v63  }
0xb1: {  	_ =	swait.ge [sflag:s0], $0x4000  }
0xb2: {  	[sflag:s0] =	ssyncset.done $0x0  }
0xb3: {  	s17 =	rddreg [dreg:$0x7];
	[sflag:s0] =	ssyncadd.s32 $0xFFFFC000  }
0xb4: {  	[hbm4b:s17+s3] =	stream.linear.scatter [tilespmem:s23], [sflag:$0x3], $0x4000, $0x38;
	[tilespmem:$0x1CB00] =	vst v63  }
0xb5: {  	_ =	swait.ge [sflag:s25], $0x4000  }
0xb6: {  	[sflag:s25] =	ssyncset.done $0x0  }
0xb7: {  	[sflag:s25] =	ssyncadd.s32 $0xFFFFC000  }
0xb8: {  	[tilespmem:s23], [sflag:$0x1] =	stream.linear.gather [spmem:s8], $0x4000, $0x38;
	[tilespmem:$0x1CB00] =	vst v63  }
0xb9: {  	_ =	swait.ge [sflag:s5], $0x4000  }
0xba: {  	[sflag:s5] =	ssyncset.done $0x0  }
0xbb: {  	s18 =	rddreg [dreg:$0x8];
	[sflag:s5] =	ssyncadd.s32 $0xFFFFC000  }
0xbc: {  	[hbm4b:s18+s3] =	stream.linear.scatter [tilespmem:s1], [sflag:$0x4], $0x4000, $0x38;
	[tilespmem:$0x1CB00] =	vst v63  }
0xbd: {  	_ =	swait.ge [sflag:s11], $0x4000  }
0xbe: {  	[sflag:s11] =	ssyncset.done $0x0  }
0xbf: {  	[sflag:s11] =	ssyncadd.s32 $0xFFFFC000  }
0xc0: {  	[tilespmem:s1], [sflag:$0x2] =	stream.linear.gather [spmem:s9], $0x4000, $0x38;
	[tilespmem:$0x1CB00] =	vst v63  }
0xc1: {  	_ =	swait.ge [sflag:s0], $0x4000  }
0xc2: {  	[sflag:s0] =	ssyncset.done $0x0  }
0xc3: {  	s13 =	rddreg [dreg:$0x9];
	[sflag:s0] =	ssyncadd.s32 $0xFFFFC000  }
0xc4: {  	[hbm4b:s13+s3] =	stream.linear.scatter [tilespmem:s23], [sflag:$0x3], $0x4000, $0x38;
	[tilespmem:$0x1CB00] =	vst v63  }
0xc5: {  	_ =	swait.ge [sflag:s25], $0x4000  }
0xc6: {  	[sflag:s25] =	ssyncset.done $0x0  }
0xc7: {  	[sflag:s25] =	ssyncadd.s32 $0xFFFFC000  }
0xc8: {  	[tilespmem:s23], [sflag:$0x1] =	stream.linear.gather [spmem:s10], $0x4000, $0x38;
	[tilespmem:$0x1CB00] =	vst v63  }
0xc9: {  	_ =	swait.ge [sflag:s5], $0x4000  }
0xca: {  	[sflag:s5] =	ssyncset.done $0x0  }
0xcb: {  	s14 =	rddreg [dreg:$0xa];
	[sflag:s5] =	ssyncadd.s32 $0xFFFFC000  }
0xcc: {  	[hbm4b:s14+s3] =	stream.linear.scatter [tilespmem:s1], [sflag:$0x4], $0x4000, $0x38;
	[tilespmem:$0x1CB00] =	vst v63  }
0xcd: {  	_ =	swait.ge [sflag:s0], $0x4000  }
0xce: {  	[sflag:s0] =	ssyncset.done $0x0  }
0xcf: {  	s17 =	rddreg [dreg:$0xb];
	[sflag:s0] =	ssyncadd.s32 $0xFFFFC000  }
0xd0: {  	[hbm4b:s17+s3] =	stream.linear.scatter [tilespmem:s23], [sflag:$0x3], $0x4000, $0x38;
	[tilespmem:$0x1CB00] =	vst v63  }
0xd1: {  	_ =	swait.ge [sflag:s25], $0x4000  }
0xd2: {  	[sflag:s25] =	ssyncset.done $0x0  }
0xd3: {  	[sflag:s25] =	ssyncadd.s32 $0xFFFFC000  }
0xd4: {  	_ =	swait.ge [sflag:s11], $0x4000  }
0xd5: {  	s16 =	sadd.s32 $0x1, s16;
	s18 =	rddreg [dreg:$0xc]  }
0xd6: {  	p0 =	sne.s32 s16, s18  }
.Ltmp1:
0xd7: {  	_ = 	snop;
	(pc) =	sbr.rel @p0 .LBB2_1-.Ltmp1, $3  }
0xd8: {  	_ =	sdelay $0x1  }
0xd9: {  	[sflag:s11] =	ssyncset.done $0x0  }
0xda: {  	[sflag:s11] =	ssyncadd.s32 $0xFFFFC000  }
0xdb: {  	_ =	sfence.sel $0x180000  }
0xdc: {  	[bflag:$0x0] =	sbarrier.arrive $0xFFFF  }
0xdd: {  	_ =	strace $0x90000050  }
0xde: {  	s0 =	stileid.u32;
	[bflag:$0x2] =	sbarrier.arrive $0xFFFF  }
0xdf: {  	p0 =	sne.s32 s0, $0x0;
	s0 =	rddreg [dreg:$0x3]  }
0xe0: {  	s0 =	sadd.s32 @!p0 $0x100000, s0  }
0xe1: {  	[sflag:s0] =	ssyncadd.tile.s32 @!p0 $0x1;
	_ =	shalt  }
.Lfunc_end2:
_tile_overlayer_lowered:
.L_overlay_start_2:
0xe2: {  	(tag) =	ssettag $0x2  }
0xe3: {  	s0 =	rddreg [dreg:$0x0];
	s2 =	stileid.u32  }
0xe4: {  	s1 =	rddreg [dreg:$0x1];
	p0 =	sne.s32 s2, $0x0  }
0xe5: {  	s3 =	rddreg [dreg:$0x2];
	[bflag:$0x3] =	sbarrier.arrive $0xFFFF;
	s2 =	simm.s32 @!p0 $0x1C05  }
0xe6: {  	[timem:s3], [sflag:s2] =	dma.local @!p0 [hbm:s0], s1  }
0xe7: {  	s0 =	simm.s32 @!p0 $0x5  }
0xe8: {  	_ =	swait.ge @!p0 [sflag:s0], s1  }
0xe9: {  	s1 =	ssub.s32 @!p0 $0x0, s1;
	[sflag:s0] =	ssyncset.done @!p0 $0x0  }
0xea: {  	[sflag:s0] =	ssyncadd.s32 @!p0 s1  }
0xeb: {  	[bflag:$0x3] =	sbarrier.arrive $0xFFFF  }
0xec: {  	_ =	shalt  }

// kernel: kernel.9.cloned.1.call-start
scs
__scs_entry_jumppad:
0x0: {  	(pc) =	sbr.rel $0x88, $3  }
0x1: {  	(tag) =	ssettag $0x0;
	lr =	simm.s32 $0x1  }
0x2: {  	[smem:$0x3F94] =	sst lr;
	_ =	strace $0xD0000000  }
0x3: {  	_ = 	snop  }
0x4: {  	_ = 	snop  }
0x5: {  	_ = 	snop  }
0x6: {  	_ = 	snop  }
0x7: {  	_ = 	snop  }
__scs_overlays_trampoline_lowered:
0x8: {  	[smem:$0x3FA3] =	sst s0  }
0x9: {  	[smem:$0x3FA4] =	sst s1  }
0xa: {  	[smem:$0x3FA5] =	sst s2  }
0xb: {  	[smem:$0x3FA6] =	sst s3  }
0xc: {  	[smem:$0x3FA7] =	sst s4  }
0xd: {  	[smem:$0x3FA8] =	sst s5  }
0xe: {  	[smem:$0x3FA9] =	sst s6  }
0xf: {  	[smem:$0x3FAA] =	sst s7  }
0x10: {  	[smem:$0x3FAB] =	sst s8  }
0x11: {  	[smem:$0x3FAC] =	sst s9;
	s0 =	simm.s32 @!p0 $0x0  }
0x12: {  	s1 =	sld [smem:$0x3F92];
	s0 =	simm.s32 @p0 $0x1  }
0x13: {  	[smem:$0x3FAD] =	sst s0;
	s0 =	simm.s32 @!p1 $0x0  }
0x14: {  	s2 =	sld [smem:$0x3F91];
	s0 =	simm.s32 @p1 $0x1  }
0x15: {  	[smem:$0x3FAE] =	sst s0;
	s0 =	simm.s32 @!p2 $0x0  }
0x16: {  	s3 =	sld [smem:$0x3FDB];
	s0 =	simm.s32 @p2 $0x1  }
0x17: {  	s4 =	simm.s32 $0x1BF5;
	[smem:$0x3FB0] =	sst s0  }
0x18: {  	s0 =	sld [smem:$0x3F93];
	_ =	swait.ge [sflag:s4], $0x0  }
0x19: {  	s7 =	sld [smem:$0x3F94]  }
0x1a: {  	s8 =	sadd.s32 $0xFFFFE003, lr  }
0x1b: {  	s9 =	sadd.s32 $0xFFFFFEF7, lr;
	s5 =	simm.s32 $0xFFFFFFFF;
	p2 =	slt.u32 s8, $0xFFFFF086  }
0x1c: {  	p1 =	slt.u32 s9, $0xF7A;
	s5 =	simm.s32 @!p2 $0x0  }
0x1d: {  	s5 =	simm.s32 @p1 $0x1;
	p0 =	seq.s32 s7, s2  }
0x1e: {  	s7 =	smul.u32 @!p0 $0xF7A, s2;
	p2 =	seq.s32 @!p0 s5, $0x0  }
0x1f: {  	s9 =	smul.u32 $0xF7A, s1;
	s8 =	simm.s32 @!p0 $0x1BF5;
	p2 =	por !p2, p0  }
0x20: {  	[sflag:s8] =	ssyncset.s32 @!p0 $0xFFFFF086;
	s6 =	sadd.s32 @!p0 s3, s7;
	s7 =	simm.s32 @!p0 $0x108  }
0x21: {  	s3 =	sadd.s32 s3, s9;
	s6 =	sadd.s32 @!p0 $0x88, s6;
	s7 =	simm.s32 @p2 $0x1082  }
0x22: {  	[simem:s7], [sflag:s8] =	dma.local @!p0 [hbm:s6], $0xF7A  }
0x23: {  	s9 =	sor.u32 $0xD0000000, s2;
	s6 =	simm.s32 $0x108;
	_ =	swait.ge @!p0 [sflag:s8], $0x0  }
0x24: {  	s3 =	sadd.s32 $0x88, s3;
	s6 =	simm.s32 @!p1 $0x1082;
	[sflag:s4] =	ssyncset.s32 $0xFFFFF086  }
0x25: {  	[simem:s6], [sflag:s4] =	dma.local [hbm:s3], $0xF7A  }
0x26: {  	[smem:$0x3F94] =	sst s1;
	(tag) =	ssettag s2;
	_ =	strace s9  }
0x27: {  	s1 =	sld [smem:$0x3FA4]  }
0x28: {  	s2 =	sld [smem:$0x3FA5]  }
0x29: {  	s4 =	sld [smem:$0x3FA7]  }
0x2a: {  	p0 =	seq.s32 s5, $0x0;
	s5 =	sld [smem:$0x3FA8]  }
0x2b: {  	s6 =	sld [smem:$0x3FA9]  }
0x2c: {  	s7 =	sld [smem:$0x3FAA]  }
0x2d: {  	s3 =	simm.s32 $0x108;
	s8 =	sld [smem:$0x3FAB]  }
0x2e: {  	s3 =	simm.s32 @!p0 $0x1082;
	s9 =	sld [smem:$0x3FAC]  }
0x2f: {  	lr =	sadd.s32 s0, s3;
	s0 =	sld [smem:$0x3FA3]  }
0x30: {  	s3 =	sld [smem:$0x3FA6]  }
0x31: {  	[smem:$0x3FAF] =	sst s10  }
0x32: {  	s10 =	sld [smem:$0x3FAD];
	_ =	sdelay $0x3  }
0x33: {  	p0 =	seq.s32 s10, $0x1;
	s10 =	sld [smem:$0x3FAF];
	_ =	sdelay $0x3  }
0x34: {  	[smem:$0x3FAF] =	sst s10  }
0x35: {  	s10 =	sld [smem:$0x3FAE];
	_ =	sdelay $0x3  }
0x36: {  	p1 =	seq.s32 s10, $0x1;
	s10 =	sld [smem:$0x3FAF];
	_ =	sdelay $0x3  }
0x37: {  	[smem:$0x3FAF] =	sst s10  }
0x38: {  	s10 =	sld [smem:$0x3FB0]  }
0x39: {  	_ = 	snop;
	(pc) =	sbr.ind lr, $3  }
0x3a: {  	_ = 	snop  }
0x3b: {  	_ = 	snop  }
0x3c: {  	p2 =	seq.s32 s10, $0x1;
	s10 =	sld [smem:$0x3FAF]  }
0x3d: {  	_ =	shalt  }
0x3e: {  	_ =	shalt  }
0x3f: {  	_ =	shalt  }
0x40: {  	_ =	shalt  }
0x41: {  	_ =	shalt  }
0x42: {  	_ =	shalt  }
0x43: {  	_ =	shalt  }
0x44: {  	_ =	shalt  }
0x45: {  	_ =	shalt  }
0x46: {  	_ =	shalt  }
0x47: {  	_ =	shalt  }
0x48: {  	_ =	shalt  }
0x49: {  	_ =	shalt  }
0x4a: {  	_ =	shalt  }
0x4b: {  	_ =	shalt  }
0x4c: {  	_ =	shalt  }
0x4d: {  	_ =	shalt  }
0x4e: {  	_ =	shalt  }
0x4f: {  	_ =	shalt  }
0x50: {  	_ =	shalt  }
0x51: {  	_ =	shalt  }
0x52: {  	_ =	shalt  }
0x53: {  	_ =	shalt  }
0x54: {  	_ =	shalt  }
0x55: {  	_ =	shalt  }
0x56: {  	_ =	shalt  }
0x57: {  	_ =	shalt  }
0x58: {  	_ =	shalt  }
0x59: {  	_ =	shalt  }
0x5a: {  	_ =	shalt  }
0x5b: {  	_ =	shalt  }
0x5c: {  	_ =	shalt  }
0x5d: {  	_ =	shalt  }
0x5e: {  	_ =	shalt  }
0x5f: {  	_ =	shalt  }
0x60: {  	_ =	shalt  }
0x61: {  	_ =	shalt  }
0x62: {  	_ =	shalt  }
0x63: {  	_ =	shalt  }
0x64: {  	_ =	shalt  }
0x65: {  	_ =	shalt  }
0x66: {  	_ =	shalt  }
0x67: {  	_ =	shalt  }
0x68: {  	_ =	shalt  }
0x69: {  	_ =	shalt  }
0x6a: {  	_ =	shalt  }
0x6b: {  	_ =	shalt  }
0x6c: {  	_ =	shalt  }
0x6d: {  	_ =	shalt  }
0x6e: {  	_ =	shalt  }
0x6f: {  	_ =	shalt  }
0x70: {  	_ =	shalt  }
0x71: {  	_ =	shalt  }
0x72: {  	_ =	shalt  }
0x73: {  	_ =	shalt  }
0x74: {  	_ =	shalt  }
0x75: {  	_ =	shalt  }
0x76: {  	_ =	shalt  }
0x77: {  	_ =	shalt  }
0x78: {  	_ =	shalt  }
0x79: {  	_ =	shalt  }
0x7a: {  	_ =	shalt  }
0x7b: {  	_ =	shalt  }
0x7c: {  	_ =	shalt  }
0x7d: {  	_ =	shalt  }
0x7e: {  	_ =	shalt  }
0x7f: {  	_ =	shalt  }
0x80: {  	_ =	shalt  }
0x81: {  	_ =	shalt  }
0x82: {  	_ =	shalt  }
0x83: {  	_ =	shalt  }
0x84: {  	_ =	shalt  }
0x85: {  	_ =	shalt  }
0x86: {  	_ =	shalt  }
0x87: {  	_ =	shalt  }
.Lfunc_end0:
.L_simem_size_0:
called_computation_lowered:
.L_overlay_start_0:
0x88: {  	s2 =	sld [smem:$0x3FD9]  }
0x89: {  	s3 =	sld [smem:$0x3FFE];
	_ =	sdelay $0x1  }
0x8a: {  	s1 =	srdreg.scid  }
0x8b: {  	s0 =	sand.u32 $0x1, s1  }
0x8c: {  	s17 =	sshll.u32 s0, $0xA;
	s2 =	sadd.s32 s3, s2  }
0x8d: {  	s2 =	sadd.s32 s2, s17  }
0x8e: {  	[smem:$0x3FBB] =	sst s2  }
0x8f: {  	_ = 	snop  }
0x90: {  	s18 =	sld [smem:$0x3FD0];
	(tm) =	ssettm $0x1  }
0x91: {  	s19 =	sld [smem:$0x3FFB];
	_ =	sdelay $0x3  }
0x92: {  	_ =	strace s19  }
0x93: {  	s2 =	sld [smem:$0x3FFC];
	_ =	sdelay $0x3  }
0x94: {  	_ =	strace s2  }
0x95: {  	s2 =	sld [smem:$0x3FFD];
	_ =	sdelay $0x3  }
0x96: {  	_ =	strace s2  }
0x97: {  	_ =	strace $0x8FFFFFFF  }
0x98: {  	s20 =	sld [smem:$0x3FDB];
	_ =	sdelay $0x1  }
0x99: {  	s4 =	simm.s32 $_scs_section_size  }
0x9a: {  	s5 =	simm.s32 $_size__tile_overlayer_lowered;
	s6 =	simm.s32 $_tile_overlayer_lowered  }
0x9b: {  	s7 =	simm.s32 $0x1BFF;
	s21 =	sshll.u32 s6, $0x1;
	s4 =	sadd.s32 s4, s20  }
0x9c: {  	s22 =	simm.s32 $0x0;
	s5 =	sshll.u32 s5, $0x1;
	s6 =	sadd.s32 s21, s4  }
0x9d: {  	[timem:s22], [sflag:s7] =	dma.local [hbm:s6], s5  }
0x9e: {  	_ =	swait.ge [sflag:s7], s5  }
0x9f: {  	s5 =	ssub.s32 $0x0, s5;
	[sflag:s7] =	ssyncset.done $0x0  }
0xa0: {  	[sflag:s7] =	ssyncadd.s32 s5;
	_ =	sdelay $0x1  }
0xa1: {  	s23 =	simm.s32 $0x1B8B  }
0xa2: {  	_ =	swait.ge [sflag:s23], $0x1  }
0xa3: {  	[sflag:s23] =	ssyncset.done $0x0  }
0xa4: {  	[sflag:s23] =	ssyncadd.s32 $0xFFFFFFFF  }
0xa5: {  	s5 =	sld [smem:$0x0]  }
0xa6: {  	s6 =	sand.u32 $0xFFFFFFFE, s1  }
0xa7: {  	p0 =	sne.s32 s1, s6  }
0xa8: {  	s6 =	sshll.u32 @p0 s6, $0xE  }
0xa9: {  	s6 =	sadd.s32 @p0 $0x11B8D, s6;
	s7 =	sshll.u32 @p0 s5, $0x11  }
0xaa: {  	s6 =	sor.u32 @p0 s7, s6  }
0xab: {  	[sflag:s6] =	ssyncadd.remote.s32 @p0 $0x1;
	_ =	sdelay $0x1  }
0xac: {  	s6 =	simm.s32 @p0 $0x1B8D  }
0xad: {  	_ =	swait.eq @p0 [sflag:s6], $0x1  }
0xae: {  	[sflag:s6] =	ssyncadd.s32 @p0 $0xFFFFFFFF  }
0xaf: {  	s7 =	sshll.u32 @!p0 s1, $0xE  }
0xb0: {  	s7 =	sor.u32 @!p0 $0x4000, s7;
	s6 =	simm.s32 @!p0 $0x1B8D  }
0xb1: {  	s5 =	sshll.u32 @!p0 s5, $0x11;
	s7 =	sadd.s32 @!p0 $0x11B8D, s7;
	_ =	swait.eq @!p0 [sflag:s6], $0x1  }
0xb2: {  	s5 =	sor.u32 @!p0 s5, s7;
	[sflag:s6] =	ssyncadd.s32 @!p0 $0xFFFFFFFF  }
0xb3: {  	s25 =	simm.s32 $0x1B8E;
	s24 =	sld [smem:$0x3FFE];
	[sflag:s5] =	ssyncadd.remote.s32 @!p0 $0x1  }
0xb4: {  	s26 =	simm.s32 $execute0_lowered;
	[smem:$0x3FD2] =	sst s25  }
0xb5: {  	s6 =	sshll.u32 s26, $0x1;
	_ =	strace $0x80000049;
	[dreg:$0x1] =	wrdreg $0xFFFFFFFF  }
0xb6: {  	s28 =	simm.s32 $_size_execute0_lowered;
	s4 =	sadd.s32 s4, s6;
	[dreg:$0x0] =	wrdreg $0x0  }
0xb7: {  	s6 =	sshll.u32 s28, $0x1;
	[dreg:$0x2] =	wrdreg s4  }
0xb8: {  	[dreg:$0x3] =	wrdreg s6  }
0xb9: {  	[dreg:$0x4] =	wrdreg $0xC0  }
0xba: {  	_ =	task [dreg:s22], $0x5FFFF  }
0xbb: {  	[dreg:$0x1] =	wrdreg $0xFFFFFFFF  }
0xbc: {  	[dreg:$0x0] =	wrdreg $0x60  }
0xbd: {  	[dreg:$0x2] =	wrdreg s24  }
0xbe: {  	[dreg:$0x3] =	wrdreg s18  }
0xbf: {  	[dreg:$0x4] =	wrdreg $0x0  }
0xc0: {  	[dreg:$0x5] =	wrdreg $0x9  }
0xc1: {  	_ =	task.clear_ibuf [dreg:s22], $0x6FFFF;
	_ =	strace $0x90000049  }
0xc2: {  	s29 =	simm.s32 $0x9;
	_ =	strace $0x8000004B  }
0xc3: {  	_ =	swait.ge [sflag:s29], $0x1  }
0xc4: {  	[sflag:s29] =	ssyncadd.s32 $0xFFFFFFFF  }
0xc5: {  	_ =	strace $0x9000004B  }
0xc6: {  	_ =	sfence  }
0xc7: {  	s30 =	sld [smem:$0x0];
	_ =	sdelay $0x2  }
0xc8: {  	s31 =	sshll.u32 s1, $0xD;
	s1 =	sshrl.u32 s1, $0x2  }
0xc9: {  	s4 =	sand.u32 $0x4000, s31;
	s1 =	sadd.s32 s1, s30  }
0xca: {  	s0 =	sor.u32 s4, s0;
	s1 =	sshll.u32 s1, $0x11  }
0xcb: {  	s0 =	sor.u32 s1, s0  }
0xcc: {  	s0 =	sadd.s32 $0x8F2B, s0  }
0xcd: {  	[sflag:s0] =	ssyncadd.remote.s32 $0x1  }
0xce: {  	_ =	sfence.sel $0xFFFF  }
0xcf: {  	[dreg:$0x0] =	wrdreg $0xFFFFFFFF;
	(pc) =	sbr.abs _section_cstart, $3  }
0xd0: {  	[dreg:$0x1] =	wrdreg $0xFFFFFFFF  }
0xd1: {  	_ =	task.clear_ibuf [dreg:s22], $0x2FFFF;
	_ =	strace $0x9FFFFFFF  }
0xd2: {  	(tm) =	ssettm $0x7FFFFFFF  }
0xd3: {  	_ =	shalt  }
tec
execute0_lowered:
.L_overlay_start_1:
0x0: {  	(tag) =	ssettag $0x1  }
0x1: {  	s0 =	rddreg [dreg:$0x0]  }
0x2: {  	s1 =	rddreg [dreg:$0x1]  }
0x3: {  	s3 =	srdreg.scid;
	s12 =	stileid.u32  }
0x4: {  	s2 =	rddreg [dreg:$0x2];
	s28 =	simm.s32 $0x80;
	s29 =	simm.s32 $0x4  }
0x5: {  	s30 =	simm.s32 $0x1C100;
	s31 =	simm.s32 $0x0;
	s4 =	smul.u32 $0x280, s12  }
0x6: {  	s5 =	sand.u32 $0x1, s3;
	s3 =	simm.s32 $0x0;
	s7 =	smul.u32 $0x50000, s12  }
0x7: {  	s8 =	sadd.s32 $0xD200, s0;
	s20 =	sshll.u32 s12, $0x1;
	s16 =	smul.u32 $0x4E20, s12  }
0x8: {  	s6 =	smul.u32 $0x2800, s5;
	[smem:$0x7FF] =	sst s3;
	s21 =	ssub.s32 $0x2, s5  }
0x9: {  	s9 =	sor.u32 s5, s20;
	s5 =	smul.u32 $0x2710, s5;
	s20 =	simm.s32 $0x14100  }
0xa: {  	_ =	strace $0x8000004A;
	[dreg:$0x4] =	wrdreg s8;
	s7 =	sshrl.u32 s7, $0x2  }
0xb: {  	s10 =	sshrl.u32 s21, $0x1;
	s11 =	smul.u32 $0x2710, s9;
	s6 =	sadd.s32 s4, s6  }
0xc: {  	s4 =	sadd.s32 $0x5DA00, s0;
	s17 =	ssub.s32 s21, s10;
	s5 =	sadd.s32 s5, s16  }
0xd: {  	s21 =	simm.s32 $0x5;
	s6 =	sshll.u32 s6, $0x4;
	s11 =	sshrl.u32 s11, $0x3  }
0xe: {  	s25 =	sshrl.u32 s5, $0x3;
	s5 =	sadd.s32 $0x80, s5;
	s17 =	smax.u32 s17, $0x1  }
0xf: {  	s0 =	sadd.s32 s6, s0;
	s6 =	sadd.s32 s7, s2;
	s11 =	sadd.s32 s1, s11  }
0x10: {  	s18 =	sadd.s32 s25, s1;
	s26 =	sshrl.u32 s5, $0x3;
	s25 =	simm.s32 $0x14000  }
0x11: {  	s7 =	sadd.s32 $0x4000, s6;
	s8 =	sadd.s32 $0x8000, s6;
	s9 =	sadd.s32 $0xC000, s6  }
0x12: {  	s10 =	sadd.s32 $0x10000, s6;
	s11 =	sadd.s32 $0x4E0, s11;
	s22 =	sadd.s32 $0x5E200, s0  }
0x13: {  	s23 =	sadd.s32 $0x5EA00, s0;
	s24 =	sadd.s32 $0x5F200, s0;
	[dreg:$0x5] =	wrdreg s11  }
0x14: {  	s15 =	sadd.s32 $0x5FA00, s0;
	s16 =	sadd.s32 $0x60200, s0;
	[dreg:$0x6] =	wrdreg s22  }
0x15: {  	s19 =	sadd.s32 s26, s1;
	s26 =	simm.s32 $0x14080;
	[dreg:$0x7] =	wrdreg s23  }
0x16: {  	s1 =	simm.s32 $0x1;
	s0 =	simm.s32 $0x2;
	[dreg:$0x8] =	wrdreg s24  }
0x17: {  	s22 =	simm.s32 $0x3;
	s23 =	simm.s32 $0x18100;
	s24 =	simm.s32 $0x1C180  }
.LBB2_1:
0x18: {  	s5 =	rddreg [dreg:$0x4]  }
0x19: {  	[tilespmem:s20], [sflag:$0x5] =	stream.linear.gather [hbm4b:s5+s3], $0x4000, $0x38;
	[tilespmem:$0x1C980] =	vst v63  }
0x1a: {  	_ =	swait.ge [sflag:s21], $0x4000  }
0x1b: {  	[sflag:s21] =	ssyncset.done $0x0  }
0x1c: {  	[sflag:s21] =	ssyncadd.s32 $0xFFFFC000  }
0x1d: {  	[spmem:s6] =	stream.linear.scatter [tilespmem:s20], [sflag:$0x3], $0x4000, $0x38;
	[tilespmem:$0x1C980] =	vst v63  }
0x1e: {  	_ = 	snop  }
0x1f: {  	[spmem:s7] =	stream.linear.scatter [tilespmem:s20], [sflag:$0x3], $0x4000, $0x38;
	[tilespmem:$0x1C980] =	vst v63  }
0x20: {  	_ = 	snop  }
0x21: {  	[spmem:s8] =	stream.linear.scatter [tilespmem:s20], [sflag:$0x3], $0x4000, $0x38;
	[tilespmem:$0x1C980] =	vst v63  }
0x22: {  	_ = 	snop  }
0x23: {  	[spmem:s9] =	stream.linear.scatter [tilespmem:s20], [sflag:$0x3], $0x4000, $0x38;
	[tilespmem:$0x1C980] =	vst v63  }
0x24: {  	_ = 	snop  }
0x25: {  	[spmem:s10] =	stream.linear.scatter [tilespmem:s20], [sflag:$0x3], $0x4000, $0x38;
	[tilespmem:$0x1C980] =	vst v63  }
0x26: {  	_ =	swait.ge [sflag:s22], $0x4000  }
0x27: {  	[sflag:s22] =	ssyncset.done $0x0  }
0x28: {  	[sflag:s22] =	ssyncadd.s32 $0xFFFFC000  }
0x29: {  	_ =	swait.ge [sflag:s22], $0x4000  }
0x2a: {  	[sflag:s22] =	ssyncset.done $0x0  }
0x2b: {  	[sflag:s22] =	ssyncadd.s32 $0xFFFFC000  }
0x2c: {  	_ =	swait.ge [sflag:s22], $0x4000  }
0x2d: {  	[sflag:s22] =	ssyncset.done $0x0  }
0x2e: {  	[sflag:s22] =	ssyncadd.s32 $0xFFFFC000  }
0x2f: {  	_ =	swait.ge [sflag:s22], $0x4000  }
0x30: {  	[sflag:s22] =	ssyncset.done $0x0  }
0x31: {  	[sflag:s22] =	ssyncadd.s32 $0xFFFFC000  }
0x32: {  	_ =	swait.ge [sflag:s22], $0x4000  }
0x33: {  	[sflag:s22] =	ssyncset.done $0x0  }
0x34: {  	[sflag:s22] =	ssyncadd.s32 $0xFFFFC000  }
0x35: {  	[tilespmem:s20], [sflag:$0x5] =	stream.linear.gather [hbm4b:s4+s3], $0x4000, $0x38;
	[tilespmem:$0x1C980] =	vst v63  }
0x36: {  	_ =	swait.ge [sflag:s21], $0x4000  }
0x37: {  	[sflag:s21] =	ssyncset.done $0x0  }
0x38: {  	[sflag:s21] =	ssyncadd.s32 $0xFFFFC000  }
0x39: {  	[tilespmem:s23], [sflag:$0x5] =	stream.linear.gather [hbm4b:s4+s3], $0x4000, $0x38;
	[tilespmem:$0x1C980] =	vst v63  }
0x3a: {  	_ =	swait.ge [sflag:s21], $0x4000  }
0x3b: {  	[sflag:s21] =	ssyncset.done $0x0  }
0x3c: {  	[sflag:s21] =	ssyncadd.s32 $0xFFFFC000  }
0x3d: {  	[tilespmem:s24], [sflag:$0x5] =	stream.linear.gather [hbm4b:s4+s3], $0x800, $0x38;
	[tilespmem:$0x1C980] =	vst v63  }
0x3e: {  	_ =	swait.ge [sflag:s21], $0x800  }
0x3f: {  	[sflag:s21] =	ssyncset.done $0x0  }
0x40: {  	[sflag:s21] =	ssyncadd.s32 $0xFFFFF800  }
0x41: {  	s13 =	sadd.s32 $0x0, s18;
	[bflag:$0x0] =	sbarrier.arrive $0xFFFF  }
0x42: {  	[tilespmem:s25], [sflag:$0x5] =	stream.linear.gather [hbm4b:s13+s3], $0x80, $0x38;
	[tilespmem:$0x1C980] =	vst v63  }
0x43: {  	_ =	swait.ge [sflag:s21], $0x80  }
0x44: {  	[sflag:s21] =	ssyncset.done $0x0  }
0x45: {  	s14 =	sadd.s32 $0x0, s19;
	[sflag:s21] =	ssyncadd.s32 $0xFFFFFF80  }
0x46: {  	[tilespmem:s26], [sflag:$0x5] =	stream.linear.gather [hbm4b:s14+s3], $0x80, $0x38;
	[tilespmem:$0x1C980] =	vst v63  }
0x47: {  	_ =	swait.ge [sflag:s21], $0x80  }
0x48: {  	[sflag:s21] =	ssyncset.done $0x0  }
0x49: {  	[sflag:s21] =	ssyncadd.s32 $0xFFFFFF80  }
0x4a: {  	[spmem:s2] =	stream.indirect.scatter.add.f32 [tilespmem:s20], [sflag:$0x3], $0x80, s25, s28, $0xb8;
	[tilespmem:$0x1C980] =	vst v63  }
0x4b: {  	_ = 	snop  }
0x4c: {  	[spmem:s2] =	stream.indirect.scatter.add.f32 [tilespmem:s23], [sflag:$0x4], $0x80, s26, s28, $0xb8;
	[tilespmem:$0x1C980] =	vst v63  }
0x4d: {  	_ =	swait.ge [sflag:s22], $0x4000  }
0x4e: {  	[sflag:s22] =	ssyncset.done $0x0  }
0x4f: {  	[sflag:s22] =	ssyncadd.s32 $0xFFFFC000  }
0x50: {  	_ =	swait.ge [sflag:s29], $0x4000  }
0x51: {  	s11 =	simm.s32 $0x40;
	s5 =	simm.s32 $0x20;
	[sflag:s29] =	ssyncset.done $0x0  }
.LBB2_2:
0x52: {  	s12 =	sadd.s32 s5, s18  }
0x53: {  	[sflag:s29] =	ssyncadd.s32 $0xFFFFC000;
	s13 =	smov.u32 s11;
	s14 =	sadd.s32 $0x20, s11  }
0x54: {  	[tilespmem:s25], [sflag:$0x5] =	stream.linear.gather [hbm4b:s12+s3], $0x80, $0x38;
	[tilespmem:$0x1C980] =	vst v63  }
0x55: {  	p0 =	sne.s32 s11, $0x4C0;
	_ =	swait.ge [sflag:s21], $0x80  }
0x56: {  	[sflag:s21] =	ssyncset.done $0x0  }
0x57: {  	s11 =	sadd.s32 s5, s19;
	s5 =	smov.u32 s13;
	[sflag:s21] =	ssyncadd.s32 $0xFFFFFF80  }
0x58: {  	[tilespmem:s26], [sflag:$0x5] =	stream.linear.gather [hbm4b:s11+s3], $0x80, $0x38;
	[tilespmem:$0x1C980] =	vst v63  }
0x59: {  	_ =	swait.ge [sflag:s21], $0x80  }
0x5a: {  	[sflag:s21] =	ssyncset.done $0x0  }
0x5b: {  	[sflag:s21] =	ssyncadd.s32 $0xFFFFFF80  }
0x5c: {  	[spmem:s2] =	stream.indirect.scatter.add.f32 [tilespmem:s20], [sflag:$0x3], $0x80, s25, s28, $0xb8;
	[tilespmem:$0x1C980] =	vst v63  }
0x5d: {  	_ = 	snop  }
0x5e: {  	[spmem:s2] =	stream.indirect.scatter.add.f32 [tilespmem:s23], [sflag:$0x4], $0x80, s26, s28, $0xb8;
	[tilespmem:$0x1C980] =	vst v63  }
.Ltmp0:
0x5f: {  	_ =	swait.ge [sflag:s22], $0x4000;
	(pc) =	sbr.rel @p0 .LBB2_2-.Ltmp0, $4  }
0x60: {  	[sflag:s22] =	ssyncset.done $0x0  }
0x61: {  	[sflag:s22] =	ssyncadd.s32 $0xFFFFC000  }
0x62: {  	_ =	swait.ge [sflag:s29], $0x4000  }
0x63: {  	s11 =	smov.u32 s14;
	[sflag:s29] =	ssyncset.done $0x0  }
0x64: {  	s11 =	sadd.s32 s5, s18;
	[sflag:s29] =	ssyncadd.s32 $0xFFFFC000  }
0x65: {  	[tilespmem:s25], [sflag:$0x5] =	stream.linear.gather [hbm4b:s11+s3], $0x80, $0x38;
	[tilespmem:$0x1C980] =	vst v63  }
0x66: {  	_ =	swait.ge [sflag:s21], $0x80  }
0x67: {  	[sflag:s21] =	ssyncset.done $0x0  }
0x68: {  	s13 =	sadd.s32 s5, s19;
	[sflag:s21] =	ssyncadd.s32 $0xFFFFFF80  }
0x69: {  	[tilespmem:s26], [sflag:$0x5] =	stream.linear.gather [hbm4b:s13+s3], $0x80, $0x38;
	[tilespmem:$0x1C980] =	vst v63  }
0x6a: {  	_ =	swait.ge [sflag:s21], $0x80  }
0x6b: {  	[sflag:s21] =	ssyncset.done $0x0  }
0x6c: {  	[sflag:s21] =	ssyncadd.s32 $0xFFFFFF80  }
0x6d: {  	[spmem:s2] =	stream.indirect.scatter.add.f32 [tilespmem:s20], [sflag:$0x3], $0x80, s25, s28, $0xb8;
	[tilespmem:$0x1C980] =	vst v63  }
0x6e: {  	_ = 	snop  }
0x6f: {  	[spmem:s2] =	stream.indirect.scatter.add.f32 [tilespmem:s23], [sflag:$0x4], $0x80, s26, s28, $0xb8;
	[tilespmem:$0x1C980] =	vst v63  }
0x70: {  	_ =	swait.ge [sflag:s22], $0x4000  }
0x71: {  	[sflag:s22] =	ssyncset.done $0x0  }
0x72: {  	[sflag:s22] =	ssyncadd.s32 $0xFFFFC000  }
0x73: {  	_ =	swait.ge [sflag:s29], $0x4000  }
0x74: {  	[sflag:s29] =	ssyncset.done $0x0  }
0x75: {  	s14 =	rddreg [dreg:$0x5];
	[sflag:s29] =	ssyncadd.s32 $0xFFFFC000  }
0x76: {  	[tilespmem:s30], [sflag:$0x5] =	stream.linear.gather [hbm4b:s14+s3], $0x10, $0x38;
	[tilespmem:$0x1C980] =	vst v63  }
0x77: {  	_ =	swait.ge [sflag:s21], $0x10  }
0x78: {  	[sflag:s21] =	ssyncset.done $0x0  }
0x79: {  	s11 =	simm.s32 $0x10;
	[sflag:s21] =	ssyncadd.s32 $0xFFFFFFF0  }
0x7a: {  	[spmem:s2] =	stream.indirect.scatter.add.f32 [tilespmem:s24], [sflag:$0x5], $0x80, s30, s11, $0xb8;
	[tilespmem:$0x1C980] =	vst v63  }
0x7b: {  	_ =	swait.ge [sflag:s21], $0x800  }
0x7c: {  	[sflag:s21] =	ssyncset.done $0x0  }
0x7d: {  	[sflag:s21] =	ssyncadd.s32 $0xFFFFF800  }
0x7e: {  	[bflag:$0x0] =	sbarrier.arrive $0xFFFF  }
0x7f: {  	[tilespmem:s20], [sflag:$0x1] =	stream.linear.gather [spmem:s6], $0x4000, $0x38;
	[tilespmem:$0x1C980] =	vst v63  }
0x80: {  	_ = 	snop  }
0x81: {  	[tilespmem:s23], [sflag:$0x2] =	stream.linear.gather [spmem:s7], $0x4000, $0x38;
	[tilespmem:$0x1C980] =	vst v63  }
0x82: {  	_ =	swait.ge [sflag:s1], $0x4000  }
0x83: {  	[sflag:s1] =	ssyncset.done $0x0  }
0x84: {  	s12 =	rddreg [dreg:$0x6];
	[sflag:s1] =	ssyncadd.s32 $0xFFFFC000  }
0x85: {  	[hbm4b:s12+s3] =	stream.linear.scatter [tilespmem:s20], [sflag:$0x3], $0x4000, $0x38;
	[tilespmem:$0x1C980] =	vst v63  }
0x86: {  	_ =	swait.ge [sflag:s22], $0x4000  }
0x87: {  	[sflag:s22] =	ssyncset.done $0x0  }
0x88: {  	[sflag:s22] =	ssyncadd.s32 $0xFFFFC000  }
0x89: {  	[tilespmem:s20], [sflag:$0x1] =	stream.linear.gather [spmem:s8], $0x4000, $0x38;
	[tilespmem:$0x1C980] =	vst v63  }
0x8a: {  	_ =	swait.ge [sflag:s0], $0x4000  }
0x8b: {  	[sflag:s0] =	ssyncset.done $0x0  }
0x8c: {  	s13 =	rddreg [dreg:$0x7];
	[sflag:s0] =	ssyncadd.s32 $0xFFFFC000  }
0x8d: {  	[hbm4b:s13+s3] =	stream.linear.scatter [tilespmem:s23], [sflag:$0x4], $0x4000, $0x38;
	[tilespmem:$0x1C980] =	vst v63  }
0x8e: {  	_ =	swait.ge [sflag:s29], $0x4000  }
0x8f: {  	[sflag:s29] =	ssyncset.done $0x0  }
0x90: {  	[sflag:s29] =	ssyncadd.s32 $0xFFFFC000  }
0x91: {  	[tilespmem:s23], [sflag:$0x2] =	stream.linear.gather [spmem:s9], $0x4000, $0x38;
	[tilespmem:$0x1C980] =	vst v63  }
0x92: {  	_ =	swait.ge [sflag:s1], $0x4000  }
0x93: {  	[sflag:s1] =	ssyncset.done $0x0  }
0x94: {  	s14 =	rddreg [dreg:$0x8];
	[sflag:s1] =	ssyncadd.s32 $0xFFFFC000  }
0x95: {  	[hbm4b:s14+s3] =	stream.linear.scatter [tilespmem:s20], [sflag:$0x3], $0x4000, $0x38;
	[tilespmem:$0x1C980] =	vst v63  }
0x96: {  	_ =	swait.ge [sflag:s22], $0x4000  }
0x97: {  	[sflag:s22] =	ssyncset.done $0x0  }
0x98: {  	[sflag:s22] =	ssyncadd.s32 $0xFFFFC000  }
0x99: {  	[tilespmem:s20], [sflag:$0x1] =	stream.linear.gather [spmem:s10], $0x4000, $0x38;
	[tilespmem:$0x1C980] =	vst v63  }
0x9a: {  	_ =	swait.ge [sflag:s0], $0x4000  }
0x9b: {  	[sflag:s0] =	ssyncset.done $0x0  }
0x9c: {  	[sflag:s0] =	ssyncadd.s32 $0xFFFFC000  }
0x9d: {  	[hbm4b:s15+s3] =	stream.linear.scatter [tilespmem:s23], [sflag:$0x4], $0x4000, $0x38;
	[tilespmem:$0x1C980] =	vst v63  }
0x9e: {  	_ =	swait.ge [sflag:s1], $0x4000  }
0x9f: {  	[sflag:s1] =	ssyncset.done $0x0  }
0xa0: {  	s31 =	sadd.s32 $0x1, s31;
	[sflag:s1] =	ssyncadd.s32 $0xFFFFC000  }
0xa1: {  	[hbm4b:s16+s3] =	stream.linear.scatter [tilespmem:s20], [sflag:$0x3], $0x4000, $0x38;
	[tilespmem:$0x1C980] =	vst v63  }
0xa2: {  	p0 =	sne.s32 s31, s17;
	_ =	swait.ge [sflag:s22], $0x4000  }
.Ltmp1:
0xa3: {  	[sflag:s22] =	ssyncset.done $0x0;
	(pc) =	sbr.rel @p0 .LBB2_1-.Ltmp1, $4  }
0xa4: {  	[sflag:s22] =	ssyncadd.s32 $0xFFFFC000  }
0xa5: {  	_ =	swait.ge [sflag:s29], $0x4000  }
0xa6: {  	[sflag:s29] =	ssyncset.done $0x0  }
0xa7: {  	[sflag:s29] =	ssyncadd.s32 $0xFFFFC000  }
0xa8: {  	_ =	sfence.sel $0x180000  }
0xa9: {  	[bflag:$0x0] =	sbarrier.arrive $0xFFFF  }
0xaa: {  	_ =	strace $0x9000004A  }
0xab: {  	s0 =	stileid.u32;
	[bflag:$0x2] =	sbarrier.arrive $0xFFFF  }
0xac: {  	p0 =	sne.s32 s0, $0x0;
	s0 =	rddreg [dreg:$0x3]  }
0xad: {  	s0 =	sadd.s32 @!p0 $0x100000, s0  }
0xae: {  	[sflag:s0] =	ssyncadd.tile.s32 @!p0 $0x1;
	_ =	shalt  }
.Lfunc_end2:
_tile_overlayer_lowered:
.L_overlay_start_2:
0xaf: {  	(tag) =	ssettag $0x2  }
0xb0: {  	s0 =	rddreg [dreg:$0x0];
	s2 =	stileid.u32  }
0xb1: {  	s1 =	rddreg [dreg:$0x1];
	p0 =	sne.s32 s2, $0x0  }
0xb2: {  	s3 =	rddreg [dreg:$0x2];
	[bflag:$0x3] =	sbarrier.arrive $0xFFFF;
	s2 =	simm.s32 @!p0 $0x1C05  }
0xb3: {  	[timem:s3], [sflag:s2] =	dma.local @!p0 [hbm:s0], s1  }
0xb4: {  	s0 =	simm.s32 @!p0 $0x5  }
0xb5: {  	_ =	swait.ge @!p0 [sflag:s0], s1  }
0xb6: {  	s1 =	ssub.s32 @!p0 $0x0, s1;
	[sflag:s0] =	ssyncset.done @!p0 $0x0  }
0xb7: {  	[sflag:s0] =	ssyncadd.s32 @!p0 s1  }
0xb8: {  	[bflag:$0x3] =	sbarrier.arrive $0xFFFF  }
0xb9: {  	_ =	shalt  }

</sc_bundles>
